<compile_context>
chip_gen: v7x
topology: tpu7x:2x2x1
jax: 0.10.2.dev20260603
libtpu: 0.0.44.dev20260713+nightly
codegen_flags: <defaults>
</compile_context>

<pallas_src>
import dataclasses
import functools

import jax
import jax.numpy as jnp
from jax import lax
from jax.experimental import pallas as pl
from jax.experimental.pallas import tpu as pltpu
from jax.experimental.pallas import tpu_sc as plsc

_M = 7
_LANES = 16


def _sc_conv_planes(x1t, x2t, cf, b_cols):
    _, F, B = x1t.shape
    W = 256
    FT = F // 8

    mesh = plsc.VectorSubcoreMesh(core_axis_name="c", subcore_axis_name="s")
    cp = pltpu.CompilerParams(use_tc_tiling_on_sc=True)
    if "needs_layout_passes" in pltpu.CompilerParams.__dataclass_fields__:
        cp = dataclasses.replace(cp, needs_layout_passes=False)

    @functools.partial(
        pl.kernel,
        out_type=jax.ShapeDtypeStruct((_M, F, b_cols), jnp.float32),
        mesh=mesh,
        compiler_params=cp,
        scratch_types=[
            pltpu.VMEM((49 * _LANES,), jnp.float32),
        ],
    )
    def sc_k(x1_hbm, x2_hbm, c_hbm, out_hbm, c_v):
        pltpu.sync_copy(c_hbm, c_v)

        lane = lax.iota(jnp.int32, _LANES)
        csp = {}
        for m1 in range(_M):
            for m2 in range(_M - m1):
                csp[(m1, m2)] = plsc.load_gather(
                    c_v, [(m1 * _M + m2) * _LANES + lane])

        def body(x1_v, x2_v, out_v):
            for r in range(8):
                @plsc.parallel_loop(0, W, _LANES, unroll=2)
                def _vec(c0):
                    x1g = [x1_v[m, r, pl.ds(c0, _LANES)] for m in range(_M)]
                    x2g = [x2_v[m, r, pl.ds(c0, _LANES)] for m in range(_M)]
                    for k in range(_M):
                        acc = None
                        for m1 in range(k + 1):
                            t = x1g[m1] * x2g[k - m1] * csp[(m1, k - m1)]
                            acc = t if acc is None else acc + t
                        out_v[k, r, pl.ds(c0, _LANES)] = acc

        spec = pl.BlockSpec((_M, 8, W), lambda i, j: (0, i, j))
        pltpu.emit_pipeline(
            body,
            grid=(FT, b_cols // W),
            in_specs=[spec, spec],
            out_specs=[spec],
            core_axis_name=("c", "s"),
            dimension_semantics=(pltpu.PARALLEL, pltpu.PARALLEL),
        )(x1_hbm, x2_hbm, out_hbm)

    return sc_k(x1t, x2t, cf)


def kernel(X1, X2, clebsch):
    B, F, M = X1.shape
    x1t = jnp.transpose(X1, (2, 1, 0))
    x2t = jnp.transpose(X2, (2, 1, 0))
    cf = jnp.repeat(clebsch.reshape(M * M), _LANES)
    out = _sc_conv_planes(x1t, x2t, cf, B)
    return jnp.transpose(out, (2, 1, 0))

# --- scband reference (transcript-rebuilt; emitter-appended) ---
"""Pipeline reference for scband-clebsch-combining-single-unrolled-old-53953379172652 (READ-ONLY COPY).

The authoritative reference and input builder live on the scoring server;
editing this copy changes nothing except your own understanding.
"""

import jax, jax.numpy as jnp
import numpy as np

LAMBD = 3
M1, M2 = 7, 7
B, F = 16384, 64


def _clebsch():
    return jnp.asarray(np.arange(1, M1 * M2 + 1, dtype=np.float32).reshape(M1, M2) * 0.01)


def _mask_index():
    index = []
    mask = []
    for m1 in range(M1):
        for m2 in range(M2):
            if m1 + m2 < 2 * LAMBD + 1:
                index.append(m1 + m2)
                mask.append(True)
            else:
                mask.append(False)
    mask = np.asarray(mask, dtype=bool)
    cols = np.nonzero(mask)[0].astype(np.int32)
    index = np.asarray(index, dtype=np.int32)
    return cols, index


def setup_inputs(seed: int = 0) -> dict:
    key = jax.random.key(seed)
    k1, k2 = jax.random.split(key)
    X1 = jax.random.normal(k1, (B, F, M1), dtype=jnp.float32)
    X2 = jax.random.normal(k2, (B, F, M2), dtype=jnp.float32)
    return {"X1": X1, "X2": X2, "clebsch": _clebsch()}


def reference(X1, X2, clebsch):
    cols, index = _mask_index()
    x1 = X1[:, :, :, None]
    x2 = X2[:, :, None, :]
    mult = x1 * x2
    mult = mult * clebsch
    mult = mult.reshape(mult.shape[0], mult.shape[1], -1)
    masked = mult[:, :, jnp.asarray(cols)]
    result = jnp.zeros((mult.shape[0], mult.shape[1], 2 * LAMBD + 1), dtype=mult.dtype)
    result = result.at[:, :, jnp.asarray(index)].add(masked)
    return result

if __name__ == "__main__":
    import jax
    _d = setup_inputs()
    print(jax.jit(kernel)(*tuple(_d.values())))

</pallas_src>

<mosaic_0001>
#map = affine_map<(d0, d1) -> (0, 0, 0)>
#map1 = affine_map<(d0, d1) -> (0)>
module attributes {stable_mosaic.version = 14 : i64} {
  func.func @sc_k(%arg0: i32, %arg1: i32, %arg2: memref<7x64x16384xf32, #tpu.memory_space<hbm>>, %arg3: memref<7x64x16384xf32, #tpu.memory_space<hbm>>, %arg4: memref<784xf32, #tpu.memory_space<hbm>>, %arg5: memref<7x64x16384xf32, #tpu.memory_space<hbm>>, %arg6: memref<784xf32, #tpu.memory_space<vmem>>) attributes {dimension_semantics = [#tpu.dimension_semantics<core_parallel>, #tpu.dimension_semantics<subcore_parallel>], iteration_bounds = array<i64: 2, 16>, scalar_prefetch = 0 : i64, scratch_operands = 1 : i64, tpu.core_type = #tpu.core_type<sc_vector_subcore>, window_params = [{transform_indices = #map}, {transform_indices = #map}, {transform_indices = #map1}, {transform_indices = #map}]} {
    "tpu.region"() ({
      %run_scoped3A = tpu.sem_alloc : memref<!tpu.dma_semaphore, #tpu.memory_space<semaphore_mem>>
      tpu.enqueue_dma source(%arg4 : memref<784xf32, #tpu.memory_space<hbm>>) target(%arg6 : memref<784xf32, #tpu.memory_space<vmem>>) target_semaphore(%run_scoped3A : memref<!tpu.dma_semaphore, #tpu.memory_space<semaphore_mem>>)
      tpu.wait_dma2 semaphore(%run_scoped3A : memref<!tpu.dma_semaphore, #tpu.memory_space<semaphore_mem>>) src(%arg4 : memref<784xf32, #tpu.memory_space<hbm>>) dst(%arg6 : memref<784xf32, #tpu.memory_space<vmem>>)
      tpu.yield
    }) : () -> ()
    %iota3A = tpu.iota {dimensions = array<i32: 0>} : vector<16xi32>
    %add3A = arith.constant 0 : i32
    %add3A_0 = vector.broadcast %add3A : i32 to vector<16xi32>
    %add3A_1 = arith.addi %add3A_0, %iota3A : vector<16xi32>
    %gather3A = tpu.vector_load_idx %arg6[%add3A_1] : memref<784xf32, #tpu.memory_space<vmem>>[vector<16xi32>], vector<16xf32>,
    %add3A_2 = arith.constant 16 : i32
    %add3A_3 = vector.broadcast %add3A_2 : i32 to vector<16xi32>
    %add3A_4 = arith.addi %add3A_3, %iota3A : vector<16xi32>
    %gather3A_5 = tpu.vector_load_idx %arg6[%add3A_4] : memref<784xf32, #tpu.memory_space<vmem>>[vector<16xi32>], vector<16xf32>,
    %add3A_6 = arith.constant 32 : i32
    %add3A_7 = vector.broadcast %add3A_6 : i32 to vector<16xi32>
    %add3A_8 = arith.addi %add3A_7, %iota3A : vector<16xi32>
    %gather3A_9 = tpu.vector_load_idx %arg6[%add3A_8] : memref<784xf32, #tpu.memory_space<vmem>>[vector<16xi32>], vector<16xf32>,
    %add3A_10 = arith.constant 48 : i32
    %add3A_11 = vector.broadcast %add3A_10 : i32 to vector<16xi32>
    %add3A_12 = arith.addi %add3A_11, %iota3A : vector<16xi32>
    %gather3A_13 = tpu.vector_load_idx %arg6[%add3A_12] : memref<784xf32, #tpu.memory_space<vmem>>[vector<16xi32>], vector<16xf32>,
    %add3A_14 = arith.constant 64 : i32
    %add3A_15 = vector.broadcast %add3A_14 : i32 to vector<16xi32>
    %add3A_16 = arith.addi %add3A_15, %iota3A : vector<16xi32>
    %gather3A_17 = tpu.vector_load_idx %arg6[%add3A_16] : memref<784xf32, #tpu.memory_space<vmem>>[vector<16xi32>], vector<16xf32>,
    %add3A_18 = arith.constant 80 : i32
    %add3A_19 = vector.broadcast %add3A_18 : i32 to vector<16xi32>
    %add3A_20 = arith.addi %add3A_19, %iota3A : vector<16xi32>
    %gather3A_21 = tpu.vector_load_idx %arg6[%add3A_20] : memref<784xf32, #tpu.memory_space<vmem>>[vector<16xi32>], vector<16xf32>,
    %add3A_22 = arith.constant 96 : i32
    %add3A_23 = vector.broadcast %add3A_22 : i32 to vector<16xi32>
    %add3A_24 = arith.addi %add3A_23, %iota3A : vector<16xi32>
    %gather3A_25 = tpu.vector_load_idx %arg6[%add3A_24] : memref<784xf32, #tpu.memory_space<vmem>>[vector<16xi32>], vector<16xf32>,
    %add3A_26 = arith.constant 112 : i32
    %add3A_27 = vector.broadcast %add3A_26 : i32 to vector<16xi32>
    %add3A_28 = arith.addi %add3A_27, %iota3A : vector<16xi32>
    %gather3A_29 = tpu.vector_load_idx %arg6[%add3A_28] : memref<784xf32, #tpu.memory_space<vmem>>[vector<16xi32>], vector<16xf32>,
    %add3A_30 = arith.constant 128 : i32
    %add3A_31 = vector.broadcast %add3A_30 : i32 to vector<16xi32>
    %add3A_32 = arith.addi %add3A_31, %iota3A : vector<16xi32>
    %gather3A_33 = tpu.vector_load_idx %arg6[%add3A_32] : memref<784xf32, #tpu.memory_space<vmem>>[vector<16xi32>], vector<16xf32>,
    %add3A_34 = arith.constant 144 : i32
    %add3A_35 = vector.broadcast %add3A_34 : i32 to vector<16xi32>
    %add3A_36 = arith.addi %add3A_35, %iota3A : vector<16xi32>
    %gather3A_37 = tpu.vector_load_idx %arg6[%add3A_36] : memref<784xf32, #tpu.memory_space<vmem>>[vector<16xi32>], vector<16xf32>,
    %add3A_38 = arith.constant 160 : i32
    %add3A_39 = vector.broadcast %add3A_38 : i32 to vector<16xi32>
    %add3A_40 = arith.addi %add3A_39, %iota3A : vector<16xi32>
    %gather3A_41 = tpu.vector_load_idx %arg6[%add3A_40] : memref<784xf32, #tpu.memory_space<vmem>>[vector<16xi32>], vector<16xf32>,
    %add3A_42 = arith.constant 176 : i32
    %add3A_43 = vector.broadcast %add3A_42 : i32 to vector<16xi32>
    %add3A_44 = arith.addi %add3A_43, %iota3A : vector<16xi32>
    %gather3A_45 = tpu.vector_load_idx %arg6[%add3A_44] : memref<784xf32, #tpu.memory_space<vmem>>[vector<16xi32>], vector<16xf32>,
    %add3A_46 = arith.constant 192 : i32
    %add3A_47 = vector.broadcast %add3A_46 : i32 to vector<16xi32>
    %add3A_48 = arith.addi %add3A_47, %iota3A : vector<16xi32>
    %gather3A_49 = tpu.vector_load_idx %arg6[%add3A_48] : memref<784xf32, #tpu.memory_space<vmem>>[vector<16xi32>], vector<16xf32>,
    %add3A_50 = arith.constant 224 : i32
    %add3A_51 = vector.broadcast %add3A_50 : i32 to vector<16xi32>
    %add3A_52 = arith.addi %add3A_51, %iota3A : vector<16xi32>
    %gather3A_53 = tpu.vector_load_idx %arg6[%add3A_52] : memref<784xf32, #tpu.memory_space<vmem>>[vector<16xi32>], vector<16xf32>,
    %add3A_54 = arith.constant 240 : i32
    %add3A_55 = vector.broadcast %add3A_54 : i32 to vector<16xi32>
    %add3A_56 = arith.addi %add3A_55, %iota3A : vector<16xi32>
    %gather3A_57 = tpu.vector_load_idx %arg6[%add3A_56] : memref<784xf32, #tpu.memory_space<vmem>>[vector<16xi32>], vector<16xf32>,
    %add3A_58 = arith.constant 256 : i32
    %add3A_59 = vector.broadcast %add3A_58 : i32 to vector<16xi32>
    %add3A_60 = arith.addi %add3A_59, %iota3A : vector<16xi32>
    %gather3A_61 = tpu.vector_load_idx %arg6[%add3A_60] : memref<784xf32, #tpu.memory_space<vmem>>[vector<16xi32>], vector<16xf32>,
    %add3A_62 = arith.constant 272 : i32
    %add3A_63 = vector.broadcast %add3A_62 : i32 to vector<16xi32>
    %add3A_64 = arith.addi %add3A_63, %iota3A : vector<16xi32>
    %gather3A_65 = tpu.vector_load_idx %arg6[%add3A_64] : memref<784xf32, #tpu.memory_space<vmem>>[vector<16xi32>], vector<16xf32>,
    %add3A_66 = arith.constant 288 : i32
    %add3A_67 = vector.broadcast %add3A_66 : i32 to vector<16xi32>
    %add3A_68 = arith.addi %add3A_67, %iota3A : vector<16xi32>
    %gather3A_69 = tpu.vector_load_idx %arg6[%add3A_68] : memref<784xf32, #tpu.memory_space<vmem>>[vector<16xi32>], vector<16xf32>,
    %add3A_70 = arith.constant 336 : i32
    %add3A_71 = vector.broadcast %add3A_70 : i32 to vector<16xi32>
    %add3A_72 = arith.addi %add3A_71, %iota3A : vector<16xi32>
    %gather3A_73 = tpu.vector_load_idx %arg6[%add3A_72] : memref<784xf32, #tpu.memory_space<vmem>>[vector<16xi32>], vector<16xf32>,
    %add3A_74 = arith.constant 352 : i32
    %add3A_75 = vector.broadcast %add3A_74 : i32 to vector<16xi32>
    %add3A_76 = arith.addi %add3A_75, %iota3A : vector<16xi32>
    %gather3A_77 = tpu.vector_load_idx %arg6[%add3A_76] : memref<784xf32, #tpu.memory_space<vmem>>[vector<16xi32>], vector<16xf32>,
    %add3A_78 = arith.constant 368 : i32
    %add3A_79 = vector.broadcast %add3A_78 : i32 to vector<16xi32>
    %add3A_80 = arith.addi %add3A_79, %iota3A : vector<16xi32>
    %gather3A_81 = tpu.vector_load_idx %arg6[%add3A_80] : memref<784xf32, #tpu.memory_space<vmem>>[vector<16xi32>], vector<16xf32>,
    %add3A_82 = arith.constant 384 : i32
    %add3A_83 = vector.broadcast %add3A_82 : i32 to vector<16xi32>
    %add3A_84 = arith.addi %add3A_83, %iota3A : vector<16xi32>
    %gather3A_85 = tpu.vector_load_idx %arg6[%add3A_84] : memref<784xf32, #tpu.memory_space<vmem>>[vector<16xi32>], vector<16xf32>,
    %add3A_86 = arith.constant 448 : i32
    %add3A_87 = vector.broadcast %add3A_86 : i32 to vector<16xi32>
    %add3A_88 = arith.addi %add3A_87, %iota3A : vector<16xi32>
    %gather3A_89 = tpu.vector_load_idx %arg6[%add3A_88] : memref<784xf32, #tpu.memory_space<vmem>>[vector<16xi32>], vector<16xf32>,
    %add3A_90 = arith.constant 464 : i32
    %add3A_91 = vector.broadcast %add3A_90 : i32 to vector<16xi32>
    %add3A_92 = arith.addi %add3A_91, %iota3A : vector<16xi32>
    %gather3A_93 = tpu.vector_load_idx %arg6[%add3A_92] : memref<784xf32, #tpu.memory_space<vmem>>[vector<16xi32>], vector<16xf32>,
    %add3A_94 = arith.constant 480 : i32
    %add3A_95 = vector.broadcast %add3A_94 : i32 to vector<16xi32>
    %add3A_96 = arith.addi %add3A_95, %iota3A : vector<16xi32>
    %gather3A_97 = tpu.vector_load_idx %arg6[%add3A_96] : memref<784xf32, #tpu.memory_space<vmem>>[vector<16xi32>], vector<16xf32>,
    %add3A_98 = arith.constant 560 : i32
    %add3A_99 = vector.broadcast %add3A_98 : i32 to vector<16xi32>
    %add3A_100 = arith.addi %add3A_99, %iota3A : vector<16xi32>
    %gather3A_101 = tpu.vector_load_idx %arg6[%add3A_100] : memref<784xf32, #tpu.memory_space<vmem>>[vector<16xi32>], vector<16xf32>,
    %add3A_102 = arith.constant 576 : i32
    %add3A_103 = vector.broadcast %add3A_102 : i32 to vector<16xi32>
    %add3A_104 = arith.addi %add3A_103, %iota3A : vector<16xi32>
    %gather3A_105 = tpu.vector_load_idx %arg6[%add3A_104] : memref<784xf32, #tpu.memory_space<vmem>>[vector<16xi32>], vector<16xf32>,
    %add3A_106 = arith.constant 672 : i32
    %add3A_107 = vector.broadcast %add3A_106 : i32 to vector<16xi32>
    %add3A_108 = arith.addi %add3A_107, %iota3A : vector<16xi32>
    %gather3A_109 = tpu.vector_load_idx %arg6[%add3A_108] : memref<784xf32, #tpu.memory_space<vmem>>[vector<16xi32>], vector<16xf32>,
    %mul3A = arith.constant 1 : i32
    %mul3A_110 = arith.muli %arg1, %mul3A : i32
    %add3A_111 = arith.constant 0 : i32
    %add3A_112 = arith.addi %add3A_111, %mul3A_110 : i32
    %mul3A_113 = arith.constant 16 : i32
    %mul3A_114 = arith.muli %arg0, %mul3A_113 : i32
    %add3A_115 = arith.addi %add3A_112, %mul3A_114 : i32
    %mul3A_116 = arith.constant 2 : i32
    %mul3A_117 = arith.muli %add3A_115, %mul3A_116 : i32
    "tpu.region"() ({
      %run_scoped3A = memref.alloca() : memref<2x7x8x256xf32, #tpu.memory_space<vmem>>
      %run_scoped3A_118 = tpu.sem_alloc : memref<2x!tpu.dma_semaphore, #tpu.memory_space<semaphore_mem>>
      %run_scoped3A_119 = memref.alloca() : memref<2x7x8x256xf32, #tpu.memory_space<vmem>>
      %run_scoped3A_120 = tpu.sem_alloc : memref<2x!tpu.dma_semaphore, #tpu.memory_space<semaphore_mem>>
      %run_scoped3A_121 = memref.alloca() : memref<2x7x8x256xf32, #tpu.memory_space<vmem>>
      %run_scoped3A_122 = tpu.sem_alloc : memref<2x!tpu.dma_semaphore, #tpu.memory_space<semaphore_mem>>
      %add3A_123 = arith.constant 0 : i32
      %add3A_124 = arith.addi %add3A_123, %mul3A_117 : i32
      %select_n3A = arith.constant true
      %select_n3A_125 = arith.constant 0 : i32
      %select_n3A_126 = arith.constant -1 : i32
      %select_n3A_127 = arith.select %select_n3A, %select_n3A_126, %select_n3A_125 : i32
      %eq3A = arith.constant -1 : i32
      %eq3A_128 = arith.cmpi eq, %select_n3A_127, %eq3A : i32
      %select_n3A_129 = arith.constant 1 : i32
      %select_n3A_130 = arith.select %eq3A_128, %select_n3A_129, %select_n3A_127 : i32
      %select_n3A_131 = arith.constant 0 : i32
      %select_n3A_132 = arith.constant -1 : i32
      %select_n3A_133 = arith.select %eq3A_128, %select_n3A_132, %select_n3A_131 : i32
      %eq3A_134 = arith.constant -1 : i32
      %eq3A_135 = arith.cmpi eq, %select_n3A_133, %eq3A_134 : i32
      %select_n3A_136 = arith.constant 7 : i32
      %select_n3A_137 = arith.select %eq3A_135, %select_n3A_136, %select_n3A_133 : i32
      %add3A_138 = arith.constant 0 : i32
      %add3A_139 = arith.addi %select_n3A_137, %add3A_138 : i32
      %add3A_140 = arith.addi %select_n3A_130, %mul3A_117 : i32
      %select_n3A_141 = arith.constant true
      %select_n3A_142 = arith.constant 0 : i32
      %select_n3A_143 = arith.constant 1 : i32
      %select_n3A_144 = arith.select %select_n3A_141, %select_n3A_143, %select_n3A_142 : i32
      %eq3A_145 = arith.constant 2 : i32
      %eq3A_146 = arith.cmpi eq, %select_n3A_144, %eq3A_145 : i32
      %select_n3A_147 = arith.constant 0 : i32
      %select_n3A_148 = arith.select %eq3A_146, %select_n3A_147, %select_n3A_144 : i32
      %select_n3A_149 = arith.constant 0 : i32
      %select_n3A_150 = arith.constant 1 : i32
      %select_n3A_151 = arith.select %eq3A_146, %select_n3A_150, %select_n3A_149 : i32
      %eq3A_152 = arith.constant 8 : i32
      %eq3A_153 = arith.cmpi eq, %select_n3A_151, %eq3A_152 : i32
      %select_n3A_154 = arith.constant 0 : i32
      %select_n3A_155 = arith.select %eq3A_153, %select_n3A_154, %select_n3A_151 : i32
      %add3A_156 = arith.constant 0 : i32
      %add3A_157 = arith.addi %select_n3A_155, %add3A_156 : i32
      %add3A_158 = arith.addi %select_n3A_148, %mul3A_117 : i32
      %add3A_159 = arith.constant 1 : i32
      %add3A_160 = arith.addi %select_n3A_148, %add3A_159 : i32
      %select_n3A_161 = arith.constant true
      %select_n3A_162 = arith.select %select_n3A_161, %add3A_160, %select_n3A_148 : i32
      %eq3A_163 = arith.constant 2 : i32
      %eq3A_164 = arith.cmpi eq, %select_n3A_162, %eq3A_163 : i32
      %select_n3A_165 = arith.constant 0 : i32
      %select_n3A_166 = arith.select %eq3A_164, %select_n3A_165, %select_n3A_162 : i32
      %add3A_167 = arith.constant 1 : i32
      %add3A_168 = arith.addi %select_n3A_155, %add3A_167 : i32
      %select_n3A_169 = arith.select %eq3A_164, %add3A_168, %select_n3A_155 : i32
      %eq3A_170 = arith.constant 8 : i32
      %eq3A_171 = arith.cmpi eq, %select_n3A_169, %eq3A_170 : i32
      %select_n3A_172 = arith.constant 0 : i32
      %select_n3A_173 = arith.select %eq3A_171, %select_n3A_172, %select_n3A_169 : i32
      %add3A_174 = arith.constant 0 : i32
      %add3A_175 = arith.addi %select_n3A_173, %add3A_174 : i32
      %add3A_176 = arith.addi %select_n3A_166, %mul3A_117 : i32
      "tpu.trace_start"() <{level = 10 : i32, message = "ep_initialize_0"}> : () -> ()
      %rem3A = arith.constant 0 : i32
      %rem3A_177 = arith.constant 2 : i32
      %rem3A_178 = arith.remui %rem3A, %rem3A_177 : i32
      %mul3A_179 = arith.constant 256 : i32
      %mul3A_180 = arith.muli %mul3A_179, %add3A_124 : i32
      %dma_start3A = arith.constant 0 : i32
      %dma_start3A_181 = arith.constant 0 : i32
      %dma_start3A_182 = arith.constant 0 : i32
      %dma_start3A_183 = tpu.memref_slice %run_scoped3A[%rem3A_178, %dma_start3A, %dma_start3A_181, %dma_start3A_182] : memref<2x7x8x256xf32, #tpu.memory_space<vmem>> -> memref<1x7x8x256xf32, #tpu.memory_space<vmem>>
      %dma_start3A_184 = tpu.memref_squeeze %dma_start3A_183 : memref<1x7x8x256xf32, #tpu.memory_space<vmem>> -> memref<7x8x256xf32, #tpu.memory_space<vmem>>
      %dma_start3A_185 = arith.constant 0 : i32
      %dma_start3A_186 = arith.constant 0 : i32
      %dma_start3A_187 = tpu.memref_slice %arg2[%dma_start3A_185, %dma_start3A_186, %mul3A_180] : memref<7x64x16384xf32, #tpu.memory_space<hbm>> -> memref<7x8x256xf32, #tpu.memory_space<hbm>>
      %dma_start3A_188 = tpu.memref_slice %run_scoped3A_118[%rem3A_178] : memref<2x!tpu.dma_semaphore, #tpu.memory_space<semaphore_mem>> -> memref<1x!tpu.dma_semaphore, #tpu.memory_space<semaphore_mem>>
      %dma_start3A_189 = tpu.memref_squeeze %dma_start3A_188 : memref<1x!tpu.dma_semaphore, #tpu.memory_space<semaphore_mem>> -> memref<!tpu.dma_semaphore, #tpu.memory_space<semaphore_mem>>
      %dma_start3A_190 = arith.constant 0 : i32
      %dma_start3A_191 = arith.constant 0 : i32
      %dma_start3A_192 = arith.constant 0 : i32
      %dma_start3A_193 = tpu.memref_slice %run_scoped3A[%rem3A_178, %dma_start3A_190, %dma_start3A_191, %dma_start3A_192] : memref<2x7x8x256xf32, #tpu.memory_space<vmem>> -> memref<1x7x8x256xf32, #tpu.memory_space<vmem>>
      %dma_start3A_194 = tpu.memref_squeeze %dma_start3A_193 : memref<1x7x8x256xf32, #tpu.memory_space<vmem>> -> memref<7x8x256xf32, #tpu.memory_space<vmem>>
      %dma_start3A_195 = arith.constant 0 : i32
      %dma_start3A_196 = arith.constant 0 : i32
      %dma_start3A_197 = tpu.memref_slice %arg2[%dma_start3A_195, %dma_start3A_196, %mul3A_180] : memref<7x64x16384xf32, #tpu.memory_space<hbm>> -> memref<7x8x256xf32, #tpu.memory_space<hbm>>
      tpu.enqueue_dma source(%dma_start3A_197 : memref<7x8x256xf32, #tpu.memory_space<hbm>>) target(%dma_start3A_194 : memref<7x8x256xf32, #tpu.memory_space<vmem>>) target_semaphore(%dma_start3A_189 : memref<!tpu.dma_semaphore, #tpu.memory_space<semaphore_mem>>)
      %add3A_198 = arith.constant 0 : i32
      %add3A_199 = arith.constant 1 : i32
      %add3A_200 = arith.addi %add3A_198, %add3A_199 : i32
      %select_n3A_201 = arith.constant true
      %select_n3A_202 = arith.constant 0 : i32
      %select_n3A_203 = arith.select %select_n3A_201, %add3A_200, %select_n3A_202 : i32
      %rem3A_204 = arith.constant 0 : i32
      %rem3A_205 = arith.constant 2 : i32
      %rem3A_206 = arith.remui %rem3A_204, %rem3A_205 : i32
      %mul3A_207 = arith.constant 256 : i32
      %mul3A_208 = arith.muli %mul3A_207, %add3A_124 : i32
      %dma_start3A_209 = arith.constant 0 : i32
      %dma_start3A_210 = arith.constant 0 : i32
      %dma_start3A_211 = arith.constant 0 : i32
      %dma_start3A_212 = tpu.memref_slice %run_scoped3A_119[%rem3A_206, %dma_start3A_209, %dma_start3A_210, %dma_start3A_211] : memref<2x7x8x256xf32, #tpu.memory_space<vmem>> -> memref<1x7x8x256xf32, #tpu.memory_space<vmem>>
      %dma_start3A_213 = tpu.memref_squeeze %dma_start3A_212 : memref<1x7x8x256xf32, #tpu.memory_space<vmem>> -> memref<7x8x256xf32, #tpu.memory_space<vmem>>
      %dma_start3A_214 = arith.constant 0 : i32
      %dma_start3A_215 = arith.constant 0 : i32
      %dma_start3A_216 = tpu.memref_slice %arg3[%dma_start3A_214, %dma_start3A_215, %mul3A_208] : memref<7x64x16384xf32, #tpu.memory_space<hbm>> -> memref<7x8x256xf32, #tpu.memory_space<hbm>>
      %dma_start3A_217 = tpu.memref_slice %run_scoped3A_120[%rem3A_206] : memref<2x!tpu.dma_semaphore, #tpu.memory_space<semaphore_mem>> -> memref<1x!tpu.dma_semaphore, #tpu.memory_space<semaphore_mem>>
      %dma_start3A_218 = tpu.memref_squeeze %dma_start3A_217 : memref<1x!tpu.dma_semaphore, #tpu.memory_space<semaphore_mem>> -> memref<!tpu.dma_semaphore, #tpu.memory_space<semaphore_mem>>
      %dma_start3A_219 = arith.constant 0 : i32
      %dma_start3A_220 = arith.constant 0 : i32
      %dma_start3A_221 = arith.constant 0 : i32
      %dma_start3A_222 = tpu.memref_slice %run_scoped3A_119[%rem3A_206, %dma_start3A_219, %dma_start3A_220, %dma_start3A_221] : memref<2x7x8x256xf32, #tpu.memory_space<vmem>> -> memref<1x7x8x256xf32, #tpu.memory_space<vmem>>
      %dma_start3A_223 = tpu.memref_squeeze %dma_start3A_222 : memref<1x7x8x256xf32, #tpu.memory_space<vmem>> -> memref<7x8x256xf32, #tpu.memory_space<vmem>>
      %dma_start3A_224 = arith.constant 0 : i32
      %dma_start3A_225 = arith.constant 0 : i32
      %dma_start3A_226 = tpu.memref_slice %arg3[%dma_start3A_224, %dma_start3A_225, %mul3A_208] : memref<7x64x16384xf32, #tpu.memory_space<hbm>> -> memref<7x8x256xf32, #tpu.memory_space<hbm>>
      tpu.enqueue_dma source(%dma_start3A_226 : memref<7x8x256xf32, #tpu.memory_space<hbm>>) target(%dma_start3A_223 : memref<7x8x256xf32, #tpu.memory_space<vmem>>) target_semaphore(%dma_start3A_218 : memref<!tpu.dma_semaphore, #tpu.memory_space<semaphore_mem>>)
      %add3A_227 = arith.constant 0 : i32
      %add3A_228 = arith.constant 1 : i32
      %add3A_229 = arith.addi %add3A_227, %add3A_228 : i32
      %select_n3A_230 = arith.constant true
      %select_n3A_231 = arith.constant 0 : i32
      %select_n3A_232 = arith.select %select_n3A_230, %add3A_229, %select_n3A_231 : i32
      "tpu.trace_stop"() : () -> ()
      %scan3A = arith.constant 0 : i32
      %scan3A_233 = arith.constant 0 : i32
      %scan3A_234 = arith.constant 0 : i32
      %scan3A_235 = arith.constant 0 : i32
      %scan3A_236 = arith.constant 0 : i32
      %scan3A_237 = arith.constant 0 : i32
      %scan3A_238 = arith.constant 0 : i32
      %scan3A_239 = arith.constant 16 : i32
      %scan3A_240 = arith.addi %scan3A_238, %scan3A_239 : i32
      %scan3A_241 = arith.constant 1 : i32
      %scan3A_242:8 = scf.for %scan3A_336 = %scan3A_238 to %scan3A_240 step %scan3A_241 iter_args(%scan3A_337 = %select_n3A_203, %scan3A_338 = %scan3A, %scan3A_339 = %select_n3A_232, %scan3A_340 = %scan3A_233, %scan3A_341 = %scan3A_234, %scan3A_342 = %scan3A_235, %scan3A_343 = %scan3A_236, %scan3A_344 = %scan3A_237) -> (i32, i32, i32, i32, i32, i32, i32, i32)  : i32 {
        %eq3A_345 = arith.constant 0 : i32
        %eq3A_346 = arith.cmpi eq, %scan3A_336, %eq3A_345 : i32
        %eq3A_347 = arith.constant 15 : i32
        %eq3A_348 = arith.cmpi eq, %scan3A_336, %eq3A_347 : i32
        %add3A_349 = arith.constant 0 : i32
        %add3A_350 = arith.addi %scan3A_343, %add3A_349 : i32
        %add3A_351 = arith.addi %scan3A_344, %mul3A_117 : i32
        %sub3A_352 = arith.constant 1 : i32
        %sub3A_353 = arith.subi %scan3A_344, %sub3A_352 : i32
        %select_n3A_354 = arith.constant true
        %select_n3A_355 = arith.select %select_n3A_354, %sub3A_353, %scan3A_344 : i32
        %eq3A_356 = arith.constant -1 : i32
        %eq3A_357 = arith.cmpi eq, %select_n3A_355, %eq3A_356 : i32
        %select_n3A_358 = arith.constant 1 : i32
        %select_n3A_359 = arith.select %eq3A_357, %select_n3A_358, %select_n3A_355 : i32
        %sub3A_360 = arith.constant 1 : i32
        %sub3A_361 = arith.subi %scan3A_343, %sub3A_360 : i32
        %select_n3A_362 = arith.select %eq3A_357, %sub3A_361, %scan3A_343 : i32
        %eq3A_363 = arith.constant -1 : i32
        %eq3A_364 = arith.cmpi eq, %select_n3A_362, %eq3A_363 : i32
        %select_n3A_365 = arith.constant 7 : i32
        %select_n3A_366 = arith.select %eq3A_364, %select_n3A_365, %select_n3A_362 : i32
        %add3A_367 = arith.constant 0 : i32
        %add3A_368 = arith.addi %select_n3A_366, %add3A_367 : i32
        %add3A_369 = arith.addi %select_n3A_359, %mul3A_117 : i32
        %add3A_370 = arith.constant 1 : i32
        %add3A_371 = arith.addi %scan3A_344, %add3A_370 : i32
        %select_n3A_372 = arith.constant true
        %select_n3A_373 = arith.select %select_n3A_372, %add3A_371, %scan3A_344 : i32
        %eq3A_374 = arith.constant 2 : i32
        %eq3A_375 = arith.cmpi eq, %select_n3A_373, %eq3A_374 : i32
        %select_n3A_376 = arith.constant 0 : i32
        %select_n3A_377 = arith.select %eq3A_375, %select_n3A_376, %select_n3A_373 : i32
        %add3A_378 = arith.constant 1 : i32
        %add3A_379 = arith.addi %scan3A_343, %add3A_378 : i32
        %select_n3A_380 = arith.select %eq3A_375, %add3A_379, %scan3A_343 : i32
        %eq3A_381 = arith.constant 8 : i32
        %eq3A_382 = arith.cmpi eq, %select_n3A_380, %eq3A_381 : i32
        %select_n3A_383 = arith.constant 0 : i32
        %select_n3A_384 = arith.select %eq3A_382, %select_n3A_383, %select_n3A_380 : i32
        %add3A_385 = arith.constant 0 : i32
        %add3A_386 = arith.addi %select_n3A_384, %add3A_385 : i32
        %add3A_387 = arith.addi %select_n3A_377, %mul3A_117 : i32
        %add3A_388 = arith.constant 1 : i32
        %add3A_389 = arith.addi %select_n3A_377, %add3A_388 : i32
        %select_n3A_390 = arith.constant true
        %select_n3A_391 = arith.select %select_n3A_390, %add3A_389, %select_n3A_377 : i32
        %eq3A_392 = arith.constant 2 : i32
        %eq3A_393 = arith.cmpi eq, %select_n3A_391, %eq3A_392 : i32
        %select_n3A_394 = arith.constant 0 : i32
        %select_n3A_395 = arith.select %eq3A_393, %select_n3A_394, %select_n3A_391 : i32
        %add3A_396 = arith.constant 1 : i32
        %add3A_397 = arith.addi %select_n3A_384, %add3A_396 : i32
        %select_n3A_398 = arith.select %eq3A_393, %add3A_397, %select_n3A_384 : i32
        %eq3A_399 = arith.constant 8 : i32
        %eq3A_400 = arith.cmpi eq, %select_n3A_398, %eq3A_399 : i32
        %select_n3A_401 = arith.constant 0 : i32
        %select_n3A_402 = arith.select %eq3A_400, %select_n3A_401, %select_n3A_398 : i32
        %add3A_403 = arith.constant 0 : i32
        %add3A_404 = arith.addi %select_n3A_402, %add3A_403 : i32
        %add3A_405 = arith.addi %select_n3A_395, %mul3A_117 : i32
        %ne3A = arith.cmpi ne, %add3A_350, %add3A_386 : i32
        %ne3A_406 = arith.cmpi ne, %add3A_351, %add3A_387 : i32
        %or3A = arith.constant false
        %or3A_407 = arith.ori %or3A, %ne3A : i1
        %or3A_408 = arith.ori %or3A_407, %ne3A_406 : i1
        %ge3A = arith.constant 15 : i32
        %ge3A_409 = arith.cmpi sge, %scan3A_336, %ge3A : i32
        %not3A = arith.constant true
        %not3A_410 = arith.xori %ge3A_409, %not3A : i1
        %and3A = arith.andi %or3A_408, %not3A_410 : i1
        %convert_element_type3A = arith.extui %and3A : i1 to i32
        %cond3A = arith.constant 0 : i32
        %cond3A_411 = arith.cmpi ne, %convert_element_type3A, %cond3A : i32
        scf.if %cond3A_411 {
          "tpu.trace_start"() <{level = 10 : i32, message = "ep_copy_in"}> : () -> ()
          %rem3A_612 = arith.constant 2 : i32
          %rem3A_613 = arith.remui %scan3A_337, %rem3A_612 : i32
          %mul3A_614 = arith.constant 8 : i32
          %mul3A_615 = arith.muli %mul3A_614, %add3A_386 : i32
          %mul3A_616 = arith.constant 256 : i32
          %mul3A_617 = arith.muli %mul3A_616, %add3A_387 : i32
          %dma_start3A_618 = arith.constant 0 : i32
          %dma_start3A_619 = arith.constant 0 : i32
          %dma_start3A_620 = arith.constant 0 : i32
          %dma_start3A_621 = tpu.memref_slice %run_scoped3A[%rem3A_613, %dma_start3A_618, %dma_start3A_619, %dma_start3A_620] : memref<2x7x8x256xf32, #tpu.memory_space<vmem>> -> memref<1x7x8x256xf32, #tpu.memory_space<vmem>>
          %dma_start3A_622 = tpu.memref_squeeze %dma_start3A_621 : memref<1x7x8x256xf32, #tpu.memory_space<vmem>> -> memref<7x8x256xf32, #tpu.memory_space<vmem>>
          %dma_start3A_623 = arith.constant 0 : i32
          %dma_start3A_624 = tpu.memref_slice %arg2[%dma_start3A_623, %mul3A_615, %mul3A_617] : memref<7x64x16384xf32, #tpu.memory_space<hbm>> -> memref<7x8x256xf32, #tpu.memory_space<hbm>>
          %dma_start3A_625 = tpu.memref_slice %run_scoped3A_118[%rem3A_613] : memref<2x!tpu.dma_semaphore, #tpu.memory_space<semaphore_mem>> -> memref<1x!tpu.dma_semaphore, #tpu.memory_space<semaphore_mem>>
          %dma_start3A_626 = tpu.memref_squeeze %dma_start3A_625 : memref<1x!tpu.dma_semaphore, #tpu.memory_space<semaphore_mem>> -> memref<!tpu.dma_semaphore, #tpu.memory_space<semaphore_mem>>
          %dma_start3A_627 = arith.constant 0 : i32
          %dma_start3A_628 = arith.constant 0 : i32
          %dma_start3A_629 = arith.constant 0 : i32
          %dma_start3A_630 = tpu.memref_slice %run_scoped3A[%rem3A_613, %dma_start3A_627, %dma_start3A_628, %dma_start3A_629] : memref<2x7x8x256xf32, #tpu.memory_space<vmem>> -> memref<1x7x8x256xf32, #tpu.memory_space<vmem>>
          %dma_start3A_631 = tpu.memref_squeeze %dma_start3A_630 : memref<1x7x8x256xf32, #tpu.memory_space<vmem>> -> memref<7x8x256xf32, #tpu.memory_space<vmem>>
          %dma_start3A_632 = arith.constant 0 : i32
          %dma_start3A_633 = tpu.memref_slice %arg2[%dma_start3A_632, %mul3A_615, %mul3A_617] : memref<7x64x16384xf32, #tpu.memory_space<hbm>> -> memref<7x8x256xf32, #tpu.memory_space<hbm>>
          tpu.enqueue_dma source(%dma_start3A_633 : memref<7x8x256xf32, #tpu.memory_space<hbm>>) target(%dma_start3A_631 : memref<7x8x256xf32, #tpu.memory_space<vmem>>) target_semaphore(%dma_start3A_626 : memref<!tpu.dma_semaphore, #tpu.memory_space<semaphore_mem>>)
          "tpu.trace_stop"() : () -> ()
        } else {
        }
        %and3A_412 = arith.constant true
        %and3A_413 = arith.andi %and3A, %and3A_412 : i1
        %add3A_414 = arith.constant 1 : i32
        %add3A_415 = arith.addi %scan3A_337, %add3A_414 : i32
        %select_n3A_416 = arith.select %and3A_413, %add3A_415, %scan3A_337 : i32
        %ne3A_417 = arith.cmpi ne, %add3A_350, %add3A_386 : i32
        %ne3A_418 = arith.cmpi ne, %add3A_351, %add3A_387 : i32
        %or3A_419 = arith.constant false
        %or3A_420 = arith.ori %or3A_419, %ne3A_417 : i1
        %or3A_421 = arith.ori %or3A_420, %ne3A_418 : i1
        %ge3A_422 = arith.constant 15 : i32
        %ge3A_423 = arith.cmpi sge, %scan3A_336, %ge3A_422 : i32
        %not3A_424 = arith.constant true
        %not3A_425 = arith.xori %ge3A_423, %not3A_424 : i1
        %and3A_426 = arith.andi %or3A_421, %not3A_425 : i1
        %convert_element_type3A_427 = arith.extui %and3A_426 : i1 to i32
        %cond3A_428 = arith.constant 0 : i32
        %cond3A_429 = arith.cmpi ne, %convert_element_type3A_427, %cond3A_428 : i32
        scf.if %cond3A_429 {
          "tpu.trace_start"() <{level = 10 : i32, message = "ep_copy_in"}> : () -> ()
          %rem3A_612 = arith.constant 2 : i32
          %rem3A_613 = arith.remui %scan3A_339, %rem3A_612 : i32
          %mul3A_614 = arith.constant 8 : i32
          %mul3A_615 = arith.muli %mul3A_614, %add3A_386 : i32
          %mul3A_616 = arith.constant 256 : i32
          %mul3A_617 = arith.muli %mul3A_616, %add3A_387 : i32
          %dma_start3A_618 = arith.constant 0 : i32
          %dma_start3A_619 = arith.constant 0 : i32
          %dma_start3A_620 = arith.constant 0 : i32
          %dma_start3A_621 = tpu.memref_slice %run_scoped3A_119[%rem3A_613, %dma_start3A_618, %dma_start3A_619, %dma_start3A_620] : memref<2x7x8x256xf32, #tpu.memory_space<vmem>> -> memref<1x7x8x256xf32, #tpu.memory_space<vmem>>
          %dma_start3A_622 = tpu.memref_squeeze %dma_start3A_621 : memref<1x7x8x256xf32, #tpu.memory_space<vmem>> -> memref<7x8x256xf32, #tpu.memory_space<vmem>>
          %dma_start3A_623 = arith.constant 0 : i32
          %dma_start3A_624 = tpu.memref_slice %arg3[%dma_start3A_623, %mul3A_615, %mul3A_617] : memref<7x64x16384xf32, #tpu.memory_space<hbm>> -> memref<7x8x256xf32, #tpu.memory_space<hbm>>
          %dma_start3A_625 = tpu.memref_slice %run_scoped3A_120[%rem3A_613] : memref<2x!tpu.dma_semaphore, #tpu.memory_space<semaphore_mem>> -> memref<1x!tpu.dma_semaphore, #tpu.memory_space<semaphore_mem>>
          %dma_start3A_626 = tpu.memref_squeeze %dma_start3A_625 : memref<1x!tpu.dma_semaphore, #tpu.memory_space<semaphore_mem>> -> memref<!tpu.dma_semaphore, #tpu.memory_space<semaphore_mem>>
          %dma_start3A_627 = arith.constant 0 : i32
          %dma_start3A_628 = arith.constant 0 : i32
          %dma_start3A_629 = arith.constant 0 : i32
          %dma_start3A_630 = tpu.memref_slice %run_scoped3A_119[%rem3A_613, %dma_start3A_627, %dma_start3A_628, %dma_start3A_629] : memref<2x7x8x256xf32, #tpu.memory_space<vmem>> -> memref<1x7x8x256xf32, #tpu.memory_space<vmem>>
          %dma_start3A_631 = tpu.memref_squeeze %dma_start3A_630 : memref<1x7x8x256xf32, #tpu.memory_space<vmem>> -> memref<7x8x256xf32, #tpu.memory_space<vmem>>
          %dma_start3A_632 = arith.constant 0 : i32
          %dma_start3A_633 = tpu.memref_slice %arg3[%dma_start3A_632, %mul3A_615, %mul3A_617] : memref<7x64x16384xf32, #tpu.memory_space<hbm>> -> memref<7x8x256xf32, #tpu.memory_space<hbm>>
          tpu.enqueue_dma source(%dma_start3A_633 : memref<7x8x256xf32, #tpu.memory_space<hbm>>) target(%dma_start3A_631 : memref<7x8x256xf32, #tpu.memory_space<vmem>>) target_semaphore(%dma_start3A_626 : memref<!tpu.dma_semaphore, #tpu.memory_space<semaphore_mem>>)
          "tpu.trace_stop"() : () -> ()
        } else {
        }
        %and3A_430 = arith.constant true
        %and3A_431 = arith.andi %and3A_426, %and3A_430 : i1
        %add3A_432 = arith.constant 1 : i32
        %add3A_433 = arith.addi %scan3A_339, %add3A_432 : i32
        %select_n3A_434 = arith.select %and3A_431, %add3A_433, %scan3A_339 : i32
        %ne3A_435 = arith.cmpi ne, %add3A_350, %add3A_386 : i32
        %ne3A_436 = arith.cmpi ne, %add3A_351, %add3A_387 : i32
        %or3A_437 = arith.constant false
        %or3A_438 = arith.ori %or3A_437, %ne3A_435 : i1
        %or3A_439 = arith.ori %or3A_438, %ne3A_436 : i1
        %ge3A_440 = arith.constant 15 : i32
        %ge3A_441 = arith.cmpi sge, %scan3A_336, %ge3A_440 : i32
        %not3A_442 = arith.constant true
        %not3A_443 = arith.xori %ge3A_441, %not3A_442 : i1
        %and3A_444 = arith.andi %or3A_439, %not3A_443 : i1
        %ne3A_445 = arith.cmpi ne, %add3A_350, %add3A_368 : i32
        %ne3A_446 = arith.cmpi ne, %add3A_351, %add3A_369 : i32
        %or3A_447 = arith.constant false
        %or3A_448 = arith.ori %or3A_447, %ne3A_445 : i1
        %or3A_449 = arith.ori %or3A_448, %ne3A_446 : i1
        %or3A_450 = arith.ori %or3A_449, %eq3A_346 : i1
        %convert_element_type3A_451 = arith.extui %or3A_450 : i1 to i32
        %cond3A_452 = arith.constant 0 : i32
        %cond3A_453 = arith.cmpi ne, %convert_element_type3A_451, %cond3A_452 : i32
        scf.if %cond3A_453 {
          "tpu.trace_start"() <{level = 10 : i32, message = "ep_wait_in"}> : () -> ()
          %mul3A_612 = arith.constant 8 : i32
          %mul3A_613 = arith.muli %mul3A_612, %add3A_350 : i32
          %mul3A_614 = arith.constant 256 : i32
          %mul3A_615 = arith.muli %mul3A_614, %add3A_351 : i32
          %rem3A_616 = arith.constant 2 : i32
          %rem3A_617 = arith.remui %scan3A_338, %rem3A_616 : i32
          %dma_wait3A_618 = arith.constant 0 : i32
          %dma_wait3A_619 = arith.constant 0 : i32
          %dma_wait3A_620 = arith.constant 0 : i32
          %dma_wait3A_621 = tpu.memref_slice %run_scoped3A[%rem3A_617, %dma_wait3A_618, %dma_wait3A_619, %dma_wait3A_620] : memref<2x7x8x256xf32, #tpu.memory_space<vmem>> -> memref<1x7x8x256xf32, #tpu.memory_space<vmem>>
          %dma_wait3A_622 = tpu.memref_squeeze %dma_wait3A_621 : memref<1x7x8x256xf32, #tpu.memory_space<vmem>> -> memref<7x8x256xf32, #tpu.memory_space<vmem>>
          %dma_wait3A_623 = arith.constant 0 : i32
          %dma_wait3A_624 = tpu.memref_slice %arg2[%dma_wait3A_623, %mul3A_613, %mul3A_615] : memref<7x64x16384xf32, #tpu.memory_space<hbm>> -> memref<7x8x256xf32, #tpu.memory_space<hbm>>
          %dma_wait3A_625 = tpu.memref_slice %run_scoped3A_118[%rem3A_617] : memref<2x!tpu.dma_semaphore, #tpu.memory_space<semaphore_mem>> -> memref<1x!tpu.dma_semaphore, #tpu.memory_space<semaphore_mem>>
          %dma_wait3A_626 = tpu.memref_squeeze %dma_wait3A_625 : memref<1x!tpu.dma_semaphore, #tpu.memory_space<semaphore_mem>> -> memref<!tpu.dma_semaphore, #tpu.memory_space<semaphore_mem>>
          %dma_wait3A_627 = arith.constant 0 : i32
          %dma_wait3A_628 = arith.constant 0 : i32
          %dma_wait3A_629 = arith.constant 0 : i32
          %dma_wait3A_630 = tpu.memref_slice %run_scoped3A[%rem3A_617, %dma_wait3A_627, %dma_wait3A_628, %dma_wait3A_629] : memref<2x7x8x256xf32, #tpu.memory_space<vmem>> -> memref<1x7x8x256xf32, #tpu.memory_space<vmem>>
          %dma_wait3A_631 = tpu.memref_squeeze %dma_wait3A_630 : memref<1x7x8x256xf32, #tpu.memory_space<vmem>> -> memref<7x8x256xf32, #tpu.memory_space<vmem>>
          %dma_wait3A_632 = arith.constant 0 : i32
          %dma_wait3A_633 = tpu.memref_slice %arg2[%dma_wait3A_632, %mul3A_613, %mul3A_615] : memref<7x64x16384xf32, #tpu.memory_space<hbm>> -> memref<7x8x256xf32, #tpu.memory_space<hbm>>
          tpu.wait_dma2 semaphore(%dma_wait3A_626 : memref<!tpu.dma_semaphore, #tpu.memory_space<semaphore_mem>>) src(%dma_wait3A_633 : memref<7x8x256xf32, #tpu.memory_space<hbm>>) dst(%dma_wait3A_631 : memref<7x8x256xf32, #tpu.memory_space<vmem>>)
          "tpu.trace_stop"() : () -> ()
        } else {
        }
        %ne3A_454 = arith.cmpi ne, %add3A_350, %add3A_368 : i32
        %ne3A_455 = arith.cmpi ne, %add3A_351, %add3A_369 : i32
        %or3A_456 = arith.constant false
        %or3A_457 = arith.ori %or3A_456, %ne3A_454 : i1
        %or3A_458 = arith.ori %or3A_457, %ne3A_455 : i1
        %or3A_459 = arith.ori %or3A_458, %eq3A_346 : i1
        %convert_element_type3A_460 = arith.extui %or3A_459 : i1 to i32
        %cond3A_461 = arith.constant 0 : i32
        %cond3A_462 = arith.cmpi ne, %convert_element_type3A_460, %cond3A_461 : i32
        scf.if %cond3A_462 {
          "tpu.trace_start"() <{level = 10 : i32, message = "ep_wait_in"}> : () -> ()
          %mul3A_612 = arith.constant 8 : i32
          %mul3A_613 = arith.muli %mul3A_612, %add3A_350 : i32
          %mul3A_614 = arith.constant 256 : i32
          %mul3A_615 = arith.muli %mul3A_614, %add3A_351 : i32
          %rem3A_616 = arith.constant 2 : i32
          %rem3A_617 = arith.remui %scan3A_340, %rem3A_616 : i32
          %dma_wait3A_618 = arith.constant 0 : i32
          %dma_wait3A_619 = arith.constant 0 : i32
          %dma_wait3A_620 = arith.constant 0 : i32
          %dma_wait3A_621 = tpu.memref_slice %run_scoped3A_119[%rem3A_617, %dma_wait3A_618, %dma_wait3A_619, %dma_wait3A_620] : memref<2x7x8x256xf32, #tpu.memory_space<vmem>> -> memref<1x7x8x256xf32, #tpu.memory_space<vmem>>
          %dma_wait3A_622 = tpu.memref_squeeze %dma_wait3A_621 : memref<1x7x8x256xf32, #tpu.memory_space<vmem>> -> memref<7x8x256xf32, #tpu.memory_space<vmem>>
          %dma_wait3A_623 = arith.constant 0 : i32
          %dma_wait3A_624 = tpu.memref_slice %arg3[%dma_wait3A_623, %mul3A_613, %mul3A_615] : memref<7x64x16384xf32, #tpu.memory_space<hbm>> -> memref<7x8x256xf32, #tpu.memory_space<hbm>>
          %dma_wait3A_625 = tpu.memref_slice %run_scoped3A_120[%rem3A_617] : memref<2x!tpu.dma_semaphore, #tpu.memory_space<semaphore_mem>> -> memref<1x!tpu.dma_semaphore, #tpu.memory_space<semaphore_mem>>
          %dma_wait3A_626 = tpu.memref_squeeze %dma_wait3A_625 : memref<1x!tpu.dma_semaphore, #tpu.memory_space<semaphore_mem>> -> memref<!tpu.dma_semaphore, #tpu.memory_space<semaphore_mem>>
          %dma_wait3A_627 = arith.constant 0 : i32
          %dma_wait3A_628 = arith.constant 0 : i32
          %dma_wait3A_629 = arith.constant 0 : i32
          %dma_wait3A_630 = tpu.memref_slice %run_scoped3A_119[%rem3A_617, %dma_wait3A_627, %dma_wait3A_628, %dma_wait3A_629] : memref<2x7x8x256xf32, #tpu.memory_space<vmem>> -> memref<1x7x8x256xf32, #tpu.memory_space<vmem>>
          %dma_wait3A_631 = tpu.memref_squeeze %dma_wait3A_630 : memref<1x7x8x256xf32, #tpu.memory_space<vmem>> -> memref<7x8x256xf32, #tpu.memory_space<vmem>>
          %dma_wait3A_632 = arith.constant 0 : i32
          %dma_wait3A_633 = tpu.memref_slice %arg3[%dma_wait3A_632, %mul3A_613, %mul3A_615] : memref<7x64x16384xf32, #tpu.memory_space<hbm>> -> memref<7x8x256xf32, #tpu.memory_space<hbm>>
          tpu.wait_dma2 semaphore(%dma_wait3A_626 : memref<!tpu.dma_semaphore, #tpu.memory_space<semaphore_mem>>) src(%dma_wait3A_633 : memref<7x8x256xf32, #tpu.memory_space<hbm>>) dst(%dma_wait3A_631 : memref<7x8x256xf32, #tpu.memory_space<vmem>>)
          "tpu.trace_stop"() : () -> ()
        } else {
        }
        %ne3A_463 = arith.cmpi ne, %add3A_350, %add3A_368 : i32
        %ne3A_464 = arith.cmpi ne, %add3A_351, %add3A_369 : i32
        %or3A_465 = arith.constant false
        %or3A_466 = arith.ori %or3A_465, %ne3A_463 : i1
        %or3A_467 = arith.ori %or3A_466, %ne3A_464 : i1
        %or3A_468 = arith.ori %or3A_467, %eq3A_346 : i1
        %convert_element_type3A_469 = arith.extui %or3A_468 : i1 to i32
        %cond3A_470 = arith.constant 0 : i32
        %cond3A_471 = arith.cmpi ne, %convert_element_type3A_469, %cond3A_470 : i32
        scf.if %cond3A_471 {
        } else {
        }
        %rem3A_472 = arith.constant 2 : i32
        %rem3A_473 = arith.remui %scan3A_338, %rem3A_472 : i32
        %rem3A_474 = arith.constant 2 : i32
        %rem3A_475 = arith.remui %scan3A_340, %rem3A_474 : i32
        %rem3A_476 = arith.constant 2 : i32
        %rem3A_477 = arith.remui %scan3A_341, %rem3A_476 : i32
        %parallel_loop3A = arith.constant 0 : i32
        %parallel_loop3A_478 = arith.constant 256 : i32
        %parallel_loop3A_479 = arith.constant 16 : i32
        "tpu.trace_start"() <{level = 10 : i32, message = "ep_run_kernel"}> : () -> ()
        scf.for %parallel_loop3A_612 = %parallel_loop3A to %parallel_loop3A_478 step %parallel_loop3A_479  : i32 {
          %parallel_loop3A_613 = arith.constant 0 : i32
          %parallel_loop3A_614 = arith.constant 0 : i32
          %parallel_loop3A_615 = arith.constant 0 : i32
          %parallel_loop3A_616 = arith.constant 0 : i32
          %parallel_loop3A_617 = arith.constant 0 : i32
          %parallel_loop3A_618 = tpu.memref_slice %run_scoped3A[%rem3A_473, %parallel_loop3A_615, %parallel_loop3A_616, %parallel_loop3A_617] : memref<2x7x8x256xf32, #tpu.memory_space<vmem>> -> memref<1x7x8x256xf32, #tpu.memory_space<vmem>>
          %parallel_loop3A_619 = tpu.memref_squeeze %parallel_loop3A_618 : memref<1x7x8x256xf32, #tpu.memory_space<vmem>> -> memref<7x8x256xf32, #tpu.memory_space<vmem>>
          %parallel_loop3A_620 = arith.index_cast %parallel_loop3A_613 : i32 to index
          %parallel_loop3A_621 = arith.index_cast %parallel_loop3A_614 : i32 to index
          %parallel_loop3A_622 = arith.index_cast %parallel_loop3A_612 : i32 to index
          %parallel_loop3A_623 = tpu.vector_load %parallel_loop3A_619[%parallel_loop3A_620, %parallel_loop3A_621, %parallel_loop3A_622] {strides = array<i32>} : memref<7x8x256xf32, #tpu.memory_space<vmem>>, vector<16xf32>,
          %parallel_loop3A_624 = arith.constant 1 : i32
          %parallel_loop3A_625 = arith.constant 0 : i32
          %parallel_loop3A_626 = arith.constant 0 : i32
          %parallel_loop3A_627 = arith.constant 0 : i32
          %parallel_loop3A_628 = arith.constant 0 : i32
          %parallel_loop3A_629 = tpu.memref_slice %run_scoped3A[%rem3A_473, %parallel_loop3A_626, %parallel_loop3A_627, %parallel_loop3A_628] : memref<2x7x8x256xf32, #tpu.memory_space<vmem>> -> memref<1x7x8x256xf32, #tpu.memory_space<vmem>>
          %parallel_loop3A_630 = tpu.memref_squeeze %parallel_loop3A_629 : memref<1x7x8x256xf32, #tpu.memory_space<vmem>> -> memref<7x8x256xf32, #tpu.memory_space<vmem>>
          %parallel_loop3A_631 = arith.index_cast %parallel_loop3A_624 : i32 to index
          %parallel_loop3A_632 = arith.index_cast %parallel_loop3A_625 : i32 to index
          %parallel_loop3A_633 = arith.index_cast %parallel_loop3A_612 : i32 to index
          %parallel_loop3A_634 = tpu.vector_load %parallel_loop3A_630[%parallel_loop3A_631, %parallel_loop3A_632, %parallel_loop3A_633] {strides = array<i32>} : memref<7x8x256xf32, #tpu.memory_space<vmem>>, vector<16xf32>,
          %parallel_loop3A_635 = arith.constant 2 : i32
          %parallel_loop3A_636 = arith.constant 0 : i32
          %parallel_loop3A_637 = arith.constant 0 : i32
          %parallel_loop3A_638 = arith.constant 0 : i32
          %parallel_loop3A_639 = arith.constant 0 : i32
          %parallel_loop3A_640 = tpu.memref_slice %run_scoped3A[%rem3A_473, %parallel_loop3A_637, %parallel_loop3A_638, %parallel_loop3A_639] : memref<2x7x8x256xf32, #tpu.memory_space<vmem>> -> memref<1x7x8x256xf32, #tpu.memory_space<vmem>>
          %parallel_loop3A_641 = tpu.memref_squeeze %parallel_loop3A_640 : memref<1x7x8x256xf32, #tpu.memory_space<vmem>> -> memref<7x8x256xf32, #tpu.memory_space<vmem>>
          %parallel_loop3A_642 = arith.index_cast %parallel_loop3A_635 : i32 to index
          %parallel_loop3A_643 = arith.index_cast %parallel_loop3A_636 : i32 to index
          %parallel_loop3A_644 = arith.index_cast %parallel_loop3A_612 : i32 to index
          %parallel_loop3A_645 = tpu.vector_load %parallel_loop3A_641[%parallel_loop3A_642, %parallel_loop3A_643, %parallel_loop3A_644] {strides = array<i32>} : memref<7x8x256xf32, #tpu.memory_space<vmem>>, vector<16xf32>,
          %parallel_loop3A_646 = arith.constant 3 : i32
          %parallel_loop3A_647 = arith.constant 0 : i32
          %parallel_loop3A_648 = arith.constant 0 : i32
          %parallel_loop3A_649 = arith.constant 0 : i32
          %parallel_loop3A_650 = arith.constant 0 : i32
          %parallel_loop3A_651 = tpu.memref_slice %run_scoped3A[%rem3A_473, %parallel_loop3A_648, %parallel_loop3A_649, %parallel_loop3A_650] : memref<2x7x8x256xf32, #tpu.memory_space<vmem>> -> memref<1x7x8x256xf32, #tpu.memory_space<vmem>>
          %parallel_loop3A_652 = tpu.memref_squeeze %parallel_loop3A_651 : memref<1x7x8x256xf32, #tpu.memory_space<vmem>> -> memref<7x8x256xf32, #tpu.memory_space<vmem>>
          %parallel_loop3A_653 = arith.index_cast %parallel_loop3A_646 : i32 to index
          %parallel_loop3A_654 = arith.index_cast %parallel_loop3A_647 : i32 to index
          %parallel_loop3A_655 = arith.index_cast %parallel_loop3A_612 : i32 to index
          %parallel_loop3A_656 = tpu.vector_load %parallel_loop3A_652[%parallel_loop3A_653, %parallel_loop3A_654, %parallel_loop3A_655] {strides = array<i32>} : memref<7x8x256xf32, #tpu.memory_space<vmem>>, vector<16xf32>,
          %parallel_loop3A_657 = arith.constant 4 : i32
          %parallel_loop3A_658 = arith.constant 0 : i32
          %parallel_loop3A_659 = arith.constant 0 : i32
          %parallel_loop3A_660 = arith.constant 0 : i32
          %parallel_loop3A_661 = arith.constant 0 : i32
          %parallel_loop3A_662 = tpu.memref_slice %run_scoped3A[%rem3A_473, %parallel_loop3A_659, %parallel_loop3A_660, %parallel_loop3A_661] : memref<2x7x8x256xf32, #tpu.memory_space<vmem>> -> memref<1x7x8x256xf32, #tpu.memory_space<vmem>>
          %parallel_loop3A_663 = tpu.memref_squeeze %parallel_loop3A_662 : memref<1x7x8x256xf32, #tpu.memory_space<vmem>> -> memref<7x8x256xf32, #tpu.memory_space<vmem>>
          %parallel_loop3A_664 = arith.index_cast %parallel_loop3A_657 : i32 to index
          %parallel_loop3A_665 = arith.index_cast %parallel_loop3A_658 : i32 to index
          %parallel_loop3A_666 = arith.index_cast %parallel_loop3A_612 : i32 to index
          %parallel_loop3A_667 = tpu.vector_load %parallel_loop3A_663[%parallel_loop3A_664, %parallel_loop3A_665, %parallel_loop3A_666] {strides = array<i32>} : memref<7x8x256xf32, #tpu.memory_space<vmem>>, vector<16xf32>,
          %parallel_loop3A_668 = arith.constant 5 : i32
          %parallel_loop3A_669 = arith.constant 0 : i32
          %parallel_loop3A_670 = arith.constant 0 : i32
          %parallel_loop3A_671 = arith.constant 0 : i32
          %parallel_loop3A_672 = arith.constant 0 : i32
          %parallel_loop3A_673 = tpu.memref_slice %run_scoped3A[%rem3A_473, %parallel_loop3A_670, %parallel_loop3A_671, %parallel_loop3A_672] : memref<2x7x8x256xf32, #tpu.memory_space<vmem>> -> memref<1x7x8x256xf32, #tpu.memory_space<vmem>>
          %parallel_loop3A_674 = tpu.memref_squeeze %parallel_loop3A_673 : memref<1x7x8x256xf32, #tpu.memory_space<vmem>> -> memref<7x8x256xf32, #tpu.memory_space<vmem>>
          %parallel_loop3A_675 = arith.index_cast %parallel_loop3A_668 : i32 to index
          %parallel_loop3A_676 = arith.index_cast %parallel_loop3A_669 : i32 to index
          %parallel_loop3A_677 = arith.index_cast %parallel_loop3A_612 : i32 to index
          %parallel_loop3A_678 = tpu.vector_load %parallel_loop3A_674[%parallel_loop3A_675, %parallel_loop3A_676, %parallel_loop3A_677] {strides = array<i32>} : memref<7x8x256xf32, #tpu.memory_space<vmem>>, vector<16xf32>,
          %parallel_loop3A_679 = arith.constant 6 : i32
          %parallel_loop3A_680 = arith.constant 0 : i32
          %parallel_loop3A_681 = arith.constant 0 : i32
          %parallel_loop3A_682 = arith.constant 0 : i32
          %parallel_loop3A_683 = arith.constant 0 : i32
          %parallel_loop3A_684 = tpu.memref_slice %run_scoped3A[%rem3A_473, %parallel_loop3A_681, %parallel_loop3A_682, %parallel_loop3A_683] : memref<2x7x8x256xf32, #tpu.memory_space<vmem>> -> memref<1x7x8x256xf32, #tpu.memory_space<vmem>>
          %parallel_loop3A_685 = tpu.memref_squeeze %parallel_loop3A_684 : memref<1x7x8x256xf32, #tpu.memory_space<vmem>> -> memref<7x8x256xf32, #tpu.memory_space<vmem>>
          %parallel_loop3A_686 = arith.index_cast %parallel_loop3A_679 : i32 to index
          %parallel_loop3A_687 = arith.index_cast %parallel_loop3A_680 : i32 to index
          %parallel_loop3A_688 = arith.index_cast %parallel_loop3A_612 : i32 to index
          %parallel_loop3A_689 = tpu.vector_load %parallel_loop3A_685[%parallel_loop3A_686, %parallel_loop3A_687, %parallel_loop3A_688] {strides = array<i32>} : memref<7x8x256xf32, #tpu.memory_space<vmem>>, vector<16xf32>,
          %parallel_loop3A_690 = arith.constant 0 : i32
          %parallel_loop3A_691 = arith.constant 0 : i32
          %parallel_loop3A_692 = arith.constant 0 : i32
          %parallel_loop3A_693 = arith.constant 0 : i32
          %parallel_loop3A_694 = arith.constant 0 : i32
          %parallel_loop3A_695 = tpu.memref_slice %run_scoped3A_119[%rem3A_475, %parallel_loop3A_692, %parallel_loop3A_693, %parallel_loop3A_694] : memref<2x7x8x256xf32, #tpu.memory_space<vmem>> -> memref<1x7x8x256xf32, #tpu.memory_space<vmem>>
          %parallel_loop3A_696 = tpu.memref_squeeze %parallel_loop3A_695 : memref<1x7x8x256xf32, #tpu.memory_space<vmem>> -> memref<7x8x256xf32, #tpu.memory_space<vmem>>
          %parallel_loop3A_697 = arith.index_cast %parallel_loop3A_690 : i32 to index
          %parallel_loop3A_698 = arith.index_cast %parallel_loop3A_691 : i32 to index
          %parallel_loop3A_699 = arith.index_cast %parallel_loop3A_612 : i32 to index
          %parallel_loop3A_700 = tpu.vector_load %parallel_loop3A_696[%parallel_loop3A_697, %parallel_loop3A_698, %parallel_loop3A_699] {strides = array<i32>} : memref<7x8x256xf32, #tpu.memory_space<vmem>>, vector<16xf32>,
          %parallel_loop3A_701 = arith.constant 1 : i32
          %parallel_loop3A_702 = arith.constant 0 : i32
          %parallel_loop3A_703 = arith.constant 0 : i32
          %parallel_loop3A_704 = arith.constant 0 : i32
          %parallel_loop3A_705 = arith.constant 0 : i32
          %parallel_loop3A_706 = tpu.memref_slice %run_scoped3A_119[%rem3A_475, %parallel_loop3A_703, %parallel_loop3A_704, %parallel_loop3A_705] : memref<2x7x8x256xf32, #tpu.memory_space<vmem>> -> memref<1x7x8x256xf32, #tpu.memory_space<vmem>>
          %parallel_loop3A_707 = tpu.memref_squeeze %parallel_loop3A_706 : memref<1x7x8x256xf32, #tpu.memory_space<vmem>> -> memref<7x8x256xf32, #tpu.memory_space<vmem>>
          %parallel_loop3A_708 = arith.index_cast %parallel_loop3A_701 : i32 to index
          %parallel_loop3A_709 = arith.index_cast %parallel_loop3A_702 : i32 to index
          %parallel_loop3A_710 = arith.index_cast %parallel_loop3A_612 : i32 to index
          %parallel_loop3A_711 = tpu.vector_load %parallel_loop3A_707[%parallel_loop3A_708, %parallel_loop3A_709, %parallel_loop3A_710] {strides = array<i32>} : memref<7x8x256xf32, #tpu.memory_space<vmem>>, vector<16xf32>,
          %parallel_loop3A_712 = arith.constant 2 : i32
          %parallel_loop3A_713 = arith.constant 0 : i32
          %parallel_loop3A_714 = arith.constant 0 : i32
          %parallel_loop3A_715 = arith.constant 0 : i32
          %parallel_loop3A_716 = arith.constant 0 : i32
          %parallel_loop3A_717 = tpu.memref_slice %run_scoped3A_119[%rem3A_475, %parallel_loop3A_714, %parallel_loop3A_715, %parallel_loop3A_716] : memref<2x7x8x256xf32, #tpu.memory_space<vmem>> -> memref<1x7x8x256xf32, #tpu.memory_space<vmem>>
          %parallel_loop3A_718 = tpu.memref_squeeze %parallel_loop3A_717 : memref<1x7x8x256xf32, #tpu.memory_space<vmem>> -> memref<7x8x256xf32, #tpu.memory_space<vmem>>
          %parallel_loop3A_719 = arith.index_cast %parallel_loop3A_712 : i32 to index
          %parallel_loop3A_720 = arith.index_cast %parallel_loop3A_713 : i32 to index
          %parallel_loop3A_721 = arith.index_cast %parallel_loop3A_612 : i32 to index
          %parallel_loop3A_722 = tpu.vector_load %parallel_loop3A_718[%parallel_loop3A_719, %parallel_loop3A_720, %parallel_loop3A_721] {strides = array<i32>} : memref<7x8x256xf32, #tpu.memory_space<vmem>>, vector<16xf32>,
          %parallel_loop3A_723 = arith.constant 3 : i32
          %parallel_loop3A_724 = arith.constant 0 : i32
          %parallel_loop3A_725 = arith.constant 0 : i32
          %parallel_loop3A_726 = arith.constant 0 : i32
          %parallel_loop3A_727 = arith.constant 0 : i32
          %parallel_loop3A_728 = tpu.memref_slice %run_scoped3A_119[%rem3A_475, %parallel_loop3A_725, %parallel_loop3A_726, %parallel_loop3A_727] : memref<2x7x8x256xf32, #tpu.memory_space<vmem>> -> memref<1x7x8x256xf32, #tpu.memory_space<vmem>>
          %parallel_loop3A_729 = tpu.memref_squeeze %parallel_loop3A_728 : memref<1x7x8x256xf32, #tpu.memory_space<vmem>> -> memref<7x8x256xf32, #tpu.memory_space<vmem>>
          %parallel_loop3A_730 = arith.index_cast %parallel_loop3A_723 : i32 to index
          %parallel_loop3A_731 = arith.index_cast %parallel_loop3A_724 : i32 to index
          %parallel_loop3A_732 = arith.index_cast %parallel_loop3A_612 : i32 to index
          %parallel_loop3A_733 = tpu.vector_load %parallel_loop3A_729[%parallel_loop3A_730, %parallel_loop3A_731, %parallel_loop3A_732] {strides = array<i32>} : memref<7x8x256xf32, #tpu.memory_space<vmem>>, vector<16xf32>,
          %parallel_loop3A_734 = arith.constant 4 : i32
          %parallel_loop3A_735 = arith.constant 0 : i32
          %parallel_loop3A_736 = arith.constant 0 : i32
          %parallel_loop3A_737 = arith.constant 0 : i32
          %parallel_loop3A_738 = arith.constant 0 : i32
          %parallel_loop3A_739 = tpu.memref_slice %run_scoped3A_119[%rem3A_475, %parallel_loop3A_736, %parallel_loop3A_737, %parallel_loop3A_738] : memref<2x7x8x256xf32, #tpu.memory_space<vmem>> -> memref<1x7x8x256xf32, #tpu.memory_space<vmem>>
          %parallel_loop3A_740 = tpu.memref_squeeze %parallel_loop3A_739 : memref<1x7x8x256xf32, #tpu.memory_space<vmem>> -> memref<7x8x256xf32, #tpu.memory_space<vmem>>
          %parallel_loop3A_741 = arith.index_cast %parallel_loop3A_734 : i32 to index
          %parallel_loop3A_742 = arith.index_cast %parallel_loop3A_735 : i32 to index
          %parallel_loop3A_743 = arith.index_cast %parallel_loop3A_612 : i32 to index
          %parallel_loop3A_744 = tpu.vector_load %parallel_loop3A_740[%parallel_loop3A_741, %parallel_loop3A_742, %parallel_loop3A_743] {strides = array<i32>} : memref<7x8x256xf32, #tpu.memory_space<vmem>>, vector<16xf32>,
          %parallel_loop3A_745 = arith.constant 5 : i32
          %parallel_loop3A_746 = arith.constant 0 : i32
          %parallel_loop3A_747 = arith.constant 0 : i32
          %parallel_loop3A_748 = arith.constant 0 : i32
          %parallel_loop3A_749 = arith.constant 0 : i32
          %parallel_loop3A_750 = tpu.memref_slice %run_scoped3A_119[%rem3A_475, %parallel_loop3A_747, %parallel_loop3A_748, %parallel_loop3A_749] : memref<2x7x8x256xf32, #tpu.memory_space<vmem>> -> memref<1x7x8x256xf32, #tpu.memory_space<vmem>>
          %parallel_loop3A_751 = tpu.memref_squeeze %parallel_loop3A_750 : memref<1x7x8x256xf32, #tpu.memory_space<vmem>> -> memref<7x8x256xf32, #tpu.memory_space<vmem>>
          %parallel_loop3A_752 = arith.index_cast %parallel_loop3A_745 : i32 to index
          %parallel_loop3A_753 = arith.index_cast %parallel_loop3A_746 : i32 to index
          %parallel_loop3A_754 = arith.index_cast %parallel_loop3A_612 : i32 to index
          %parallel_loop3A_755 = tpu.vector_load %parallel_loop3A_751[%parallel_loop3A_752, %parallel_loop3A_753, %parallel_loop3A_754] {strides = array<i32>} : memref<7x8x256xf32, #tpu.memory_space<vmem>>, vector<16xf32>,
          %parallel_loop3A_756 = arith.constant 6 : i32
          %parallel_loop3A_757 = arith.constant 0 : i32
          %parallel_loop3A_758 = arith.constant 0 : i32
          %parallel_loop3A_759 = arith.constant 0 : i32
          %parallel_loop3A_760 = arith.constant 0 : i32
          %parallel_loop3A_761 = tpu.memref_slice %run_scoped3A_119[%rem3A_475, %parallel_loop3A_758, %parallel_loop3A_759, %parallel_loop3A_760] : memref<2x7x8x256xf32, #tpu.memory_space<vmem>> -> memref<1x7x8x256xf32, #tpu.memory_space<vmem>>
          %parallel_loop3A_762 = tpu.memref_squeeze %parallel_loop3A_761 : memref<1x7x8x256xf32, #tpu.memory_space<vmem>> -> memref<7x8x256xf32, #tpu.memory_space<vmem>>
          %parallel_loop3A_763 = arith.index_cast %parallel_loop3A_756 : i32 to index
          %parallel_loop3A_764 = arith.index_cast %parallel_loop3A_757 : i32 to index
          %parallel_loop3A_765 = arith.index_cast %parallel_loop3A_612 : i32 to index
          %parallel_loop3A_766 = tpu.vector_load %parallel_loop3A_762[%parallel_loop3A_763, %parallel_loop3A_764, %parallel_loop3A_765] {strides = array<i32>} : memref<7x8x256xf32, #tpu.memory_space<vmem>>, vector<16xf32>,
          %parallel_loop3A_767 = arith.mulf %parallel_loop3A_623, %parallel_loop3A_700 : vector<16xf32>
          %parallel_loop3A_768 = arith.mulf %parallel_loop3A_767, %gather3A : vector<16xf32>
          %parallel_loop3A_769 = arith.constant 0 : i32
          %parallel_loop3A_770 = arith.constant 0 : i32
          %parallel_loop3A_771 = arith.constant 0 : i32
          %parallel_loop3A_772 = arith.constant 0 : i32
          %parallel_loop3A_773 = arith.constant 0 : i32
          %parallel_loop3A_774 = tpu.memref_slice %run_scoped3A_121[%rem3A_477, %parallel_loop3A_771, %parallel_loop3A_772, %parallel_loop3A_773] : memref<2x7x8x256xf32, #tpu.memory_space<vmem>> -> memref<1x7x8x256xf32, #tpu.memory_space<vmem>>
          %parallel_loop3A_775 = tpu.memref_squeeze %parallel_loop3A_774 : memref<1x7x8x256xf32, #tpu.memory_space<vmem>> -> memref<7x8x256xf32, #tpu.memory_space<vmem>>
          %parallel_loop3A_776 = arith.index_cast %parallel_loop3A_769 : i32 to index
          %parallel_loop3A_777 = arith.index_cast %parallel_loop3A_770 : i32 to index
          %parallel_loop3A_778 = arith.index_cast %parallel_loop3A_612 : i32 to index
          %parallel_loop3A_779 = tpu.vector_load %parallel_loop3A_775[%parallel_loop3A_776, %parallel_loop3A_777, %parallel_loop3A_778] {strides = array<i32>} : memref<7x8x256xf32, #tpu.memory_space<vmem>>, vector<16xf32>,
          tpu.vector_store %parallel_loop3A_775[%parallel_loop3A_776, %parallel_loop3A_777, %parallel_loop3A_778], %parallel_loop3A_768 {strides = array<i32>} : memref<7x8x256xf32, #tpu.memory_space<vmem>>, vector<16xf32>,
          %parallel_loop3A_780 = arith.mulf %parallel_loop3A_623, %parallel_loop3A_711 : vector<16xf32>
          %parallel_loop3A_781 = arith.mulf %parallel_loop3A_780, %gather3A_5 : vector<16xf32>
          %parallel_loop3A_782 = arith.mulf %parallel_loop3A_634, %parallel_loop3A_700 : vector<16xf32>
          %parallel_loop3A_783 = arith.mulf %parallel_loop3A_782, %gather3A_29 : vector<16xf32>
          %parallel_loop3A_784 = arith.addf %parallel_loop3A_781, %parallel_loop3A_783 : vector<16xf32>
          %parallel_loop3A_785 = arith.constant 1 : i32
          %parallel_loop3A_786 = arith.constant 0 : i32
          %parallel_loop3A_787 = arith.constant 0 : i32
          %parallel_loop3A_788 = arith.constant 0 : i32
          %parallel_loop3A_789 = arith.constant 0 : i32
          %parallel_loop3A_790 = tpu.memref_slice %run_scoped3A_121[%rem3A_477, %parallel_loop3A_787, %parallel_loop3A_788, %parallel_loop3A_789] : memref<2x7x8x256xf32, #tpu.memory_space<vmem>> -> memref<1x7x8x256xf32, #tpu.memory_space<vmem>>
          %parallel_loop3A_791 = tpu.memref_squeeze %parallel_loop3A_790 : memref<1x7x8x256xf32, #tpu.memory_space<vmem>> -> memref<7x8x256xf32, #tpu.memory_space<vmem>>
          %parallel_loop3A_792 = arith.index_cast %parallel_loop3A_785 : i32 to index
          %parallel_loop3A_793 = arith.index_cast %parallel_loop3A_786 : i32 to index
          %parallel_loop3A_794 = arith.index_cast %parallel_loop3A_612 : i32 to index
          %parallel_loop3A_795 = tpu.vector_load %parallel_loop3A_791[%parallel_loop3A_792, %parallel_loop3A_793, %parallel_loop3A_794] {strides = array<i32>} : memref<7x8x256xf32, #tpu.memory_space<vmem>>, vector<16xf32>,
          tpu.vector_store %parallel_loop3A_791[%parallel_loop3A_792, %parallel_loop3A_793, %parallel_loop3A_794], %parallel_loop3A_784 {strides = array<i32>} : memref<7x8x256xf32, #tpu.memory_space<vmem>>, vector<16xf32>,
          %parallel_loop3A_796 = arith.mulf %parallel_loop3A_623, %parallel_loop3A_722 : vector<16xf32>
          %parallel_loop3A_797 = arith.mulf %parallel_loop3A_796, %gather3A_9 : vector<16xf32>
          %parallel_loop3A_798 = arith.mulf %parallel_loop3A_634, %parallel_loop3A_711 : vector<16xf32>
          %parallel_loop3A_799 = arith.mulf %parallel_loop3A_798, %gather3A_33 : vector<16xf32>
          %parallel_loop3A_800 = arith.addf %parallel_loop3A_797, %parallel_loop3A_799 : vector<16xf32>
          %parallel_loop3A_801 = arith.mulf %parallel_loop3A_645, %parallel_loop3A_700 : vector<16xf32>
          %parallel_loop3A_802 = arith.mulf %parallel_loop3A_801, %gather3A_53 : vector<16xf32>
          %parallel_loop3A_803 = arith.addf %parallel_loop3A_800, %parallel_loop3A_802 : vector<16xf32>
          %parallel_loop3A_804 = arith.constant 2 : i32
          %parallel_loop3A_805 = arith.constant 0 : i32
          %parallel_loop3A_806 = arith.constant 0 : i32
          %parallel_loop3A_807 = arith.constant 0 : i32
          %parallel_loop3A_808 = arith.constant 0 : i32
          %parallel_loop3A_809 = tpu.memref_slice %run_scoped3A_121[%rem3A_477, %parallel_loop3A_806, %parallel_loop3A_807, %parallel_loop3A_808] : memref<2x7x8x256xf32, #tpu.memory_space<vmem>> -> memref<1x7x8x256xf32, #tpu.memory_space<vmem>>
          %parallel_loop3A_810 = tpu.memref_squeeze %parallel_loop3A_809 : memref<1x7x8x256xf32, #tpu.memory_space<vmem>> -> memref<7x8x256xf32, #tpu.memory_space<vmem>>
          %parallel_loop3A_811 = arith.index_cast %parallel_loop3A_804 : i32 to index
          %parallel_loop3A_812 = arith.index_cast %parallel_loop3A_805 : i32 to index
          %parallel_loop3A_813 = arith.index_cast %parallel_loop3A_612 : i32 to index
          %parallel_loop3A_814 = tpu.vector_load %parallel_loop3A_810[%parallel_loop3A_811, %parallel_loop3A_812, %parallel_loop3A_813] {strides = array<i32>} : memref<7x8x256xf32, #tpu.memory_space<vmem>>, vector<16xf32>,
          tpu.vector_store %parallel_loop3A_810[%parallel_loop3A_811, %parallel_loop3A_812, %parallel_loop3A_813], %parallel_loop3A_803 {strides = array<i32>} : memref<7x8x256xf32, #tpu.memory_space<vmem>>, vector<16xf32>,
          %parallel_loop3A_815 = arith.mulf %parallel_loop3A_623, %parallel_loop3A_733 : vector<16xf32>
          %parallel_loop3A_816 = arith.mulf %parallel_loop3A_815, %gather3A_13 : vector<16xf32>
          %parallel_loop3A_817 = arith.mulf %parallel_loop3A_634, %parallel_loop3A_722 : vector<16xf32>
          %parallel_loop3A_818 = arith.mulf %parallel_loop3A_817, %gather3A_37 : vector<16xf32>
          %parallel_loop3A_819 = arith.addf %parallel_loop3A_816, %parallel_loop3A_818 : vector<16xf32>
          %parallel_loop3A_820 = arith.mulf %parallel_loop3A_645, %parallel_loop3A_711 : vector<16xf32>
          %parallel_loop3A_821 = arith.mulf %parallel_loop3A_820, %gather3A_57 : vector<16xf32>
          %parallel_loop3A_822 = arith.addf %parallel_loop3A_819, %parallel_loop3A_821 : vector<16xf32>
          %parallel_loop3A_823 = arith.mulf %parallel_loop3A_656, %parallel_loop3A_700 : vector<16xf32>
          %parallel_loop3A_824 = arith.mulf %parallel_loop3A_823, %gather3A_73 : vector<16xf32>
          %parallel_loop3A_825 = arith.addf %parallel_loop3A_822, %parallel_loop3A_824 : vector<16xf32>
          %parallel_loop3A_826 = arith.constant 3 : i32
          %parallel_loop3A_827 = arith.constant 0 : i32
          %parallel_loop3A_828 = arith.constant 0 : i32
          %parallel_loop3A_829 = arith.constant 0 : i32
          %parallel_loop3A_830 = arith.constant 0 : i32
          %parallel_loop3A_831 = tpu.memref_slice %run_scoped3A_121[%rem3A_477, %parallel_loop3A_828, %parallel_loop3A_829, %parallel_loop3A_830] : memref<2x7x8x256xf32, #tpu.memory_space<vmem>> -> memref<1x7x8x256xf32, #tpu.memory_space<vmem>>
          %parallel_loop3A_832 = tpu.memref_squeeze %parallel_loop3A_831 : memref<1x7x8x256xf32, #tpu.memory_space<vmem>> -> memref<7x8x256xf32, #tpu.memory_space<vmem>>
          %parallel_loop3A_833 = arith.index_cast %parallel_loop3A_826 : i32 to index
          %parallel_loop3A_834 = arith.index_cast %parallel_loop3A_827 : i32 to index
          %parallel_loop3A_835 = arith.index_cast %parallel_loop3A_612 : i32 to index
          %parallel_loop3A_836 = tpu.vector_load %parallel_loop3A_832[%parallel_loop3A_833, %parallel_loop3A_834, %parallel_loop3A_835] {strides = array<i32>} : memref<7x8x256xf32, #tpu.memory_space<vmem>>, vector<16xf32>,
          tpu.vector_store %parallel_loop3A_832[%parallel_loop3A_833, %parallel_loop3A_834, %parallel_loop3A_835], %parallel_loop3A_825 {strides = array<i32>} : memref<7x8x256xf32, #tpu.memory_space<vmem>>, vector<16xf32>,
          %parallel_loop3A_837 = arith.mulf %parallel_loop3A_623, %parallel_loop3A_744 : vector<16xf32>
          %parallel_loop3A_838 = arith.mulf %parallel_loop3A_837, %gather3A_17 : vector<16xf32>
          %parallel_loop3A_839 = arith.mulf %parallel_loop3A_634, %parallel_loop3A_733 : vector<16xf32>
          %parallel_loop3A_840 = arith.mulf %parallel_loop3A_839, %gather3A_41 : vector<16xf32>
          %parallel_loop3A_841 = arith.addf %parallel_loop3A_838, %parallel_loop3A_840 : vector<16xf32>
          %parallel_loop3A_842 = arith.mulf %parallel_loop3A_645, %parallel_loop3A_722 : vector<16xf32>
          %parallel_loop3A_843 = arith.mulf %parallel_loop3A_842, %gather3A_61 : vector<16xf32>
          %parallel_loop3A_844 = arith.addf %parallel_loop3A_841, %parallel_loop3A_843 : vector<16xf32>
          %parallel_loop3A_845 = arith.mulf %parallel_loop3A_656, %parallel_loop3A_711 : vector<16xf32>
          %parallel_loop3A_846 = arith.mulf %parallel_loop3A_845, %gather3A_77 : vector<16xf32>
          %parallel_loop3A_847 = arith.addf %parallel_loop3A_844, %parallel_loop3A_846 : vector<16xf32>
          %parallel_loop3A_848 = arith.mulf %parallel_loop3A_667, %parallel_loop3A_700 : vector<16xf32>
          %parallel_loop3A_849 = arith.mulf %parallel_loop3A_848, %gather3A_89 : vector<16xf32>
          %parallel_loop3A_850 = arith.addf %parallel_loop3A_847, %parallel_loop3A_849 : vector<16xf32>
          %parallel_loop3A_851 = arith.constant 4 : i32
          %parallel_loop3A_852 = arith.constant 0 : i32
          %parallel_loop3A_853 = arith.constant 0 : i32
          %parallel_loop3A_854 = arith.constant 0 : i32
          %parallel_loop3A_855 = arith.constant 0 : i32
          %parallel_loop3A_856 = tpu.memref_slice %run_scoped3A_121[%rem3A_477, %parallel_loop3A_853, %parallel_loop3A_854, %parallel_loop3A_855] : memref<2x7x8x256xf32, #tpu.memory_space<vmem>> -> memref<1x7x8x256xf32, #tpu.memory_space<vmem>>
          %parallel_loop3A_857 = tpu.memref_squeeze %parallel_loop3A_856 : memref<1x7x8x256xf32, #tpu.memory_space<vmem>> -> memref<7x8x256xf32, #tpu.memory_space<vmem>>
          %parallel_loop3A_858 = arith.index_cast %parallel_loop3A_851 : i32 to index
          %parallel_loop3A_859 = arith.index_cast %parallel_loop3A_852 : i32 to index
          %parallel_loop3A_860 = arith.index_cast %parallel_loop3A_612 : i32 to index
          %parallel_loop3A_861 = tpu.vector_load %parallel_loop3A_857[%parallel_loop3A_858, %parallel_loop3A_859, %parallel_loop3A_860] {strides = array<i32>} : memref<7x8x256xf32, #tpu.memory_space<vmem>>, vector<16xf32>,
          tpu.vector_store %parallel_loop3A_857[%parallel_loop3A_858, %parallel_loop3A_859, %parallel_loop3A_860], %parallel_loop3A_850 {strides = array<i32>} : memref<7x8x256xf32, #tpu.memory_space<vmem>>, vector<16xf32>,
          %parallel_loop3A_862 = arith.mulf %parallel_loop3A_623, %parallel_loop3A_755 : vector<16xf32>
          %parallel_loop3A_863 = arith.mulf %parallel_loop3A_862, %gather3A_21 : vector<16xf32>
          %parallel_loop3A_864 = arith.mulf %parallel_loop3A_634, %parallel_loop3A_744 : vector<16xf32>
          %parallel_loop3A_865 = arith.mulf %parallel_loop3A_864, %gather3A_45 : vector<16xf32>
          %parallel_loop3A_866 = arith.addf %parallel_loop3A_863, %parallel_loop3A_865 : vector<16xf32>
          %parallel_loop3A_867 = arith.mulf %parallel_loop3A_645, %parallel_loop3A_733 : vector<16xf32>
          %parallel_loop3A_868 = arith.mulf %parallel_loop3A_867, %gather3A_65 : vector<16xf32>
          %parallel_loop3A_869 = arith.addf %parallel_loop3A_866, %parallel_loop3A_868 : vector<16xf32>
          %parallel_loop3A_870 = arith.mulf %parallel_loop3A_656, %parallel_loop3A_722 : vector<16xf32>
          %parallel_loop3A_871 = arith.mulf %parallel_loop3A_870, %gather3A_81 : vector<16xf32>
          %parallel_loop3A_872 = arith.addf %parallel_loop3A_869, %parallel_loop3A_871 : vector<16xf32>
          %parallel_loop3A_873 = arith.mulf %parallel_loop3A_667, %parallel_loop3A_711 : vector<16xf32>
          %parallel_loop3A_874 = arith.mulf %parallel_loop3A_873, %gather3A_93 : vector<16xf32>
          %parallel_loop3A_875 = arith.addf %parallel_loop3A_872, %parallel_loop3A_874 : vector<16xf32>
          %parallel_loop3A_876 = arith.mulf %parallel_loop3A_678, %parallel_loop3A_700 : vector<16xf32>
          %parallel_loop3A_877 = arith.mulf %parallel_loop3A_876, %gather3A_101 : vector<16xf32>
          %parallel_loop3A_878 = arith.addf %parallel_loop3A_875, %parallel_loop3A_877 : vector<16xf32>
          %parallel_loop3A_879 = arith.constant 5 : i32
          %parallel_loop3A_880 = arith.constant 0 : i32
          %parallel_loop3A_881 = arith.constant 0 : i32
          %parallel_loop3A_882 = arith.constant 0 : i32
          %parallel_loop3A_883 = arith.constant 0 : i32
          %parallel_loop3A_884 = tpu.memref_slice %run_scoped3A_121[%rem3A_477, %parallel_loop3A_881, %parallel_loop3A_882, %parallel_loop3A_883] : memref<2x7x8x256xf32, #tpu.memory_space<vmem>> -> memref<1x7x8x256xf32, #tpu.memory_space<vmem>>
          %parallel_loop3A_885 = tpu.memref_squeeze %parallel_loop3A_884 : memref<1x7x8x256xf32, #tpu.memory_space<vmem>> -> memref<7x8x256xf32, #tpu.memory_space<vmem>>
          %parallel_loop3A_886 = arith.index_cast %parallel_loop3A_879 : i32 to index
          %parallel_loop3A_887 = arith.index_cast %parallel_loop3A_880 : i32 to index
          %parallel_loop3A_888 = arith.index_cast %parallel_loop3A_612 : i32 to index
          %parallel_loop3A_889 = tpu.vector_load %parallel_loop3A_885[%parallel_loop3A_886, %parallel_loop3A_887, %parallel_loop3A_888] {strides = array<i32>} : memref<7x8x256xf32, #tpu.memory_space<vmem>>, vector<16xf32>,
          tpu.vector_store %parallel_loop3A_885[%parallel_loop3A_886, %parallel_loop3A_887, %parallel_loop3A_888], %parallel_loop3A_878 {strides = array<i32>} : memref<7x8x256xf32, #tpu.memory_space<vmem>>, vector<16xf32>,
          %parallel_loop3A_890 = arith.mulf %parallel_loop3A_623, %parallel_loop3A_766 : vector<16xf32>
          %parallel_loop3A_891 = arith.mulf %parallel_loop3A_890, %gather3A_25 : vector<16xf32>
          %parallel_loop3A_892 = arith.mulf %parallel_loop3A_634, %parallel_loop3A_755 : vector<16xf32>
          %parallel_loop3A_893 = arith.mulf %parallel_loop3A_892, %gather3A_49 : vector<16xf32>
          %parallel_loop3A_894 = arith.addf %parallel_loop3A_891, %parallel_loop3A_893 : vector<16xf32>
          %parallel_loop3A_895 = arith.mulf %parallel_loop3A_645, %parallel_loop3A_744 : vector<16xf32>
          %parallel_loop3A_896 = arith.mulf %parallel_loop3A_895, %gather3A_69 : vector<16xf32>
          %parallel_loop3A_897 = arith.addf %parallel_loop3A_894, %parallel_loop3A_896 : vector<16xf32>
          %parallel_loop3A_898 = arith.mulf %parallel_loop3A_656, %parallel_loop3A_733 : vector<16xf32>
          %parallel_loop3A_899 = arith.mulf %parallel_loop3A_898, %gather3A_85 : vector<16xf32>
          %parallel_loop3A_900 = arith.addf %parallel_loop3A_897, %parallel_loop3A_899 : vector<16xf32>
          %parallel_loop3A_901 = arith.mulf %parallel_loop3A_667, %parallel_loop3A_722 : vector<16xf32>
          %parallel_loop3A_902 = arith.mulf %parallel_loop3A_901, %gather3A_97 : vector<16xf32>
          %parallel_loop3A_903 = arith.addf %parallel_loop3A_900, %parallel_loop3A_902 : vector<16xf32>
          %parallel_loop3A_904 = arith.mulf %parallel_loop3A_678, %parallel_loop3A_711 : vector<16xf32>
          %parallel_loop3A_905 = arith.mulf %parallel_loop3A_904, %gather3A_105 : vector<16xf32>
          %parallel_loop3A_906 = arith.addf %parallel_loop3A_903, %parallel_loop3A_905 : vector<16xf32>
          %parallel_loop3A_907 = arith.mulf %parallel_loop3A_689, %parallel_loop3A_700 : vector<16xf32>
          %parallel_loop3A_908 = arith.mulf %parallel_loop3A_907, %gather3A_109 : vector<16xf32>
          %parallel_loop3A_909 = arith.addf %parallel_loop3A_906, %parallel_loop3A_908 : vector<16xf32>
          %parallel_loop3A_910 = arith.constant 6 : i32
          %parallel_loop3A_911 = arith.constant 0 : i32
          %parallel_loop3A_912 = arith.constant 0 : i32
          %parallel_loop3A_913 = arith.constant 0 : i32
          %parallel_loop3A_914 = arith.constant 0 : i32
          %parallel_loop3A_915 = tpu.memref_slice %run_scoped3A_121[%rem3A_477, %parallel_loop3A_912, %parallel_loop3A_913, %parallel_loop3A_914] : memref<2x7x8x256xf32, #tpu.memory_space<vmem>> -> memref<1x7x8x256xf32, #tpu.memory_space<vmem>>
          %parallel_loop3A_916 = tpu.memref_squeeze %parallel_loop3A_915 : memref<1x7x8x256xf32, #tpu.memory_space<vmem>> -> memref<7x8x256xf32, #tpu.memory_space<vmem>>
          %parallel_loop3A_917 = arith.index_cast %parallel_loop3A_910 : i32 to index
          %parallel_loop3A_918 = arith.index_cast %parallel_loop3A_911 : i32 to index
          %parallel_loop3A_919 = arith.index_cast %parallel_loop3A_612 : i32 to index
          %parallel_loop3A_920 = tpu.vector_load %parallel_loop3A_916[%parallel_loop3A_917, %parallel_loop3A_918, %parallel_loop3A_919] {strides = array<i32>} : memref<7x8x256xf32, #tpu.memory_space<vmem>>, vector<16xf32>,
          tpu.vector_store %parallel_loop3A_916[%parallel_loop3A_917, %parallel_loop3A_918, %parallel_loop3A_919], %parallel_loop3A_909 {strides = array<i32>} : memref<7x8x256xf32, #tpu.memory_space<vmem>>, vector<16xf32>,
        } {sc.loop_unroll_factor = 2 : i64, sc.parallel_access}
        %parallel_loop3A_480 = arith.constant 0 : i32
        %parallel_loop3A_481 = arith.constant 256 : i32
        %parallel_loop3A_482 = arith.constant 16 : i32
        scf.for %parallel_loop3A_612 = %parallel_loop3A_480 to %parallel_loop3A_481 step %parallel_loop3A_482  : i32 {
          %parallel_loop3A_613 = arith.constant 0 : i32
          %parallel_loop3A_614 = arith.constant 1 : i32
          %parallel_loop3A_615 = arith.constant 0 : i32
          %parallel_loop3A_616 = arith.constant 0 : i32
          %parallel_loop3A_617 = arith.constant 0 : i32
          %parallel_loop3A_618 = tpu.memref_slice %run_scoped3A[%rem3A_473, %parallel_loop3A_615, %parallel_loop3A_616, %parallel_loop3A_617] : memref<2x7x8x256xf32, #tpu.memory_space<vmem>> -> memref<1x7x8x256xf32, #tpu.memory_space<vmem>>
          %parallel_loop3A_619 = tpu.memref_squeeze %parallel_loop3A_618 : memref<1x7x8x256xf32, #tpu.memory_space<vmem>> -> memref<7x8x256xf32, #tpu.memory_space<vmem>>
          %parallel_loop3A_620 = arith.index_cast %parallel_loop3A_613 : i32 to index
          %parallel_loop3A_621 = arith.index_cast %parallel_loop3A_614 : i32 to index
          %parallel_loop3A_622 = arith.index_cast %parallel_loop3A_612 : i32 to index
          %parallel_loop3A_623 = tpu.vector_load %parallel_loop3A_619[%parallel_loop3A_620, %parallel_loop3A_621, %parallel_loop3A_622] {strides = array<i32>} : memref<7x8x256xf32, #tpu.memory_space<vmem>>, vector<16xf32>,
          %parallel_loop3A_624 = arith.constant 1 : i32
          %parallel_loop3A_625 = arith.constant 1 : i32
          %parallel_loop3A_626 = arith.constant 0 : i32
          %parallel_loop3A_627 = arith.constant 0 : i32
          %parallel_loop3A_628 = arith.constant 0 : i32
          %parallel_loop3A_629 = tpu.memref_slice %run_scoped3A[%rem3A_473, %parallel_loop3A_626, %parallel_loop3A_627, %parallel_loop3A_628] : memref<2x7x8x256xf32, #tpu.memory_space<vmem>> -> memref<1x7x8x256xf32, #tpu.memory_space<vmem>>
          %parallel_loop3A_630 = tpu.memref_squeeze %parallel_loop3A_629 : memref<1x7x8x256xf32, #tpu.memory_space<vmem>> -> memref<7x8x256xf32, #tpu.memory_space<vmem>>
          %parallel_loop3A_631 = arith.index_cast %parallel_loop3A_624 : i32 to index
          %parallel_loop3A_632 = arith.index_cast %parallel_loop3A_625 : i32 to index
          %parallel_loop3A_633 = arith.index_cast %parallel_loop3A_612 : i32 to index
          %parallel_loop3A_634 = tpu.vector_load %parallel_loop3A_630[%parallel_loop3A_631, %parallel_loop3A_632, %parallel_loop3A_633] {strides = array<i32>} : memref<7x8x256xf32, #tpu.memory_space<vmem>>, vector<16xf32>,
          %parallel_loop3A_635 = arith.constant 2 : i32
          %parallel_loop3A_636 = arith.constant 1 : i32
          %parallel_loop3A_637 = arith.constant 0 : i32
          %parallel_loop3A_638 = arith.constant 0 : i32
          %parallel_loop3A_639 = arith.constant 0 : i32
          %parallel_loop3A_640 = tpu.memref_slice %run_scoped3A[%rem3A_473, %parallel_loop3A_637, %parallel_loop3A_638, %parallel_loop3A_639] : memref<2x7x8x256xf32, #tpu.memory_space<vmem>> -> memref<1x7x8x256xf32, #tpu.memory_space<vmem>>
          %parallel_loop3A_641 = tpu.memref_squeeze %parallel_loop3A_640 : memref<1x7x8x256xf32, #tpu.memory_space<vmem>> -> memref<7x8x256xf32, #tpu.memory_space<vmem>>
          %parallel_loop3A_642 = arith.index_cast %parallel_loop3A_635 : i32 to index
          %parallel_loop3A_643 = arith.index_cast %parallel_loop3A_636 : i32 to index
          %parallel_loop3A_644 = arith.index_cast %parallel_loop3A_612 : i32 to index
          %parallel_loop3A_645 = tpu.vector_load %parallel_loop3A_641[%parallel_loop3A_642, %parallel_loop3A_643, %parallel_loop3A_644] {strides = array<i32>} : memref<7x8x256xf32, #tpu.memory_space<vmem>>, vector<16xf32>,
          %parallel_loop3A_646 = arith.constant 3 : i32
          %parallel_loop3A_647 = arith.constant 1 : i32
          %parallel_loop3A_648 = arith.constant 0 : i32
          %parallel_loop3A_649 = arith.constant 0 : i32
          %parallel_loop3A_650 = arith.constant 0 : i32
          %parallel_loop3A_651 = tpu.memref_slice %run_scoped3A[%rem3A_473, %parallel_loop3A_648, %parallel_loop3A_649, %parallel_loop3A_650] : memref<2x7x8x256xf32, #tpu.memory_space<vmem>> -> memref<1x7x8x256xf32, #tpu.memory_space<vmem>>
          %parallel_loop3A_652 = tpu.memref_squeeze %parallel_loop3A_651 : memref<1x7x8x256xf32, #tpu.memory_space<vmem>> -> memref<7x8x256xf32, #tpu.memory_space<vmem>>
          %parallel_loop3A_653 = arith.index_cast %parallel_loop3A_646 : i32 to index
          %parallel_loop3A_654 = arith.index_cast %parallel_loop3A_647 : i32 to index
          %parallel_loop3A_655 = arith.index_cast %parallel_loop3A_612 : i32 to index
          %parallel_loop3A_656 = tpu.vector_load %parallel_loop3A_652[%parallel_loop3A_653, %parallel_loop3A_654, %parallel_loop3A_655] {strides = array<i32>} : memref<7x8x256xf32, #tpu.memory_space<vmem>>, vector<16xf32>,
          %parallel_loop3A_657 = arith.constant 4 : i32
          %parallel_loop3A_658 = arith.constant 1 : i32
          %parallel_loop3A_659 = arith.constant 0 : i32
          %parallel_loop3A_660 = arith.constant 0 : i32
          %parallel_loop3A_661 = arith.constant 0 : i32
          %parallel_loop3A_662 = tpu.memref_slice %run_scoped3A[%rem3A_473, %parallel_loop3A_659, %parallel_loop3A_660, %parallel_loop3A_661] : memref<2x7x8x256xf32, #tpu.memory_space<vmem>> -> memref<1x7x8x256xf32, #tpu.memory_space<vmem>>
          %parallel_loop3A_663 = tpu.memref_squeeze %parallel_loop3A_662 : memref<1x7x8x256xf32, #tpu.memory_space<vmem>> -> memref<7x8x256xf32, #tpu.memory_space<vmem>>
          %parallel_loop3A_664 = arith.index_cast %parallel_loop3A_657 : i32 to index
          %parallel_loop3A_665 = arith.index_cast %parallel_loop3A_658 : i32 to index
          %parallel_loop3A_666 = arith.index_cast %parallel_loop3A_612 : i32 to index
          %parallel_loop3A_667 = tpu.vector_load %parallel_loop3A_663[%parallel_loop3A_664, %parallel_loop3A_665, %parallel_loop3A_666] {strides = array<i32>} : memref<7x8x256xf32, #tpu.memory_space<vmem>>, vector<16xf32>,
          %parallel_loop3A_668 = arith.constant 5 : i32
          %parallel_loop3A_669 = arith.constant 1 : i32
          %parallel_loop3A_670 = arith.constant 0 : i32
          %parallel_loop3A_671 = arith.constant 0 : i32
          %parallel_loop3A_672 = arith.constant 0 : i32
          %parallel_loop3A_673 = tpu.memref_slice %run_scoped3A[%rem3A_473, %parallel_loop3A_670, %parallel_loop3A_671, %parallel_loop3A_672] : memref<2x7x8x256xf32, #tpu.memory_space<vmem>> -> memref<1x7x8x256xf32, #tpu.memory_space<vmem>>
          %parallel_loop3A_674 = tpu.memref_squeeze %parallel_loop3A_673 : memref<1x7x8x256xf32, #tpu.memory_space<vmem>> -> memref<7x8x256xf32, #tpu.memory_space<vmem>>
          %parallel_loop3A_675 = arith.index_cast %parallel_loop3A_668 : i32 to index
          %parallel_loop3A_676 = arith.index_cast %parallel_loop3A_669 : i32 to index
          %parallel_loop3A_677 = arith.index_cast %parallel_loop3A_612 : i32 to index
          %parallel_loop3A_678 = tpu.vector_load %parallel_loop3A_674[%parallel_loop3A_675, %parallel_loop3A_676, %parallel_loop3A_677] {strides = array<i32>} : memref<7x8x256xf32, #tpu.memory_space<vmem>>, vector<16xf32>,
          %parallel_loop3A_679 = arith.constant 6 : i32
          %parallel_loop3A_680 = arith.constant 1 : i32
          %parallel_loop3A_681 = arith.constant 0 : i32
          %parallel_loop3A_682 = arith.constant 0 : i32
          %parallel_loop3A_683 = arith.constant 0 : i32
          %parallel_loop3A_684 = tpu.memref_slice %run_scoped3A[%rem3A_473, %parallel_loop3A_681, %parallel_loop3A_682, %parallel_loop3A_683] : memref<2x7x8x256xf32, #tpu.memory_space<vmem>> -> memref<1x7x8x256xf32, #tpu.memory_space<vmem>>
          %parallel_loop3A_685 = tpu.memref_squeeze %parallel_loop3A_684 : memref<1x7x8x256xf32, #tpu.memory_space<vmem>> -> memref<7x8x256xf32, #tpu.memory_space<vmem>>
          %parallel_loop3A_686 = arith.index_cast %parallel_loop3A_679 : i32 to index
          %parallel_loop3A_687 = arith.index_cast %parallel_loop3A_680 : i32 to index
          %parallel_loop3A_688 = arith.index_cast %parallel_loop3A_612 : i32 to index
          %parallel_loop3A_689 = tpu.vector_load %parallel_loop3A_685[%parallel_loop3A_686, %parallel_loop3A_687, %parallel_loop3A_688] {strides = array<i32>} : memref<7x8x256xf32, #tpu.memory_space<vmem>>, vector<16xf32>,
          %parallel_loop3A_690 = arith.constant 0 : i32
          %parallel_loop3A_691 = arith.constant 1 : i32
          %parallel_loop3A_692 = arith.constant 0 : i32
          %parallel_loop3A_693 = arith.constant 0 : i32
          %parallel_loop3A_694 = arith.constant 0 : i32
          %parallel_loop3A_695 = tpu.memref_slice %run_scoped3A_119[%rem3A_475, %parallel_loop3A_692, %parallel_loop3A_693, %parallel_loop3A_694] : memref<2x7x8x256xf32, #tpu.memory_space<vmem>> -> memref<1x7x8x256xf32, #tpu.memory_space<vmem>>
          %parallel_loop3A_696 = tpu.memref_squeeze %parallel_loop3A_695 : memref<1x7x8x256xf32, #tpu.memory_space<vmem>> -> memref<7x8x256xf32, #tpu.memory_space<vmem>>
          %parallel_loop3A_697 = arith.index_cast %parallel_loop3A_690 : i32 to index
          %parallel_loop3A_698 = arith.index_cast %parallel_loop3A_691 : i32 to index
          %parallel_loop3A_699 = arith.index_cast %parallel_loop3A_612 : i32 to index
          %parallel_loop3A_700 = tpu.vector_load %parallel_loop3A_696[%parallel_loop3A_697, %parallel_loop3A_698, %parallel_loop3A_699] {strides = array<i32>} : memref<7x8x256xf32, #tpu.memory_space<vmem>>, vector<16xf32>,
          %parallel_loop3A_701 = arith.constant 1 : i32
          %parallel_loop3A_702 = arith.constant 1 : i32
          %parallel_loop3A_703 = arith.constant 0 : i32
          %parallel_loop3A_704 = arith.constant 0 : i32
          %parallel_loop3A_705 = arith.constant 0 : i32
          %parallel_loop3A_706 = tpu.memref_slice %run_scoped3A_119[%rem3A_475, %parallel_loop3A_703, %parallel_loop3A_704, %parallel_loop3A_705] : memref<2x7x8x256xf32, #tpu.memory_space<vmem>> -> memref<1x7x8x256xf32, #tpu.memory_space<vmem>>
          %parallel_loop3A_707 = tpu.memref_squeeze %parallel_loop3A_706 : memref<1x7x8x256xf32, #tpu.memory_space<vmem>> -> memref<7x8x256xf32, #tpu.memory_space<vmem>>
          %parallel_loop3A_708 = arith.index_cast %parallel_loop3A_701 : i32 to index
          %parallel_loop3A_709 = arith.index_cast %parallel_loop3A_702 : i32 to index
          %parallel_loop3A_710 = arith.index_cast %parallel_loop3A_612 : i32 to index
          %parallel_loop3A_711 = tpu.vector_load %parallel_loop3A_707[%parallel_loop3A_708, %parallel_loop3A_709, %parallel_loop3A_710] {strides = array<i32>} : memref<7x8x256xf32, #tpu.memory_space<vmem>>, vector<16xf32>,
          %parallel_loop3A_712 = arith.constant 2 : i32
          %parallel_loop3A_713 = arith.constant 1 : i32
          %parallel_loop3A_714 = arith.constant 0 : i32
          %parallel_loop3A_715 = arith.constant 0 : i32
          %parallel_loop3A_716 = arith.constant 0 : i32
          %parallel_loop3A_717 = tpu.memref_slice %run_scoped3A_119[%rem3A_475, %parallel_loop3A_714, %parallel_loop3A_715, %parallel_loop3A_716] : memref<2x7x8x256xf32, #tpu.memory_space<vmem>> -> memref<1x7x8x256xf32, #tpu.memory_space<vmem>>
          %parallel_loop3A_718 = tpu.memref_squeeze %parallel_loop3A_717 : memref<1x7x8x256xf32, #tpu.memory_space<vmem>> -> memref<7x8x256xf32, #tpu.memory_space<vmem>>
          %parallel_loop3A_719 = arith.index_cast %parallel_loop3A_712 : i32 to index
          %parallel_loop3A_720 = arith.index_cast %parallel_loop3A_713 : i32 to index
          %parallel_loop3A_721 = arith.index_cast %parallel_loop3A_612 : i32 to index
          %parallel_loop3A_722 = tpu.vector_load %parallel_loop3A_718[%parallel_loop3A_719, %parallel_loop3A_720, %parallel_loop3A_721] {strides = array<i32>} : memref<7x8x256xf32, #tpu.memory_space<vmem>>, vector<16xf32>,
          %parallel_loop3A_723 = arith.constant 3 : i32
          %parallel_loop3A_724 = arith.constant 1 : i32
          %parallel_loop3A_725 = arith.constant 0 : i32
          %parallel_loop3A_726 = arith.constant 0 : i32
          %parallel_loop3A_727 = arith.constant 0 : i32
          %parallel_loop3A_728 = tpu.memref_slice %run_scoped3A_119[%rem3A_475, %parallel_loop3A_725, %parallel_loop3A_726, %parallel_loop3A_727] : memref<2x7x8x256xf32, #tpu.memory_space<vmem>> -> memref<1x7x8x256xf32, #tpu.memory_space<vmem>>
          %parallel_loop3A_729 = tpu.memref_squeeze %parallel_loop3A_728 : memref<1x7x8x256xf32, #tpu.memory_space<vmem>> -> memref<7x8x256xf32, #tpu.memory_space<vmem>>
          %parallel_loop3A_730 = arith.index_cast %parallel_loop3A_723 : i32 to index
          %parallel_loop3A_731 = arith.index_cast %parallel_loop3A_724 : i32 to index
          %parallel_loop3A_732 = arith.index_cast %parallel_loop3A_612 : i32 to index
          %parallel_loop3A_733 = tpu.vector_load %parallel_loop3A_729[%parallel_loop3A_730, %parallel_loop3A_731, %parallel_loop3A_732] {strides = array<i32>} : memref<7x8x256xf32, #tpu.memory_space<vmem>>, vector<16xf32>,
          %parallel_loop3A_734 = arith.constant 4 : i32
          %parallel_loop3A_735 = arith.constant 1 : i32
          %parallel_loop3A_736 = arith.constant 0 : i32
          %parallel_loop3A_737 = arith.constant 0 : i32
          %parallel_loop3A_738 = arith.constant 0 : i32
          %parallel_loop3A_739 = tpu.memref_slice %run_scoped3A_119[%rem3A_475, %parallel_loop3A_736, %parallel_loop3A_737, %parallel_loop3A_738] : memref<2x7x8x256xf32, #tpu.memory_space<vmem>> -> memref<1x7x8x256xf32, #tpu.memory_space<vmem>>
          %parallel_loop3A_740 = tpu.memref_squeeze %parallel_loop3A_739 : memref<1x7x8x256xf32, #tpu.memory_space<vmem>> -> memref<7x8x256xf32, #tpu.memory_space<vmem>>
          %parallel_loop3A_741 = arith.index_cast %parallel_loop3A_734 : i32 to index
          %parallel_loop3A_742 = arith.index_cast %parallel_loop3A_735 : i32 to index
          %parallel_loop3A_743 = arith.index_cast %parallel_loop3A_612 : i32 to index
          %parallel_loop3A_744 = tpu.vector_load %parallel_loop3A_740[%parallel_loop3A_741, %parallel_loop3A_742, %parallel_loop3A_743] {strides = array<i32>} : memref<7x8x256xf32, #tpu.memory_space<vmem>>, vector<16xf32>,
          %parallel_loop3A_745 = arith.constant 5 : i32
          %parallel_loop3A_746 = arith.constant 1 : i32
          %parallel_loop3A_747 = arith.constant 0 : i32
          %parallel_loop3A_748 = arith.constant 0 : i32
          %parallel_loop3A_749 = arith.constant 0 : i32
          %parallel_loop3A_750 = tpu.memref_slice %run_scoped3A_119[%rem3A_475, %parallel_loop3A_747, %parallel_loop3A_748, %parallel_loop3A_749] : memref<2x7x8x256xf32, #tpu.memory_space<vmem>> -> memref<1x7x8x256xf32, #tpu.memory_space<vmem>>
          %parallel_loop3A_751 = tpu.memref_squeeze %parallel_loop3A_750 : memref<1x7x8x256xf32, #tpu.memory_space<vmem>> -> memref<7x8x256xf32, #tpu.memory_space<vmem>>
          %parallel_loop3A_752 = arith.index_cast %parallel_loop3A_745 : i32 to index
          %parallel_loop3A_753 = arith.index_cast %parallel_loop3A_746 : i32 to index
          %parallel_loop3A_754 = arith.index_cast %parallel_loop3A_612 : i32 to index
          %parallel_loop3A_755 = tpu.vector_load %parallel_loop3A_751[%parallel_loop3A_752, %parallel_loop3A_753, %parallel_loop3A_754] {strides = array<i32>} : memref<7x8x256xf32, #tpu.memory_space<vmem>>, vector<16xf32>,
          %parallel_loop3A_756 = arith.constant 6 : i32
          %parallel_loop3A_757 = arith.constant 1 : i32
          %parallel_loop3A_758 = arith.constant 0 : i32
          %parallel_loop3A_759 = arith.constant 0 : i32
          %parallel_loop3A_760 = arith.constant 0 : i32
          %parallel_loop3A_761 = tpu.memref_slice %run_scoped3A_119[%rem3A_475, %parallel_loop3A_758, %parallel_loop3A_759, %parallel_loop3A_760] : memref<2x7x8x256xf32, #tpu.memory_space<vmem>> -> memref<1x7x8x256xf32, #tpu.memory_space<vmem>>
          %parallel_loop3A_762 = tpu.memref_squeeze %parallel_loop3A_761 : memref<1x7x8x256xf32, #tpu.memory_space<vmem>> -> memref<7x8x256xf32, #tpu.memory_space<vmem>>
          %parallel_loop3A_763 = arith.index_cast %parallel_loop3A_756 : i32 to index
          %parallel_loop3A_764 = arith.index_cast %parallel_loop3A_757 : i32 to index
          %parallel_loop3A_765 = arith.index_cast %parallel_loop3A_612 : i32 to index
          %parallel_loop3A_766 = tpu.vector_load %parallel_loop3A_762[%parallel_loop3A_763, %parallel_loop3A_764, %parallel_loop3A_765] {strides = array<i32>} : memref<7x8x256xf32, #tpu.memory_space<vmem>>, vector<16xf32>,
          %parallel_loop3A_767 = arith.mulf %parallel_loop3A_623, %parallel_loop3A_700 : vector<16xf32>
          %parallel_loop3A_768 = arith.mulf %parallel_loop3A_767, %gather3A : vector<16xf32>
          %parallel_loop3A_769 = arith.constant 0 : i32
          %parallel_loop3A_770 = arith.constant 1 : i32
          %parallel_loop3A_771 = arith.constant 0 : i32
          %parallel_loop3A_772 = arith.constant 0 : i32
          %parallel_loop3A_773 = arith.constant 0 : i32
          %parallel_loop3A_774 = tpu.memref_slice %run_scoped3A_121[%rem3A_477, %parallel_loop3A_771, %parallel_loop3A_772, %parallel_loop3A_773] : memref<2x7x8x256xf32, #tpu.memory_space<vmem>> -> memref<1x7x8x256xf32, #tpu.memory_space<vmem>>
          %parallel_loop3A_775 = tpu.memref_squeeze %parallel_loop3A_774 : memref<1x7x8x256xf32, #tpu.memory_space<vmem>> -> memref<7x8x256xf32, #tpu.memory_space<vmem>>
          %parallel_loop3A_776 = arith.index_cast %parallel_loop3A_769 : i32 to index
          %parallel_loop3A_777 = arith.index_cast %parallel_loop3A_770 : i32 to index
          %parallel_loop3A_778 = arith.index_cast %parallel_loop3A_612 : i32 to index
          %parallel_loop3A_779 = tpu.vector_load %parallel_loop3A_775[%parallel_loop3A_776, %parallel_loop3A_777, %parallel_loop3A_778] {strides = array<i32>} : memref<7x8x256xf32, #tpu.memory_space<vmem>>, vector<16xf32>,
          tpu.vector_store %parallel_loop3A_775[%parallel_loop3A_776, %parallel_loop3A_777, %parallel_loop3A_778], %parallel_loop3A_768 {strides = array<i32>} : memref<7x8x256xf32, #tpu.memory_space<vmem>>, vector<16xf32>,
          %parallel_loop3A_780 = arith.mulf %parallel_loop3A_623, %parallel_loop3A_711 : vector<16xf32>
          %parallel_loop3A_781 = arith.mulf %parallel_loop3A_780, %gather3A_5 : vector<16xf32>
          %parallel_loop3A_782 = arith.mulf %parallel_loop3A_634, %parallel_loop3A_700 : vector<16xf32>
          %parallel_loop3A_783 = arith.mulf %parallel_loop3A_782, %gather3A_29 : vector<16xf32>
          %parallel_loop3A_784 = arith.addf %parallel_loop3A_781, %parallel_loop3A_783 : vector<16xf32>
          %parallel_loop3A_785 = arith.constant 1 : i32
          %parallel_loop3A_786 = arith.constant 1 : i32
          %parallel_loop3A_787 = arith.constant 0 : i32
          %parallel_loop3A_788 = arith.constant 0 : i32
          %parallel_loop3A_789 = arith.constant 0 : i32
          %parallel_loop3A_790 = tpu.memref_slice %run_scoped3A_121[%rem3A_477, %parallel_loop3A_787, %parallel_loop3A_788, %parallel_loop3A_789] : memref<2x7x8x256xf32, #tpu.memory_space<vmem>> -> memref<1x7x8x256xf32, #tpu.memory_space<vmem>>
          %parallel_loop3A_791 = tpu.memref_squeeze %parallel_loop3A_790 : memref<1x7x8x256xf32, #tpu.memory_space<vmem>> -> memref<7x8x256xf32, #tpu.memory_space<vmem>>
          %parallel_loop3A_792 = arith.index_cast %parallel_loop3A_785 : i32 to index
          %parallel_loop3A_793 = arith.index_cast %parallel_loop3A_786 : i32 to index
          %parallel_loop3A_794 = arith.index_cast %parallel_loop3A_612 : i32 to index
          %parallel_loop3A_795 = tpu.vector_load %parallel_loop3A_791[%parallel_loop3A_792, %parallel_loop3A_793, %parallel_loop3A_794] {strides = array<i32>} : memref<7x8x256xf32, #tpu.memory_space<vmem>>, vector<16xf32>,
          tpu.vector_store %parallel_loop3A_791[%parallel_loop3A_792, %parallel_loop3A_793, %parallel_loop3A_794], %parallel_loop3A_784 {strides = array<i32>} : memref<7x8x256xf32, #tpu.memory_space<vmem>>, vector<16xf32>,
          %parallel_loop3A_796 = arith.mulf %parallel_loop3A_623, %parallel_loop3A_722 : vector<16xf32>
          %parallel_loop3A_797 = arith.mulf %parallel_loop3A_796, %gather3A_9 : vector<16xf32>
          %parallel_loop3A_798 = arith.mulf %parallel_loop3A_634, %parallel_loop3A_711 : vector<16xf32>
          %parallel_loop3A_799 = arith.mulf %parallel_loop3A_798, %gather3A_33 : vector<16xf32>
          %parallel_loop3A_800 = arith.addf %parallel_loop3A_797, %parallel_loop3A_799 : vector<16xf32>
          %parallel_loop3A_801 = arith.mulf %parallel_loop3A_645, %parallel_loop3A_700 : vector<16xf32>
          %parallel_loop3A_802 = arith.mulf %parallel_loop3A_801, %gather3A_53 : vector<16xf32>
          %parallel_loop3A_803 = arith.addf %parallel_loop3A_800, %parallel_loop3A_802 : vector<16xf32>
          %parallel_loop3A_804 = arith.constant 2 : i32
          %parallel_loop3A_805 = arith.constant 1 : i32
          %parallel_loop3A_806 = arith.constant 0 : i32
          %parallel_loop3A_807 = arith.constant 0 : i32
          %parallel_loop3A_808 = arith.constant 0 : i32
          %parallel_loop3A_809 = tpu.memref_slice %run_scoped3A_121[%rem3A_477, %parallel_loop3A_806, %parallel_loop3A_807, %parallel_loop3A_808] : memref<2x7x8x256xf32, #tpu.memory_space<vmem>> -> memref<1x7x8x256xf32, #tpu.memory_space<vmem>>
          %parallel_loop3A_810 = tpu.memref_squeeze %parallel_loop3A_809 : memref<1x7x8x256xf32, #tpu.memory_space<vmem>> -> memref<7x8x256xf32, #tpu.memory_space<vmem>>
          %parallel_loop3A_811 = arith.index_cast %parallel_loop3A_804 : i32 to index
          %parallel_loop3A_812 = arith.index_cast %parallel_loop3A_805 : i32 to index
          %parallel_loop3A_813 = arith.index_cast %parallel_loop3A_612 : i32 to index
          %parallel_loop3A_814 = tpu.vector_load %parallel_loop3A_810[%parallel_loop3A_811, %parallel_loop3A_812, %parallel_loop3A_813] {strides = array<i32>} : memref<7x8x256xf32, #tpu.memory_space<vmem>>, vector<16xf32>,
          tpu.vector_store %parallel_loop3A_810[%parallel_loop3A_811, %parallel_loop3A_812, %parallel_loop3A_813], %parallel_loop3A_803 {strides = array<i32>} : memref<7x8x256xf32, #tpu.memory_space<vmem>>, vector<16xf32>,
          %parallel_loop3A_815 = arith.mulf %parallel_loop3A_623, %parallel_loop3A_733 : vector<16xf32>
          %parallel_loop3A_816 = arith.mulf %parallel_loop3A_815, %gather3A_13 : vector<16xf32>
          %parallel_loop3A_817 = arith.mulf %parallel_loop3A_634, %parallel_loop3A_722 : vector<16xf32>
          %parallel_loop3A_818 = arith.mulf %parallel_loop3A_817, %gather3A_37 : vector<16xf32>
          %parallel_loop3A_819 = arith.addf %parallel_loop3A_816, %parallel_loop3A_818 : vector<16xf32>
          %parallel_loop3A_820 = arith.mulf %parallel_loop3A_645, %parallel_loop3A_711 : vector<16xf32>
          %parallel_loop3A_821 = arith.mulf %parallel_loop3A_820, %gather3A_57 : vector<16xf32>
          %parallel_loop3A_822 = arith.addf %parallel_loop3A_819, %parallel_loop3A_821 : vector<16xf32>
          %parallel_loop3A_823 = arith.mulf %parallel_loop3A_656, %parallel_loop3A_700 : vector<16xf32>
          %parallel_loop3A_824 = arith.mulf %parallel_loop3A_823, %gather3A_73 : vector<16xf32>
          %parallel_loop3A_825 = arith.addf %parallel_loop3A_822, %parallel_loop3A_824 : vector<16xf32>
          %parallel_loop3A_826 = arith.constant 3 : i32
          %parallel_loop3A_827 = arith.constant 1 : i32
          %parallel_loop3A_828 = arith.constant 0 : i32
          %parallel_loop3A_829 = arith.constant 0 : i32
          %parallel_loop3A_830 = arith.constant 0 : i32
          %parallel_loop3A_831 = tpu.memref_slice %run_scoped3A_121[%rem3A_477, %parallel_loop3A_828, %parallel_loop3A_829, %parallel_loop3A_830] : memref<2x7x8x256xf32, #tpu.memory_space<vmem>> -> memref<1x7x8x256xf32, #tpu.memory_space<vmem>>
          %parallel_loop3A_832 = tpu.memref_squeeze %parallel_loop3A_831 : memref<1x7x8x256xf32, #tpu.memory_space<vmem>> -> memref<7x8x256xf32, #tpu.memory_space<vmem>>
          %parallel_loop3A_833 = arith.index_cast %parallel_loop3A_826 : i32 to index
          %parallel_loop3A_834 = arith.index_cast %parallel_loop3A_827 : i32 to index
          %parallel_loop3A_835 = arith.index_cast %parallel_loop3A_612 : i32 to index
          %parallel_loop3A_836 = tpu.vector_load %parallel_loop3A_832[%parallel_loop3A_833, %parallel_loop3A_834, %parallel_loop3A_835] {strides = array<i32>} : memref<7x8x256xf32, #tpu.memory_space<vmem>>, vector<16xf32>,
          tpu.vector_store %parallel_loop3A_832[%parallel_loop3A_833, %parallel_loop3A_834, %parallel_loop3A_835], %parallel_loop3A_825 {strides = array<i32>} : memref<7x8x256xf32, #tpu.memory_space<vmem>>, vector<16xf32>,
          %parallel_loop3A_837 = arith.mulf %parallel_loop3A_623, %parallel_loop3A_744 : vector<16xf32>
          %parallel_loop3A_838 = arith.mulf %parallel_loop3A_837, %gather3A_17 : vector<16xf32>
          %parallel_loop3A_839 = arith.mulf %parallel_loop3A_634, %parallel_loop3A_733 : vector<16xf32>
          %parallel_loop3A_840 = arith.mulf %parallel_loop3A_839, %gather3A_41 : vector<16xf32>
          %parallel_loop3A_841 = arith.addf %parallel_loop3A_838, %parallel_loop3A_840 : vector<16xf32>
          %parallel_loop3A_842 = arith.mulf %parallel_loop3A_645, %parallel_loop3A_722 : vector<16xf32>
          %parallel_loop3A_843 = arith.mulf %parallel_loop3A_842, %gather3A_61 : vector<16xf32>
          %parallel_loop3A_844 = arith.addf %parallel_loop3A_841, %parallel_loop3A_843 : vector<16xf32>
          %parallel_loop3A_845 = arith.mulf %parallel_loop3A_656, %parallel_loop3A_711 : vector<16xf32>
          %parallel_loop3A_846 = arith.mulf %parallel_loop3A_845, %gather3A_77 : vector<16xf32>
          %parallel_loop3A_847 = arith.addf %parallel_loop3A_844, %parallel_loop3A_846 : vector<16xf32>
          %parallel_loop3A_848 = arith.mulf %parallel_loop3A_667, %parallel_loop3A_700 : vector<16xf32>
          %parallel_loop3A_849 = arith.mulf %parallel_loop3A_848, %gather3A_89 : vector<16xf32>
          %parallel_loop3A_850 = arith.addf %parallel_loop3A_847, %parallel_loop3A_849 : vector<16xf32>
          %parallel_loop3A_851 = arith.constant 4 : i32
          %parallel_loop3A_852 = arith.constant 1 : i32
          %parallel_loop3A_853 = arith.constant 0 : i32
          %parallel_loop3A_854 = arith.constant 0 : i32
          %parallel_loop3A_855 = arith.constant 0 : i32
          %parallel_loop3A_856 = tpu.memref_slice %run_scoped3A_121[%rem3A_477, %parallel_loop3A_853, %parallel_loop3A_854, %parallel_loop3A_855] : memref<2x7x8x256xf32, #tpu.memory_space<vmem>> -> memref<1x7x8x256xf32, #tpu.memory_space<vmem>>
          %parallel_loop3A_857 = tpu.memref_squeeze %parallel_loop3A_856 : memref<1x7x8x256xf32, #tpu.memory_space<vmem>> -> memref<7x8x256xf32, #tpu.memory_space<vmem>>
          %parallel_loop3A_858 = arith.index_cast %parallel_loop3A_851 : i32 to index
          %parallel_loop3A_859 = arith.index_cast %parallel_loop3A_852 : i32 to index
          %parallel_loop3A_860 = arith.index_cast %parallel_loop3A_612 : i32 to index
          %parallel_loop3A_861 = tpu.vector_load %parallel_loop3A_857[%parallel_loop3A_858, %parallel_loop3A_859, %parallel_loop3A_860] {strides = array<i32>} : memref<7x8x256xf32, #tpu.memory_space<vmem>>, vector<16xf32>,
          tpu.vector_store %parallel_loop3A_857[%parallel_loop3A_858, %parallel_loop3A_859, %parallel_loop3A_860], %parallel_loop3A_850 {strides = array<i32>} : memref<7x8x256xf32, #tpu.memory_space<vmem>>, vector<16xf32>,
          %parallel_loop3A_862 = arith.mulf %parallel_loop3A_623, %parallel_loop3A_755 : vector<16xf32>
          %parallel_loop3A_863 = arith.mulf %parallel_loop3A_862, %gather3A_21 : vector<16xf32>
          %parallel_loop3A_864 = arith.mulf %parallel_loop3A_634, %parallel_loop3A_744 : vector<16xf32>
          %parallel_loop3A_865 = arith.mulf %parallel_loop3A_864, %gather3A_45 : vector<16xf32>
          %parallel_loop3A_866 = arith.addf %parallel_loop3A_863, %parallel_loop3A_865 : vector<16xf32>
          %parallel_loop3A_867 = arith.mulf %parallel_loop3A_645, %parallel_loop3A_733 : vector<16xf32>
          %parallel_loop3A_868 = arith.mulf %parallel_loop3A_867, %gather3A_65 : vector<16xf32>
          %parallel_loop3A_869 = arith.addf %parallel_loop3A_866, %parallel_loop3A_868 : vector<16xf32>
          %parallel_loop3A_870 = arith.mulf %parallel_loop3A_656, %parallel_loop3A_722 : vector<16xf32>
          %parallel_loop3A_871 = arith.mulf %parallel_loop3A_870, %gather3A_81 : vector<16xf32>
          %parallel_loop3A_872 = arith.addf %parallel_loop3A_869, %parallel_loop3A_871 : vector<16xf32>
          %parallel_loop3A_873 = arith.mulf %parallel_loop3A_667, %parallel_loop3A_711 : vector<16xf32>
          %parallel_loop3A_874 = arith.mulf %parallel_loop3A_873, %gather3A_93 : vector<16xf32>
          %parallel_loop3A_875 = arith.addf %parallel_loop3A_872, %parallel_loop3A_874 : vector<16xf32>
          %parallel_loop3A_876 = arith.mulf %parallel_loop3A_678, %parallel_loop3A_700 : vector<16xf32>
          %parallel_loop3A_877 = arith.mulf %parallel_loop3A_876, %gather3A_101 : vector<16xf32>
          %parallel_loop3A_878 = arith.addf %parallel_loop3A_875, %parallel_loop3A_877 : vector<16xf32>
          %parallel_loop3A_879 = arith.constant 5 : i32
          %parallel_loop3A_880 = arith.constant 1 : i32
          %parallel_loop3A_881 = arith.constant 0 : i32
          %parallel_loop3A_882 = arith.constant 0 : i32
          %parallel_loop3A_883 = arith.constant 0 : i32
          %parallel_loop3A_884 = tpu.memref_slice %run_scoped3A_121[%rem3A_477, %parallel_loop3A_881, %parallel_loop3A_882, %parallel_loop3A_883] : memref<2x7x8x256xf32, #tpu.memory_space<vmem>> -> memref<1x7x8x256xf32, #tpu.memory_space<vmem>>
          %parallel_loop3A_885 = tpu.memref_squeeze %parallel_loop3A_884 : memref<1x7x8x256xf32, #tpu.memory_space<vmem>> -> memref<7x8x256xf32, #tpu.memory_space<vmem>>
          %parallel_loop3A_886 = arith.index_cast %parallel_loop3A_879 : i32 to index
          %parallel_loop3A_887 = arith.index_cast %parallel_loop3A_880 : i32 to index
          %parallel_loop3A_888 = arith.index_cast %parallel_loop3A_612 : i32 to index
          %parallel_loop3A_889 = tpu.vector_load %parallel_loop3A_885[%parallel_loop3A_886, %parallel_loop3A_887, %parallel_loop3A_888] {strides = array<i32>} : memref<7x8x256xf32, #tpu.memory_space<vmem>>, vector<16xf32>,
          tpu.vector_store %parallel_loop3A_885[%parallel_loop3A_886, %parallel_loop3A_887, %parallel_loop3A_888], %parallel_loop3A_878 {strides = array<i32>} : memref<7x8x256xf32, #tpu.memory_space<vmem>>, vector<16xf32>,
          %parallel_loop3A_890 = arith.mulf %parallel_loop3A_623, %parallel_loop3A_766 : vector<16xf32>
          %parallel_loop3A_891 = arith.mulf %parallel_loop3A_890, %gather3A_25 : vector<16xf32>
          %parallel_loop3A_892 = arith.mulf %parallel_loop3A_634, %parallel_loop3A_755 : vector<16xf32>
          %parallel_loop3A_893 = arith.mulf %parallel_loop3A_892, %gather3A_49 : vector<16xf32>
          %parallel_loop3A_894 = arith.addf %parallel_loop3A_891, %parallel_loop3A_893 : vector<16xf32>
          %parallel_loop3A_895 = arith.mulf %parallel_loop3A_645, %parallel_loop3A_744 : vector<16xf32>
          %parallel_loop3A_896 = arith.mulf %parallel_loop3A_895, %gather3A_69 : vector<16xf32>
          %parallel_loop3A_897 = arith.addf %parallel_loop3A_894, %parallel_loop3A_896 : vector<16xf32>
          %parallel_loop3A_898 = arith.mulf %parallel_loop3A_656, %parallel_loop3A_733 : vector<16xf32>
          %parallel_loop3A_899 = arith.mulf %parallel_loop3A_898, %gather3A_85 : vector<16xf32>
          %parallel_loop3A_900 = arith.addf %parallel_loop3A_897, %parallel_loop3A_899 : vector<16xf32>
          %parallel_loop3A_901 = arith.mulf %parallel_loop3A_667, %parallel_loop3A_722 : vector<16xf32>
          %parallel_loop3A_902 = arith.mulf %parallel_loop3A_901, %gather3A_97 : vector<16xf32>
          %parallel_loop3A_903 = arith.addf %parallel_loop3A_900, %parallel_loop3A_902 : vector<16xf32>
          %parallel_loop3A_904 = arith.mulf %parallel_loop3A_678, %parallel_loop3A_711 : vector<16xf32>
          %parallel_loop3A_905 = arith.mulf %parallel_loop3A_904, %gather3A_105 : vector<16xf32>
          %parallel_loop3A_906 = arith.addf %parallel_loop3A_903, %parallel_loop3A_905 : vector<16xf32>
          %parallel_loop3A_907 = arith.mulf %parallel_loop3A_689, %parallel_loop3A_700 : vector<16xf32>
          %parallel_loop3A_908 = arith.mulf %parallel_loop3A_907, %gather3A_109 : vector<16xf32>
          %parallel_loop3A_909 = arith.addf %parallel_loop3A_906, %parallel_loop3A_908 : vector<16xf32>
          %parallel_loop3A_910 = arith.constant 6 : i32
          %parallel_loop3A_911 = arith.constant 1 : i32
          %parallel_loop3A_912 = arith.constant 0 : i32
          %parallel_loop3A_913 = arith.constant 0 : i32
          %parallel_loop3A_914 = arith.constant 0 : i32
          %parallel_loop3A_915 = tpu.memref_slice %run_scoped3A_121[%rem3A_477, %parallel_loop3A_912, %parallel_loop3A_913, %parallel_loop3A_914] : memref<2x7x8x256xf32, #tpu.memory_space<vmem>> -> memref<1x7x8x256xf32, #tpu.memory_space<vmem>>
          %parallel_loop3A_916 = tpu.memref_squeeze %parallel_loop3A_915 : memref<1x7x8x256xf32, #tpu.memory_space<vmem>> -> memref<7x8x256xf32, #tpu.memory_space<vmem>>
          %parallel_loop3A_917 = arith.index_cast %parallel_loop3A_910 : i32 to index
          %parallel_loop3A_918 = arith.index_cast %parallel_loop3A_911 : i32 to index
          %parallel_loop3A_919 = arith.index_cast %parallel_loop3A_612 : i32 to index
          %parallel_loop3A_920 = tpu.vector_load %parallel_loop3A_916[%parallel_loop3A_917, %parallel_loop3A_918, %parallel_loop3A_919] {strides = array<i32>} : memref<7x8x256xf32, #tpu.memory_space<vmem>>, vector<16xf32>,
          tpu.vector_store %parallel_loop3A_916[%parallel_loop3A_917, %parallel_loop3A_918, %parallel_loop3A_919], %parallel_loop3A_909 {strides = array<i32>} : memref<7x8x256xf32, #tpu.memory_space<vmem>>, vector<16xf32>,
        } {sc.loop_unroll_factor = 2 : i64, sc.parallel_access}
        %parallel_loop3A_483 = arith.constant 0 : i32
        %parallel_loop3A_484 = arith.constant 256 : i32
        %parallel_loop3A_485 = arith.constant 16 : i32
        scf.for %parallel_loop3A_612 = %parallel_loop3A_483 to %parallel_loop3A_484 step %parallel_loop3A_485  : i32 {
          %parallel_loop3A_613 = arith.constant 0 : i32
          %parallel_loop3A_614 = arith.constant 2 : i32
          %parallel_loop3A_615 = arith.constant 0 : i32
          %parallel_loop3A_616 = arith.constant 0 : i32
          %parallel_loop3A_617 = arith.constant 0 : i32
          %parallel_loop3A_618 = tpu.memref_slice %run_scoped3A[%rem3A_473, %parallel_loop3A_615, %parallel_loop3A_616, %parallel_loop3A_617] : memref<2x7x8x256xf32, #tpu.memory_space<vmem>> -> memref<1x7x8x256xf32, #tpu.memory_space<vmem>>
          %parallel_loop3A_619 = tpu.memref_squeeze %parallel_loop3A_618 : memref<1x7x8x256xf32, #tpu.memory_space<vmem>> -> memref<7x8x256xf32, #tpu.memory_space<vmem>>
          %parallel_loop3A_620 = arith.index_cast %parallel_loop3A_613 : i32 to index
          %parallel_loop3A_621 = arith.index_cast %parallel_loop3A_614 : i32 to index
          %parallel_loop3A_622 = arith.index_cast %parallel_loop3A_612 : i32 to index
          %parallel_loop3A_623 = tpu.vector_load %parallel_loop3A_619[%parallel_loop3A_620, %parallel_loop3A_621, %parallel_loop3A_622] {strides = array<i32>} : memref<7x8x256xf32, #tpu.memory_space<vmem>>, vector<16xf32>,
          %parallel_loop3A_624 = arith.constant 1 : i32
          %parallel_loop3A_625 = arith.constant 2 : i32
          %parallel_loop3A_626 = arith.constant 0 : i32
          %parallel_loop3A_627 = arith.constant 0 : i32
          %parallel_loop3A_628 = arith.constant 0 : i32
          %parallel_loop3A_629 = tpu.memref_slice %run_scoped3A[%rem3A_473, %parallel_loop3A_626, %parallel_loop3A_627, %parallel_loop3A_628] : memref<2x7x8x256xf32, #tpu.memory_space<vmem>> -> memref<1x7x8x256xf32, #tpu.memory_space<vmem>>
          %parallel_loop3A_630 = tpu.memref_squeeze %parallel_loop3A_629 : memref<1x7x8x256xf32, #tpu.memory_space<vmem>> -> memref<7x8x256xf32, #tpu.memory_space<vmem>>
          %parallel_loop3A_631 = arith.index_cast %parallel_loop3A_624 : i32 to index
          %parallel_loop3A_632 = arith.index_cast %parallel_loop3A_625 : i32 to index
          %parallel_loop3A_633 = arith.index_cast %parallel_loop3A_612 : i32 to index
          %parallel_loop3A_634 = tpu.vector_load %parallel_loop3A_630[%parallel_loop3A_631, %parallel_loop3A_632, %parallel_loop3A_633] {strides = array<i32>} : memref<7x8x256xf32, #tpu.memory_space<vmem>>, vector<16xf32>,
          %parallel_loop3A_635 = arith.constant 2 : i32
          %parallel_loop3A_636 = arith.constant 2 : i32
          %parallel_loop3A_637 = arith.constant 0 : i32
          %parallel_loop3A_638 = arith.constant 0 : i32
          %parallel_loop3A_639 = arith.constant 0 : i32
          %parallel_loop3A_640 = tpu.memref_slice %run_scoped3A[%rem3A_473, %parallel_loop3A_637, %parallel_loop3A_638, %parallel_loop3A_639] : memref<2x7x8x256xf32, #tpu.memory_space<vmem>> -> memref<1x7x8x256xf32, #tpu.memory_space<vmem>>
          %parallel_loop3A_641 = tpu.memref_squeeze %parallel_loop3A_640 : memref<1x7x8x256xf32, #tpu.memory_space<vmem>> -> memref<7x8x256xf32, #tpu.memory_space<vmem>>
          %parallel_loop3A_642 = arith.index_cast %parallel_loop3A_635 : i32 to index
          %parallel_loop3A_643 = arith.index_cast %parallel_loop3A_636 : i32 to index
          %parallel_loop3A_644 = arith.index_cast %parallel_loop3A_612 : i32 to index
          %parallel_loop3A_645 = tpu.vector_load %parallel_loop3A_641[%parallel_loop3A_642, %parallel_loop3A_643, %parallel_loop3A_644] {strides = array<i32>} : memref<7x8x256xf32, #tpu.memory_space<vmem>>, vector<16xf32>,
          %parallel_loop3A_646 = arith.constant 3 : i32
          %parallel_loop3A_647 = arith.constant 2 : i32
          %parallel_loop3A_648 = arith.constant 0 : i32
          %parallel_loop3A_649 = arith.constant 0 : i32
          %parallel_loop3A_650 = arith.constant 0 : i32
          %parallel_loop3A_651 = tpu.memref_slice %run_scoped3A[%rem3A_473, %parallel_loop3A_648, %parallel_loop3A_649, %parallel_loop3A_650] : memref<2x7x8x256xf32, #tpu.memory_space<vmem>> -> memref<1x7x8x256xf32, #tpu.memory_space<vmem>>
          %parallel_loop3A_652 = tpu.memref_squeeze %parallel_loop3A_651 : memref<1x7x8x256xf32, #tpu.memory_space<vmem>> -> memref<7x8x256xf32, #tpu.memory_space<vmem>>
          %parallel_loop3A_653 = arith.index_cast %parallel_loop3A_646 : i32 to index
          %parallel_loop3A_654 = arith.index_cast %parallel_loop3A_647 : i32 to index
          %parallel_loop3A_655 = arith.index_cast %parallel_loop3A_612 : i32 to index
          %parallel_loop3A_656 = tpu.vector_load %parallel_loop3A_652[%parallel_loop3A_653, %parallel_loop3A_654, %parallel_loop3A_655] {strides = array<i32>} : memref<7x8x256xf32, #tpu.memory_space<vmem>>, vector<16xf32>,
          %parallel_loop3A_657 = arith.constant 4 : i32
          %parallel_loop3A_658 = arith.constant 2 : i32
          %parallel_loop3A_659 = arith.constant 0 : i32
          %parallel_loop3A_660 = arith.constant 0 : i32
          %parallel_loop3A_661 = arith.constant 0 : i32
          %parallel_loop3A_662 = tpu.memref_slice %run_scoped3A[%rem3A_473, %parallel_loop3A_659, %parallel_loop3A_660, %parallel_loop3A_661] : memref<2x7x8x256xf32, #tpu.memory_space<vmem>> -> memref<1x7x8x256xf32, #tpu.memory_space<vmem>>
          %parallel_loop3A_663 = tpu.memref_squeeze %parallel_loop3A_662 : memref<1x7x8x256xf32, #tpu.memory_space<vmem>> -> memref<7x8x256xf32, #tpu.memory_space<vmem>>
          %parallel_loop3A_664 = arith.index_cast %parallel_loop3A_657 : i32 to index
          %parallel_loop3A_665 = arith.index_cast %parallel_loop3A_658 : i32 to index
          %parallel_loop3A_666 = arith.index_cast %parallel_loop3A_612 : i32 to index
          %parallel_loop3A_667 = tpu.vector_load %parallel_loop3A_663[%parallel_loop3A_664, %parallel_loop3A_665, %parallel_loop3A_666] {strides = array<i32>} : memref<7x8x256xf32, #tpu.memory_space<vmem>>, vector<16xf32>,
          %parallel_loop3A_668 = arith.constant 5 : i32
          %parallel_loop3A_669 = arith.constant 2 : i32
          %parallel_loop3A_670 = arith.constant 0 : i32
          %parallel_loop3A_671 = arith.constant 0 : i32
          %parallel_loop3A_672 = arith.constant 0 : i32
          %parallel_loop3A_673 = tpu.memref_slice %run_scoped3A[%rem3A_473, %parallel_loop3A_670, %parallel_loop3A_671, %parallel_loop3A_672] : memref<2x7x8x256xf32, #tpu.memory_space<vmem>> -> memref<1x7x8x256xf32, #tpu.memory_space<vmem>>
          %parallel_loop3A_674 = tpu.memref_squeeze %parallel_loop3A_673 : memref<1x7x8x256xf32, #tpu.memory_space<vmem>> -> memref<7x8x256xf32, #tpu.memory_space<vmem>>
          %parallel_loop3A_675 = arith.index_cast %parallel_loop3A_668 : i32 to index
          %parallel_loop3A_676 = arith.index_cast %parallel_loop3A_669 : i32 to index
          %parallel_loop3A_677 = arith.index_cast %parallel_loop3A_612 : i32 to index
          %parallel_loop3A_678 = tpu.vector_load %parallel_loop3A_674[%parallel_loop3A_675, %parallel_loop3A_676, %parallel_loop3A_677] {strides = array<i32>} : memref<7x8x256xf32, #tpu.memory_space<vmem>>, vector<16xf32>,
          %parallel_loop3A_679 = arith.constant 6 : i32
          %parallel_loop3A_680 = arith.constant 2 : i32
          %parallel_loop3A_681 = arith.constant 0 : i32
          %parallel_loop3A_682 = arith.constant 0 : i32
          %parallel_loop3A_683 = arith.constant 0 : i32
          %parallel_loop3A_684 = tpu.memref_slice %run_scoped3A[%rem3A_473, %parallel_loop3A_681, %parallel_loop3A_682, %parallel_loop3A_683] : memref<2x7x8x256xf32, #tpu.memory_space<vmem>> -> memref<1x7x8x256xf32, #tpu.memory_space<vmem>>
          %parallel_loop3A_685 = tpu.memref_squeeze %parallel_loop3A_684 : memref<1x7x8x256xf32, #tpu.memory_space<vmem>> -> memref<7x8x256xf32, #tpu.memory_space<vmem>>
          %parallel_loop3A_686 = arith.index_cast %parallel_loop3A_679 : i32 to index
          %parallel_loop3A_687 = arith.index_cast %parallel_loop3A_680 : i32 to index
          %parallel_loop3A_688 = arith.index_cast %parallel_loop3A_612 : i32 to index
          %parallel_loop3A_689 = tpu.vector_load %parallel_loop3A_685[%parallel_loop3A_686, %parallel_loop3A_687, %parallel_loop3A_688] {strides = array<i32>} : memref<7x8x256xf32, #tpu.memory_space<vmem>>, vector<16xf32>,
          %parallel_loop3A_690 = arith.constant 0 : i32
          %parallel_loop3A_691 = arith.constant 2 : i32
          %parallel_loop3A_692 = arith.constant 0 : i32
          %parallel_loop3A_693 = arith.constant 0 : i32
          %parallel_loop3A_694 = arith.constant 0 : i32
          %parallel_loop3A_695 = tpu.memref_slice %run_scoped3A_119[%rem3A_475, %parallel_loop3A_692, %parallel_loop3A_693, %parallel_loop3A_694] : memref<2x7x8x256xf32, #tpu.memory_space<vmem>> -> memref<1x7x8x256xf32, #tpu.memory_space<vmem>>
          %parallel_loop3A_696 = tpu.memref_squeeze %parallel_loop3A_695 : memref<1x7x8x256xf32, #tpu.memory_space<vmem>> -> memref<7x8x256xf32, #tpu.memory_space<vmem>>
          %parallel_loop3A_697 = arith.index_cast %parallel_loop3A_690 : i32 to index
          %parallel_loop3A_698 = arith.index_cast %parallel_loop3A_691 : i32 to index
          %parallel_loop3A_699 = arith.index_cast %parallel_loop3A_612 : i32 to index
          %parallel_loop3A_700 = tpu.vector_load %parallel_loop3A_696[%parallel_loop3A_697, %parallel_loop3A_698, %parallel_loop3A_699] {strides = array<i32>} : memref<7x8x256xf32, #tpu.memory_space<vmem>>, vector<16xf32>,
          %parallel_loop3A_701 = arith.constant 1 : i32
          %parallel_loop3A_702 = arith.constant 2 : i32
          %parallel_loop3A_703 = arith.constant 0 : i32
          %parallel_loop3A_704 = arith.constant 0 : i32
          %parallel_loop3A_705 = arith.constant 0 : i32
          %parallel_loop3A_706 = tpu.memref_slice %run_scoped3A_119[%rem3A_475, %parallel_loop3A_703, %parallel_loop3A_704, %parallel_loop3A_705] : memref<2x7x8x256xf32, #tpu.memory_space<vmem>> -> memref<1x7x8x256xf32, #tpu.memory_space<vmem>>
          %parallel_loop3A_707 = tpu.memref_squeeze %parallel_loop3A_706 : memref<1x7x8x256xf32, #tpu.memory_space<vmem>> -> memref<7x8x256xf32, #tpu.memory_space<vmem>>
          %parallel_loop3A_708 = arith.index_cast %parallel_loop3A_701 : i32 to index
          %parallel_loop3A_709 = arith.index_cast %parallel_loop3A_702 : i32 to index
          %parallel_loop3A_710 = arith.index_cast %parallel_loop3A_612 : i32 to index
          %parallel_loop3A_711 = tpu.vector_load %parallel_loop3A_707[%parallel_loop3A_708, %parallel_loop3A_709, %parallel_loop3A_710] {strides = array<i32>} : memref<7x8x256xf32, #tpu.memory_space<vmem>>, vector<16xf32>,
          %parallel_loop3A_712 = arith.constant 2 : i32
          %parallel_loop3A_713 = arith.constant 2 : i32
          %parallel_loop3A_714 = arith.constant 0 : i32
          %parallel_loop3A_715 = arith.constant 0 : i32
          %parallel_loop3A_716 = arith.constant 0 : i32
          %parallel_loop3A_717 = tpu.memref_slice %run_scoped3A_119[%rem3A_475, %parallel_loop3A_714, %parallel_loop3A_715, %parallel_loop3A_716] : memref<2x7x8x256xf32, #tpu.memory_space<vmem>> -> memref<1x7x8x256xf32, #tpu.memory_space<vmem>>
          %parallel_loop3A_718 = tpu.memref_squeeze %parallel_loop3A_717 : memref<1x7x8x256xf32, #tpu.memory_space<vmem>> -> memref<7x8x256xf32, #tpu.memory_space<vmem>>
          %parallel_loop3A_719 = arith.index_cast %parallel_loop3A_712 : i32 to index
          %parallel_loop3A_720 = arith.index_cast %parallel_loop3A_713 : i32 to index
          %parallel_loop3A_721 = arith.index_cast %parallel_loop3A_612 : i32 to index
          %parallel_loop3A_722 = tpu.vector_load %parallel_loop3A_718[%parallel_loop3A_719, %parallel_loop3A_720, %parallel_loop3A_721] {strides = array<i32>} : memref<7x8x256xf32, #tpu.memory_space<vmem>>, vector<16xf32>,
          %parallel_loop3A_723 = arith.constant 3 : i32
          %parallel_loop3A_724 = arith.constant 2 : i32
          %parallel_loop3A_725 = arith.constant 0 : i32
          %parallel_loop3A_726 = arith.constant 0 : i32
          %parallel_loop3A_727 = arith.constant 0 : i32
          %parallel_loop3A_728 = tpu.memref_slice %run_scoped3A_119[%rem3A_475, %parallel_loop3A_725, %parallel_loop3A_726, %parallel_loop3A_727] : memref<2x7x8x256xf32, #tpu.memory_space<vmem>> -> memref<1x7x8x256xf32, #tpu.memory_space<vmem>>
          %parallel_loop3A_729 = tpu.memref_squeeze %parallel_loop3A_728 : memref<1x7x8x256xf32, #tpu.memory_space<vmem>> -> memref<7x8x256xf32, #tpu.memory_space<vmem>>
          %parallel_loop3A_730 = arith.index_cast %parallel_loop3A_723 : i32 to index
          %parallel_loop3A_731 = arith.index_cast %parallel_loop3A_724 : i32 to index
          %parallel_loop3A_732 = arith.index_cast %parallel_loop3A_612 : i32 to index
          %parallel_loop3A_733 = tpu.vector_load %parallel_loop3A_729[%parallel_loop3A_730, %parallel_loop3A_731, %parallel_loop3A_732] {strides = array<i32>} : memref<7x8x256xf32, #tpu.memory_space<vmem>>, vector<16xf32>,
          %parallel_loop3A_734 = arith.constant 4 : i32
          %parallel_loop3A_735 = arith.constant 2 : i32
          %parallel_loop3A_736 = arith.constant 0 : i32
          %parallel_loop3A_737 = arith.constant 0 : i32
          %parallel_loop3A_738 = arith.constant 0 : i32
          %parallel_loop3A_739 = tpu.memref_slice %run_scoped3A_119[%rem3A_475, %parallel_loop3A_736, %parallel_loop3A_737, %parallel_loop3A_738] : memref<2x7x8x256xf32, #tpu.memory_space<vmem>> -> memref<1x7x8x256xf32, #tpu.memory_space<vmem>>
          %parallel_loop3A_740 = tpu.memref_squeeze %parallel_loop3A_739 : memref<1x7x8x256xf32, #tpu.memory_space<vmem>> -> memref<7x8x256xf32, #tpu.memory_space<vmem>>
          %parallel_loop3A_741 = arith.index_cast %parallel_loop3A_734 : i32 to index
          %parallel_loop3A_742 = arith.index_cast %parallel_loop3A_735 : i32 to index
          %parallel_loop3A_743 = arith.index_cast %parallel_loop3A_612 : i32 to index
          %parallel_loop3A_744 = tpu.vector_load %parallel_loop3A_740[%parallel_loop3A_741, %parallel_loop3A_742, %parallel_loop3A_743] {strides = array<i32>} : memref<7x8x256xf32, #tpu.memory_space<vmem>>, vector<16xf32>,
          %parallel_loop3A_745 = arith.constant 5 : i32
          %parallel_loop3A_746 = arith.constant 2 : i32
          %parallel_loop3A_747 = arith.constant 0 : i32
          %parallel_loop3A_748 = arith.constant 0 : i32
          %parallel_loop3A_749 = arith.constant 0 : i32
          %parallel_loop3A_750 = tpu.memref_slice %run_scoped3A_119[%rem3A_475, %parallel_loop3A_747, %parallel_loop3A_748, %parallel_loop3A_749] : memref<2x7x8x256xf32, #tpu.memory_space<vmem>> -> memref<1x7x8x256xf32, #tpu.memory_space<vmem>>
          %parallel_loop3A_751 = tpu.memref_squeeze %parallel_loop3A_750 : memref<1x7x8x256xf32, #tpu.memory_space<vmem>> -> memref<7x8x256xf32, #tpu.memory_space<vmem>>
          %parallel_loop3A_752 = arith.index_cast %parallel_loop3A_745 : i32 to index
          %parallel_loop3A_753 = arith.index_cast %parallel_loop3A_746 : i32 to index
          %parallel_loop3A_754 = arith.index_cast %parallel_loop3A_612 : i32 to index
          %parallel_loop3A_755 = tpu.vector_load %parallel_loop3A_751[%parallel_loop3A_752, %parallel_loop3A_753, %parallel_loop3A_754] {strides = array<i32>} : memref<7x8x256xf32, #tpu.memory_space<vmem>>, vector<16xf32>,
          %parallel_loop3A_756 = arith.constant 6 : i32
          %parallel_loop3A_757 = arith.constant 2 : i32
          %parallel_loop3A_758 = arith.constant 0 : i32
          %parallel_loop3A_759 = arith.constant 0 : i32
          %parallel_loop3A_760 = arith.constant 0 : i32
          %parallel_loop3A_761 = tpu.memref_slice %run_scoped3A_119[%rem3A_475, %parallel_loop3A_758, %parallel_loop3A_759, %parallel_loop3A_760] : memref<2x7x8x256xf32, #tpu.memory_space<vmem>> -> memref<1x7x8x256xf32, #tpu.memory_space<vmem>>
          %parallel_loop3A_762 = tpu.memref_squeeze %parallel_loop3A_761 : memref<1x7x8x256xf32, #tpu.memory_space<vmem>> -> memref<7x8x256xf32, #tpu.memory_space<vmem>>
          %parallel_loop3A_763 = arith.index_cast %parallel_loop3A_756 : i32 to index
          %parallel_loop3A_764 = arith.index_cast %parallel_loop3A_757 : i32 to index
          %parallel_loop3A_765 = arith.index_cast %parallel_loop3A_612 : i32 to index
          %parallel_loop3A_766 = tpu.vector_load %parallel_loop3A_762[%parallel_loop3A_763, %parallel_loop3A_764, %parallel_loop3A_765] {strides = array<i32>} : memref<7x8x256xf32, #tpu.memory_space<vmem>>, vector<16xf32>,
          %parallel_loop3A_767 = arith.mulf %parallel_loop3A_623, %parallel_loop3A_700 : vector<16xf32>
          %parallel_loop3A_768 = arith.mulf %parallel_loop3A_767, %gather3A : vector<16xf32>
          %parallel_loop3A_769 = arith.constant 0 : i32
          %parallel_loop3A_770 = arith.constant 2 : i32
          %parallel_loop3A_771 = arith.constant 0 : i32
          %parallel_loop3A_772 = arith.constant 0 : i32
          %parallel_loop3A_773 = arith.constant 0 : i32
          %parallel_loop3A_774 = tpu.memref_slice %run_scoped3A_121[%rem3A_477, %parallel_loop3A_771, %parallel_loop3A_772, %parallel_loop3A_773] : memref<2x7x8x256xf32, #tpu.memory_space<vmem>> -> memref<1x7x8x256xf32, #tpu.memory_space<vmem>>
          %parallel_loop3A_775 = tpu.memref_squeeze %parallel_loop3A_774 : memref<1x7x8x256xf32, #tpu.memory_space<vmem>> -> memref<7x8x256xf32, #tpu.memory_space<vmem>>
          %parallel_loop3A_776 = arith.index_cast %parallel_loop3A_769 : i32 to index
          %parallel_loop3A_777 = arith.index_cast %parallel_loop3A_770 : i32 to index
          %parallel_loop3A_778 = arith.index_cast %parallel_loop3A_612 : i32 to index
          %parallel_loop3A_779 = tpu.vector_load %parallel_loop3A_775[%parallel_loop3A_776, %parallel_loop3A_777, %parallel_loop3A_778] {strides = array<i32>} : memref<7x8x256xf32, #tpu.memory_space<vmem>>, vector<16xf32>,
          tpu.vector_store %parallel_loop3A_775[%parallel_loop3A_776, %parallel_loop3A_777, %parallel_loop3A_778], %parallel_loop3A_768 {strides = array<i32>} : memref<7x8x256xf32, #tpu.memory_space<vmem>>, vector<16xf32>,
          %parallel_loop3A_780 = arith.mulf %parallel_loop3A_623, %parallel_loop3A_711 : vector<16xf32>
          %parallel_loop3A_781 = arith.mulf %parallel_loop3A_780, %gather3A_5 : vector<16xf32>
          %parallel_loop3A_782 = arith.mulf %parallel_loop3A_634, %parallel_loop3A_700 : vector<16xf32>
          %parallel_loop3A_783 = arith.mulf %parallel_loop3A_782, %gather3A_29 : vector<16xf32>
          %parallel_loop3A_784 = arith.addf %parallel_loop3A_781, %parallel_loop3A_783 : vector<16xf32>
          %parallel_loop3A_785 = arith.constant 1 : i32
          %parallel_loop3A_786 = arith.constant 2 : i32
          %parallel_loop3A_787 = arith.constant 0 : i32
          %parallel_loop3A_788 = arith.constant 0 : i32
          %parallel_loop3A_789 = arith.constant 0 : i32
          %parallel_loop3A_790 = tpu.memref_slice %run_scoped3A_121[%rem3A_477, %parallel_loop3A_787, %parallel_loop3A_788, %parallel_loop3A_789] : memref<2x7x8x256xf32, #tpu.memory_space<vmem>> -> memref<1x7x8x256xf32, #tpu.memory_space<vmem>>
          %parallel_loop3A_791 = tpu.memref_squeeze %parallel_loop3A_790 : memref<1x7x8x256xf32, #tpu.memory_space<vmem>> -> memref<7x8x256xf32, #tpu.memory_space<vmem>>
          %parallel_loop3A_792 = arith.index_cast %parallel_loop3A_785 : i32 to index
          %parallel_loop3A_793 = arith.index_cast %parallel_loop3A_786 : i32 to index
          %parallel_loop3A_794 = arith.index_cast %parallel_loop3A_612 : i32 to index
          %parallel_loop3A_795 = tpu.vector_load %parallel_loop3A_791[%parallel_loop3A_792, %parallel_loop3A_793, %parallel_loop3A_794] {strides = array<i32>} : memref<7x8x256xf32, #tpu.memory_space<vmem>>, vector<16xf32>,
          tpu.vector_store %parallel_loop3A_791[%parallel_loop3A_792, %parallel_loop3A_793, %parallel_loop3A_794], %parallel_loop3A_784 {strides = array<i32>} : memref<7x8x256xf32, #tpu.memory_space<vmem>>, vector<16xf32>,
          %parallel_loop3A_796 = arith.mulf %parallel_loop3A_623, %parallel_loop3A_722 : vector<16xf32>
          %parallel_loop3A_797 = arith.mulf %parallel_loop3A_796, %gather3A_9 : vector<16xf32>
          %parallel_loop3A_798 = arith.mulf %parallel_loop3A_634, %parallel_loop3A_711 : vector<16xf32>
          %parallel_loop3A_799 = arith.mulf %parallel_loop3A_798, %gather3A_33 : vector<16xf32>
          %parallel_loop3A_800 = arith.addf %parallel_loop3A_797, %parallel_loop3A_799 : vector<16xf32>
          %parallel_loop3A_801 = arith.mulf %parallel_loop3A_645, %parallel_loop3A_700 : vector<16xf32>
          %parallel_loop3A_802 = arith.mulf %parallel_loop3A_801, %gather3A_53 : vector<16xf32>
          %parallel_loop3A_803 = arith.addf %parallel_loop3A_800, %parallel_loop3A_802 : vector<16xf32>
          %parallel_loop3A_804 = arith.constant 2 : i32
          %parallel_loop3A_805 = arith.constant 2 : i32
          %parallel_loop3A_806 = arith.constant 0 : i32
          %parallel_loop3A_807 = arith.constant 0 : i32
          %parallel_loop3A_808 = arith.constant 0 : i32
          %parallel_loop3A_809 = tpu.memref_slice %run_scoped3A_121[%rem3A_477, %parallel_loop3A_806, %parallel_loop3A_807, %parallel_loop3A_808] : memref<2x7x8x256xf32, #tpu.memory_space<vmem>> -> memref<1x7x8x256xf32, #tpu.memory_space<vmem>>
          %parallel_loop3A_810 = tpu.memref_squeeze %parallel_loop3A_809 : memref<1x7x8x256xf32, #tpu.memory_space<vmem>> -> memref<7x8x256xf32, #tpu.memory_space<vmem>>
          %parallel_loop3A_811 = arith.index_cast %parallel_loop3A_804 : i32 to index
          %parallel_loop3A_812 = arith.index_cast %parallel_loop3A_805 : i32 to index
          %parallel_loop3A_813 = arith.index_cast %parallel_loop3A_612 : i32 to index
          %parallel_loop3A_814 = tpu.vector_load %parallel_loop3A_810[%parallel_loop3A_811, %parallel_loop3A_812, %parallel_loop3A_813] {strides = array<i32>} : memref<7x8x256xf32, #tpu.memory_space<vmem>>, vector<16xf32>,
          tpu.vector_store %parallel_loop3A_810[%parallel_loop3A_811, %parallel_loop3A_812, %parallel_loop3A_813], %parallel_loop3A_803 {strides = array<i32>} : memref<7x8x256xf32, #tpu.memory_space<vmem>>, vector<16xf32>,
          %parallel_loop3A_815 = arith.mulf %parallel_loop3A_623, %parallel_loop3A_733 : vector<16xf32>
          %parallel_loop3A_816 = arith.mulf %parallel_loop3A_815, %gather3A_13 : vector<16xf32>
          %parallel_loop3A_817 = arith.mulf %parallel_loop3A_634, %parallel_loop3A_722 : vector<16xf32>
          %parallel_loop3A_818 = arith.mulf %parallel_loop3A_817, %gather3A_37 : vector<16xf32>
          %parallel_loop3A_819 = arith.addf %parallel_loop3A_816, %parallel_loop3A_818 : vector<16xf32>
          %parallel_loop3A_820 = arith.mulf %parallel_loop3A_645, %parallel_loop3A_711 : vector<16xf32>
          %parallel_loop3A_821 = arith.mulf %parallel_loop3A_820, %gather3A_57 : vector<16xf32>
          %parallel_loop3A_822 = arith.addf %parallel_loop3A_819, %parallel_loop3A_821 : vector<16xf32>
          %parallel_loop3A_823 = arith.mulf %parallel_loop3A_656, %parallel_loop3A_700 : vector<16xf32>
          %parallel_loop3A_824 = arith.mulf %parallel_loop3A_823, %gather3A_73 : vector<16xf32>
          %parallel_loop3A_825 = arith.addf %parallel_loop3A_822, %parallel_loop3A_824 : vector<16xf32>
          %parallel_loop3A_826 = arith.constant 3 : i32
          %parallel_loop3A_827 = arith.constant 2 : i32
          %parallel_loop3A_828 = arith.constant 0 : i32
          %parallel_loop3A_829 = arith.constant 0 : i32
          %parallel_loop3A_830 = arith.constant 0 : i32
          %parallel_loop3A_831 = tpu.memref_slice %run_scoped3A_121[%rem3A_477, %parallel_loop3A_828, %parallel_loop3A_829, %parallel_loop3A_830] : memref<2x7x8x256xf32, #tpu.memory_space<vmem>> -> memref<1x7x8x256xf32, #tpu.memory_space<vmem>>
          %parallel_loop3A_832 = tpu.memref_squeeze %parallel_loop3A_831 : memref<1x7x8x256xf32, #tpu.memory_space<vmem>> -> memref<7x8x256xf32, #tpu.memory_space<vmem>>
          %parallel_loop3A_833 = arith.index_cast %parallel_loop3A_826 : i32 to index
          %parallel_loop3A_834 = arith.index_cast %parallel_loop3A_827 : i32 to index
          %parallel_loop3A_835 = arith.index_cast %parallel_loop3A_612 : i32 to index
          %parallel_loop3A_836 = tpu.vector_load %parallel_loop3A_832[%parallel_loop3A_833, %parallel_loop3A_834, %parallel_loop3A_835] {strides = array<i32>} : memref<7x8x256xf32, #tpu.memory_space<vmem>>, vector<16xf32>,
          tpu.vector_store %parallel_loop3A_832[%parallel_loop3A_833, %parallel_loop3A_834, %parallel_loop3A_835], %parallel_loop3A_825 {strides = array<i32>} : memref<7x8x256xf32, #tpu.memory_space<vmem>>, vector<16xf32>,
          %parallel_loop3A_837 = arith.mulf %parallel_loop3A_623, %parallel_loop3A_744 : vector<16xf32>
          %parallel_loop3A_838 = arith.mulf %parallel_loop3A_837, %gather3A_17 : vector<16xf32>
          %parallel_loop3A_839 = arith.mulf %parallel_loop3A_634, %parallel_loop3A_733 : vector<16xf32>
          %parallel_loop3A_840 = arith.mulf %parallel_loop3A_839, %gather3A_41 : vector<16xf32>
          %parallel_loop3A_841 = arith.addf %parallel_loop3A_838, %parallel_loop3A_840 : vector<16xf32>
          %parallel_loop3A_842 = arith.mulf %parallel_loop3A_645, %parallel_loop3A_722 : vector<16xf32>
          %parallel_loop3A_843 = arith.mulf %parallel_loop3A_842, %gather3A_61 : vector<16xf32>
          %parallel_loop3A_844 = arith.addf %parallel_loop3A_841, %parallel_loop3A_843 : vector<16xf32>
          %parallel_loop3A_845 = arith.mulf %parallel_loop3A_656, %parallel_loop3A_711 : vector<16xf32>
          %parallel_loop3A_846 = arith.mulf %parallel_loop3A_845, %gather3A_77 : vector<16xf32>
          %parallel_loop3A_847 = arith.addf %parallel_loop3A_844, %parallel_loop3A_846 : vector<16xf32>
          %parallel_loop3A_848 = arith.mulf %parallel_loop3A_667, %parallel_loop3A_700 : vector<16xf32>
          %parallel_loop3A_849 = arith.mulf %parallel_loop3A_848, %gather3A_89 : vector<16xf32>
          %parallel_loop3A_850 = arith.addf %parallel_loop3A_847, %parallel_loop3A_849 : vector<16xf32>
          %parallel_loop3A_851 = arith.constant 4 : i32
          %parallel_loop3A_852 = arith.constant 2 : i32
          %parallel_loop3A_853 = arith.constant 0 : i32
          %parallel_loop3A_854 = arith.constant 0 : i32
          %parallel_loop3A_855 = arith.constant 0 : i32
          %parallel_loop3A_856 = tpu.memref_slice %run_scoped3A_121[%rem3A_477, %parallel_loop3A_853, %parallel_loop3A_854, %parallel_loop3A_855] : memref<2x7x8x256xf32, #tpu.memory_space<vmem>> -> memref<1x7x8x256xf32, #tpu.memory_space<vmem>>
          %parallel_loop3A_857 = tpu.memref_squeeze %parallel_loop3A_856 : memref<1x7x8x256xf32, #tpu.memory_space<vmem>> -> memref<7x8x256xf32, #tpu.memory_space<vmem>>
          %parallel_loop3A_858 = arith.index_cast %parallel_loop3A_851 : i32 to index
          %parallel_loop3A_859 = arith.index_cast %parallel_loop3A_852 : i32 to index
          %parallel_loop3A_860 = arith.index_cast %parallel_loop3A_612 : i32 to index
          %parallel_loop3A_861 = tpu.vector_load %parallel_loop3A_857[%parallel_loop3A_858, %parallel_loop3A_859, %parallel_loop3A_860] {strides = array<i32>} : memref<7x8x256xf32, #tpu.memory_space<vmem>>, vector<16xf32>,
          tpu.vector_store %parallel_loop3A_857[%parallel_loop3A_858, %parallel_loop3A_859, %parallel_loop3A_860], %parallel_loop3A_850 {strides = array<i32>} : memref<7x8x256xf32, #tpu.memory_space<vmem>>, vector<16xf32>,
          %parallel_loop3A_862 = arith.mulf %parallel_loop3A_623, %parallel_loop3A_755 : vector<16xf32>
          %parallel_loop3A_863 = arith.mulf %parallel_loop3A_862, %gather3A_21 : vector<16xf32>
          %parallel_loop3A_864 = arith.mulf %parallel_loop3A_634, %parallel_loop3A_744 : vector<16xf32>
          %parallel_loop3A_865 = arith.mulf %parallel_loop3A_864, %gather3A_45 : vector<16xf32>
          %parallel_loop3A_866 = arith.addf %parallel_loop3A_863, %parallel_loop3A_865 : vector<16xf32>
          %parallel_loop3A_867 = arith.mulf %parallel_loop3A_645, %parallel_loop3A_733 : vector<16xf32>
          %parallel_loop3A_868 = arith.mulf %parallel_loop3A_867, %gather3A_65 : vector<16xf32>
          %parallel_loop3A_869 = arith.addf %parallel_loop3A_866, %parallel_loop3A_868 : vector<16xf32>
          %parallel_loop3A_870 = arith.mulf %parallel_loop3A_656, %parallel_loop3A_722 : vector<16xf32>
          %parallel_loop3A_871 = arith.mulf %parallel_loop3A_870, %gather3A_81 : vector<16xf32>
          %parallel_loop3A_872 = arith.addf %parallel_loop3A_869, %parallel_loop3A_871 : vector<16xf32>
          %parallel_loop3A_873 = arith.mulf %parallel_loop3A_667, %parallel_loop3A_711 : vector<16xf32>
          %parallel_loop3A_874 = arith.mulf %parallel_loop3A_873, %gather3A_93 : vector<16xf32>
          %parallel_loop3A_875 = arith.addf %parallel_loop3A_872, %parallel_loop3A_874 : vector<16xf32>
          %parallel_loop3A_876 = arith.mulf %parallel_loop3A_678, %parallel_loop3A_700 : vector<16xf32>
          %parallel_loop3A_877 = arith.mulf %parallel_loop3A_876, %gather3A_101 : vector<16xf32>
          %parallel_loop3A_878 = arith.addf %parallel_loop3A_875, %parallel_loop3A_877 : vector<16xf32>
          %parallel_loop3A_879 = arith.constant 5 : i32
          %parallel_loop3A_880 = arith.constant 2 : i32
          %parallel_loop3A_881 = arith.constant 0 : i32
          %parallel_loop3A_882 = arith.constant 0 : i32
          %parallel_loop3A_883 = arith.constant 0 : i32
          %parallel_loop3A_884 = tpu.memref_slice %run_scoped3A_121[%rem3A_477, %parallel_loop3A_881, %parallel_loop3A_882, %parallel_loop3A_883] : memref<2x7x8x256xf32, #tpu.memory_space<vmem>> -> memref<1x7x8x256xf32, #tpu.memory_space<vmem>>
          %parallel_loop3A_885 = tpu.memref_squeeze %parallel_loop3A_884 : memref<1x7x8x256xf32, #tpu.memory_space<vmem>> -> memref<7x8x256xf32, #tpu.memory_space<vmem>>
          %parallel_loop3A_886 = arith.index_cast %parallel_loop3A_879 : i32 to index
          %parallel_loop3A_887 = arith.index_cast %parallel_loop3A_880 : i32 to index
          %parallel_loop3A_888 = arith.index_cast %parallel_loop3A_612 : i32 to index
          %parallel_loop3A_889 = tpu.vector_load %parallel_loop3A_885[%parallel_loop3A_886, %parallel_loop3A_887, %parallel_loop3A_888] {strides = array<i32>} : memref<7x8x256xf32, #tpu.memory_space<vmem>>, vector<16xf32>,
          tpu.vector_store %parallel_loop3A_885[%parallel_loop3A_886, %parallel_loop3A_887, %parallel_loop3A_888], %parallel_loop3A_878 {strides = array<i32>} : memref<7x8x256xf32, #tpu.memory_space<vmem>>, vector<16xf32>,
          %parallel_loop3A_890 = arith.mulf %parallel_loop3A_623, %parallel_loop3A_766 : vector<16xf32>
          %parallel_loop3A_891 = arith.mulf %parallel_loop3A_890, %gather3A_25 : vector<16xf32>
          %parallel_loop3A_892 = arith.mulf %parallel_loop3A_634, %parallel_loop3A_755 : vector<16xf32>
          %parallel_loop3A_893 = arith.mulf %parallel_loop3A_892, %gather3A_49 : vector<16xf32>
          %parallel_loop3A_894 = arith.addf %parallel_loop3A_891, %parallel_loop3A_893 : vector<16xf32>
          %parallel_loop3A_895 = arith.mulf %parallel_loop3A_645, %parallel_loop3A_744 : vector<16xf32>
          %parallel_loop3A_896 = arith.mulf %parallel_loop3A_895, %gather3A_69 : vector<16xf32>
          %parallel_loop3A_897 = arith.addf %parallel_loop3A_894, %parallel_loop3A_896 : vector<16xf32>
          %parallel_loop3A_898 = arith.mulf %parallel_loop3A_656, %parallel_loop3A_733 : vector<16xf32>
          %parallel_loop3A_899 = arith.mulf %parallel_loop3A_898, %gather3A_85 : vector<16xf32>
          %parallel_loop3A_900 = arith.addf %parallel_loop3A_897, %parallel_loop3A_899 : vector<16xf32>
          %parallel_loop3A_901 = arith.mulf %parallel_loop3A_667, %parallel_loop3A_722 : vector<16xf32>
          %parallel_loop3A_902 = arith.mulf %parallel_loop3A_901, %gather3A_97 : vector<16xf32>
          %parallel_loop3A_903 = arith.addf %parallel_loop3A_900, %parallel_loop3A_902 : vector<16xf32>
          %parallel_loop3A_904 = arith.mulf %parallel_loop3A_678, %parallel_loop3A_711 : vector<16xf32>
          %parallel_loop3A_905 = arith.mulf %parallel_loop3A_904, %gather3A_105 : vector<16xf32>
          %parallel_loop3A_906 = arith.addf %parallel_loop3A_903, %parallel_loop3A_905 : vector<16xf32>
          %parallel_loop3A_907 = arith.mulf %parallel_loop3A_689, %parallel_loop3A_700 : vector<16xf32>
          %parallel_loop3A_908 = arith.mulf %parallel_loop3A_907, %gather3A_109 : vector<16xf32>
          %parallel_loop3A_909 = arith.addf %parallel_loop3A_906, %parallel_loop3A_908 : vector<16xf32>
          %parallel_loop3A_910 = arith.constant 6 : i32
          %parallel_loop3A_911 = arith.constant 2 : i32
          %parallel_loop3A_912 = arith.constant 0 : i32
          %parallel_loop3A_913 = arith.constant 0 : i32
          %parallel_loop3A_914 = arith.constant 0 : i32
          %parallel_loop3A_915 = tpu.memref_slice %run_scoped3A_121[%rem3A_477, %parallel_loop3A_912, %parallel_loop3A_913, %parallel_loop3A_914] : memref<2x7x8x256xf32, #tpu.memory_space<vmem>> -> memref<1x7x8x256xf32, #tpu.memory_space<vmem>>
          %parallel_loop3A_916 = tpu.memref_squeeze %parallel_loop3A_915 : memref<1x7x8x256xf32, #tpu.memory_space<vmem>> -> memref<7x8x256xf32, #tpu.memory_space<vmem>>
          %parallel_loop3A_917 = arith.index_cast %parallel_loop3A_910 : i32 to index
          %parallel_loop3A_918 = arith.index_cast %parallel_loop3A_911 : i32 to index
          %parallel_loop3A_919 = arith.index_cast %parallel_loop3A_612 : i32 to index
          %parallel_loop3A_920 = tpu.vector_load %parallel_loop3A_916[%parallel_loop3A_917, %parallel_loop3A_918, %parallel_loop3A_919] {strides = array<i32>} : memref<7x8x256xf32, #tpu.memory_space<vmem>>, vector<16xf32>,
          tpu.vector_store %parallel_loop3A_916[%parallel_loop3A_917, %parallel_loop3A_918, %parallel_loop3A_919], %parallel_loop3A_909 {strides = array<i32>} : memref<7x8x256xf32, #tpu.memory_space<vmem>>, vector<16xf32>,
        } {sc.loop_unroll_factor = 2 : i64, sc.parallel_access}
        %parallel_loop3A_486 = arith.constant 0 : i32
        %parallel_loop3A_487 = arith.constant 256 : i32
        %parallel_loop3A_488 = arith.constant 16 : i32
        scf.for %parallel_loop3A_612 = %parallel_loop3A_486 to %parallel_loop3A_487 step %parallel_loop3A_488  : i32 {
          %parallel_loop3A_613 = arith.constant 0 : i32
          %parallel_loop3A_614 = arith.constant 3 : i32
          %parallel_loop3A_615 = arith.constant 0 : i32
          %parallel_loop3A_616 = arith.constant 0 : i32
          %parallel_loop3A_617 = arith.constant 0 : i32
          %parallel_loop3A_618 = tpu.memref_slice %run_scoped3A[%rem3A_473, %parallel_loop3A_615, %parallel_loop3A_616, %parallel_loop3A_617] : memref<2x7x8x256xf32, #tpu.memory_space<vmem>> -> memref<1x7x8x256xf32, #tpu.memory_space<vmem>>
          %parallel_loop3A_619 = tpu.memref_squeeze %parallel_loop3A_618 : memref<1x7x8x256xf32, #tpu.memory_space<vmem>> -> memref<7x8x256xf32, #tpu.memory_space<vmem>>
          %parallel_loop3A_620 = arith.index_cast %parallel_loop3A_613 : i32 to index
          %parallel_loop3A_621 = arith.index_cast %parallel_loop3A_614 : i32 to index
          %parallel_loop3A_622 = arith.index_cast %parallel_loop3A_612 : i32 to index
          %parallel_loop3A_623 = tpu.vector_load %parallel_loop3A_619[%parallel_loop3A_620, %parallel_loop3A_621, %parallel_loop3A_622] {strides = array<i32>} : memref<7x8x256xf32, #tpu.memory_space<vmem>>, vector<16xf32>,
          %parallel_loop3A_624 = arith.constant 1 : i32
          %parallel_loop3A_625 = arith.constant 3 : i32
          %parallel_loop3A_626 = arith.constant 0 : i32
          %parallel_loop3A_627 = arith.constant 0 : i32
          %parallel_loop3A_628 = arith.constant 0 : i32
          %parallel_loop3A_629 = tpu.memref_slice %run_scoped3A[%rem3A_473, %parallel_loop3A_626, %parallel_loop3A_627, %parallel_loop3A_628] : memref<2x7x8x256xf32, #tpu.memory_space<vmem>> -> memref<1x7x8x256xf32, #tpu.memory_space<vmem>>
          %parallel_loop3A_630 = tpu.memref_squeeze %parallel_loop3A_629 : memref<1x7x8x256xf32, #tpu.memory_space<vmem>> -> memref<7x8x256xf32, #tpu.memory_space<vmem>>
          %parallel_loop3A_631 = arith.index_cast %parallel_loop3A_624 : i32 to index
          %parallel_loop3A_632 = arith.index_cast %parallel_loop3A_625 : i32 to index
          %parallel_loop3A_633 = arith.index_cast %parallel_loop3A_612 : i32 to index
          %parallel_loop3A_634 = tpu.vector_load %parallel_loop3A_630[%parallel_loop3A_631, %parallel_loop3A_632, %parallel_loop3A_633] {strides = array<i32>} : memref<7x8x256xf32, #tpu.memory_space<vmem>>, vector<16xf32>,
          %parallel_loop3A_635 = arith.constant 2 : i32
          %parallel_loop3A_636 = arith.constant 3 : i32
          %parallel_loop3A_637 = arith.constant 0 : i32
          %parallel_loop3A_638 = arith.constant 0 : i32
          %parallel_loop3A_639 = arith.constant 0 : i32
          %parallel_loop3A_640 = tpu.memref_slice %run_scoped3A[%rem3A_473, %parallel_loop3A_637, %parallel_loop3A_638, %parallel_loop3A_639] : memref<2x7x8x256xf32, #tpu.memory_space<vmem>> -> memref<1x7x8x256xf32, #tpu.memory_space<vmem>>
          %parallel_loop3A_641 = tpu.memref_squeeze %parallel_loop3A_640 : memref<1x7x8x256xf32, #tpu.memory_space<vmem>> -> memref<7x8x256xf32, #tpu.memory_space<vmem>>
          %parallel_loop3A_642 = arith.index_cast %parallel_loop3A_635 : i32 to index
          %parallel_loop3A_643 = arith.index_cast %parallel_loop3A_636 : i32 to index
          %parallel_loop3A_644 = arith.index_cast %parallel_loop3A_612 : i32 to index
          %parallel_loop3A_645 = tpu.vector_load %parallel_loop3A_641[%parallel_loop3A_642, %parallel_loop3A_643, %parallel_loop3A_644] {strides = array<i32>} : memref<7x8x256xf32, #tpu.memory_space<vmem>>, vector<16xf32>,
          %parallel_loop3A_646 = arith.constant 3 : i32
          %parallel_loop3A_647 = arith.constant 3 : i32
          %parallel_loop3A_648 = arith.constant 0 : i32
          %parallel_loop3A_649 = arith.constant 0 : i32
          %parallel_loop3A_650 = arith.constant 0 : i32
          %parallel_loop3A_651 = tpu.memref_slice %run_scoped3A[%rem3A_473, %parallel_loop3A_648, %parallel_loop3A_649, %parallel_loop3A_650] : memref<2x7x8x256xf32, #tpu.memory_space<vmem>> -> memref<1x7x8x256xf32, #tpu.memory_space<vmem>>
          %parallel_loop3A_652 = tpu.memref_squeeze %parallel_loop3A_651 : memref<1x7x8x256xf32, #tpu.memory_space<vmem>> -> memref<7x8x256xf32, #tpu.memory_space<vmem>>
          %parallel_loop3A_653 = arith.index_cast %parallel_loop3A_646 : i32 to index
          %parallel_loop3A_654 = arith.index_cast %parallel_loop3A_647 : i32 to index
          %parallel_loop3A_655 = arith.index_cast %parallel_loop3A_612 : i32 to index
          %parallel_loop3A_656 = tpu.vector_load %parallel_loop3A_652[%parallel_loop3A_653, %parallel_loop3A_654, %parallel_loop3A_655] {strides = array<i32>} : memref<7x8x256xf32, #tpu.memory_space<vmem>>, vector<16xf32>,
          %parallel_loop3A_657 = arith.constant 4 : i32
          %parallel_loop3A_658 = arith.constant 3 : i32
          %parallel_loop3A_659 = arith.constant 0 : i32
          %parallel_loop3A_660 = arith.constant 0 : i32
          %parallel_loop3A_661 = arith.constant 0 : i32
          %parallel_loop3A_662 = tpu.memref_slice %run_scoped3A[%rem3A_473, %parallel_loop3A_659, %parallel_loop3A_660, %parallel_loop3A_661] : memref<2x7x8x256xf32, #tpu.memory_space<vmem>> -> memref<1x7x8x256xf32, #tpu.memory_space<vmem>>
          %parallel_loop3A_663 = tpu.memref_squeeze %parallel_loop3A_662 : memref<1x7x8x256xf32, #tpu.memory_space<vmem>> -> memref<7x8x256xf32, #tpu.memory_space<vmem>>
          %parallel_loop3A_664 = arith.index_cast %parallel_loop3A_657 : i32 to index
          %parallel_loop3A_665 = arith.index_cast %parallel_loop3A_658 : i32 to index
          %parallel_loop3A_666 = arith.index_cast %parallel_loop3A_612 : i32 to index
          %parallel_loop3A_667 = tpu.vector_load %parallel_loop3A_663[%parallel_loop3A_664, %parallel_loop3A_665, %parallel_loop3A_666] {strides = array<i32>} : memref<7x8x256xf32, #tpu.memory_space<vmem>>, vector<16xf32>,
          %parallel_loop3A_668 = arith.constant 5 : i32
          %parallel_loop3A_669 = arith.constant 3 : i32
          %parallel_loop3A_670 = arith.constant 0 : i32
          %parallel_loop3A_671 = arith.constant 0 : i32
          %parallel_loop3A_672 = arith.constant 0 : i32
          %parallel_loop3A_673 = tpu.memref_slice %run_scoped3A[%rem3A_473, %parallel_loop3A_670, %parallel_loop3A_671, %parallel_loop3A_672] : memref<2x7x8x256xf32, #tpu.memory_space<vmem>> -> memref<1x7x8x256xf32, #tpu.memory_space<vmem>>
          %parallel_loop3A_674 = tpu.memref_squeeze %parallel_loop3A_673 : memref<1x7x8x256xf32, #tpu.memory_space<vmem>> -> memref<7x8x256xf32, #tpu.memory_space<vmem>>
          %parallel_loop3A_675 = arith.index_cast %parallel_loop3A_668 : i32 to index
          %parallel_loop3A_676 = arith.index_cast %parallel_loop3A_669 : i32 to index
          %parallel_loop3A_677 = arith.index_cast %parallel_loop3A_612 : i32 to index
          %parallel_loop3A_678 = tpu.vector_load %parallel_loop3A_674[%parallel_loop3A_675, %parallel_loop3A_676, %parallel_loop3A_677] {strides = array<i32>} : memref<7x8x256xf32, #tpu.memory_space<vmem>>, vector<16xf32>,
          %parallel_loop3A_679 = arith.constant 6 : i32
          %parallel_loop3A_680 = arith.constant 3 : i32
          %parallel_loop3A_681 = arith.constant 0 : i32
          %parallel_loop3A_682 = arith.constant 0 : i32
          %parallel_loop3A_683 = arith.constant 0 : i32
          %parallel_loop3A_684 = tpu.memref_slice %run_scoped3A[%rem3A_473, %parallel_loop3A_681, %parallel_loop3A_682, %parallel_loop3A_683] : memref<2x7x8x256xf32, #tpu.memory_space<vmem>> -> memref<1x7x8x256xf32, #tpu.memory_space<vmem>>
          %parallel_loop3A_685 = tpu.memref_squeeze %parallel_loop3A_684 : memref<1x7x8x256xf32, #tpu.memory_space<vmem>> -> memref<7x8x256xf32, #tpu.memory_space<vmem>>
          %parallel_loop3A_686 = arith.index_cast %parallel_loop3A_679 : i32 to index
          %parallel_loop3A_687 = arith.index_cast %parallel_loop3A_680 : i32 to index
          %parallel_loop3A_688 = arith.index_cast %parallel_loop3A_612 : i32 to index
          %parallel_loop3A_689 = tpu.vector_load %parallel_loop3A_685[%parallel_loop3A_686, %parallel_loop3A_687, %parallel_loop3A_688] {strides = array<i32>} : memref<7x8x256xf32, #tpu.memory_space<vmem>>, vector<16xf32>,
          %parallel_loop3A_690 = arith.constant 0 : i32
          %parallel_loop3A_691 = arith.constant 3 : i32
          %parallel_loop3A_692 = arith.constant 0 : i32
          %parallel_loop3A_693 = arith.constant 0 : i32
          %parallel_loop3A_694 = arith.constant 0 : i32
          %parallel_loop3A_695 = tpu.memref_slice %run_scoped3A_119[%rem3A_475, %parallel_loop3A_692, %parallel_loop3A_693, %parallel_loop3A_694] : memref<2x7x8x256xf32, #tpu.memory_space<vmem>> -> memref<1x7x8x256xf32, #tpu.memory_space<vmem>>
          %parallel_loop3A_696 = tpu.memref_squeeze %parallel_loop3A_695 : memref<1x7x8x256xf32, #tpu.memory_space<vmem>> -> memref<7x8x256xf32, #tpu.memory_space<vmem>>
          %parallel_loop3A_697 = arith.index_cast %parallel_loop3A_690 : i32 to index
          %parallel_loop3A_698 = arith.index_cast %parallel_loop3A_691 : i32 to index
          %parallel_loop3A_699 = arith.index_cast %parallel_loop3A_612 : i32 to index
          %parallel_loop3A_700 = tpu.vector_load %parallel_loop3A_696[%parallel_loop3A_697, %parallel_loop3A_698, %parallel_loop3A_699] {strides = array<i32>} : memref<7x8x256xf32, #tpu.memory_space<vmem>>, vector<16xf32>,
          %parallel_loop3A_701 = arith.constant 1 : i32
          %parallel_loop3A_702 = arith.constant 3 : i32
          %parallel_loop3A_703 = arith.constant 0 : i32
          %parallel_loop3A_704 = arith.constant 0 : i32
          %parallel_loop3A_705 = arith.constant 0 : i32
          %parallel_loop3A_706 = tpu.memref_slice %run_scoped3A_119[%rem3A_475, %parallel_loop3A_703, %parallel_loop3A_704, %parallel_loop3A_705] : memref<2x7x8x256xf32, #tpu.memory_space<vmem>> -> memref<1x7x8x256xf32, #tpu.memory_space<vmem>>
          %parallel_loop3A_707 = tpu.memref_squeeze %parallel_loop3A_706 : memref<1x7x8x256xf32, #tpu.memory_space<vmem>> -> memref<7x8x256xf32, #tpu.memory_space<vmem>>
          %parallel_loop3A_708 = arith.index_cast %parallel_loop3A_701 : i32 to index
          %parallel_loop3A_709 = arith.index_cast %parallel_loop3A_702 : i32 to index
          %parallel_loop3A_710 = arith.index_cast %parallel_loop3A_612 : i32 to index
          %parallel_loop3A_711 = tpu.vector_load %parallel_loop3A_707[%parallel_loop3A_708, %parallel_loop3A_709, %parallel_loop3A_710] {strides = array<i32>} : memref<7x8x256xf32, #tpu.memory_space<vmem>>, vector<16xf32>,
          %parallel_loop3A_712 = arith.constant 2 : i32
          %parallel_loop3A_713 = arith.constant 3 : i32
          %parallel_loop3A_714 = arith.constant 0 : i32
          %parallel_loop3A_715 = arith.constant 0 : i32
          %parallel_loop3A_716 = arith.constant 0 : i32
          %parallel_loop3A_717 = tpu.memref_slice %run_scoped3A_119[%rem3A_475, %parallel_loop3A_714, %parallel_loop3A_715, %parallel_loop3A_716] : memref<2x7x8x256xf32, #tpu.memory_space<vmem>> -> memref<1x7x8x256xf32, #tpu.memory_space<vmem>>
          %parallel_loop3A_718 = tpu.memref_squeeze %parallel_loop3A_717 : memref<1x7x8x256xf32, #tpu.memory_space<vmem>> -> memref<7x8x256xf32, #tpu.memory_space<vmem>>
          %parallel_loop3A_719 = arith.index_cast %parallel_loop3A_712 : i32 to index
          %parallel_loop3A_720 = arith.index_cast %parallel_loop3A_713 : i32 to index
          %parallel_loop3A_721 = arith.index_cast %parallel_loop3A_612 : i32 to index
          %parallel_loop3A_722 = tpu.vector_load %parallel_loop3A_718[%parallel_loop3A_719, %parallel_loop3A_720, %parallel_loop3A_721] {strides = array<i32>} : memref<7x8x256xf32, #tpu.memory_space<vmem>>, vector<16xf32>,
          %parallel_loop3A_723 = arith.constant 3 : i32
          %parallel_loop3A_724 = arith.constant 3 : i32
          %parallel_loop3A_725 = arith.constant 0 : i32
          %parallel_loop3A_726 = arith.constant 0 : i32
          %parallel_loop3A_727 = arith.constant 0 : i32
          %parallel_loop3A_728 = tpu.memref_slice %run_scoped3A_119[%rem3A_475, %parallel_loop3A_725, %parallel_loop3A_726, %parallel_loop3A_727] : memref<2x7x8x256xf32, #tpu.memory_space<vmem>> -> memref<1x7x8x256xf32, #tpu.memory_space<vmem>>
          %parallel_loop3A_729 = tpu.memref_squeeze %parallel_loop3A_728 : memref<1x7x8x256xf32, #tpu.memory_space<vmem>> -> memref<7x8x256xf32, #tpu.memory_space<vmem>>
          %parallel_loop3A_730 = arith.index_cast %parallel_loop3A_723 : i32 to index
          %parallel_loop3A_731 = arith.index_cast %parallel_loop3A_724 : i32 to index
          %parallel_loop3A_732 = arith.index_cast %parallel_loop3A_612 : i32 to index
          %parallel_loop3A_733 = tpu.vector_load %parallel_loop3A_729[%parallel_loop3A_730, %parallel_loop3A_731, %parallel_loop3A_732] {strides = array<i32>} : memref<7x8x256xf32, #tpu.memory_space<vmem>>, vector<16xf32>,
          %parallel_loop3A_734 = arith.constant 4 : i32
          %parallel_loop3A_735 = arith.constant 3 : i32
          %parallel_loop3A_736 = arith.constant 0 : i32
          %parallel_loop3A_737 = arith.constant 0 : i32
          %parallel_loop3A_738 = arith.constant 0 : i32
          %parallel_loop3A_739 = tpu.memref_slice %run_scoped3A_119[%rem3A_475, %parallel_loop3A_736, %parallel_loop3A_737, %parallel_loop3A_738] : memref<2x7x8x256xf32, #tpu.memory_space<vmem>> -> memref<1x7x8x256xf32, #tpu.memory_space<vmem>>
          %parallel_loop3A_740 = tpu.memref_squeeze %parallel_loop3A_739 : memref<1x7x8x256xf32, #tpu.memory_space<vmem>> -> memref<7x8x256xf32, #tpu.memory_space<vmem>>
          %parallel_loop3A_741 = arith.index_cast %parallel_loop3A_734 : i32 to index
          %parallel_loop3A_742 = arith.index_cast %parallel_loop3A_735 : i32 to index
          %parallel_loop3A_743 = arith.index_cast %parallel_loop3A_612 : i32 to index
          %parallel_loop3A_744 = tpu.vector_load %parallel_loop3A_740[%parallel_loop3A_741, %parallel_loop3A_742, %parallel_loop3A_743] {strides = array<i32>} : memref<7x8x256xf32, #tpu.memory_space<vmem>>, vector<16xf32>,
          %parallel_loop3A_745 = arith.constant 5 : i32
          %parallel_loop3A_746 = arith.constant 3 : i32
          %parallel_loop3A_747 = arith.constant 0 : i32
          %parallel_loop3A_748 = arith.constant 0 : i32
          %parallel_loop3A_749 = arith.constant 0 : i32
          %parallel_loop3A_750 = tpu.memref_slice %run_scoped3A_119[%rem3A_475, %parallel_loop3A_747, %parallel_loop3A_748, %parallel_loop3A_749] : memref<2x7x8x256xf32, #tpu.memory_space<vmem>> -> memref<1x7x8x256xf32, #tpu.memory_space<vmem>>
          %parallel_loop3A_751 = tpu.memref_squeeze %parallel_loop3A_750 : memref<1x7x8x256xf32, #tpu.memory_space<vmem>> -> memref<7x8x256xf32, #tpu.memory_space<vmem>>
          %parallel_loop3A_752 = arith.index_cast %parallel_loop3A_745 : i32 to index
          %parallel_loop3A_753 = arith.index_cast %parallel_loop3A_746 : i32 to index
          %parallel_loop3A_754 = arith.index_cast %parallel_loop3A_612 : i32 to index
          %parallel_loop3A_755 = tpu.vector_load %parallel_loop3A_751[%parallel_loop3A_752, %parallel_loop3A_753, %parallel_loop3A_754] {strides = array<i32>} : memref<7x8x256xf32, #tpu.memory_space<vmem>>, vector<16xf32>,
          %parallel_loop3A_756 = arith.constant 6 : i32
          %parallel_loop3A_757 = arith.constant 3 : i32
          %parallel_loop3A_758 = arith.constant 0 : i32
          %parallel_loop3A_759 = arith.constant 0 : i32
          %parallel_loop3A_760 = arith.constant 0 : i32
          %parallel_loop3A_761 = tpu.memref_slice %run_scoped3A_119[%rem3A_475, %parallel_loop3A_758, %parallel_loop3A_759, %parallel_loop3A_760] : memref<2x7x8x256xf32, #tpu.memory_space<vmem>> -> memref<1x7x8x256xf32, #tpu.memory_space<vmem>>
          %parallel_loop3A_762 = tpu.memref_squeeze %parallel_loop3A_761 : memref<1x7x8x256xf32, #tpu.memory_space<vmem>> -> memref<7x8x256xf32, #tpu.memory_space<vmem>>
          %parallel_loop3A_763 = arith.index_cast %parallel_loop3A_756 : i32 to index
          %parallel_loop3A_764 = arith.index_cast %parallel_loop3A_757 : i32 to index
          %parallel_loop3A_765 = arith.index_cast %parallel_loop3A_612 : i32 to index
          %parallel_loop3A_766 = tpu.vector_load %parallel_loop3A_762[%parallel_loop3A_763, %parallel_loop3A_764, %parallel_loop3A_765] {strides = array<i32>} : memref<7x8x256xf32, #tpu.memory_space<vmem>>, vector<16xf32>,
          %parallel_loop3A_767 = arith.mulf %parallel_loop3A_623, %parallel_loop3A_700 : vector<16xf32>
          %parallel_loop3A_768 = arith.mulf %parallel_loop3A_767, %gather3A : vector<16xf32>
          %parallel_loop3A_769 = arith.constant 0 : i32
          %parallel_loop3A_770 = arith.constant 3 : i32
          %parallel_loop3A_771 = arith.constant 0 : i32
          %parallel_loop3A_772 = arith.constant 0 : i32
          %parallel_loop3A_773 = arith.constant 0 : i32
          %parallel_loop3A_774 = tpu.memref_slice %run_scoped3A_121[%rem3A_477, %parallel_loop3A_771, %parallel_loop3A_772, %parallel_loop3A_773] : memref<2x7x8x256xf32, #tpu.memory_space<vmem>> -> memref<1x7x8x256xf32, #tpu.memory_space<vmem>>
          %parallel_loop3A_775 = tpu.memref_squeeze %parallel_loop3A_774 : memref<1x7x8x256xf32, #tpu.memory_space<vmem>> -> memref<7x8x256xf32, #tpu.memory_space<vmem>>
          %parallel_loop3A_776 = arith.index_cast %parallel_loop3A_769 : i32 to index
          %parallel_loop3A_777 = arith.index_cast %parallel_loop3A_770 : i32 to index
          %parallel_loop3A_778 = arith.index_cast %parallel_loop3A_612 : i32 to index
          %parallel_loop3A_779 = tpu.vector_load %parallel_loop3A_775[%parallel_loop3A_776, %parallel_loop3A_777, %parallel_loop3A_778] {strides = array<i32>} : memref<7x8x256xf32, #tpu.memory_space<vmem>>, vector<16xf32>,
          tpu.vector_store %parallel_loop3A_775[%parallel_loop3A_776, %parallel_loop3A_777, %parallel_loop3A_778], %parallel_loop3A_768 {strides = array<i32>} : memref<7x8x256xf32, #tpu.memory_space<vmem>>, vector<16xf32>,
          %parallel_loop3A_780 = arith.mulf %parallel_loop3A_623, %parallel_loop3A_711 : vector<16xf32>
          %parallel_loop3A_781 = arith.mulf %parallel_loop3A_780, %gather3A_5 : vector<16xf32>
          %parallel_loop3A_782 = arith.mulf %parallel_loop3A_634, %parallel_loop3A_700 : vector<16xf32>
          %parallel_loop3A_783 = arith.mulf %parallel_loop3A_782, %gather3A_29 : vector<16xf32>
          %parallel_loop3A_784 = arith.addf %parallel_loop3A_781, %parallel_loop3A_783 : vector<16xf32>
          %parallel_loop3A_785 = arith.constant 1 : i32
          %parallel_loop3A_786 = arith.constant 3 : i32
          %parallel_loop3A_787 = arith.constant 0 : i32
          %parallel_loop3A_788 = arith.constant 0 : i32
          %parallel_loop3A_789 = arith.constant 0 : i32
          %parallel_loop3A_790 = tpu.memref_slice %run_scoped3A_121[%rem3A_477, %parallel_loop3A_787, %parallel_loop3A_788, %parallel_loop3A_789] : memref<2x7x8x256xf32, #tpu.memory_space<vmem>> -> memref<1x7x8x256xf32, #tpu.memory_space<vmem>>
          %parallel_loop3A_791 = tpu.memref_squeeze %parallel_loop3A_790 : memref<1x7x8x256xf32, #tpu.memory_space<vmem>> -> memref<7x8x256xf32, #tpu.memory_space<vmem>>
          %parallel_loop3A_792 = arith.index_cast %parallel_loop3A_785 : i32 to index
          %parallel_loop3A_793 = arith.index_cast %parallel_loop3A_786 : i32 to index
          %parallel_loop3A_794 = arith.index_cast %parallel_loop3A_612 : i32 to index
          %parallel_loop3A_795 = tpu.vector_load %parallel_loop3A_791[%parallel_loop3A_792, %parallel_loop3A_793, %parallel_loop3A_794] {strides = array<i32>} : memref<7x8x256xf32, #tpu.memory_space<vmem>>, vector<16xf32>,
          tpu.vector_store %parallel_loop3A_791[%parallel_loop3A_792, %parallel_loop3A_793, %parallel_loop3A_794], %parallel_loop3A_784 {strides = array<i32>} : memref<7x8x256xf32, #tpu.memory_space<vmem>>, vector<16xf32>,
          %parallel_loop3A_796 = arith.mulf %parallel_loop3A_623, %parallel_loop3A_722 : vector<16xf32>
          %parallel_loop3A_797 = arith.mulf %parallel_loop3A_796, %gather3A_9 : vector<16xf32>
          %parallel_loop3A_798 = arith.mulf %parallel_loop3A_634, %parallel_loop3A_711 : vector<16xf32>
          %parallel_loop3A_799 = arith.mulf %parallel_loop3A_798, %gather3A_33 : vector<16xf32>
          %parallel_loop3A_800 = arith.addf %parallel_loop3A_797, %parallel_loop3A_799 : vector<16xf32>
          %parallel_loop3A_801 = arith.mulf %parallel_loop3A_645, %parallel_loop3A_700 : vector<16xf32>
          %parallel_loop3A_802 = arith.mulf %parallel_loop3A_801, %gather3A_53 : vector<16xf32>
          %parallel_loop3A_803 = arith.addf %parallel_loop3A_800, %parallel_loop3A_802 : vector<16xf32>
          %parallel_loop3A_804 = arith.constant 2 : i32
          %parallel_loop3A_805 = arith.constant 3 : i32
          %parallel_loop3A_806 = arith.constant 0 : i32
          %parallel_loop3A_807 = arith.constant 0 : i32
          %parallel_loop3A_808 = arith.constant 0 : i32
          %parallel_loop3A_809 = tpu.memref_slice %run_scoped3A_121[%rem3A_477, %parallel_loop3A_806, %parallel_loop3A_807, %parallel_loop3A_808] : memref<2x7x8x256xf32, #tpu.memory_space<vmem>> -> memref<1x7x8x256xf32, #tpu.memory_space<vmem>>
          %parallel_loop3A_810 = tpu.memref_squeeze %parallel_loop3A_809 : memref<1x7x8x256xf32, #tpu.memory_space<vmem>> -> memref<7x8x256xf32, #tpu.memory_space<vmem>>
          %parallel_loop3A_811 = arith.index_cast %parallel_loop3A_804 : i32 to index
          %parallel_loop3A_812 = arith.index_cast %parallel_loop3A_805 : i32 to index
          %parallel_loop3A_813 = arith.index_cast %parallel_loop3A_612 : i32 to index
          %parallel_loop3A_814 = tpu.vector_load %parallel_loop3A_810[%parallel_loop3A_811, %parallel_loop3A_812, %parallel_loop3A_813] {strides = array<i32>} : memref<7x8x256xf32, #tpu.memory_space<vmem>>, vector<16xf32>,
          tpu.vector_store %parallel_loop3A_810[%parallel_loop3A_811, %parallel_loop3A_812, %parallel_loop3A_813], %parallel_loop3A_803 {strides = array<i32>} : memref<7x8x256xf32, #tpu.memory_space<vmem>>, vector<16xf32>,
          %parallel_loop3A_815 = arith.mulf %parallel_loop3A_623, %parallel_loop3A_733 : vector<16xf32>
          %parallel_loop3A_816 = arith.mulf %parallel_loop3A_815, %gather3A_13 : vector<16xf32>
          %parallel_loop3A_817 = arith.mulf %parallel_loop3A_634, %parallel_loop3A_722 : vector<16xf32>
          %parallel_loop3A_818 = arith.mulf %parallel_loop3A_817, %gather3A_37 : vector<16xf32>
          %parallel_loop3A_819 = arith.addf %parallel_loop3A_816, %parallel_loop3A_818 : vector<16xf32>
          %parallel_loop3A_820 = arith.mulf %parallel_loop3A_645, %parallel_loop3A_711 : vector<16xf32>
          %parallel_loop3A_821 = arith.mulf %parallel_loop3A_820, %gather3A_57 : vector<16xf32>
          %parallel_loop3A_822 = arith.addf %parallel_loop3A_819, %parallel_loop3A_821 : vector<16xf32>
          %parallel_loop3A_823 = arith.mulf %parallel_loop3A_656, %parallel_loop3A_700 : vector<16xf32>
          %parallel_loop3A_824 = arith.mulf %parallel_loop3A_823, %gather3A_73 : vector<16xf32>
          %parallel_loop3A_825 = arith.addf %parallel_loop3A_822, %parallel_loop3A_824 : vector<16xf32>
          %parallel_loop3A_826 = arith.constant 3 : i32
          %parallel_loop3A_827 = arith.constant 3 : i32
          %parallel_loop3A_828 = arith.constant 0 : i32
          %parallel_loop3A_829 = arith.constant 0 : i32
          %parallel_loop3A_830 = arith.constant 0 : i32
          %parallel_loop3A_831 = tpu.memref_slice %run_scoped3A_121[%rem3A_477, %parallel_loop3A_828, %parallel_loop3A_829, %parallel_loop3A_830] : memref<2x7x8x256xf32, #tpu.memory_space<vmem>> -> memref<1x7x8x256xf32, #tpu.memory_space<vmem>>
          %parallel_loop3A_832 = tpu.memref_squeeze %parallel_loop3A_831 : memref<1x7x8x256xf32, #tpu.memory_space<vmem>> -> memref<7x8x256xf32, #tpu.memory_space<vmem>>
          %parallel_loop3A_833 = arith.index_cast %parallel_loop3A_826 : i32 to index
          %parallel_loop3A_834 = arith.index_cast %parallel_loop3A_827 : i32 to index
          %parallel_loop3A_835 = arith.index_cast %parallel_loop3A_612 : i32 to index
          %parallel_loop3A_836 = tpu.vector_load %parallel_loop3A_832[%parallel_loop3A_833, %parallel_loop3A_834, %parallel_loop3A_835] {strides = array<i32>} : memref<7x8x256xf32, #tpu.memory_space<vmem>>, vector<16xf32>,
          tpu.vector_store %parallel_loop3A_832[%parallel_loop3A_833, %parallel_loop3A_834, %parallel_loop3A_835], %parallel_loop3A_825 {strides = array<i32>} : memref<7x8x256xf32, #tpu.memory_space<vmem>>, vector<16xf32>,
          %parallel_loop3A_837 = arith.mulf %parallel_loop3A_623, %parallel_loop3A_744 : vector<16xf32>
          %parallel_loop3A_838 = arith.mulf %parallel_loop3A_837, %gather3A_17 : vector<16xf32>
          %parallel_loop3A_839 = arith.mulf %parallel_loop3A_634, %parallel_loop3A_733 : vector<16xf32>
          %parallel_loop3A_840 = arith.mulf %parallel_loop3A_839, %gather3A_41 : vector<16xf32>
          %parallel_loop3A_841 = arith.addf %parallel_loop3A_838, %parallel_loop3A_840 : vector<16xf32>
          %parallel_loop3A_842 = arith.mulf %parallel_loop3A_645, %parallel_loop3A_722 : vector<16xf32>
          %parallel_loop3A_843 = arith.mulf %parallel_loop3A_842, %gather3A_61 : vector<16xf32>
          %parallel_loop3A_844 = arith.addf %parallel_loop3A_841, %parallel_loop3A_843 : vector<16xf32>
          %parallel_loop3A_845 = arith.mulf %parallel_loop3A_656, %parallel_loop3A_711 : vector<16xf32>
          %parallel_loop3A_846 = arith.mulf %parallel_loop3A_845, %gather3A_77 : vector<16xf32>
          %parallel_loop3A_847 = arith.addf %parallel_loop3A_844, %parallel_loop3A_846 : vector<16xf32>
          %parallel_loop3A_848 = arith.mulf %parallel_loop3A_667, %parallel_loop3A_700 : vector<16xf32>
          %parallel_loop3A_849 = arith.mulf %parallel_loop3A_848, %gather3A_89 : vector<16xf32>
          %parallel_loop3A_850 = arith.addf %parallel_loop3A_847, %parallel_loop3A_849 : vector<16xf32>
          %parallel_loop3A_851 = arith.constant 4 : i32
          %parallel_loop3A_852 = arith.constant 3 : i32
          %parallel_loop3A_853 = arith.constant 0 : i32
          %parallel_loop3A_854 = arith.constant 0 : i32
          %parallel_loop3A_855 = arith.constant 0 : i32
          %parallel_loop3A_856 = tpu.memref_slice %run_scoped3A_121[%rem3A_477, %parallel_loop3A_853, %parallel_loop3A_854, %parallel_loop3A_855] : memref<2x7x8x256xf32, #tpu.memory_space<vmem>> -> memref<1x7x8x256xf32, #tpu.memory_space<vmem>>
          %parallel_loop3A_857 = tpu.memref_squeeze %parallel_loop3A_856 : memref<1x7x8x256xf32, #tpu.memory_space<vmem>> -> memref<7x8x256xf32, #tpu.memory_space<vmem>>
          %parallel_loop3A_858 = arith.index_cast %parallel_loop3A_851 : i32 to index
          %parallel_loop3A_859 = arith.index_cast %parallel_loop3A_852 : i32 to index
          %parallel_loop3A_860 = arith.index_cast %parallel_loop3A_612 : i32 to index
          %parallel_loop3A_861 = tpu.vector_load %parallel_loop3A_857[%parallel_loop3A_858, %parallel_loop3A_859, %parallel_loop3A_860] {strides = array<i32>} : memref<7x8x256xf32, #tpu.memory_space<vmem>>, vector<16xf32>,
          tpu.vector_store %parallel_loop3A_857[%parallel_loop3A_858, %parallel_loop3A_859, %parallel_loop3A_860], %parallel_loop3A_850 {strides = array<i32>} : memref<7x8x256xf32, #tpu.memory_space<vmem>>, vector<16xf32>,
          %parallel_loop3A_862 = arith.mulf %parallel_loop3A_623, %parallel_loop3A_755 : vector<16xf32>
          %parallel_loop3A_863 = arith.mulf %parallel_loop3A_862, %gather3A_21 : vector<16xf32>
          %parallel_loop3A_864 = arith.mulf %parallel_loop3A_634, %parallel_loop3A_744 : vector<16xf32>
          %parallel_loop3A_865 = arith.mulf %parallel_loop3A_864, %gather3A_45 : vector<16xf32>
          %parallel_loop3A_866 = arith.addf %parallel_loop3A_863, %parallel_loop3A_865 : vector<16xf32>
          %parallel_loop3A_867 = arith.mulf %parallel_loop3A_645, %parallel_loop3A_733 : vector<16xf32>
          %parallel_loop3A_868 = arith.mulf %parallel_loop3A_867, %gather3A_65 : vector<16xf32>
          %parallel_loop3A_869 = arith.addf %parallel_loop3A_866, %parallel_loop3A_868 : vector<16xf32>
          %parallel_loop3A_870 = arith.mulf %parallel_loop3A_656, %parallel_loop3A_722 : vector<16xf32>
          %parallel_loop3A_871 = arith.mulf %parallel_loop3A_870, %gather3A_81 : vector<16xf32>
          %parallel_loop3A_872 = arith.addf %parallel_loop3A_869, %parallel_loop3A_871 : vector<16xf32>
          %parallel_loop3A_873 = arith.mulf %parallel_loop3A_667, %parallel_loop3A_711 : vector<16xf32>
          %parallel_loop3A_874 = arith.mulf %parallel_loop3A_873, %gather3A_93 : vector<16xf32>
          %parallel_loop3A_875 = arith.addf %parallel_loop3A_872, %parallel_loop3A_874 : vector<16xf32>
          %parallel_loop3A_876 = arith.mulf %parallel_loop3A_678, %parallel_loop3A_700 : vector<16xf32>
          %parallel_loop3A_877 = arith.mulf %parallel_loop3A_876, %gather3A_101 : vector<16xf32>
          %parallel_loop3A_878 = arith.addf %parallel_loop3A_875, %parallel_loop3A_877 : vector<16xf32>
          %parallel_loop3A_879 = arith.constant 5 : i32
          %parallel_loop3A_880 = arith.constant 3 : i32
          %parallel_loop3A_881 = arith.constant 0 : i32
          %parallel_loop3A_882 = arith.constant 0 : i32
          %parallel_loop3A_883 = arith.constant 0 : i32
          %parallel_loop3A_884 = tpu.memref_slice %run_scoped3A_121[%rem3A_477, %parallel_loop3A_881, %parallel_loop3A_882, %parallel_loop3A_883] : memref<2x7x8x256xf32, #tpu.memory_space<vmem>> -> memref<1x7x8x256xf32, #tpu.memory_space<vmem>>
          %parallel_loop3A_885 = tpu.memref_squeeze %parallel_loop3A_884 : memref<1x7x8x256xf32, #tpu.memory_space<vmem>> -> memref<7x8x256xf32, #tpu.memory_space<vmem>>
          %parallel_loop3A_886 = arith.index_cast %parallel_loop3A_879 : i32 to index
          %parallel_loop3A_887 = arith.index_cast %parallel_loop3A_880 : i32 to index
          %parallel_loop3A_888 = arith.index_cast %parallel_loop3A_612 : i32 to index
          %parallel_loop3A_889 = tpu.vector_load %parallel_loop3A_885[%parallel_loop3A_886, %parallel_loop3A_887, %parallel_loop3A_888] {strides = array<i32>} : memref<7x8x256xf32, #tpu.memory_space<vmem>>, vector<16xf32>,
          tpu.vector_store %parallel_loop3A_885[%parallel_loop3A_886, %parallel_loop3A_887, %parallel_loop3A_888], %parallel_loop3A_878 {strides = array<i32>} : memref<7x8x256xf32, #tpu.memory_space<vmem>>, vector<16xf32>,
          %parallel_loop3A_890 = arith.mulf %parallel_loop3A_623, %parallel_loop3A_766 : vector<16xf32>
          %parallel_loop3A_891 = arith.mulf %parallel_loop3A_890, %gather3A_25 : vector<16xf32>
          %parallel_loop3A_892 = arith.mulf %parallel_loop3A_634, %parallel_loop3A_755 : vector<16xf32>
          %parallel_loop3A_893 = arith.mulf %parallel_loop3A_892, %gather3A_49 : vector<16xf32>
          %parallel_loop3A_894 = arith.addf %parallel_loop3A_891, %parallel_loop3A_893 : vector<16xf32>
          %parallel_loop3A_895 = arith.mulf %parallel_loop3A_645, %parallel_loop3A_744 : vector<16xf32>
          %parallel_loop3A_896 = arith.mulf %parallel_loop3A_895, %gather3A_69 : vector<16xf32>
          %parallel_loop3A_897 = arith.addf %parallel_loop3A_894, %parallel_loop3A_896 : vector<16xf32>
          %parallel_loop3A_898 = arith.mulf %parallel_loop3A_656, %parallel_loop3A_733 : vector<16xf32>
          %parallel_loop3A_899 = arith.mulf %parallel_loop3A_898, %gather3A_85 : vector<16xf32>
          %parallel_loop3A_900 = arith.addf %parallel_loop3A_897, %parallel_loop3A_899 : vector<16xf32>
          %parallel_loop3A_901 = arith.mulf %parallel_loop3A_667, %parallel_loop3A_722 : vector<16xf32>
          %parallel_loop3A_902 = arith.mulf %parallel_loop3A_901, %gather3A_97 : vector<16xf32>
          %parallel_loop3A_903 = arith.addf %parallel_loop3A_900, %parallel_loop3A_902 : vector<16xf32>
          %parallel_loop3A_904 = arith.mulf %parallel_loop3A_678, %parallel_loop3A_711 : vector<16xf32>
          %parallel_loop3A_905 = arith.mulf %parallel_loop3A_904, %gather3A_105 : vector<16xf32>
          %parallel_loop3A_906 = arith.addf %parallel_loop3A_903, %parallel_loop3A_905 : vector<16xf32>
          %parallel_loop3A_907 = arith.mulf %parallel_loop3A_689, %parallel_loop3A_700 : vector<16xf32>
          %parallel_loop3A_908 = arith.mulf %parallel_loop3A_907, %gather3A_109 : vector<16xf32>
          %parallel_loop3A_909 = arith.addf %parallel_loop3A_906, %parallel_loop3A_908 : vector<16xf32>
          %parallel_loop3A_910 = arith.constant 6 : i32
          %parallel_loop3A_911 = arith.constant 3 : i32
          %parallel_loop3A_912 = arith.constant 0 : i32
          %parallel_loop3A_913 = arith.constant 0 : i32
          %parallel_loop3A_914 = arith.constant 0 : i32
          %parallel_loop3A_915 = tpu.memref_slice %run_scoped3A_121[%rem3A_477, %parallel_loop3A_912, %parallel_loop3A_913, %parallel_loop3A_914] : memref<2x7x8x256xf32, #tpu.memory_space<vmem>> -> memref<1x7x8x256xf32, #tpu.memory_space<vmem>>
          %parallel_loop3A_916 = tpu.memref_squeeze %parallel_loop3A_915 : memref<1x7x8x256xf32, #tpu.memory_space<vmem>> -> memref<7x8x256xf32, #tpu.memory_space<vmem>>
          %parallel_loop3A_917 = arith.index_cast %parallel_loop3A_910 : i32 to index
          %parallel_loop3A_918 = arith.index_cast %parallel_loop3A_911 : i32 to index
          %parallel_loop3A_919 = arith.index_cast %parallel_loop3A_612 : i32 to index
          %parallel_loop3A_920 = tpu.vector_load %parallel_loop3A_916[%parallel_loop3A_917, %parallel_loop3A_918, %parallel_loop3A_919] {strides = array<i32>} : memref<7x8x256xf32, #tpu.memory_space<vmem>>, vector<16xf32>,
          tpu.vector_store %parallel_loop3A_916[%parallel_loop3A_917, %parallel_loop3A_918, %parallel_loop3A_919], %parallel_loop3A_909 {strides = array<i32>} : memref<7x8x256xf32, #tpu.memory_space<vmem>>, vector<16xf32>,
        } {sc.loop_unroll_factor = 2 : i64, sc.parallel_access}
        %parallel_loop3A_489 = arith.constant 0 : i32
        %parallel_loop3A_490 = arith.constant 256 : i32
        %parallel_loop3A_491 = arith.constant 16 : i32
        scf.for %parallel_loop3A_612 = %parallel_loop3A_489 to %parallel_loop3A_490 step %parallel_loop3A_491  : i32 {
          %parallel_loop3A_613 = arith.constant 0 : i32
          %parallel_loop3A_614 = arith.constant 4 : i32
          %parallel_loop3A_615 = arith.constant 0 : i32
          %parallel_loop3A_616 = arith.constant 0 : i32
          %parallel_loop3A_617 = arith.constant 0 : i32
          %parallel_loop3A_618 = tpu.memref_slice %run_scoped3A[%rem3A_473, %parallel_loop3A_615, %parallel_loop3A_616, %parallel_loop3A_617] : memref<2x7x8x256xf32, #tpu.memory_space<vmem>> -> memref<1x7x8x256xf32, #tpu.memory_space<vmem>>
          %parallel_loop3A_619 = tpu.memref_squeeze %parallel_loop3A_618 : memref<1x7x8x256xf32, #tpu.memory_space<vmem>> -> memref<7x8x256xf32, #tpu.memory_space<vmem>>
          %parallel_loop3A_620 = arith.index_cast %parallel_loop3A_613 : i32 to index
          %parallel_loop3A_621 = arith.index_cast %parallel_loop3A_614 : i32 to index
          %parallel_loop3A_622 = arith.index_cast %parallel_loop3A_612 : i32 to index
          %parallel_loop3A_623 = tpu.vector_load %parallel_loop3A_619[%parallel_loop3A_620, %parallel_loop3A_621, %parallel_loop3A_622] {strides = array<i32>} : memref<7x8x256xf32, #tpu.memory_space<vmem>>, vector<16xf32>,
          %parallel_loop3A_624 = arith.constant 1 : i32
          %parallel_loop3A_625 = arith.constant 4 : i32
          %parallel_loop3A_626 = arith.constant 0 : i32
          %parallel_loop3A_627 = arith.constant 0 : i32
          %parallel_loop3A_628 = arith.constant 0 : i32
          %parallel_loop3A_629 = tpu.memref_slice %run_scoped3A[%rem3A_473, %parallel_loop3A_626, %parallel_loop3A_627, %parallel_loop3A_628] : memref<2x7x8x256xf32, #tpu.memory_space<vmem>> -> memref<1x7x8x256xf32, #tpu.memory_space<vmem>>
          %parallel_loop3A_630 = tpu.memref_squeeze %parallel_loop3A_629 : memref<1x7x8x256xf32, #tpu.memory_space<vmem>> -> memref<7x8x256xf32, #tpu.memory_space<vmem>>
          %parallel_loop3A_631 = arith.index_cast %parallel_loop3A_624 : i32 to index
          %parallel_loop3A_632 = arith.index_cast %parallel_loop3A_625 : i32 to index
          %parallel_loop3A_633 = arith.index_cast %parallel_loop3A_612 : i32 to index
          %parallel_loop3A_634 = tpu.vector_load %parallel_loop3A_630[%parallel_loop3A_631, %parallel_loop3A_632, %parallel_loop3A_633] {strides = array<i32>} : memref<7x8x256xf32, #tpu.memory_space<vmem>>, vector<16xf32>,
          %parallel_loop3A_635 = arith.constant 2 : i32
          %parallel_loop3A_636 = arith.constant 4 : i32
          %parallel_loop3A_637 = arith.constant 0 : i32
          %parallel_loop3A_638 = arith.constant 0 : i32
          %parallel_loop3A_639 = arith.constant 0 : i32
          %parallel_loop3A_640 = tpu.memref_slice %run_scoped3A[%rem3A_473, %parallel_loop3A_637, %parallel_loop3A_638, %parallel_loop3A_639] : memref<2x7x8x256xf32, #tpu.memory_space<vmem>> -> memref<1x7x8x256xf32, #tpu.memory_space<vmem>>
          %parallel_loop3A_641 = tpu.memref_squeeze %parallel_loop3A_640 : memref<1x7x8x256xf32, #tpu.memory_space<vmem>> -> memref<7x8x256xf32, #tpu.memory_space<vmem>>
          %parallel_loop3A_642 = arith.index_cast %parallel_loop3A_635 : i32 to index
          %parallel_loop3A_643 = arith.index_cast %parallel_loop3A_636 : i32 to index
          %parallel_loop3A_644 = arith.index_cast %parallel_loop3A_612 : i32 to index
          %parallel_loop3A_645 = tpu.vector_load %parallel_loop3A_641[%parallel_loop3A_642, %parallel_loop3A_643, %parallel_loop3A_644] {strides = array<i32>} : memref<7x8x256xf32, #tpu.memory_space<vmem>>, vector<16xf32>,
          %parallel_loop3A_646 = arith.constant 3 : i32
          %parallel_loop3A_647 = arith.constant 4 : i32
          %parallel_loop3A_648 = arith.constant 0 : i32
          %parallel_loop3A_649 = arith.constant 0 : i32
          %parallel_loop3A_650 = arith.constant 0 : i32
          %parallel_loop3A_651 = tpu.memref_slice %run_scoped3A[%rem3A_473, %parallel_loop3A_648, %parallel_loop3A_649, %parallel_loop3A_650] : memref<2x7x8x256xf32, #tpu.memory_space<vmem>> -> memref<1x7x8x256xf32, #tpu.memory_space<vmem>>
          %parallel_loop3A_652 = tpu.memref_squeeze %parallel_loop3A_651 : memref<1x7x8x256xf32, #tpu.memory_space<vmem>> -> memref<7x8x256xf32, #tpu.memory_space<vmem>>
          %parallel_loop3A_653 = arith.index_cast %parallel_loop3A_646 : i32 to index
          %parallel_loop3A_654 = arith.index_cast %parallel_loop3A_647 : i32 to index
          %parallel_loop3A_655 = arith.index_cast %parallel_loop3A_612 : i32 to index
          %parallel_loop3A_656 = tpu.vector_load %parallel_loop3A_652[%parallel_loop3A_653, %parallel_loop3A_654, %parallel_loop3A_655] {strides = array<i32>} : memref<7x8x256xf32, #tpu.memory_space<vmem>>, vector<16xf32>,
          %parallel_loop3A_657 = arith.constant 4 : i32
          %parallel_loop3A_658 = arith.constant 4 : i32
          %parallel_loop3A_659 = arith.constant 0 : i32
          %parallel_loop3A_660 = arith.constant 0 : i32
          %parallel_loop3A_661 = arith.constant 0 : i32
          %parallel_loop3A_662 = tpu.memref_slice %run_scoped3A[%rem3A_473, %parallel_loop3A_659, %parallel_loop3A_660, %parallel_loop3A_661] : memref<2x7x8x256xf32, #tpu.memory_space<vmem>> -> memref<1x7x8x256xf32, #tpu.memory_space<vmem>>
          %parallel_loop3A_663 = tpu.memref_squeeze %parallel_loop3A_662 : memref<1x7x8x256xf32, #tpu.memory_space<vmem>> -> memref<7x8x256xf32, #tpu.memory_space<vmem>>
          %parallel_loop3A_664 = arith.index_cast %parallel_loop3A_657 : i32 to index
          %parallel_loop3A_665 = arith.index_cast %parallel_loop3A_658 : i32 to index
          %parallel_loop3A_666 = arith.index_cast %parallel_loop3A_612 : i32 to index
          %parallel_loop3A_667 = tpu.vector_load %parallel_loop3A_663[%parallel_loop3A_664, %parallel_loop3A_665, %parallel_loop3A_666] {strides = array<i32>} : memref<7x8x256xf32, #tpu.memory_space<vmem>>, vector<16xf32>,
          %parallel_loop3A_668 = arith.constant 5 : i32
          %parallel_loop3A_669 = arith.constant 4 : i32
          %parallel_loop3A_670 = arith.constant 0 : i32
          %parallel_loop3A_671 = arith.constant 0 : i32
          %parallel_loop3A_672 = arith.constant 0 : i32
          %parallel_loop3A_673 = tpu.memref_slice %run_scoped3A[%rem3A_473, %parallel_loop3A_670, %parallel_loop3A_671, %parallel_loop3A_672] : memref<2x7x8x256xf32, #tpu.memory_space<vmem>> -> memref<1x7x8x256xf32, #tpu.memory_space<vmem>>
          %parallel_loop3A_674 = tpu.memref_squeeze %parallel_loop3A_673 : memref<1x7x8x256xf32, #tpu.memory_space<vmem>> -> memref<7x8x256xf32, #tpu.memory_space<vmem>>
          %parallel_loop3A_675 = arith.index_cast %parallel_loop3A_668 : i32 to index
          %parallel_loop3A_676 = arith.index_cast %parallel_loop3A_669 : i32 to index
          %parallel_loop3A_677 = arith.index_cast %parallel_loop3A_612 : i32 to index
          %parallel_loop3A_678 = tpu.vector_load %parallel_loop3A_674[%parallel_loop3A_675, %parallel_loop3A_676, %parallel_loop3A_677] {strides = array<i32>} : memref<7x8x256xf32, #tpu.memory_space<vmem>>, vector<16xf32>,
          %parallel_loop3A_679 = arith.constant 6 : i32
          %parallel_loop3A_680 = arith.constant 4 : i32
          %parallel_loop3A_681 = arith.constant 0 : i32
          %parallel_loop3A_682 = arith.constant 0 : i32
          %parallel_loop3A_683 = arith.constant 0 : i32
          %parallel_loop3A_684 = tpu.memref_slice %run_scoped3A[%rem3A_473, %parallel_loop3A_681, %parallel_loop3A_682, %parallel_loop3A_683] : memref<2x7x8x256xf32, #tpu.memory_space<vmem>> -> memref<1x7x8x256xf32, #tpu.memory_space<vmem>>
          %parallel_loop3A_685 = tpu.memref_squeeze %parallel_loop3A_684 : memref<1x7x8x256xf32, #tpu.memory_space<vmem>> -> memref<7x8x256xf32, #tpu.memory_space<vmem>>
          %parallel_loop3A_686 = arith.index_cast %parallel_loop3A_679 : i32 to index
          %parallel_loop3A_687 = arith.index_cast %parallel_loop3A_680 : i32 to index
          %parallel_loop3A_688 = arith.index_cast %parallel_loop3A_612 : i32 to index
          %parallel_loop3A_689 = tpu.vector_load %parallel_loop3A_685[%parallel_loop3A_686, %parallel_loop3A_687, %parallel_loop3A_688] {strides = array<i32>} : memref<7x8x256xf32, #tpu.memory_space<vmem>>, vector<16xf32>,
          %parallel_loop3A_690 = arith.constant 0 : i32
          %parallel_loop3A_691 = arith.constant 4 : i32
          %parallel_loop3A_692 = arith.constant 0 : i32
          %parallel_loop3A_693 = arith.constant 0 : i32
          %parallel_loop3A_694 = arith.constant 0 : i32
          %parallel_loop3A_695 = tpu.memref_slice %run_scoped3A_119[%rem3A_475, %parallel_loop3A_692, %parallel_loop3A_693, %parallel_loop3A_694] : memref<2x7x8x256xf32, #tpu.memory_space<vmem>> -> memref<1x7x8x256xf32, #tpu.memory_space<vmem>>
          %parallel_loop3A_696 = tpu.memref_squeeze %parallel_loop3A_695 : memref<1x7x8x256xf32, #tpu.memory_space<vmem>> -> memref<7x8x256xf32, #tpu.memory_space<vmem>>
          %parallel_loop3A_697 = arith.index_cast %parallel_loop3A_690 : i32 to index
          %parallel_loop3A_698 = arith.index_cast %parallel_loop3A_691 : i32 to index
          %parallel_loop3A_699 = arith.index_cast %parallel_loop3A_612 : i32 to index
          %parallel_loop3A_700 = tpu.vector_load %parallel_loop3A_696[%parallel_loop3A_697, %parallel_loop3A_698, %parallel_loop3A_699] {strides = array<i32>} : memref<7x8x256xf32, #tpu.memory_space<vmem>>, vector<16xf32>,
          %parallel_loop3A_701 = arith.constant 1 : i32
          %parallel_loop3A_702 = arith.constant 4 : i32
          %parallel_loop3A_703 = arith.constant 0 : i32
          %parallel_loop3A_704 = arith.constant 0 : i32
          %parallel_loop3A_705 = arith.constant 0 : i32
          %parallel_loop3A_706 = tpu.memref_slice %run_scoped3A_119[%rem3A_475, %parallel_loop3A_703, %parallel_loop3A_704, %parallel_loop3A_705] : memref<2x7x8x256xf32, #tpu.memory_space<vmem>> -> memref<1x7x8x256xf32, #tpu.memory_space<vmem>>
          %parallel_loop3A_707 = tpu.memref_squeeze %parallel_loop3A_706 : memref<1x7x8x256xf32, #tpu.memory_space<vmem>> -> memref<7x8x256xf32, #tpu.memory_space<vmem>>
          %parallel_loop3A_708 = arith.index_cast %parallel_loop3A_701 : i32 to index
          %parallel_loop3A_709 = arith.index_cast %parallel_loop3A_702 : i32 to index
          %parallel_loop3A_710 = arith.index_cast %parallel_loop3A_612 : i32 to index
          %parallel_loop3A_711 = tpu.vector_load %parallel_loop3A_707[%parallel_loop3A_708, %parallel_loop3A_709, %parallel_loop3A_710] {strides = array<i32>} : memref<7x8x256xf32, #tpu.memory_space<vmem>>, vector<16xf32>,
          %parallel_loop3A_712 = arith.constant 2 : i32
          %parallel_loop3A_713 = arith.constant 4 : i32
          %parallel_loop3A_714 = arith.constant 0 : i32
          %parallel_loop3A_715 = arith.constant 0 : i32
          %parallel_loop3A_716 = arith.constant 0 : i32
          %parallel_loop3A_717 = tpu.memref_slice %run_scoped3A_119[%rem3A_475, %parallel_loop3A_714, %parallel_loop3A_715, %parallel_loop3A_716] : memref<2x7x8x256xf32, #tpu.memory_space<vmem>> -> memref<1x7x8x256xf32, #tpu.memory_space<vmem>>
          %parallel_loop3A_718 = tpu.memref_squeeze %parallel_loop3A_717 : memref<1x7x8x256xf32, #tpu.memory_space<vmem>> -> memref<7x8x256xf32, #tpu.memory_space<vmem>>
          %parallel_loop3A_719 = arith.index_cast %parallel_loop3A_712 : i32 to index
          %parallel_loop3A_720 = arith.index_cast %parallel_loop3A_713 : i32 to index
          %parallel_loop3A_721 = arith.index_cast %parallel_loop3A_612 : i32 to index
          %parallel_loop3A_722 = tpu.vector_load %parallel_loop3A_718[%parallel_loop3A_719, %parallel_loop3A_720, %parallel_loop3A_721] {strides = array<i32>} : memref<7x8x256xf32, #tpu.memory_space<vmem>>, vector<16xf32>,
          %parallel_loop3A_723 = arith.constant 3 : i32
          %parallel_loop3A_724 = arith.constant 4 : i32
          %parallel_loop3A_725 = arith.constant 0 : i32
          %parallel_loop3A_726 = arith.constant 0 : i32
          %parallel_loop3A_727 = arith.constant 0 : i32
          %parallel_loop3A_728 = tpu.memref_slice %run_scoped3A_119[%rem3A_475, %parallel_loop3A_725, %parallel_loop3A_726, %parallel_loop3A_727] : memref<2x7x8x256xf32, #tpu.memory_space<vmem>> -> memref<1x7x8x256xf32, #tpu.memory_space<vmem>>
          %parallel_loop3A_729 = tpu.memref_squeeze %parallel_loop3A_728 : memref<1x7x8x256xf32, #tpu.memory_space<vmem>> -> memref<7x8x256xf32, #tpu.memory_space<vmem>>
          %parallel_loop3A_730 = arith.index_cast %parallel_loop3A_723 : i32 to index
          %parallel_loop3A_731 = arith.index_cast %parallel_loop3A_724 : i32 to index
          %parallel_loop3A_732 = arith.index_cast %parallel_loop3A_612 : i32 to index
          %parallel_loop3A_733 = tpu.vector_load %parallel_loop3A_729[%parallel_loop3A_730, %parallel_loop3A_731, %parallel_loop3A_732] {strides = array<i32>} : memref<7x8x256xf32, #tpu.memory_space<vmem>>, vector<16xf32>,
          %parallel_loop3A_734 = arith.constant 4 : i32
          %parallel_loop3A_735 = arith.constant 4 : i32
          %parallel_loop3A_736 = arith.constant 0 : i32
          %parallel_loop3A_737 = arith.constant 0 : i32
          %parallel_loop3A_738 = arith.constant 0 : i32
          %parallel_loop3A_739 = tpu.memref_slice %run_scoped3A_119[%rem3A_475, %parallel_loop3A_736, %parallel_loop3A_737, %parallel_loop3A_738] : memref<2x7x8x256xf32, #tpu.memory_space<vmem>> -> memref<1x7x8x256xf32, #tpu.memory_space<vmem>>
          %parallel_loop3A_740 = tpu.memref_squeeze %parallel_loop3A_739 : memref<1x7x8x256xf32, #tpu.memory_space<vmem>> -> memref<7x8x256xf32, #tpu.memory_space<vmem>>
          %parallel_loop3A_741 = arith.index_cast %parallel_loop3A_734 : i32 to index
          %parallel_loop3A_742 = arith.index_cast %parallel_loop3A_735 : i32 to index
          %parallel_loop3A_743 = arith.index_cast %parallel_loop3A_612 : i32 to index
          %parallel_loop3A_744 = tpu.vector_load %parallel_loop3A_740[%parallel_loop3A_741, %parallel_loop3A_742, %parallel_loop3A_743] {strides = array<i32>} : memref<7x8x256xf32, #tpu.memory_space<vmem>>, vector<16xf32>,
          %parallel_loop3A_745 = arith.constant 5 : i32
          %parallel_loop3A_746 = arith.constant 4 : i32
          %parallel_loop3A_747 = arith.constant 0 : i32
          %parallel_loop3A_748 = arith.constant 0 : i32
          %parallel_loop3A_749 = arith.constant 0 : i32
          %parallel_loop3A_750 = tpu.memref_slice %run_scoped3A_119[%rem3A_475, %parallel_loop3A_747, %parallel_loop3A_748, %parallel_loop3A_749] : memref<2x7x8x256xf32, #tpu.memory_space<vmem>> -> memref<1x7x8x256xf32, #tpu.memory_space<vmem>>
          %parallel_loop3A_751 = tpu.memref_squeeze %parallel_loop3A_750 : memref<1x7x8x256xf32, #tpu.memory_space<vmem>> -> memref<7x8x256xf32, #tpu.memory_space<vmem>>
          %parallel_loop3A_752 = arith.index_cast %parallel_loop3A_745 : i32 to index
          %parallel_loop3A_753 = arith.index_cast %parallel_loop3A_746 : i32 to index
          %parallel_loop3A_754 = arith.index_cast %parallel_loop3A_612 : i32 to index
          %parallel_loop3A_755 = tpu.vector_load %parallel_loop3A_751[%parallel_loop3A_752, %parallel_loop3A_753, %parallel_loop3A_754] {strides = array<i32>} : memref<7x8x256xf32, #tpu.memory_space<vmem>>, vector<16xf32>,
          %parallel_loop3A_756 = arith.constant 6 : i32
          %parallel_loop3A_757 = arith.constant 4 : i32
          %parallel_loop3A_758 = arith.constant 0 : i32
          %parallel_loop3A_759 = arith.constant 0 : i32
          %parallel_loop3A_760 = arith.constant 0 : i32
          %parallel_loop3A_761 = tpu.memref_slice %run_scoped3A_119[%rem3A_475, %parallel_loop3A_758, %parallel_loop3A_759, %parallel_loop3A_760] : memref<2x7x8x256xf32, #tpu.memory_space<vmem>> -> memref<1x7x8x256xf32, #tpu.memory_space<vmem>>
          %parallel_loop3A_762 = tpu.memref_squeeze %parallel_loop3A_761 : memref<1x7x8x256xf32, #tpu.memory_space<vmem>> -> memref<7x8x256xf32, #tpu.memory_space<vmem>>
          %parallel_loop3A_763 = arith.index_cast %parallel_loop3A_756 : i32 to index
          %parallel_loop3A_764 = arith.index_cast %parallel_loop3A_757 : i32 to index
          %parallel_loop3A_765 = arith.index_cast %parallel_loop3A_612 : i32 to index
          %parallel_loop3A_766 = tpu.vector_load %parallel_loop3A_762[%parallel_loop3A_763, %parallel_loop3A_764, %parallel_loop3A_765] {strides = array<i32>} : memref<7x8x256xf32, #tpu.memory_space<vmem>>, vector<16xf32>,
          %parallel_loop3A_767 = arith.mulf %parallel_loop3A_623, %parallel_loop3A_700 : vector<16xf32>
          %parallel_loop3A_768 = arith.mulf %parallel_loop3A_767, %gather3A : vector<16xf32>
          %parallel_loop3A_769 = arith.constant 0 : i32
          %parallel_loop3A_770 = arith.constant 4 : i32
          %parallel_loop3A_771 = arith.constant 0 : i32
          %parallel_loop3A_772 = arith.constant 0 : i32
          %parallel_loop3A_773 = arith.constant 0 : i32
          %parallel_loop3A_774 = tpu.memref_slice %run_scoped3A_121[%rem3A_477, %parallel_loop3A_771, %parallel_loop3A_772, %parallel_loop3A_773] : memref<2x7x8x256xf32, #tpu.memory_space<vmem>> -> memref<1x7x8x256xf32, #tpu.memory_space<vmem>>
          %parallel_loop3A_775 = tpu.memref_squeeze %parallel_loop3A_774 : memref<1x7x8x256xf32, #tpu.memory_space<vmem>> -> memref<7x8x256xf32, #tpu.memory_space<vmem>>
          %parallel_loop3A_776 = arith.index_cast %parallel_loop3A_769 : i32 to index
          %parallel_loop3A_777 = arith.index_cast %parallel_loop3A_770 : i32 to index
          %parallel_loop3A_778 = arith.index_cast %parallel_loop3A_612 : i32 to index
          %parallel_loop3A_779 = tpu.vector_load %parallel_loop3A_775[%parallel_loop3A_776, %parallel_loop3A_777, %parallel_loop3A_778] {strides = array<i32>} : memref<7x8x256xf32, #tpu.memory_space<vmem>>, vector<16xf32>,
          tpu.vector_store %parallel_loop3A_775[%parallel_loop3A_776, %parallel_loop3A_777, %parallel_loop3A_778], %parallel_loop3A_768 {strides = array<i32>} : memref<7x8x256xf32, #tpu.memory_space<vmem>>, vector<16xf32>,
          %parallel_loop3A_780 = arith.mulf %parallel_loop3A_623, %parallel_loop3A_711 : vector<16xf32>
          %parallel_loop3A_781 = arith.mulf %parallel_loop3A_780, %gather3A_5 : vector<16xf32>
          %parallel_loop3A_782 = arith.mulf %parallel_loop3A_634, %parallel_loop3A_700 : vector<16xf32>
          %parallel_loop3A_783 = arith.mulf %parallel_loop3A_782, %gather3A_29 : vector<16xf32>
          %parallel_loop3A_784 = arith.addf %parallel_loop3A_781, %parallel_loop3A_783 : vector<16xf32>
          %parallel_loop3A_785 = arith.constant 1 : i32
          %parallel_loop3A_786 = arith.constant 4 : i32
          %parallel_loop3A_787 = arith.constant 0 : i32
          %parallel_loop3A_788 = arith.constant 0 : i32
          %parallel_loop3A_789 = arith.constant 0 : i32
          %parallel_loop3A_790 = tpu.memref_slice %run_scoped3A_121[%rem3A_477, %parallel_loop3A_787, %parallel_loop3A_788, %parallel_loop3A_789] : memref<2x7x8x256xf32, #tpu.memory_space<vmem>> -> memref<1x7x8x256xf32, #tpu.memory_space<vmem>>
          %parallel_loop3A_791 = tpu.memref_squeeze %parallel_loop3A_790 : memref<1x7x8x256xf32, #tpu.memory_space<vmem>> -> memref<7x8x256xf32, #tpu.memory_space<vmem>>
          %parallel_loop3A_792 = arith.index_cast %parallel_loop3A_785 : i32 to index
          %parallel_loop3A_793 = arith.index_cast %parallel_loop3A_786 : i32 to index
          %parallel_loop3A_794 = arith.index_cast %parallel_loop3A_612 : i32 to index
          %parallel_loop3A_795 = tpu.vector_load %parallel_loop3A_791[%parallel_loop3A_792, %parallel_loop3A_793, %parallel_loop3A_794] {strides = array<i32>} : memref<7x8x256xf32, #tpu.memory_space<vmem>>, vector<16xf32>,
          tpu.vector_store %parallel_loop3A_791[%parallel_loop3A_792, %parallel_loop3A_793, %parallel_loop3A_794], %parallel_loop3A_784 {strides = array<i32>} : memref<7x8x256xf32, #tpu.memory_space<vmem>>, vector<16xf32>,
          %parallel_loop3A_796 = arith.mulf %parallel_loop3A_623, %parallel_loop3A_722 : vector<16xf32>
          %parallel_loop3A_797 = arith.mulf %parallel_loop3A_796, %gather3A_9 : vector<16xf32>
          %parallel_loop3A_798 = arith.mulf %parallel_loop3A_634, %parallel_loop3A_711 : vector<16xf32>
          %parallel_loop3A_799 = arith.mulf %parallel_loop3A_798, %gather3A_33 : vector<16xf32>
          %parallel_loop3A_800 = arith.addf %parallel_loop3A_797, %parallel_loop3A_799 : vector<16xf32>
          %parallel_loop3A_801 = arith.mulf %parallel_loop3A_645, %parallel_loop3A_700 : vector<16xf32>
          %parallel_loop3A_802 = arith.mulf %parallel_loop3A_801, %gather3A_53 : vector<16xf32>
          %parallel_loop3A_803 = arith.addf %parallel_loop3A_800, %parallel_loop3A_802 : vector<16xf32>
          %parallel_loop3A_804 = arith.constant 2 : i32
          %parallel_loop3A_805 = arith.constant 4 : i32
          %parallel_loop3A_806 = arith.constant 0 : i32
          %parallel_loop3A_807 = arith.constant 0 : i32
          %parallel_loop3A_808 = arith.constant 0 : i32
          %parallel_loop3A_809 = tpu.memref_slice %run_scoped3A_121[%rem3A_477, %parallel_loop3A_806, %parallel_loop3A_807, %parallel_loop3A_808] : memref<2x7x8x256xf32, #tpu.memory_space<vmem>> -> memref<1x7x8x256xf32, #tpu.memory_space<vmem>>
          %parallel_loop3A_810 = tpu.memref_squeeze %parallel_loop3A_809 : memref<1x7x8x256xf32, #tpu.memory_space<vmem>> -> memref<7x8x256xf32, #tpu.memory_space<vmem>>
          %parallel_loop3A_811 = arith.index_cast %parallel_loop3A_804 : i32 to index
          %parallel_loop3A_812 = arith.index_cast %parallel_loop3A_805 : i32 to index
          %parallel_loop3A_813 = arith.index_cast %parallel_loop3A_612 : i32 to index
          %parallel_loop3A_814 = tpu.vector_load %parallel_loop3A_810[%parallel_loop3A_811, %parallel_loop3A_812, %parallel_loop3A_813] {strides = array<i32>} : memref<7x8x256xf32, #tpu.memory_space<vmem>>, vector<16xf32>,
          tpu.vector_store %parallel_loop3A_810[%parallel_loop3A_811, %parallel_loop3A_812, %parallel_loop3A_813], %parallel_loop3A_803 {strides = array<i32>} : memref<7x8x256xf32, #tpu.memory_space<vmem>>, vector<16xf32>,
          %parallel_loop3A_815 = arith.mulf %parallel_loop3A_623, %parallel_loop3A_733 : vector<16xf32>
          %parallel_loop3A_816 = arith.mulf %parallel_loop3A_815, %gather3A_13 : vector<16xf32>
          %parallel_loop3A_817 = arith.mulf %parallel_loop3A_634, %parallel_loop3A_722 : vector<16xf32>
          %parallel_loop3A_818 = arith.mulf %parallel_loop3A_817, %gather3A_37 : vector<16xf32>
          %parallel_loop3A_819 = arith.addf %parallel_loop3A_816, %parallel_loop3A_818 : vector<16xf32>
          %parallel_loop3A_820 = arith.mulf %parallel_loop3A_645, %parallel_loop3A_711 : vector<16xf32>
          %parallel_loop3A_821 = arith.mulf %parallel_loop3A_820, %gather3A_57 : vector<16xf32>
          %parallel_loop3A_822 = arith.addf %parallel_loop3A_819, %parallel_loop3A_821 : vector<16xf32>
          %parallel_loop3A_823 = arith.mulf %parallel_loop3A_656, %parallel_loop3A_700 : vector<16xf32>
          %parallel_loop3A_824 = arith.mulf %parallel_loop3A_823, %gather3A_73 : vector<16xf32>
          %parallel_loop3A_825 = arith.addf %parallel_loop3A_822, %parallel_loop3A_824 : vector<16xf32>
          %parallel_loop3A_826 = arith.constant 3 : i32
          %parallel_loop3A_827 = arith.constant 4 : i32
          %parallel_loop3A_828 = arith.constant 0 : i32
          %parallel_loop3A_829 = arith.constant 0 : i32
          %parallel_loop3A_830 = arith.constant 0 : i32
          %parallel_loop3A_831 = tpu.memref_slice %run_scoped3A_121[%rem3A_477, %parallel_loop3A_828, %parallel_loop3A_829, %parallel_loop3A_830] : memref<2x7x8x256xf32, #tpu.memory_space<vmem>> -> memref<1x7x8x256xf32, #tpu.memory_space<vmem>>
          %parallel_loop3A_832 = tpu.memref_squeeze %parallel_loop3A_831 : memref<1x7x8x256xf32, #tpu.memory_space<vmem>> -> memref<7x8x256xf32, #tpu.memory_space<vmem>>
          %parallel_loop3A_833 = arith.index_cast %parallel_loop3A_826 : i32 to index
          %parallel_loop3A_834 = arith.index_cast %parallel_loop3A_827 : i32 to index
          %parallel_loop3A_835 = arith.index_cast %parallel_loop3A_612 : i32 to index
          %parallel_loop3A_836 = tpu.vector_load %parallel_loop3A_832[%parallel_loop3A_833, %parallel_loop3A_834, %parallel_loop3A_835] {strides = array<i32>} : memref<7x8x256xf32, #tpu.memory_space<vmem>>, vector<16xf32>,
          tpu.vector_store %parallel_loop3A_832[%parallel_loop3A_833, %parallel_loop3A_834, %parallel_loop3A_835], %parallel_loop3A_825 {strides = array<i32>} : memref<7x8x256xf32, #tpu.memory_space<vmem>>, vector<16xf32>,
          %parallel_loop3A_837 = arith.mulf %parallel_loop3A_623, %parallel_loop3A_744 : vector<16xf32>
          %parallel_loop3A_838 = arith.mulf %parallel_loop3A_837, %gather3A_17 : vector<16xf32>
          %parallel_loop3A_839 = arith.mulf %parallel_loop3A_634, %parallel_loop3A_733 : vector<16xf32>
          %parallel_loop3A_840 = arith.mulf %parallel_loop3A_839, %gather3A_41 : vector<16xf32>
          %parallel_loop3A_841 = arith.addf %parallel_loop3A_838, %parallel_loop3A_840 : vector<16xf32>
          %parallel_loop3A_842 = arith.mulf %parallel_loop3A_645, %parallel_loop3A_722 : vector<16xf32>
          %parallel_loop3A_843 = arith.mulf %parallel_loop3A_842, %gather3A_61 : vector<16xf32>
          %parallel_loop3A_844 = arith.addf %parallel_loop3A_841, %parallel_loop3A_843 : vector<16xf32>
          %parallel_loop3A_845 = arith.mulf %parallel_loop3A_656, %parallel_loop3A_711 : vector<16xf32>
          %parallel_loop3A_846 = arith.mulf %parallel_loop3A_845, %gather3A_77 : vector<16xf32>
          %parallel_loop3A_847 = arith.addf %parallel_loop3A_844, %parallel_loop3A_846 : vector<16xf32>
          %parallel_loop3A_848 = arith.mulf %parallel_loop3A_667, %parallel_loop3A_700 : vector<16xf32>
          %parallel_loop3A_849 = arith.mulf %parallel_loop3A_848, %gather3A_89 : vector<16xf32>
          %parallel_loop3A_850 = arith.addf %parallel_loop3A_847, %parallel_loop3A_849 : vector<16xf32>
          %parallel_loop3A_851 = arith.constant 4 : i32
          %parallel_loop3A_852 = arith.constant 4 : i32
          %parallel_loop3A_853 = arith.constant 0 : i32
          %parallel_loop3A_854 = arith.constant 0 : i32
          %parallel_loop3A_855 = arith.constant 0 : i32
          %parallel_loop3A_856 = tpu.memref_slice %run_scoped3A_121[%rem3A_477, %parallel_loop3A_853, %parallel_loop3A_854, %parallel_loop3A_855] : memref<2x7x8x256xf32, #tpu.memory_space<vmem>> -> memref<1x7x8x256xf32, #tpu.memory_space<vmem>>
          %parallel_loop3A_857 = tpu.memref_squeeze %parallel_loop3A_856 : memref<1x7x8x256xf32, #tpu.memory_space<vmem>> -> memref<7x8x256xf32, #tpu.memory_space<vmem>>
          %parallel_loop3A_858 = arith.index_cast %parallel_loop3A_851 : i32 to index
          %parallel_loop3A_859 = arith.index_cast %parallel_loop3A_852 : i32 to index
          %parallel_loop3A_860 = arith.index_cast %parallel_loop3A_612 : i32 to index
          %parallel_loop3A_861 = tpu.vector_load %parallel_loop3A_857[%parallel_loop3A_858, %parallel_loop3A_859, %parallel_loop3A_860] {strides = array<i32>} : memref<7x8x256xf32, #tpu.memory_space<vmem>>, vector<16xf32>,
          tpu.vector_store %parallel_loop3A_857[%parallel_loop3A_858, %parallel_loop3A_859, %parallel_loop3A_860], %parallel_loop3A_850 {strides = array<i32>} : memref<7x8x256xf32, #tpu.memory_space<vmem>>, vector<16xf32>,
          %parallel_loop3A_862 = arith.mulf %parallel_loop3A_623, %parallel_loop3A_755 : vector<16xf32>
          %parallel_loop3A_863 = arith.mulf %parallel_loop3A_862, %gather3A_21 : vector<16xf32>
          %parallel_loop3A_864 = arith.mulf %parallel_loop3A_634, %parallel_loop3A_744 : vector<16xf32>
          %parallel_loop3A_865 = arith.mulf %parallel_loop3A_864, %gather3A_45 : vector<16xf32>
          %parallel_loop3A_866 = arith.addf %parallel_loop3A_863, %parallel_loop3A_865 : vector<16xf32>
          %parallel_loop3A_867 = arith.mulf %parallel_loop3A_645, %parallel_loop3A_733 : vector<16xf32>
          %parallel_loop3A_868 = arith.mulf %parallel_loop3A_867, %gather3A_65 : vector<16xf32>
          %parallel_loop3A_869 = arith.addf %parallel_loop3A_866, %parallel_loop3A_868 : vector<16xf32>
          %parallel_loop3A_870 = arith.mulf %parallel_loop3A_656, %parallel_loop3A_722 : vector<16xf32>
          %parallel_loop3A_871 = arith.mulf %parallel_loop3A_870, %gather3A_81 : vector<16xf32>
          %parallel_loop3A_872 = arith.addf %parallel_loop3A_869, %parallel_loop3A_871 : vector<16xf32>
          %parallel_loop3A_873 = arith.mulf %parallel_loop3A_667, %parallel_loop3A_711 : vector<16xf32>
          %parallel_loop3A_874 = arith.mulf %parallel_loop3A_873, %gather3A_93 : vector<16xf32>
          %parallel_loop3A_875 = arith.addf %parallel_loop3A_872, %parallel_loop3A_874 : vector<16xf32>
          %parallel_loop3A_876 = arith.mulf %parallel_loop3A_678, %parallel_loop3A_700 : vector<16xf32>
          %parallel_loop3A_877 = arith.mulf %parallel_loop3A_876, %gather3A_101 : vector<16xf32>
          %parallel_loop3A_878 = arith.addf %parallel_loop3A_875, %parallel_loop3A_877 : vector<16xf32>
          %parallel_loop3A_879 = arith.constant 5 : i32
          %parallel_loop3A_880 = arith.constant 4 : i32
          %parallel_loop3A_881 = arith.constant 0 : i32
          %parallel_loop3A_882 = arith.constant 0 : i32
          %parallel_loop3A_883 = arith.constant 0 : i32
          %parallel_loop3A_884 = tpu.memref_slice %run_scoped3A_121[%rem3A_477, %parallel_loop3A_881, %parallel_loop3A_882, %parallel_loop3A_883] : memref<2x7x8x256xf32, #tpu.memory_space<vmem>> -> memref<1x7x8x256xf32, #tpu.memory_space<vmem>>
          %parallel_loop3A_885 = tpu.memref_squeeze %parallel_loop3A_884 : memref<1x7x8x256xf32, #tpu.memory_space<vmem>> -> memref<7x8x256xf32, #tpu.memory_space<vmem>>
          %parallel_loop3A_886 = arith.index_cast %parallel_loop3A_879 : i32 to index
          %parallel_loop3A_887 = arith.index_cast %parallel_loop3A_880 : i32 to index
          %parallel_loop3A_888 = arith.index_cast %parallel_loop3A_612 : i32 to index
          %parallel_loop3A_889 = tpu.vector_load %parallel_loop3A_885[%parallel_loop3A_886, %parallel_loop3A_887, %parallel_loop3A_888] {strides = array<i32>} : memref<7x8x256xf32, #tpu.memory_space<vmem>>, vector<16xf32>,
          tpu.vector_store %parallel_loop3A_885[%parallel_loop3A_886, %parallel_loop3A_887, %parallel_loop3A_888], %parallel_loop3A_878 {strides = array<i32>} : memref<7x8x256xf32, #tpu.memory_space<vmem>>, vector<16xf32>,
          %parallel_loop3A_890 = arith.mulf %parallel_loop3A_623, %parallel_loop3A_766 : vector<16xf32>
          %parallel_loop3A_891 = arith.mulf %parallel_loop3A_890, %gather3A_25 : vector<16xf32>
          %parallel_loop3A_892 = arith.mulf %parallel_loop3A_634, %parallel_loop3A_755 : vector<16xf32>
          %parallel_loop3A_893 = arith.mulf %parallel_loop3A_892, %gather3A_49 : vector<16xf32>
          %parallel_loop3A_894 = arith.addf %parallel_loop3A_891, %parallel_loop3A_893 : vector<16xf32>
          %parallel_loop3A_895 = arith.mulf %parallel_loop3A_645, %parallel_loop3A_744 : vector<16xf32>
          %parallel_loop3A_896 = arith.mulf %parallel_loop3A_895, %gather3A_69 : vector<16xf32>
          %parallel_loop3A_897 = arith.addf %parallel_loop3A_894, %parallel_loop3A_896 : vector<16xf32>
          %parallel_loop3A_898 = arith.mulf %parallel_loop3A_656, %parallel_loop3A_733 : vector<16xf32>
          %parallel_loop3A_899 = arith.mulf %parallel_loop3A_898, %gather3A_85 : vector<16xf32>
          %parallel_loop3A_900 = arith.addf %parallel_loop3A_897, %parallel_loop3A_899 : vector<16xf32>
          %parallel_loop3A_901 = arith.mulf %parallel_loop3A_667, %parallel_loop3A_722 : vector<16xf32>
          %parallel_loop3A_902 = arith.mulf %parallel_loop3A_901, %gather3A_97 : vector<16xf32>
          %parallel_loop3A_903 = arith.addf %parallel_loop3A_900, %parallel_loop3A_902 : vector<16xf32>
          %parallel_loop3A_904 = arith.mulf %parallel_loop3A_678, %parallel_loop3A_711 : vector<16xf32>
          %parallel_loop3A_905 = arith.mulf %parallel_loop3A_904, %gather3A_105 : vector<16xf32>
          %parallel_loop3A_906 = arith.addf %parallel_loop3A_903, %parallel_loop3A_905 : vector<16xf32>
          %parallel_loop3A_907 = arith.mulf %parallel_loop3A_689, %parallel_loop3A_700 : vector<16xf32>
          %parallel_loop3A_908 = arith.mulf %parallel_loop3A_907, %gather3A_109 : vector<16xf32>
          %parallel_loop3A_909 = arith.addf %parallel_loop3A_906, %parallel_loop3A_908 : vector<16xf32>
          %parallel_loop3A_910 = arith.constant 6 : i32
          %parallel_loop3A_911 = arith.constant 4 : i32
          %parallel_loop3A_912 = arith.constant 0 : i32
          %parallel_loop3A_913 = arith.constant 0 : i32
          %parallel_loop3A_914 = arith.constant 0 : i32
          %parallel_loop3A_915 = tpu.memref_slice %run_scoped3A_121[%rem3A_477, %parallel_loop3A_912, %parallel_loop3A_913, %parallel_loop3A_914] : memref<2x7x8x256xf32, #tpu.memory_space<vmem>> -> memref<1x7x8x256xf32, #tpu.memory_space<vmem>>
          %parallel_loop3A_916 = tpu.memref_squeeze %parallel_loop3A_915 : memref<1x7x8x256xf32, #tpu.memory_space<vmem>> -> memref<7x8x256xf32, #tpu.memory_space<vmem>>
          %parallel_loop3A_917 = arith.index_cast %parallel_loop3A_910 : i32 to index
          %parallel_loop3A_918 = arith.index_cast %parallel_loop3A_911 : i32 to index
          %parallel_loop3A_919 = arith.index_cast %parallel_loop3A_612 : i32 to index
          %parallel_loop3A_920 = tpu.vector_load %parallel_loop3A_916[%parallel_loop3A_917, %parallel_loop3A_918, %parallel_loop3A_919] {strides = array<i32>} : memref<7x8x256xf32, #tpu.memory_space<vmem>>, vector<16xf32>,
          tpu.vector_store %parallel_loop3A_916[%parallel_loop3A_917, %parallel_loop3A_918, %parallel_loop3A_919], %parallel_loop3A_909 {strides = array<i32>} : memref<7x8x256xf32, #tpu.memory_space<vmem>>, vector<16xf32>,
        } {sc.loop_unroll_factor = 2 : i64, sc.parallel_access}
        %parallel_loop3A_492 = arith.constant 0 : i32
        %parallel_loop3A_493 = arith.constant 256 : i32
        %parallel_loop3A_494 = arith.constant 16 : i32
        scf.for %parallel_loop3A_612 = %parallel_loop3A_492 to %parallel_loop3A_493 step %parallel_loop3A_494  : i32 {
          %parallel_loop3A_613 = arith.constant 0 : i32
          %parallel_loop3A_614 = arith.constant 5 : i32
          %parallel_loop3A_615 = arith.constant 0 : i32
          %parallel_loop3A_616 = arith.constant 0 : i32
          %parallel_loop3A_617 = arith.constant 0 : i32
          %parallel_loop3A_618 = tpu.memref_slice %run_scoped3A[%rem3A_473, %parallel_loop3A_615, %parallel_loop3A_616, %parallel_loop3A_617] : memref<2x7x8x256xf32, #tpu.memory_space<vmem>> -> memref<1x7x8x256xf32, #tpu.memory_space<vmem>>
          %parallel_loop3A_619 = tpu.memref_squeeze %parallel_loop3A_618 : memref<1x7x8x256xf32, #tpu.memory_space<vmem>> -> memref<7x8x256xf32, #tpu.memory_space<vmem>>
          %parallel_loop3A_620 = arith.index_cast %parallel_loop3A_613 : i32 to index
          %parallel_loop3A_621 = arith.index_cast %parallel_loop3A_614 : i32 to index
          %parallel_loop3A_622 = arith.index_cast %parallel_loop3A_612 : i32 to index
          %parallel_loop3A_623 = tpu.vector_load %parallel_loop3A_619[%parallel_loop3A_620, %parallel_loop3A_621, %parallel_loop3A_622] {strides = array<i32>} : memref<7x8x256xf32, #tpu.memory_space<vmem>>, vector<16xf32>,
          %parallel_loop3A_624 = arith.constant 1 : i32
          %parallel_loop3A_625 = arith.constant 5 : i32
          %parallel_loop3A_626 = arith.constant 0 : i32
          %parallel_loop3A_627 = arith.constant 0 : i32
          %parallel_loop3A_628 = arith.constant 0 : i32
          %parallel_loop3A_629 = tpu.memref_slice %run_scoped3A[%rem3A_473, %parallel_loop3A_626, %parallel_loop3A_627, %parallel_loop3A_628] : memref<2x7x8x256xf32, #tpu.memory_space<vmem>> -> memref<1x7x8x256xf32, #tpu.memory_space<vmem>>
          %parallel_loop3A_630 = tpu.memref_squeeze %parallel_loop3A_629 : memref<1x7x8x256xf32, #tpu.memory_space<vmem>> -> memref<7x8x256xf32, #tpu.memory_space<vmem>>
          %parallel_loop3A_631 = arith.index_cast %parallel_loop3A_624 : i32 to index
          %parallel_loop3A_632 = arith.index_cast %parallel_loop3A_625 : i32 to index
          %parallel_loop3A_633 = arith.index_cast %parallel_loop3A_612 : i32 to index
          %parallel_loop3A_634 = tpu.vector_load %parallel_loop3A_630[%parallel_loop3A_631, %parallel_loop3A_632, %parallel_loop3A_633] {strides = array<i32>} : memref<7x8x256xf32, #tpu.memory_space<vmem>>, vector<16xf32>,
          %parallel_loop3A_635 = arith.constant 2 : i32
          %parallel_loop3A_636 = arith.constant 5 : i32
          %parallel_loop3A_637 = arith.constant 0 : i32
          %parallel_loop3A_638 = arith.constant 0 : i32
          %parallel_loop3A_639 = arith.constant 0 : i32
          %parallel_loop3A_640 = tpu.memref_slice %run_scoped3A[%rem3A_473, %parallel_loop3A_637, %parallel_loop3A_638, %parallel_loop3A_639] : memref<2x7x8x256xf32, #tpu.memory_space<vmem>> -> memref<1x7x8x256xf32, #tpu.memory_space<vmem>>
          %parallel_loop3A_641 = tpu.memref_squeeze %parallel_loop3A_640 : memref<1x7x8x256xf32, #tpu.memory_space<vmem>> -> memref<7x8x256xf32, #tpu.memory_space<vmem>>
          %parallel_loop3A_642 = arith.index_cast %parallel_loop3A_635 : i32 to index
          %parallel_loop3A_643 = arith.index_cast %parallel_loop3A_636 : i32 to index
          %parallel_loop3A_644 = arith.index_cast %parallel_loop3A_612 : i32 to index
          %parallel_loop3A_645 = tpu.vector_load %parallel_loop3A_641[%parallel_loop3A_642, %parallel_loop3A_643, %parallel_loop3A_644] {strides = array<i32>} : memref<7x8x256xf32, #tpu.memory_space<vmem>>, vector<16xf32>,
          %parallel_loop3A_646 = arith.constant 3 : i32
          %parallel_loop3A_647 = arith.constant 5 : i32
          %parallel_loop3A_648 = arith.constant 0 : i32
          %parallel_loop3A_649 = arith.constant 0 : i32
          %parallel_loop3A_650 = arith.constant 0 : i32
          %parallel_loop3A_651 = tpu.memref_slice %run_scoped3A[%rem3A_473, %parallel_loop3A_648, %parallel_loop3A_649, %parallel_loop3A_650] : memref<2x7x8x256xf32, #tpu.memory_space<vmem>> -> memref<1x7x8x256xf32, #tpu.memory_space<vmem>>
          %parallel_loop3A_652 = tpu.memref_squeeze %parallel_loop3A_651 : memref<1x7x8x256xf32, #tpu.memory_space<vmem>> -> memref<7x8x256xf32, #tpu.memory_space<vmem>>
          %parallel_loop3A_653 = arith.index_cast %parallel_loop3A_646 : i32 to index
          %parallel_loop3A_654 = arith.index_cast %parallel_loop3A_647 : i32 to index
          %parallel_loop3A_655 = arith.index_cast %parallel_loop3A_612 : i32 to index
          %parallel_loop3A_656 = tpu.vector_load %parallel_loop3A_652[%parallel_loop3A_653, %parallel_loop3A_654, %parallel_loop3A_655] {strides = array<i32>} : memref<7x8x256xf32, #tpu.memory_space<vmem>>, vector<16xf32>,
          %parallel_loop3A_657 = arith.constant 4 : i32
          %parallel_loop3A_658 = arith.constant 5 : i32
          %parallel_loop3A_659 = arith.constant 0 : i32
          %parallel_loop3A_660 = arith.constant 0 : i32
          %parallel_loop3A_661 = arith.constant 0 : i32
          %parallel_loop3A_662 = tpu.memref_slice %run_scoped3A[%rem3A_473, %parallel_loop3A_659, %parallel_loop3A_660, %parallel_loop3A_661] : memref<2x7x8x256xf32, #tpu.memory_space<vmem>> -> memref<1x7x8x256xf32, #tpu.memory_space<vmem>>
          %parallel_loop3A_663 = tpu.memref_squeeze %parallel_loop3A_662 : memref<1x7x8x256xf32, #tpu.memory_space<vmem>> -> memref<7x8x256xf32, #tpu.memory_space<vmem>>
          %parallel_loop3A_664 = arith.index_cast %parallel_loop3A_657 : i32 to index
          %parallel_loop3A_665 = arith.index_cast %parallel_loop3A_658 : i32 to index
          %parallel_loop3A_666 = arith.index_cast %parallel_loop3A_612 : i32 to index
          %parallel_loop3A_667 = tpu.vector_load %parallel_loop3A_663[%parallel_loop3A_664, %parallel_loop3A_665, %parallel_loop3A_666] {strides = array<i32>} : memref<7x8x256xf32, #tpu.memory_space<vmem>>, vector<16xf32>,
          %parallel_loop3A_668 = arith.constant 5 : i32
          %parallel_loop3A_669 = arith.constant 5 : i32
          %parallel_loop3A_670 = arith.constant 0 : i32
          %parallel_loop3A_671 = arith.constant 0 : i32
          %parallel_loop3A_672 = arith.constant 0 : i32
          %parallel_loop3A_673 = tpu.memref_slice %run_scoped3A[%rem3A_473, %parallel_loop3A_670, %parallel_loop3A_671, %parallel_loop3A_672] : memref<2x7x8x256xf32, #tpu.memory_space<vmem>> -> memref<1x7x8x256xf32, #tpu.memory_space<vmem>>
          %parallel_loop3A_674 = tpu.memref_squeeze %parallel_loop3A_673 : memref<1x7x8x256xf32, #tpu.memory_space<vmem>> -> memref<7x8x256xf32, #tpu.memory_space<vmem>>
          %parallel_loop3A_675 = arith.index_cast %parallel_loop3A_668 : i32 to index
          %parallel_loop3A_676 = arith.index_cast %parallel_loop3A_669 : i32 to index
          %parallel_loop3A_677 = arith.index_cast %parallel_loop3A_612 : i32 to index
          %parallel_loop3A_678 = tpu.vector_load %parallel_loop3A_674[%parallel_loop3A_675, %parallel_loop3A_676, %parallel_loop3A_677] {strides = array<i32>} : memref<7x8x256xf32, #tpu.memory_space<vmem>>, vector<16xf32>,
          %parallel_loop3A_679 = arith.constant 6 : i32
          %parallel_loop3A_680 = arith.constant 5 : i32
          %parallel_loop3A_681 = arith.constant 0 : i32
          %parallel_loop3A_682 = arith.constant 0 : i32
          %parallel_loop3A_683 = arith.constant 0 : i32
          %parallel_loop3A_684 = tpu.memref_slice %run_scoped3A[%rem3A_473, %parallel_loop3A_681, %parallel_loop3A_682, %parallel_loop3A_683] : memref<2x7x8x256xf32, #tpu.memory_space<vmem>> -> memref<1x7x8x256xf32, #tpu.memory_space<vmem>>
          %parallel_loop3A_685 = tpu.memref_squeeze %parallel_loop3A_684 : memref<1x7x8x256xf32, #tpu.memory_space<vmem>> -> memref<7x8x256xf32, #tpu.memory_space<vmem>>
          %parallel_loop3A_686 = arith.index_cast %parallel_loop3A_679 : i32 to index
          %parallel_loop3A_687 = arith.index_cast %parallel_loop3A_680 : i32 to index
          %parallel_loop3A_688 = arith.index_cast %parallel_loop3A_612 : i32 to index
          %parallel_loop3A_689 = tpu.vector_load %parallel_loop3A_685[%parallel_loop3A_686, %parallel_loop3A_687, %parallel_loop3A_688] {strides = array<i32>} : memref<7x8x256xf32, #tpu.memory_space<vmem>>, vector<16xf32>,
          %parallel_loop3A_690 = arith.constant 0 : i32
          %parallel_loop3A_691 = arith.constant 5 : i32
          %parallel_loop3A_692 = arith.constant 0 : i32
          %parallel_loop3A_693 = arith.constant 0 : i32
          %parallel_loop3A_694 = arith.constant 0 : i32
          %parallel_loop3A_695 = tpu.memref_slice %run_scoped3A_119[%rem3A_475, %parallel_loop3A_692, %parallel_loop3A_693, %parallel_loop3A_694] : memref<2x7x8x256xf32, #tpu.memory_space<vmem>> -> memref<1x7x8x256xf32, #tpu.memory_space<vmem>>
          %parallel_loop3A_696 = tpu.memref_squeeze %parallel_loop3A_695 : memref<1x7x8x256xf32, #tpu.memory_space<vmem>> -> memref<7x8x256xf32, #tpu.memory_space<vmem>>
          %parallel_loop3A_697 = arith.index_cast %parallel_loop3A_690 : i32 to index
          %parallel_loop3A_698 = arith.index_cast %parallel_loop3A_691 : i32 to index
          %parallel_loop3A_699 = arith.index_cast %parallel_loop3A_612 : i32 to index
          %parallel_loop3A_700 = tpu.vector_load %parallel_loop3A_696[%parallel_loop3A_697, %parallel_loop3A_698, %parallel_loop3A_699] {strides = array<i32>} : memref<7x8x256xf32, #tpu.memory_space<vmem>>, vector<16xf32>,
          %parallel_loop3A_701 = arith.constant 1 : i32
          %parallel_loop3A_702 = arith.constant 5 : i32
          %parallel_loop3A_703 = arith.constant 0 : i32
          %parallel_loop3A_704 = arith.constant 0 : i32
          %parallel_loop3A_705 = arith.constant 0 : i32
          %parallel_loop3A_706 = tpu.memref_slice %run_scoped3A_119[%rem3A_475, %parallel_loop3A_703, %parallel_loop3A_704, %parallel_loop3A_705] : memref<2x7x8x256xf32, #tpu.memory_space<vmem>> -> memref<1x7x8x256xf32, #tpu.memory_space<vmem>>
          %parallel_loop3A_707 = tpu.memref_squeeze %parallel_loop3A_706 : memref<1x7x8x256xf32, #tpu.memory_space<vmem>> -> memref<7x8x256xf32, #tpu.memory_space<vmem>>
          %parallel_loop3A_708 = arith.index_cast %parallel_loop3A_701 : i32 to index
          %parallel_loop3A_709 = arith.index_cast %parallel_loop3A_702 : i32 to index
          %parallel_loop3A_710 = arith.index_cast %parallel_loop3A_612 : i32 to index
          %parallel_loop3A_711 = tpu.vector_load %parallel_loop3A_707[%parallel_loop3A_708, %parallel_loop3A_709, %parallel_loop3A_710] {strides = array<i32>} : memref<7x8x256xf32, #tpu.memory_space<vmem>>, vector<16xf32>,
          %parallel_loop3A_712 = arith.constant 2 : i32
          %parallel_loop3A_713 = arith.constant 5 : i32
          %parallel_loop3A_714 = arith.constant 0 : i32
          %parallel_loop3A_715 = arith.constant 0 : i32
          %parallel_loop3A_716 = arith.constant 0 : i32
          %parallel_loop3A_717 = tpu.memref_slice %run_scoped3A_119[%rem3A_475, %parallel_loop3A_714, %parallel_loop3A_715, %parallel_loop3A_716] : memref<2x7x8x256xf32, #tpu.memory_space<vmem>> -> memref<1x7x8x256xf32, #tpu.memory_space<vmem>>
          %parallel_loop3A_718 = tpu.memref_squeeze %parallel_loop3A_717 : memref<1x7x8x256xf32, #tpu.memory_space<vmem>> -> memref<7x8x256xf32, #tpu.memory_space<vmem>>
          %parallel_loop3A_719 = arith.index_cast %parallel_loop3A_712 : i32 to index
          %parallel_loop3A_720 = arith.index_cast %parallel_loop3A_713 : i32 to index
          %parallel_loop3A_721 = arith.index_cast %parallel_loop3A_612 : i32 to index
          %parallel_loop3A_722 = tpu.vector_load %parallel_loop3A_718[%parallel_loop3A_719, %parallel_loop3A_720, %parallel_loop3A_721] {strides = array<i32>} : memref<7x8x256xf32, #tpu.memory_space<vmem>>, vector<16xf32>,
          %parallel_loop3A_723 = arith.constant 3 : i32
          %parallel_loop3A_724 = arith.constant 5 : i32
          %parallel_loop3A_725 = arith.constant 0 : i32
          %parallel_loop3A_726 = arith.constant 0 : i32
          %parallel_loop3A_727 = arith.constant 0 : i32
          %parallel_loop3A_728 = tpu.memref_slice %run_scoped3A_119[%rem3A_475, %parallel_loop3A_725, %parallel_loop3A_726, %parallel_loop3A_727] : memref<2x7x8x256xf32, #tpu.memory_space<vmem>> -> memref<1x7x8x256xf32, #tpu.memory_space<vmem>>
          %parallel_loop3A_729 = tpu.memref_squeeze %parallel_loop3A_728 : memref<1x7x8x256xf32, #tpu.memory_space<vmem>> -> memref<7x8x256xf32, #tpu.memory_space<vmem>>
          %parallel_loop3A_730 = arith.index_cast %parallel_loop3A_723 : i32 to index
          %parallel_loop3A_731 = arith.index_cast %parallel_loop3A_724 : i32 to index
          %parallel_loop3A_732 = arith.index_cast %parallel_loop3A_612 : i32 to index
          %parallel_loop3A_733 = tpu.vector_load %parallel_loop3A_729[%parallel_loop3A_730, %parallel_loop3A_731, %parallel_loop3A_732] {strides = array<i32>} : memref<7x8x256xf32, #tpu.memory_space<vmem>>, vector<16xf32>,
          %parallel_loop3A_734 = arith.constant 4 : i32
          %parallel_loop3A_735 = arith.constant 5 : i32
          %parallel_loop3A_736 = arith.constant 0 : i32
          %parallel_loop3A_737 = arith.constant 0 : i32
          %parallel_loop3A_738 = arith.constant 0 : i32
          %parallel_loop3A_739 = tpu.memref_slice %run_scoped3A_119[%rem3A_475, %parallel_loop3A_736, %parallel_loop3A_737, %parallel_loop3A_738] : memref<2x7x8x256xf32, #tpu.memory_space<vmem>> -> memref<1x7x8x256xf32, #tpu.memory_space<vmem>>
          %parallel_loop3A_740 = tpu.memref_squeeze %parallel_loop3A_739 : memref<1x7x8x256xf32, #tpu.memory_space<vmem>> -> memref<7x8x256xf32, #tpu.memory_space<vmem>>
          %parallel_loop3A_741 = arith.index_cast %parallel_loop3A_734 : i32 to index
          %parallel_loop3A_742 = arith.index_cast %parallel_loop3A_735 : i32 to index
          %parallel_loop3A_743 = arith.index_cast %parallel_loop3A_612 : i32 to index
          %parallel_loop3A_744 = tpu.vector_load %parallel_loop3A_740[%parallel_loop3A_741, %parallel_loop3A_742, %parallel_loop3A_743] {strides = array<i32>} : memref<7x8x256xf32, #tpu.memory_space<vmem>>, vector<16xf32>,
          %parallel_loop3A_745 = arith.constant 5 : i32
          %parallel_loop3A_746 = arith.constant 5 : i32
          %parallel_loop3A_747 = arith.constant 0 : i32
          %parallel_loop3A_748 = arith.constant 0 : i32
          %parallel_loop3A_749 = arith.constant 0 : i32
          %parallel_loop3A_750 = tpu.memref_slice %run_scoped3A_119[%rem3A_475, %parallel_loop3A_747, %parallel_loop3A_748, %parallel_loop3A_749] : memref<2x7x8x256xf32, #tpu.memory_space<vmem>> -> memref<1x7x8x256xf32, #tpu.memory_space<vmem>>
          %parallel_loop3A_751 = tpu.memref_squeeze %parallel_loop3A_750 : memref<1x7x8x256xf32, #tpu.memory_space<vmem>> -> memref<7x8x256xf32, #tpu.memory_space<vmem>>
          %parallel_loop3A_752 = arith.index_cast %parallel_loop3A_745 : i32 to index
          %parallel_loop3A_753 = arith.index_cast %parallel_loop3A_746 : i32 to index
          %parallel_loop3A_754 = arith.index_cast %parallel_loop3A_612 : i32 to index
          %parallel_loop3A_755 = tpu.vector_load %parallel_loop3A_751[%parallel_loop3A_752, %parallel_loop3A_753, %parallel_loop3A_754] {strides = array<i32>} : memref<7x8x256xf32, #tpu.memory_space<vmem>>, vector<16xf32>,
          %parallel_loop3A_756 = arith.constant 6 : i32
          %parallel_loop3A_757 = arith.constant 5 : i32
          %parallel_loop3A_758 = arith.constant 0 : i32
          %parallel_loop3A_759 = arith.constant 0 : i32
          %parallel_loop3A_760 = arith.constant 0 : i32
          %parallel_loop3A_761 = tpu.memref_slice %run_scoped3A_119[%rem3A_475, %parallel_loop3A_758, %parallel_loop3A_759, %parallel_loop3A_760] : memref<2x7x8x256xf32, #tpu.memory_space<vmem>> -> memref<1x7x8x256xf32, #tpu.memory_space<vmem>>
          %parallel_loop3A_762 = tpu.memref_squeeze %parallel_loop3A_761 : memref<1x7x8x256xf32, #tpu.memory_space<vmem>> -> memref<7x8x256xf32, #tpu.memory_space<vmem>>
          %parallel_loop3A_763 = arith.index_cast %parallel_loop3A_756 : i32 to index
          %parallel_loop3A_764 = arith.index_cast %parallel_loop3A_757 : i32 to index
          %parallel_loop3A_765 = arith.index_cast %parallel_loop3A_612 : i32 to index
          %parallel_loop3A_766 = tpu.vector_load %parallel_loop3A_762[%parallel_loop3A_763, %parallel_loop3A_764, %parallel_loop3A_765] {strides = array<i32>} : memref<7x8x256xf32, #tpu.memory_space<vmem>>, vector<16xf32>,
          %parallel_loop3A_767 = arith.mulf %parallel_loop3A_623, %parallel_loop3A_700 : vector<16xf32>
          %parallel_loop3A_768 = arith.mulf %parallel_loop3A_767, %gather3A : vector<16xf32>
          %parallel_loop3A_769 = arith.constant 0 : i32
          %parallel_loop3A_770 = arith.constant 5 : i32
          %parallel_loop3A_771 = arith.constant 0 : i32
          %parallel_loop3A_772 = arith.constant 0 : i32
          %parallel_loop3A_773 = arith.constant 0 : i32
          %parallel_loop3A_774 = tpu.memref_slice %run_scoped3A_121[%rem3A_477, %parallel_loop3A_771, %parallel_loop3A_772, %parallel_loop3A_773] : memref<2x7x8x256xf32, #tpu.memory_space<vmem>> -> memref<1x7x8x256xf32, #tpu.memory_space<vmem>>
          %parallel_loop3A_775 = tpu.memref_squeeze %parallel_loop3A_774 : memref<1x7x8x256xf32, #tpu.memory_space<vmem>> -> memref<7x8x256xf32, #tpu.memory_space<vmem>>
          %parallel_loop3A_776 = arith.index_cast %parallel_loop3A_769 : i32 to index
          %parallel_loop3A_777 = arith.index_cast %parallel_loop3A_770 : i32 to index
          %parallel_loop3A_778 = arith.index_cast %parallel_loop3A_612 : i32 to index
          %parallel_loop3A_779 = tpu.vector_load %parallel_loop3A_775[%parallel_loop3A_776, %parallel_loop3A_777, %parallel_loop3A_778] {strides = array<i32>} : memref<7x8x256xf32, #tpu.memory_space<vmem>>, vector<16xf32>,
          tpu.vector_store %parallel_loop3A_775[%parallel_loop3A_776, %parallel_loop3A_777, %parallel_loop3A_778], %parallel_loop3A_768 {strides = array<i32>} : memref<7x8x256xf32, #tpu.memory_space<vmem>>, vector<16xf32>,
          %parallel_loop3A_780 = arith.mulf %parallel_loop3A_623, %parallel_loop3A_711 : vector<16xf32>
          %parallel_loop3A_781 = arith.mulf %parallel_loop3A_780, %gather3A_5 : vector<16xf32>
          %parallel_loop3A_782 = arith.mulf %parallel_loop3A_634, %parallel_loop3A_700 : vector<16xf32>
          %parallel_loop3A_783 = arith.mulf %parallel_loop3A_782, %gather3A_29 : vector<16xf32>
          %parallel_loop3A_784 = arith.addf %parallel_loop3A_781, %parallel_loop3A_783 : vector<16xf32>
          %parallel_loop3A_785 = arith.constant 1 : i32
          %parallel_loop3A_786 = arith.constant 5 : i32
          %parallel_loop3A_787 = arith.constant 0 : i32
          %parallel_loop3A_788 = arith.constant 0 : i32
          %parallel_loop3A_789 = arith.constant 0 : i32
          %parallel_loop3A_790 = tpu.memref_slice %run_scoped3A_121[%rem3A_477, %parallel_loop3A_787, %parallel_loop3A_788, %parallel_loop3A_789] : memref<2x7x8x256xf32, #tpu.memory_space<vmem>> -> memref<1x7x8x256xf32, #tpu.memory_space<vmem>>
          %parallel_loop3A_791 = tpu.memref_squeeze %parallel_loop3A_790 : memref<1x7x8x256xf32, #tpu.memory_space<vmem>> -> memref<7x8x256xf32, #tpu.memory_space<vmem>>
          %parallel_loop3A_792 = arith.index_cast %parallel_loop3A_785 : i32 to index
          %parallel_loop3A_793 = arith.index_cast %parallel_loop3A_786 : i32 to index
          %parallel_loop3A_794 = arith.index_cast %parallel_loop3A_612 : i32 to index
          %parallel_loop3A_795 = tpu.vector_load %parallel_loop3A_791[%parallel_loop3A_792, %parallel_loop3A_793, %parallel_loop3A_794] {strides = array<i32>} : memref<7x8x256xf32, #tpu.memory_space<vmem>>, vector<16xf32>,
          tpu.vector_store %parallel_loop3A_791[%parallel_loop3A_792, %parallel_loop3A_793, %parallel_loop3A_794], %parallel_loop3A_784 {strides = array<i32>} : memref<7x8x256xf32, #tpu.memory_space<vmem>>, vector<16xf32>,
          %parallel_loop3A_796 = arith.mulf %parallel_loop3A_623, %parallel_loop3A_722 : vector<16xf32>
          %parallel_loop3A_797 = arith.mulf %parallel_loop3A_796, %gather3A_9 : vector<16xf32>
          %parallel_loop3A_798 = arith.mulf %parallel_loop3A_634, %parallel_loop3A_711 : vector<16xf32>
          %parallel_loop3A_799 = arith.mulf %parallel_loop3A_798, %gather3A_33 : vector<16xf32>
          %parallel_loop3A_800 = arith.addf %parallel_loop3A_797, %parallel_loop3A_799 : vector<16xf32>
          %parallel_loop3A_801 = arith.mulf %parallel_loop3A_645, %parallel_loop3A_700 : vector<16xf32>
          %parallel_loop3A_802 = arith.mulf %parallel_loop3A_801, %gather3A_53 : vector<16xf32>
          %parallel_loop3A_803 = arith.addf %parallel_loop3A_800, %parallel_loop3A_802 : vector<16xf32>
          %parallel_loop3A_804 = arith.constant 2 : i32
          %parallel_loop3A_805 = arith.constant 5 : i32
          %parallel_loop3A_806 = arith.constant 0 : i32
          %parallel_loop3A_807 = arith.constant 0 : i32
          %parallel_loop3A_808 = arith.constant 0 : i32
          %parallel_loop3A_809 = tpu.memref_slice %run_scoped3A_121[%rem3A_477, %parallel_loop3A_806, %parallel_loop3A_807, %parallel_loop3A_808] : memref<2x7x8x256xf32, #tpu.memory_space<vmem>> -> memref<1x7x8x256xf32, #tpu.memory_space<vmem>>
          %parallel_loop3A_810 = tpu.memref_squeeze %parallel_loop3A_809 : memref<1x7x8x256xf32, #tpu.memory_space<vmem>> -> memref<7x8x256xf32, #tpu.memory_space<vmem>>
          %parallel_loop3A_811 = arith.index_cast %parallel_loop3A_804 : i32 to index
          %parallel_loop3A_812 = arith.index_cast %parallel_loop3A_805 : i32 to index
          %parallel_loop3A_813 = arith.index_cast %parallel_loop3A_612 : i32 to index
          %parallel_loop3A_814 = tpu.vector_load %parallel_loop3A_810[%parallel_loop3A_811, %parallel_loop3A_812, %parallel_loop3A_813] {strides = array<i32>} : memref<7x8x256xf32, #tpu.memory_space<vmem>>, vector<16xf32>,
          tpu.vector_store %parallel_loop3A_810[%parallel_loop3A_811, %parallel_loop3A_812, %parallel_loop3A_813], %parallel_loop3A_803 {strides = array<i32>} : memref<7x8x256xf32, #tpu.memory_space<vmem>>, vector<16xf32>,
          %parallel_loop3A_815 = arith.mulf %parallel_loop3A_623, %parallel_loop3A_733 : vector<16xf32>
          %parallel_loop3A_816 = arith.mulf %parallel_loop3A_815, %gather3A_13 : vector<16xf32>
          %parallel_loop3A_817 = arith.mulf %parallel_loop3A_634, %parallel_loop3A_722 : vector<16xf32>
          %parallel_loop3A_818 = arith.mulf %parallel_loop3A_817, %gather3A_37 : vector<16xf32>
          %parallel_loop3A_819 = arith.addf %parallel_loop3A_816, %parallel_loop3A_818 : vector<16xf32>
          %parallel_loop3A_820 = arith.mulf %parallel_loop3A_645, %parallel_loop3A_711 : vector<16xf32>
          %parallel_loop3A_821 = arith.mulf %parallel_loop3A_820, %gather3A_57 : vector<16xf32>
          %parallel_loop3A_822 = arith.addf %parallel_loop3A_819, %parallel_loop3A_821 : vector<16xf32>
          %parallel_loop3A_823 = arith.mulf %parallel_loop3A_656, %parallel_loop3A_700 : vector<16xf32>
          %parallel_loop3A_824 = arith.mulf %parallel_loop3A_823, %gather3A_73 : vector<16xf32>
          %parallel_loop3A_825 = arith.addf %parallel_loop3A_822, %parallel_loop3A_824 : vector<16xf32>
          %parallel_loop3A_826 = arith.constant 3 : i32
          %parallel_loop3A_827 = arith.constant 5 : i32
          %parallel_loop3A_828 = arith.constant 0 : i32
          %parallel_loop3A_829 = arith.constant 0 : i32
          %parallel_loop3A_830 = arith.constant 0 : i32
          %parallel_loop3A_831 = tpu.memref_slice %run_scoped3A_121[%rem3A_477, %parallel_loop3A_828, %parallel_loop3A_829, %parallel_loop3A_830] : memref<2x7x8x256xf32, #tpu.memory_space<vmem>> -> memref<1x7x8x256xf32, #tpu.memory_space<vmem>>
          %parallel_loop3A_832 = tpu.memref_squeeze %parallel_loop3A_831 : memref<1x7x8x256xf32, #tpu.memory_space<vmem>> -> memref<7x8x256xf32, #tpu.memory_space<vmem>>
          %parallel_loop3A_833 = arith.index_cast %parallel_loop3A_826 : i32 to index
          %parallel_loop3A_834 = arith.index_cast %parallel_loop3A_827 : i32 to index
          %parallel_loop3A_835 = arith.index_cast %parallel_loop3A_612 : i32 to index
          %parallel_loop3A_836 = tpu.vector_load %parallel_loop3A_832[%parallel_loop3A_833, %parallel_loop3A_834, %parallel_loop3A_835] {strides = array<i32>} : memref<7x8x256xf32, #tpu.memory_space<vmem>>, vector<16xf32>,
          tpu.vector_store %parallel_loop3A_832[%parallel_loop3A_833, %parallel_loop3A_834, %parallel_loop3A_835], %parallel_loop3A_825 {strides = array<i32>} : memref<7x8x256xf32, #tpu.memory_space<vmem>>, vector<16xf32>,
          %parallel_loop3A_837 = arith.mulf %parallel_loop3A_623, %parallel_loop3A_744 : vector<16xf32>
          %parallel_loop3A_838 = arith.mulf %parallel_loop3A_837, %gather3A_17 : vector<16xf32>
          %parallel_loop3A_839 = arith.mulf %parallel_loop3A_634, %parallel_loop3A_733 : vector<16xf32>
          %parallel_loop3A_840 = arith.mulf %parallel_loop3A_839, %gather3A_41 : vector<16xf32>
          %parallel_loop3A_841 = arith.addf %parallel_loop3A_838, %parallel_loop3A_840 : vector<16xf32>
          %parallel_loop3A_842 = arith.mulf %parallel_loop3A_645, %parallel_loop3A_722 : vector<16xf32>
          %parallel_loop3A_843 = arith.mulf %parallel_loop3A_842, %gather3A_61 : vector<16xf32>
          %parallel_loop3A_844 = arith.addf %parallel_loop3A_841, %parallel_loop3A_843 : vector<16xf32>
          %parallel_loop3A_845 = arith.mulf %parallel_loop3A_656, %parallel_loop3A_711 : vector<16xf32>
          %parallel_loop3A_846 = arith.mulf %parallel_loop3A_845, %gather3A_77 : vector<16xf32>
          %parallel_loop3A_847 = arith.addf %parallel_loop3A_844, %parallel_loop3A_846 : vector<16xf32>
          %parallel_loop3A_848 = arith.mulf %parallel_loop3A_667, %parallel_loop3A_700 : vector<16xf32>
          %parallel_loop3A_849 = arith.mulf %parallel_loop3A_848, %gather3A_89 : vector<16xf32>
          %parallel_loop3A_850 = arith.addf %parallel_loop3A_847, %parallel_loop3A_849 : vector<16xf32>
          %parallel_loop3A_851 = arith.constant 4 : i32
          %parallel_loop3A_852 = arith.constant 5 : i32
          %parallel_loop3A_853 = arith.constant 0 : i32
          %parallel_loop3A_854 = arith.constant 0 : i32
          %parallel_loop3A_855 = arith.constant 0 : i32
          %parallel_loop3A_856 = tpu.memref_slice %run_scoped3A_121[%rem3A_477, %parallel_loop3A_853, %parallel_loop3A_854, %parallel_loop3A_855] : memref<2x7x8x256xf32, #tpu.memory_space<vmem>> -> memref<1x7x8x256xf32, #tpu.memory_space<vmem>>
          %parallel_loop3A_857 = tpu.memref_squeeze %parallel_loop3A_856 : memref<1x7x8x256xf32, #tpu.memory_space<vmem>> -> memref<7x8x256xf32, #tpu.memory_space<vmem>>
          %parallel_loop3A_858 = arith.index_cast %parallel_loop3A_851 : i32 to index
          %parallel_loop3A_859 = arith.index_cast %parallel_loop3A_852 : i32 to index
          %parallel_loop3A_860 = arith.index_cast %parallel_loop3A_612 : i32 to index
          %parallel_loop3A_861 = tpu.vector_load %parallel_loop3A_857[%parallel_loop3A_858, %parallel_loop3A_859, %parallel_loop3A_860] {strides = array<i32>} : memref<7x8x256xf32, #tpu.memory_space<vmem>>, vector<16xf32>,
          tpu.vector_store %parallel_loop3A_857[%parallel_loop3A_858, %parallel_loop3A_859, %parallel_loop3A_860], %parallel_loop3A_850 {strides = array<i32>} : memref<7x8x256xf32, #tpu.memory_space<vmem>>, vector<16xf32>,
          %parallel_loop3A_862 = arith.mulf %parallel_loop3A_623, %parallel_loop3A_755 : vector<16xf32>
          %parallel_loop3A_863 = arith.mulf %parallel_loop3A_862, %gather3A_21 : vector<16xf32>
          %parallel_loop3A_864 = arith.mulf %parallel_loop3A_634, %parallel_loop3A_744 : vector<16xf32>
          %parallel_loop3A_865 = arith.mulf %parallel_loop3A_864, %gather3A_45 : vector<16xf32>
          %parallel_loop3A_866 = arith.addf %parallel_loop3A_863, %parallel_loop3A_865 : vector<16xf32>
          %parallel_loop3A_867 = arith.mulf %parallel_loop3A_645, %parallel_loop3A_733 : vector<16xf32>
          %parallel_loop3A_868 = arith.mulf %parallel_loop3A_867, %gather3A_65 : vector<16xf32>
          %parallel_loop3A_869 = arith.addf %parallel_loop3A_866, %parallel_loop3A_868 : vector<16xf32>
          %parallel_loop3A_870 = arith.mulf %parallel_loop3A_656, %parallel_loop3A_722 : vector<16xf32>
          %parallel_loop3A_871 = arith.mulf %parallel_loop3A_870, %gather3A_81 : vector<16xf32>
          %parallel_loop3A_872 = arith.addf %parallel_loop3A_869, %parallel_loop3A_871 : vector<16xf32>
          %parallel_loop3A_873 = arith.mulf %parallel_loop3A_667, %parallel_loop3A_711 : vector<16xf32>
          %parallel_loop3A_874 = arith.mulf %parallel_loop3A_873, %gather3A_93 : vector<16xf32>
          %parallel_loop3A_875 = arith.addf %parallel_loop3A_872, %parallel_loop3A_874 : vector<16xf32>
          %parallel_loop3A_876 = arith.mulf %parallel_loop3A_678, %parallel_loop3A_700 : vector<16xf32>
          %parallel_loop3A_877 = arith.mulf %parallel_loop3A_876, %gather3A_101 : vector<16xf32>
          %parallel_loop3A_878 = arith.addf %parallel_loop3A_875, %parallel_loop3A_877 : vector<16xf32>
          %parallel_loop3A_879 = arith.constant 5 : i32
          %parallel_loop3A_880 = arith.constant 5 : i32
          %parallel_loop3A_881 = arith.constant 0 : i32
          %parallel_loop3A_882 = arith.constant 0 : i32
          %parallel_loop3A_883 = arith.constant 0 : i32
          %parallel_loop3A_884 = tpu.memref_slice %run_scoped3A_121[%rem3A_477, %parallel_loop3A_881, %parallel_loop3A_882, %parallel_loop3A_883] : memref<2x7x8x256xf32, #tpu.memory_space<vmem>> -> memref<1x7x8x256xf32, #tpu.memory_space<vmem>>
          %parallel_loop3A_885 = tpu.memref_squeeze %parallel_loop3A_884 : memref<1x7x8x256xf32, #tpu.memory_space<vmem>> -> memref<7x8x256xf32, #tpu.memory_space<vmem>>
          %parallel_loop3A_886 = arith.index_cast %parallel_loop3A_879 : i32 to index
          %parallel_loop3A_887 = arith.index_cast %parallel_loop3A_880 : i32 to index
          %parallel_loop3A_888 = arith.index_cast %parallel_loop3A_612 : i32 to index
          %parallel_loop3A_889 = tpu.vector_load %parallel_loop3A_885[%parallel_loop3A_886, %parallel_loop3A_887, %parallel_loop3A_888] {strides = array<i32>} : memref<7x8x256xf32, #tpu.memory_space<vmem>>, vector<16xf32>,
          tpu.vector_store %parallel_loop3A_885[%parallel_loop3A_886, %parallel_loop3A_887, %parallel_loop3A_888], %parallel_loop3A_878 {strides = array<i32>} : memref<7x8x256xf32, #tpu.memory_space<vmem>>, vector<16xf32>,
          %parallel_loop3A_890 = arith.mulf %parallel_loop3A_623, %parallel_loop3A_766 : vector<16xf32>
          %parallel_loop3A_891 = arith.mulf %parallel_loop3A_890, %gather3A_25 : vector<16xf32>
          %parallel_loop3A_892 = arith.mulf %parallel_loop3A_634, %parallel_loop3A_755 : vector<16xf32>
          %parallel_loop3A_893 = arith.mulf %parallel_loop3A_892, %gather3A_49 : vector<16xf32>
          %parallel_loop3A_894 = arith.addf %parallel_loop3A_891, %parallel_loop3A_893 : vector<16xf32>
          %parallel_loop3A_895 = arith.mulf %parallel_loop3A_645, %parallel_loop3A_744 : vector<16xf32>
          %parallel_loop3A_896 = arith.mulf %parallel_loop3A_895, %gather3A_69 : vector<16xf32>
          %parallel_loop3A_897 = arith.addf %parallel_loop3A_894, %parallel_loop3A_896 : vector<16xf32>
          %parallel_loop3A_898 = arith.mulf %parallel_loop3A_656, %parallel_loop3A_733 : vector<16xf32>
          %parallel_loop3A_899 = arith.mulf %parallel_loop3A_898, %gather3A_85 : vector<16xf32>
          %parallel_loop3A_900 = arith.addf %parallel_loop3A_897, %parallel_loop3A_899 : vector<16xf32>
          %parallel_loop3A_901 = arith.mulf %parallel_loop3A_667, %parallel_loop3A_722 : vector<16xf32>
          %parallel_loop3A_902 = arith.mulf %parallel_loop3A_901, %gather3A_97 : vector<16xf32>
          %parallel_loop3A_903 = arith.addf %parallel_loop3A_900, %parallel_loop3A_902 : vector<16xf32>
          %parallel_loop3A_904 = arith.mulf %parallel_loop3A_678, %parallel_loop3A_711 : vector<16xf32>
          %parallel_loop3A_905 = arith.mulf %parallel_loop3A_904, %gather3A_105 : vector<16xf32>
          %parallel_loop3A_906 = arith.addf %parallel_loop3A_903, %parallel_loop3A_905 : vector<16xf32>
          %parallel_loop3A_907 = arith.mulf %parallel_loop3A_689, %parallel_loop3A_700 : vector<16xf32>
          %parallel_loop3A_908 = arith.mulf %parallel_loop3A_907, %gather3A_109 : vector<16xf32>
          %parallel_loop3A_909 = arith.addf %parallel_loop3A_906, %parallel_loop3A_908 : vector<16xf32>
          %parallel_loop3A_910 = arith.constant 6 : i32
          %parallel_loop3A_911 = arith.constant 5 : i32
          %parallel_loop3A_912 = arith.constant 0 : i32
          %parallel_loop3A_913 = arith.constant 0 : i32
          %parallel_loop3A_914 = arith.constant 0 : i32
          %parallel_loop3A_915 = tpu.memref_slice %run_scoped3A_121[%rem3A_477, %parallel_loop3A_912, %parallel_loop3A_913, %parallel_loop3A_914] : memref<2x7x8x256xf32, #tpu.memory_space<vmem>> -> memref<1x7x8x256xf32, #tpu.memory_space<vmem>>
          %parallel_loop3A_916 = tpu.memref_squeeze %parallel_loop3A_915 : memref<1x7x8x256xf32, #tpu.memory_space<vmem>> -> memref<7x8x256xf32, #tpu.memory_space<vmem>>
          %parallel_loop3A_917 = arith.index_cast %parallel_loop3A_910 : i32 to index
          %parallel_loop3A_918 = arith.index_cast %parallel_loop3A_911 : i32 to index
          %parallel_loop3A_919 = arith.index_cast %parallel_loop3A_612 : i32 to index
          %parallel_loop3A_920 = tpu.vector_load %parallel_loop3A_916[%parallel_loop3A_917, %parallel_loop3A_918, %parallel_loop3A_919] {strides = array<i32>} : memref<7x8x256xf32, #tpu.memory_space<vmem>>, vector<16xf32>,
          tpu.vector_store %parallel_loop3A_916[%parallel_loop3A_917, %parallel_loop3A_918, %parallel_loop3A_919], %parallel_loop3A_909 {strides = array<i32>} : memref<7x8x256xf32, #tpu.memory_space<vmem>>, vector<16xf32>,
        } {sc.loop_unroll_factor = 2 : i64, sc.parallel_access}
        %parallel_loop3A_495 = arith.constant 0 : i32
        %parallel_loop3A_496 = arith.constant 256 : i32
        %parallel_loop3A_497 = arith.constant 16 : i32
        scf.for %parallel_loop3A_612 = %parallel_loop3A_495 to %parallel_loop3A_496 step %parallel_loop3A_497  : i32 {
          %parallel_loop3A_613 = arith.constant 0 : i32
          %parallel_loop3A_614 = arith.constant 6 : i32
          %parallel_loop3A_615 = arith.constant 0 : i32
          %parallel_loop3A_616 = arith.constant 0 : i32
          %parallel_loop3A_617 = arith.constant 0 : i32
          %parallel_loop3A_618 = tpu.memref_slice %run_scoped3A[%rem3A_473, %parallel_loop3A_615, %parallel_loop3A_616, %parallel_loop3A_617] : memref<2x7x8x256xf32, #tpu.memory_space<vmem>> -> memref<1x7x8x256xf32, #tpu.memory_space<vmem>>
          %parallel_loop3A_619 = tpu.memref_squeeze %parallel_loop3A_618 : memref<1x7x8x256xf32, #tpu.memory_space<vmem>> -> memref<7x8x256xf32, #tpu.memory_space<vmem>>
          %parallel_loop3A_620 = arith.index_cast %parallel_loop3A_613 : i32 to index
          %parallel_loop3A_621 = arith.index_cast %parallel_loop3A_614 : i32 to index
          %parallel_loop3A_622 = arith.index_cast %parallel_loop3A_612 : i32 to index
          %parallel_loop3A_623 = tpu.vector_load %parallel_loop3A_619[%parallel_loop3A_620, %parallel_loop3A_621, %parallel_loop3A_622] {strides = array<i32>} : memref<7x8x256xf32, #tpu.memory_space<vmem>>, vector<16xf32>,
          %parallel_loop3A_624 = arith.constant 1 : i32
          %parallel_loop3A_625 = arith.constant 6 : i32
          %parallel_loop3A_626 = arith.constant 0 : i32
          %parallel_loop3A_627 = arith.constant 0 : i32
          %parallel_loop3A_628 = arith.constant 0 : i32
          %parallel_loop3A_629 = tpu.memref_slice %run_scoped3A[%rem3A_473, %parallel_loop3A_626, %parallel_loop3A_627, %parallel_loop3A_628] : memref<2x7x8x256xf32, #tpu.memory_space<vmem>> -> memref<1x7x8x256xf32, #tpu.memory_space<vmem>>
          %parallel_loop3A_630 = tpu.memref_squeeze %parallel_loop3A_629 : memref<1x7x8x256xf32, #tpu.memory_space<vmem>> -> memref<7x8x256xf32, #tpu.memory_space<vmem>>
          %parallel_loop3A_631 = arith.index_cast %parallel_loop3A_624 : i32 to index
          %parallel_loop3A_632 = arith.index_cast %parallel_loop3A_625 : i32 to index
          %parallel_loop3A_633 = arith.index_cast %parallel_loop3A_612 : i32 to index
          %parallel_loop3A_634 = tpu.vector_load %parallel_loop3A_630[%parallel_loop3A_631, %parallel_loop3A_632, %parallel_loop3A_633] {strides = array<i32>} : memref<7x8x256xf32, #tpu.memory_space<vmem>>, vector<16xf32>,
          %parallel_loop3A_635 = arith.constant 2 : i32
          %parallel_loop3A_636 = arith.constant 6 : i32
          %parallel_loop3A_637 = arith.constant 0 : i32
          %parallel_loop3A_638 = arith.constant 0 : i32
          %parallel_loop3A_639 = arith.constant 0 : i32
          %parallel_loop3A_640 = tpu.memref_slice %run_scoped3A[%rem3A_473, %parallel_loop3A_637, %parallel_loop3A_638, %parallel_loop3A_639] : memref<2x7x8x256xf32, #tpu.memory_space<vmem>> -> memref<1x7x8x256xf32, #tpu.memory_space<vmem>>
          %parallel_loop3A_641 = tpu.memref_squeeze %parallel_loop3A_640 : memref<1x7x8x256xf32, #tpu.memory_space<vmem>> -> memref<7x8x256xf32, #tpu.memory_space<vmem>>
          %parallel_loop3A_642 = arith.index_cast %parallel_loop3A_635 : i32 to index
          %parallel_loop3A_643 = arith.index_cast %parallel_loop3A_636 : i32 to index
          %parallel_loop3A_644 = arith.index_cast %parallel_loop3A_612 : i32 to index
          %parallel_loop3A_645 = tpu.vector_load %parallel_loop3A_641[%parallel_loop3A_642, %parallel_loop3A_643, %parallel_loop3A_644] {strides = array<i32>} : memref<7x8x256xf32, #tpu.memory_space<vmem>>, vector<16xf32>,
          %parallel_loop3A_646 = arith.constant 3 : i32
          %parallel_loop3A_647 = arith.constant 6 : i32
          %parallel_loop3A_648 = arith.constant 0 : i32
          %parallel_loop3A_649 = arith.constant 0 : i32
          %parallel_loop3A_650 = arith.constant 0 : i32
          %parallel_loop3A_651 = tpu.memref_slice %run_scoped3A[%rem3A_473, %parallel_loop3A_648, %parallel_loop3A_649, %parallel_loop3A_650] : memref<2x7x8x256xf32, #tpu.memory_space<vmem>> -> memref<1x7x8x256xf32, #tpu.memory_space<vmem>>
          %parallel_loop3A_652 = tpu.memref_squeeze %parallel_loop3A_651 : memref<1x7x8x256xf32, #tpu.memory_space<vmem>> -> memref<7x8x256xf32, #tpu.memory_space<vmem>>
          %parallel_loop3A_653 = arith.index_cast %parallel_loop3A_646 : i32 to index
          %parallel_loop3A_654 = arith.index_cast %parallel_loop3A_647 : i32 to index
          %parallel_loop3A_655 = arith.index_cast %parallel_loop3A_612 : i32 to index
          %parallel_loop3A_656 = tpu.vector_load %parallel_loop3A_652[%parallel_loop3A_653, %parallel_loop3A_654, %parallel_loop3A_655] {strides = array<i32>} : memref<7x8x256xf32, #tpu.memory_space<vmem>>, vector<16xf32>,
          %parallel_loop3A_657 = arith.constant 4 : i32
          %parallel_loop3A_658 = arith.constant 6 : i32
          %parallel_loop3A_659 = arith.constant 0 : i32
          %parallel_loop3A_660 = arith.constant 0 : i32
          %parallel_loop3A_661 = arith.constant 0 : i32
          %parallel_loop3A_662 = tpu.memref_slice %run_scoped3A[%rem3A_473, %parallel_loop3A_659, %parallel_loop3A_660, %parallel_loop3A_661] : memref<2x7x8x256xf32, #tpu.memory_space<vmem>> -> memref<1x7x8x256xf32, #tpu.memory_space<vmem>>
          %parallel_loop3A_663 = tpu.memref_squeeze %parallel_loop3A_662 : memref<1x7x8x256xf32, #tpu.memory_space<vmem>> -> memref<7x8x256xf32, #tpu.memory_space<vmem>>
          %parallel_loop3A_664 = arith.index_cast %parallel_loop3A_657 : i32 to index
          %parallel_loop3A_665 = arith.index_cast %parallel_loop3A_658 : i32 to index
          %parallel_loop3A_666 = arith.index_cast %parallel_loop3A_612 : i32 to index
          %parallel_loop3A_667 = tpu.vector_load %parallel_loop3A_663[%parallel_loop3A_664, %parallel_loop3A_665, %parallel_loop3A_666] {strides = array<i32>} : memref<7x8x256xf32, #tpu.memory_space<vmem>>, vector<16xf32>,
          %parallel_loop3A_668 = arith.constant 5 : i32
          %parallel_loop3A_669 = arith.constant 6 : i32
          %parallel_loop3A_670 = arith.constant 0 : i32
          %parallel_loop3A_671 = arith.constant 0 : i32
          %parallel_loop3A_672 = arith.constant 0 : i32
          %parallel_loop3A_673 = tpu.memref_slice %run_scoped3A[%rem3A_473, %parallel_loop3A_670, %parallel_loop3A_671, %parallel_loop3A_672] : memref<2x7x8x256xf32, #tpu.memory_space<vmem>> -> memref<1x7x8x256xf32, #tpu.memory_space<vmem>>
          %parallel_loop3A_674 = tpu.memref_squeeze %parallel_loop3A_673 : memref<1x7x8x256xf32, #tpu.memory_space<vmem>> -> memref<7x8x256xf32, #tpu.memory_space<vmem>>
          %parallel_loop3A_675 = arith.index_cast %parallel_loop3A_668 : i32 to index
          %parallel_loop3A_676 = arith.index_cast %parallel_loop3A_669 : i32 to index
          %parallel_loop3A_677 = arith.index_cast %parallel_loop3A_612 : i32 to index
          %parallel_loop3A_678 = tpu.vector_load %parallel_loop3A_674[%parallel_loop3A_675, %parallel_loop3A_676, %parallel_loop3A_677] {strides = array<i32>} : memref<7x8x256xf32, #tpu.memory_space<vmem>>, vector<16xf32>,
          %parallel_loop3A_679 = arith.constant 6 : i32
          %parallel_loop3A_680 = arith.constant 6 : i32
          %parallel_loop3A_681 = arith.constant 0 : i32
          %parallel_loop3A_682 = arith.constant 0 : i32
          %parallel_loop3A_683 = arith.constant 0 : i32
          %parallel_loop3A_684 = tpu.memref_slice %run_scoped3A[%rem3A_473, %parallel_loop3A_681, %parallel_loop3A_682, %parallel_loop3A_683] : memref<2x7x8x256xf32, #tpu.memory_space<vmem>> -> memref<1x7x8x256xf32, #tpu.memory_space<vmem>>
          %parallel_loop3A_685 = tpu.memref_squeeze %parallel_loop3A_684 : memref<1x7x8x256xf32, #tpu.memory_space<vmem>> -> memref<7x8x256xf32, #tpu.memory_space<vmem>>
          %parallel_loop3A_686 = arith.index_cast %parallel_loop3A_679 : i32 to index
          %parallel_loop3A_687 = arith.index_cast %parallel_loop3A_680 : i32 to index
          %parallel_loop3A_688 = arith.index_cast %parallel_loop3A_612 : i32 to index
          %parallel_loop3A_689 = tpu.vector_load %parallel_loop3A_685[%parallel_loop3A_686, %parallel_loop3A_687, %parallel_loop3A_688] {strides = array<i32>} : memref<7x8x256xf32, #tpu.memory_space<vmem>>, vector<16xf32>,
          %parallel_loop3A_690 = arith.constant 0 : i32
          %parallel_loop3A_691 = arith.constant 6 : i32
          %parallel_loop3A_692 = arith.constant 0 : i32
          %parallel_loop3A_693 = arith.constant 0 : i32
          %parallel_loop3A_694 = arith.constant 0 : i32
          %parallel_loop3A_695 = tpu.memref_slice %run_scoped3A_119[%rem3A_475, %parallel_loop3A_692, %parallel_loop3A_693, %parallel_loop3A_694] : memref<2x7x8x256xf32, #tpu.memory_space<vmem>> -> memref<1x7x8x256xf32, #tpu.memory_space<vmem>>
          %parallel_loop3A_696 = tpu.memref_squeeze %parallel_loop3A_695 : memref<1x7x8x256xf32, #tpu.memory_space<vmem>> -> memref<7x8x256xf32, #tpu.memory_space<vmem>>
          %parallel_loop3A_697 = arith.index_cast %parallel_loop3A_690 : i32 to index
          %parallel_loop3A_698 = arith.index_cast %parallel_loop3A_691 : i32 to index
          %parallel_loop3A_699 = arith.index_cast %parallel_loop3A_612 : i32 to index
          %parallel_loop3A_700 = tpu.vector_load %parallel_loop3A_696[%parallel_loop3A_697, %parallel_loop3A_698, %parallel_loop3A_699] {strides = array<i32>} : memref<7x8x256xf32, #tpu.memory_space<vmem>>, vector<16xf32>,
          %parallel_loop3A_701 = arith.constant 1 : i32
          %parallel_loop3A_702 = arith.constant 6 : i32
          %parallel_loop3A_703 = arith.constant 0 : i32
          %parallel_loop3A_704 = arith.constant 0 : i32
          %parallel_loop3A_705 = arith.constant 0 : i32
          %parallel_loop3A_706 = tpu.memref_slice %run_scoped3A_119[%rem3A_475, %parallel_loop3A_703, %parallel_loop3A_704, %parallel_loop3A_705] : memref<2x7x8x256xf32, #tpu.memory_space<vmem>> -> memref<1x7x8x256xf32, #tpu.memory_space<vmem>>
          %parallel_loop3A_707 = tpu.memref_squeeze %parallel_loop3A_706 : memref<1x7x8x256xf32, #tpu.memory_space<vmem>> -> memref<7x8x256xf32, #tpu.memory_space<vmem>>
          %parallel_loop3A_708 = arith.index_cast %parallel_loop3A_701 : i32 to index
          %parallel_loop3A_709 = arith.index_cast %parallel_loop3A_702 : i32 to index
          %parallel_loop3A_710 = arith.index_cast %parallel_loop3A_612 : i32 to index
          %parallel_loop3A_711 = tpu.vector_load %parallel_loop3A_707[%parallel_loop3A_708, %parallel_loop3A_709, %parallel_loop3A_710] {strides = array<i32>} : memref<7x8x256xf32, #tpu.memory_space<vmem>>, vector<16xf32>,
          %parallel_loop3A_712 = arith.constant 2 : i32
          %parallel_loop3A_713 = arith.constant 6 : i32
          %parallel_loop3A_714 = arith.constant 0 : i32
          %parallel_loop3A_715 = arith.constant 0 : i32
          %parallel_loop3A_716 = arith.constant 0 : i32
          %parallel_loop3A_717 = tpu.memref_slice %run_scoped3A_119[%rem3A_475, %parallel_loop3A_714, %parallel_loop3A_715, %parallel_loop3A_716] : memref<2x7x8x256xf32, #tpu.memory_space<vmem>> -> memref<1x7x8x256xf32, #tpu.memory_space<vmem>>
          %parallel_loop3A_718 = tpu.memref_squeeze %parallel_loop3A_717 : memref<1x7x8x256xf32, #tpu.memory_space<vmem>> -> memref<7x8x256xf32, #tpu.memory_space<vmem>>
          %parallel_loop3A_719 = arith.index_cast %parallel_loop3A_712 : i32 to index
          %parallel_loop3A_720 = arith.index_cast %parallel_loop3A_713 : i32 to index
          %parallel_loop3A_721 = arith.index_cast %parallel_loop3A_612 : i32 to index
          %parallel_loop3A_722 = tpu.vector_load %parallel_loop3A_718[%parallel_loop3A_719, %parallel_loop3A_720, %parallel_loop3A_721] {strides = array<i32>} : memref<7x8x256xf32, #tpu.memory_space<vmem>>, vector<16xf32>,
          %parallel_loop3A_723 = arith.constant 3 : i32
          %parallel_loop3A_724 = arith.constant 6 : i32
          %parallel_loop3A_725 = arith.constant 0 : i32
          %parallel_loop3A_726 = arith.constant 0 : i32
          %parallel_loop3A_727 = arith.constant 0 : i32
          %parallel_loop3A_728 = tpu.memref_slice %run_scoped3A_119[%rem3A_475, %parallel_loop3A_725, %parallel_loop3A_726, %parallel_loop3A_727] : memref<2x7x8x256xf32, #tpu.memory_space<vmem>> -> memref<1x7x8x256xf32, #tpu.memory_space<vmem>>
          %parallel_loop3A_729 = tpu.memref_squeeze %parallel_loop3A_728 : memref<1x7x8x256xf32, #tpu.memory_space<vmem>> -> memref<7x8x256xf32, #tpu.memory_space<vmem>>
          %parallel_loop3A_730 = arith.index_cast %parallel_loop3A_723 : i32 to index
          %parallel_loop3A_731 = arith.index_cast %parallel_loop3A_724 : i32 to index
          %parallel_loop3A_732 = arith.index_cast %parallel_loop3A_612 : i32 to index
          %parallel_loop3A_733 = tpu.vector_load %parallel_loop3A_729[%parallel_loop3A_730, %parallel_loop3A_731, %parallel_loop3A_732] {strides = array<i32>} : memref<7x8x256xf32, #tpu.memory_space<vmem>>, vector<16xf32>,
          %parallel_loop3A_734 = arith.constant 4 : i32
          %parallel_loop3A_735 = arith.constant 6 : i32
          %parallel_loop3A_736 = arith.constant 0 : i32
          %parallel_loop3A_737 = arith.constant 0 : i32
          %parallel_loop3A_738 = arith.constant 0 : i32
          %parallel_loop3A_739 = tpu.memref_slice %run_scoped3A_119[%rem3A_475, %parallel_loop3A_736, %parallel_loop3A_737, %parallel_loop3A_738] : memref<2x7x8x256xf32, #tpu.memory_space<vmem>> -> memref<1x7x8x256xf32, #tpu.memory_space<vmem>>
          %parallel_loop3A_740 = tpu.memref_squeeze %parallel_loop3A_739 : memref<1x7x8x256xf32, #tpu.memory_space<vmem>> -> memref<7x8x256xf32, #tpu.memory_space<vmem>>
          %parallel_loop3A_741 = arith.index_cast %parallel_loop3A_734 : i32 to index
          %parallel_loop3A_742 = arith.index_cast %parallel_loop3A_735 : i32 to index
          %parallel_loop3A_743 = arith.index_cast %parallel_loop3A_612 : i32 to index
          %parallel_loop3A_744 = tpu.vector_load %parallel_loop3A_740[%parallel_loop3A_741, %parallel_loop3A_742, %parallel_loop3A_743] {strides = array<i32>} : memref<7x8x256xf32, #tpu.memory_space<vmem>>, vector<16xf32>,
          %parallel_loop3A_745 = arith.constant 5 : i32
          %parallel_loop3A_746 = arith.constant 6 : i32
          %parallel_loop3A_747 = arith.constant 0 : i32
          %parallel_loop3A_748 = arith.constant 0 : i32
          %parallel_loop3A_749 = arith.constant 0 : i32
          %parallel_loop3A_750 = tpu.memref_slice %run_scoped3A_119[%rem3A_475, %parallel_loop3A_747, %parallel_loop3A_748, %parallel_loop3A_749] : memref<2x7x8x256xf32, #tpu.memory_space<vmem>> -> memref<1x7x8x256xf32, #tpu.memory_space<vmem>>
          %parallel_loop3A_751 = tpu.memref_squeeze %parallel_loop3A_750 : memref<1x7x8x256xf32, #tpu.memory_space<vmem>> -> memref<7x8x256xf32, #tpu.memory_space<vmem>>
          %parallel_loop3A_752 = arith.index_cast %parallel_loop3A_745 : i32 to index
          %parallel_loop3A_753 = arith.index_cast %parallel_loop3A_746 : i32 to index
          %parallel_loop3A_754 = arith.index_cast %parallel_loop3A_612 : i32 to index
          %parallel_loop3A_755 = tpu.vector_load %parallel_loop3A_751[%parallel_loop3A_752, %parallel_loop3A_753, %parallel_loop3A_754] {strides = array<i32>} : memref<7x8x256xf32, #tpu.memory_space<vmem>>, vector<16xf32>,
          %parallel_loop3A_756 = arith.constant 6 : i32
          %parallel_loop3A_757 = arith.constant 6 : i32
          %parallel_loop3A_758 = arith.constant 0 : i32
          %parallel_loop3A_759 = arith.constant 0 : i32
          %parallel_loop3A_760 = arith.constant 0 : i32
          %parallel_loop3A_761 = tpu.memref_slice %run_scoped3A_119[%rem3A_475, %parallel_loop3A_758, %parallel_loop3A_759, %parallel_loop3A_760] : memref<2x7x8x256xf32, #tpu.memory_space<vmem>> -> memref<1x7x8x256xf32, #tpu.memory_space<vmem>>
          %parallel_loop3A_762 = tpu.memref_squeeze %parallel_loop3A_761 : memref<1x7x8x256xf32, #tpu.memory_space<vmem>> -> memref<7x8x256xf32, #tpu.memory_space<vmem>>
          %parallel_loop3A_763 = arith.index_cast %parallel_loop3A_756 : i32 to index
          %parallel_loop3A_764 = arith.index_cast %parallel_loop3A_757 : i32 to index
          %parallel_loop3A_765 = arith.index_cast %parallel_loop3A_612 : i32 to index
          %parallel_loop3A_766 = tpu.vector_load %parallel_loop3A_762[%parallel_loop3A_763, %parallel_loop3A_764, %parallel_loop3A_765] {strides = array<i32>} : memref<7x8x256xf32, #tpu.memory_space<vmem>>, vector<16xf32>,
          %parallel_loop3A_767 = arith.mulf %parallel_loop3A_623, %parallel_loop3A_700 : vector<16xf32>
          %parallel_loop3A_768 = arith.mulf %parallel_loop3A_767, %gather3A : vector<16xf32>
          %parallel_loop3A_769 = arith.constant 0 : i32
          %parallel_loop3A_770 = arith.constant 6 : i32
          %parallel_loop3A_771 = arith.constant 0 : i32
          %parallel_loop3A_772 = arith.constant 0 : i32
          %parallel_loop3A_773 = arith.constant 0 : i32
          %parallel_loop3A_774 = tpu.memref_slice %run_scoped3A_121[%rem3A_477, %parallel_loop3A_771, %parallel_loop3A_772, %parallel_loop3A_773] : memref<2x7x8x256xf32, #tpu.memory_space<vmem>> -> memref<1x7x8x256xf32, #tpu.memory_space<vmem>>
          %parallel_loop3A_775 = tpu.memref_squeeze %parallel_loop3A_774 : memref<1x7x8x256xf32, #tpu.memory_space<vmem>> -> memref<7x8x256xf32, #tpu.memory_space<vmem>>
          %parallel_loop3A_776 = arith.index_cast %parallel_loop3A_769 : i32 to index
          %parallel_loop3A_777 = arith.index_cast %parallel_loop3A_770 : i32 to index
          %parallel_loop3A_778 = arith.index_cast %parallel_loop3A_612 : i32 to index
          %parallel_loop3A_779 = tpu.vector_load %parallel_loop3A_775[%parallel_loop3A_776, %parallel_loop3A_777, %parallel_loop3A_778] {strides = array<i32>} : memref<7x8x256xf32, #tpu.memory_space<vmem>>, vector<16xf32>,
          tpu.vector_store %parallel_loop3A_775[%parallel_loop3A_776, %parallel_loop3A_777, %parallel_loop3A_778], %parallel_loop3A_768 {strides = array<i32>} : memref<7x8x256xf32, #tpu.memory_space<vmem>>, vector<16xf32>,
          %parallel_loop3A_780 = arith.mulf %parallel_loop3A_623, %parallel_loop3A_711 : vector<16xf32>
          %parallel_loop3A_781 = arith.mulf %parallel_loop3A_780, %gather3A_5 : vector<16xf32>
          %parallel_loop3A_782 = arith.mulf %parallel_loop3A_634, %parallel_loop3A_700 : vector<16xf32>
          %parallel_loop3A_783 = arith.mulf %parallel_loop3A_782, %gather3A_29 : vector<16xf32>
          %parallel_loop3A_784 = arith.addf %parallel_loop3A_781, %parallel_loop3A_783 : vector<16xf32>
          %parallel_loop3A_785 = arith.constant 1 : i32
          %parallel_loop3A_786 = arith.constant 6 : i32
          %parallel_loop3A_787 = arith.constant 0 : i32
          %parallel_loop3A_788 = arith.constant 0 : i32
          %parallel_loop3A_789 = arith.constant 0 : i32
          %parallel_loop3A_790 = tpu.memref_slice %run_scoped3A_121[%rem3A_477, %parallel_loop3A_787, %parallel_loop3A_788, %parallel_loop3A_789] : memref<2x7x8x256xf32, #tpu.memory_space<vmem>> -> memref<1x7x8x256xf32, #tpu.memory_space<vmem>>
          %parallel_loop3A_791 = tpu.memref_squeeze %parallel_loop3A_790 : memref<1x7x8x256xf32, #tpu.memory_space<vmem>> -> memref<7x8x256xf32, #tpu.memory_space<vmem>>
          %parallel_loop3A_792 = arith.index_cast %parallel_loop3A_785 : i32 to index
          %parallel_loop3A_793 = arith.index_cast %parallel_loop3A_786 : i32 to index
          %parallel_loop3A_794 = arith.index_cast %parallel_loop3A_612 : i32 to index
          %parallel_loop3A_795 = tpu.vector_load %parallel_loop3A_791[%parallel_loop3A_792, %parallel_loop3A_793, %parallel_loop3A_794] {strides = array<i32>} : memref<7x8x256xf32, #tpu.memory_space<vmem>>, vector<16xf32>,
          tpu.vector_store %parallel_loop3A_791[%parallel_loop3A_792, %parallel_loop3A_793, %parallel_loop3A_794], %parallel_loop3A_784 {strides = array<i32>} : memref<7x8x256xf32, #tpu.memory_space<vmem>>, vector<16xf32>,
          %parallel_loop3A_796 = arith.mulf %parallel_loop3A_623, %parallel_loop3A_722 : vector<16xf32>
          %parallel_loop3A_797 = arith.mulf %parallel_loop3A_796, %gather3A_9 : vector<16xf32>
          %parallel_loop3A_798 = arith.mulf %parallel_loop3A_634, %parallel_loop3A_711 : vector<16xf32>
          %parallel_loop3A_799 = arith.mulf %parallel_loop3A_798, %gather3A_33 : vector<16xf32>
          %parallel_loop3A_800 = arith.addf %parallel_loop3A_797, %parallel_loop3A_799 : vector<16xf32>
          %parallel_loop3A_801 = arith.mulf %parallel_loop3A_645, %parallel_loop3A_700 : vector<16xf32>
          %parallel_loop3A_802 = arith.mulf %parallel_loop3A_801, %gather3A_53 : vector<16xf32>
          %parallel_loop3A_803 = arith.addf %parallel_loop3A_800, %parallel_loop3A_802 : vector<16xf32>
          %parallel_loop3A_804 = arith.constant 2 : i32
          %parallel_loop3A_805 = arith.constant 6 : i32
          %parallel_loop3A_806 = arith.constant 0 : i32
          %parallel_loop3A_807 = arith.constant 0 : i32
          %parallel_loop3A_808 = arith.constant 0 : i32
          %parallel_loop3A_809 = tpu.memref_slice %run_scoped3A_121[%rem3A_477, %parallel_loop3A_806, %parallel_loop3A_807, %parallel_loop3A_808] : memref<2x7x8x256xf32, #tpu.memory_space<vmem>> -> memref<1x7x8x256xf32, #tpu.memory_space<vmem>>
          %parallel_loop3A_810 = tpu.memref_squeeze %parallel_loop3A_809 : memref<1x7x8x256xf32, #tpu.memory_space<vmem>> -> memref<7x8x256xf32, #tpu.memory_space<vmem>>
          %parallel_loop3A_811 = arith.index_cast %parallel_loop3A_804 : i32 to index
          %parallel_loop3A_812 = arith.index_cast %parallel_loop3A_805 : i32 to index
          %parallel_loop3A_813 = arith.index_cast %parallel_loop3A_612 : i32 to index
          %parallel_loop3A_814 = tpu.vector_load %parallel_loop3A_810[%parallel_loop3A_811, %parallel_loop3A_812, %parallel_loop3A_813] {strides = array<i32>} : memref<7x8x256xf32, #tpu.memory_space<vmem>>, vector<16xf32>,
          tpu.vector_store %parallel_loop3A_810[%parallel_loop3A_811, %parallel_loop3A_812, %parallel_loop3A_813], %parallel_loop3A_803 {strides = array<i32>} : memref<7x8x256xf32, #tpu.memory_space<vmem>>, vector<16xf32>,
          %parallel_loop3A_815 = arith.mulf %parallel_loop3A_623, %parallel_loop3A_733 : vector<16xf32>
          %parallel_loop3A_816 = arith.mulf %parallel_loop3A_815, %gather3A_13 : vector<16xf32>
          %parallel_loop3A_817 = arith.mulf %parallel_loop3A_634, %parallel_loop3A_722 : vector<16xf32>
          %parallel_loop3A_818 = arith.mulf %parallel_loop3A_817, %gather3A_37 : vector<16xf32>
          %parallel_loop3A_819 = arith.addf %parallel_loop3A_816, %parallel_loop3A_818 : vector<16xf32>
          %parallel_loop3A_820 = arith.mulf %parallel_loop3A_645, %parallel_loop3A_711 : vector<16xf32>
          %parallel_loop3A_821 = arith.mulf %parallel_loop3A_820, %gather3A_57 : vector<16xf32>
          %parallel_loop3A_822 = arith.addf %parallel_loop3A_819, %parallel_loop3A_821 : vector<16xf32>
          %parallel_loop3A_823 = arith.mulf %parallel_loop3A_656, %parallel_loop3A_700 : vector<16xf32>
          %parallel_loop3A_824 = arith.mulf %parallel_loop3A_823, %gather3A_73 : vector<16xf32>
          %parallel_loop3A_825 = arith.addf %parallel_loop3A_822, %parallel_loop3A_824 : vector<16xf32>
          %parallel_loop3A_826 = arith.constant 3 : i32
          %parallel_loop3A_827 = arith.constant 6 : i32
          %parallel_loop3A_828 = arith.constant 0 : i32
          %parallel_loop3A_829 = arith.constant 0 : i32
          %parallel_loop3A_830 = arith.constant 0 : i32
          %parallel_loop3A_831 = tpu.memref_slice %run_scoped3A_121[%rem3A_477, %parallel_loop3A_828, %parallel_loop3A_829, %parallel_loop3A_830] : memref<2x7x8x256xf32, #tpu.memory_space<vmem>> -> memref<1x7x8x256xf32, #tpu.memory_space<vmem>>
          %parallel_loop3A_832 = tpu.memref_squeeze %parallel_loop3A_831 : memref<1x7x8x256xf32, #tpu.memory_space<vmem>> -> memref<7x8x256xf32, #tpu.memory_space<vmem>>
          %parallel_loop3A_833 = arith.index_cast %parallel_loop3A_826 : i32 to index
          %parallel_loop3A_834 = arith.index_cast %parallel_loop3A_827 : i32 to index
          %parallel_loop3A_835 = arith.index_cast %parallel_loop3A_612 : i32 to index
          %parallel_loop3A_836 = tpu.vector_load %parallel_loop3A_832[%parallel_loop3A_833, %parallel_loop3A_834, %parallel_loop3A_835] {strides = array<i32>} : memref<7x8x256xf32, #tpu.memory_space<vmem>>, vector<16xf32>,
          tpu.vector_store %parallel_loop3A_832[%parallel_loop3A_833, %parallel_loop3A_834, %parallel_loop3A_835], %parallel_loop3A_825 {strides = array<i32>} : memref<7x8x256xf32, #tpu.memory_space<vmem>>, vector<16xf32>,
          %parallel_loop3A_837 = arith.mulf %parallel_loop3A_623, %parallel_loop3A_744 : vector<16xf32>
          %parallel_loop3A_838 = arith.mulf %parallel_loop3A_837, %gather3A_17 : vector<16xf32>
          %parallel_loop3A_839 = arith.mulf %parallel_loop3A_634, %parallel_loop3A_733 : vector<16xf32>
          %parallel_loop3A_840 = arith.mulf %parallel_loop3A_839, %gather3A_41 : vector<16xf32>
          %parallel_loop3A_841 = arith.addf %parallel_loop3A_838, %parallel_loop3A_840 : vector<16xf32>
          %parallel_loop3A_842 = arith.mulf %parallel_loop3A_645, %parallel_loop3A_722 : vector<16xf32>
          %parallel_loop3A_843 = arith.mulf %parallel_loop3A_842, %gather3A_61 : vector<16xf32>
          %parallel_loop3A_844 = arith.addf %parallel_loop3A_841, %parallel_loop3A_843 : vector<16xf32>
          %parallel_loop3A_845 = arith.mulf %parallel_loop3A_656, %parallel_loop3A_711 : vector<16xf32>
          %parallel_loop3A_846 = arith.mulf %parallel_loop3A_845, %gather3A_77 : vector<16xf32>
          %parallel_loop3A_847 = arith.addf %parallel_loop3A_844, %parallel_loop3A_846 : vector<16xf32>
          %parallel_loop3A_848 = arith.mulf %parallel_loop3A_667, %parallel_loop3A_700 : vector<16xf32>
          %parallel_loop3A_849 = arith.mulf %parallel_loop3A_848, %gather3A_89 : vector<16xf32>
          %parallel_loop3A_850 = arith.addf %parallel_loop3A_847, %parallel_loop3A_849 : vector<16xf32>
          %parallel_loop3A_851 = arith.constant 4 : i32
          %parallel_loop3A_852 = arith.constant 6 : i32
          %parallel_loop3A_853 = arith.constant 0 : i32
          %parallel_loop3A_854 = arith.constant 0 : i32
          %parallel_loop3A_855 = arith.constant 0 : i32
          %parallel_loop3A_856 = tpu.memref_slice %run_scoped3A_121[%rem3A_477, %parallel_loop3A_853, %parallel_loop3A_854, %parallel_loop3A_855] : memref<2x7x8x256xf32, #tpu.memory_space<vmem>> -> memref<1x7x8x256xf32, #tpu.memory_space<vmem>>
          %parallel_loop3A_857 = tpu.memref_squeeze %parallel_loop3A_856 : memref<1x7x8x256xf32, #tpu.memory_space<vmem>> -> memref<7x8x256xf32, #tpu.memory_space<vmem>>
          %parallel_loop3A_858 = arith.index_cast %parallel_loop3A_851 : i32 to index
          %parallel_loop3A_859 = arith.index_cast %parallel_loop3A_852 : i32 to index
          %parallel_loop3A_860 = arith.index_cast %parallel_loop3A_612 : i32 to index
          %parallel_loop3A_861 = tpu.vector_load %parallel_loop3A_857[%parallel_loop3A_858, %parallel_loop3A_859, %parallel_loop3A_860] {strides = array<i32>} : memref<7x8x256xf32, #tpu.memory_space<vmem>>, vector<16xf32>,
          tpu.vector_store %parallel_loop3A_857[%parallel_loop3A_858, %parallel_loop3A_859, %parallel_loop3A_860], %parallel_loop3A_850 {strides = array<i32>} : memref<7x8x256xf32, #tpu.memory_space<vmem>>, vector<16xf32>,
          %parallel_loop3A_862 = arith.mulf %parallel_loop3A_623, %parallel_loop3A_755 : vector<16xf32>
          %parallel_loop3A_863 = arith.mulf %parallel_loop3A_862, %gather3A_21 : vector<16xf32>
          %parallel_loop3A_864 = arith.mulf %parallel_loop3A_634, %parallel_loop3A_744 : vector<16xf32>
          %parallel_loop3A_865 = arith.mulf %parallel_loop3A_864, %gather3A_45 : vector<16xf32>
          %parallel_loop3A_866 = arith.addf %parallel_loop3A_863, %parallel_loop3A_865 : vector<16xf32>
          %parallel_loop3A_867 = arith.mulf %parallel_loop3A_645, %parallel_loop3A_733 : vector<16xf32>
          %parallel_loop3A_868 = arith.mulf %parallel_loop3A_867, %gather3A_65 : vector<16xf32>
          %parallel_loop3A_869 = arith.addf %parallel_loop3A_866, %parallel_loop3A_868 : vector<16xf32>
          %parallel_loop3A_870 = arith.mulf %parallel_loop3A_656, %parallel_loop3A_722 : vector<16xf32>
          %parallel_loop3A_871 = arith.mulf %parallel_loop3A_870, %gather3A_81 : vector<16xf32>
          %parallel_loop3A_872 = arith.addf %parallel_loop3A_869, %parallel_loop3A_871 : vector<16xf32>
          %parallel_loop3A_873 = arith.mulf %parallel_loop3A_667, %parallel_loop3A_711 : vector<16xf32>
          %parallel_loop3A_874 = arith.mulf %parallel_loop3A_873, %gather3A_93 : vector<16xf32>
          %parallel_loop3A_875 = arith.addf %parallel_loop3A_872, %parallel_loop3A_874 : vector<16xf32>
          %parallel_loop3A_876 = arith.mulf %parallel_loop3A_678, %parallel_loop3A_700 : vector<16xf32>
          %parallel_loop3A_877 = arith.mulf %parallel_loop3A_876, %gather3A_101 : vector<16xf32>
          %parallel_loop3A_878 = arith.addf %parallel_loop3A_875, %parallel_loop3A_877 : vector<16xf32>
          %parallel_loop3A_879 = arith.constant 5 : i32
          %parallel_loop3A_880 = arith.constant 6 : i32
          %parallel_loop3A_881 = arith.constant 0 : i32
          %parallel_loop3A_882 = arith.constant 0 : i32
          %parallel_loop3A_883 = arith.constant 0 : i32
          %parallel_loop3A_884 = tpu.memref_slice %run_scoped3A_121[%rem3A_477, %parallel_loop3A_881, %parallel_loop3A_882, %parallel_loop3A_883] : memref<2x7x8x256xf32, #tpu.memory_space<vmem>> -> memref<1x7x8x256xf32, #tpu.memory_space<vmem>>
          %parallel_loop3A_885 = tpu.memref_squeeze %parallel_loop3A_884 : memref<1x7x8x256xf32, #tpu.memory_space<vmem>> -> memref<7x8x256xf32, #tpu.memory_space<vmem>>
          %parallel_loop3A_886 = arith.index_cast %parallel_loop3A_879 : i32 to index
          %parallel_loop3A_887 = arith.index_cast %parallel_loop3A_880 : i32 to index
          %parallel_loop3A_888 = arith.index_cast %parallel_loop3A_612 : i32 to index
          %parallel_loop3A_889 = tpu.vector_load %parallel_loop3A_885[%parallel_loop3A_886, %parallel_loop3A_887, %parallel_loop3A_888] {strides = array<i32>} : memref<7x8x256xf32, #tpu.memory_space<vmem>>, vector<16xf32>,
          tpu.vector_store %parallel_loop3A_885[%parallel_loop3A_886, %parallel_loop3A_887, %parallel_loop3A_888], %parallel_loop3A_878 {strides = array<i32>} : memref<7x8x256xf32, #tpu.memory_space<vmem>>, vector<16xf32>,
          %parallel_loop3A_890 = arith.mulf %parallel_loop3A_623, %parallel_loop3A_766 : vector<16xf32>
          %parallel_loop3A_891 = arith.mulf %parallel_loop3A_890, %gather3A_25 : vector<16xf32>
          %parallel_loop3A_892 = arith.mulf %parallel_loop3A_634, %parallel_loop3A_755 : vector<16xf32>
          %parallel_loop3A_893 = arith.mulf %parallel_loop3A_892, %gather3A_49 : vector<16xf32>
          %parallel_loop3A_894 = arith.addf %parallel_loop3A_891, %parallel_loop3A_893 : vector<16xf32>
          %parallel_loop3A_895 = arith.mulf %parallel_loop3A_645, %parallel_loop3A_744 : vector<16xf32>
          %parallel_loop3A_896 = arith.mulf %parallel_loop3A_895, %gather3A_69 : vector<16xf32>
          %parallel_loop3A_897 = arith.addf %parallel_loop3A_894, %parallel_loop3A_896 : vector<16xf32>
          %parallel_loop3A_898 = arith.mulf %parallel_loop3A_656, %parallel_loop3A_733 : vector<16xf32>
          %parallel_loop3A_899 = arith.mulf %parallel_loop3A_898, %gather3A_85 : vector<16xf32>
          %parallel_loop3A_900 = arith.addf %parallel_loop3A_897, %parallel_loop3A_899 : vector<16xf32>
          %parallel_loop3A_901 = arith.mulf %parallel_loop3A_667, %parallel_loop3A_722 : vector<16xf32>
          %parallel_loop3A_902 = arith.mulf %parallel_loop3A_901, %gather3A_97 : vector<16xf32>
          %parallel_loop3A_903 = arith.addf %parallel_loop3A_900, %parallel_loop3A_902 : vector<16xf32>
          %parallel_loop3A_904 = arith.mulf %parallel_loop3A_678, %parallel_loop3A_711 : vector<16xf32>
          %parallel_loop3A_905 = arith.mulf %parallel_loop3A_904, %gather3A_105 : vector<16xf32>
          %parallel_loop3A_906 = arith.addf %parallel_loop3A_903, %parallel_loop3A_905 : vector<16xf32>
          %parallel_loop3A_907 = arith.mulf %parallel_loop3A_689, %parallel_loop3A_700 : vector<16xf32>
          %parallel_loop3A_908 = arith.mulf %parallel_loop3A_907, %gather3A_109 : vector<16xf32>
          %parallel_loop3A_909 = arith.addf %parallel_loop3A_906, %parallel_loop3A_908 : vector<16xf32>
          %parallel_loop3A_910 = arith.constant 6 : i32
          %parallel_loop3A_911 = arith.constant 6 : i32
          %parallel_loop3A_912 = arith.constant 0 : i32
          %parallel_loop3A_913 = arith.constant 0 : i32
          %parallel_loop3A_914 = arith.constant 0 : i32
          %parallel_loop3A_915 = tpu.memref_slice %run_scoped3A_121[%rem3A_477, %parallel_loop3A_912, %parallel_loop3A_913, %parallel_loop3A_914] : memref<2x7x8x256xf32, #tpu.memory_space<vmem>> -> memref<1x7x8x256xf32, #tpu.memory_space<vmem>>
          %parallel_loop3A_916 = tpu.memref_squeeze %parallel_loop3A_915 : memref<1x7x8x256xf32, #tpu.memory_space<vmem>> -> memref<7x8x256xf32, #tpu.memory_space<vmem>>
          %parallel_loop3A_917 = arith.index_cast %parallel_loop3A_910 : i32 to index
          %parallel_loop3A_918 = arith.index_cast %parallel_loop3A_911 : i32 to index
          %parallel_loop3A_919 = arith.index_cast %parallel_loop3A_612 : i32 to index
          %parallel_loop3A_920 = tpu.vector_load %parallel_loop3A_916[%parallel_loop3A_917, %parallel_loop3A_918, %parallel_loop3A_919] {strides = array<i32>} : memref<7x8x256xf32, #tpu.memory_space<vmem>>, vector<16xf32>,
          tpu.vector_store %parallel_loop3A_916[%parallel_loop3A_917, %parallel_loop3A_918, %parallel_loop3A_919], %parallel_loop3A_909 {strides = array<i32>} : memref<7x8x256xf32, #tpu.memory_space<vmem>>, vector<16xf32>,
        } {sc.loop_unroll_factor = 2 : i64, sc.parallel_access}
        %parallel_loop3A_498 = arith.constant 0 : i32
        %parallel_loop3A_499 = arith.constant 256 : i32
        %parallel_loop3A_500 = arith.constant 16 : i32
        scf.for %parallel_loop3A_612 = %parallel_loop3A_498 to %parallel_loop3A_499 step %parallel_loop3A_500  : i32 {
          %parallel_loop3A_613 = arith.constant 0 : i32
          %parallel_loop3A_614 = arith.constant 7 : i32
          %parallel_loop3A_615 = arith.constant 0 : i32
          %parallel_loop3A_616 = arith.constant 0 : i32
          %parallel_loop3A_617 = arith.constant 0 : i32
          %parallel_loop3A_618 = tpu.memref_slice %run_scoped3A[%rem3A_473, %parallel_loop3A_615, %parallel_loop3A_616, %parallel_loop3A_617] : memref<2x7x8x256xf32, #tpu.memory_space<vmem>> -> memref<1x7x8x256xf32, #tpu.memory_space<vmem>>
          %parallel_loop3A_619 = tpu.memref_squeeze %parallel_loop3A_618 : memref<1x7x8x256xf32, #tpu.memory_space<vmem>> -> memref<7x8x256xf32, #tpu.memory_space<vmem>>
          %parallel_loop3A_620 = arith.index_cast %parallel_loop3A_613 : i32 to index
          %parallel_loop3A_621 = arith.index_cast %parallel_loop3A_614 : i32 to index
          %parallel_loop3A_622 = arith.index_cast %parallel_loop3A_612 : i32 to index
          %parallel_loop3A_623 = tpu.vector_load %parallel_loop3A_619[%parallel_loop3A_620, %parallel_loop3A_621, %parallel_loop3A_622] {strides = array<i32>} : memref<7x8x256xf32, #tpu.memory_space<vmem>>, vector<16xf32>,
          %parallel_loop3A_624 = arith.constant 1 : i32
          %parallel_loop3A_625 = arith.constant 7 : i32
          %parallel_loop3A_626 = arith.constant 0 : i32
          %parallel_loop3A_627 = arith.constant 0 : i32
          %parallel_loop3A_628 = arith.constant 0 : i32
          %parallel_loop3A_629 = tpu.memref_slice %run_scoped3A[%rem3A_473, %parallel_loop3A_626, %parallel_loop3A_627, %parallel_loop3A_628] : memref<2x7x8x256xf32, #tpu.memory_space<vmem>> -> memref<1x7x8x256xf32, #tpu.memory_space<vmem>>
          %parallel_loop3A_630 = tpu.memref_squeeze %parallel_loop3A_629 : memref<1x7x8x256xf32, #tpu.memory_space<vmem>> -> memref<7x8x256xf32, #tpu.memory_space<vmem>>
          %parallel_loop3A_631 = arith.index_cast %parallel_loop3A_624 : i32 to index
          %parallel_loop3A_632 = arith.index_cast %parallel_loop3A_625 : i32 to index
          %parallel_loop3A_633 = arith.index_cast %parallel_loop3A_612 : i32 to index
          %parallel_loop3A_634 = tpu.vector_load %parallel_loop3A_630[%parallel_loop3A_631, %parallel_loop3A_632, %parallel_loop3A_633] {strides = array<i32>} : memref<7x8x256xf32, #tpu.memory_space<vmem>>, vector<16xf32>,
          %parallel_loop3A_635 = arith.constant 2 : i32
          %parallel_loop3A_636 = arith.constant 7 : i32
          %parallel_loop3A_637 = arith.constant 0 : i32
          %parallel_loop3A_638 = arith.constant 0 : i32
          %parallel_loop3A_639 = arith.constant 0 : i32
          %parallel_loop3A_640 = tpu.memref_slice %run_scoped3A[%rem3A_473, %parallel_loop3A_637, %parallel_loop3A_638, %parallel_loop3A_639] : memref<2x7x8x256xf32, #tpu.memory_space<vmem>> -> memref<1x7x8x256xf32, #tpu.memory_space<vmem>>
          %parallel_loop3A_641 = tpu.memref_squeeze %parallel_loop3A_640 : memref<1x7x8x256xf32, #tpu.memory_space<vmem>> -> memref<7x8x256xf32, #tpu.memory_space<vmem>>
          %parallel_loop3A_642 = arith.index_cast %parallel_loop3A_635 : i32 to index
          %parallel_loop3A_643 = arith.index_cast %parallel_loop3A_636 : i32 to index
          %parallel_loop3A_644 = arith.index_cast %parallel_loop3A_612 : i32 to index
          %parallel_loop3A_645 = tpu.vector_load %parallel_loop3A_641[%parallel_loop3A_642, %parallel_loop3A_643, %parallel_loop3A_644] {strides = array<i32>} : memref<7x8x256xf32, #tpu.memory_space<vmem>>, vector<16xf32>,
          %parallel_loop3A_646 = arith.constant 3 : i32
          %parallel_loop3A_647 = arith.constant 7 : i32
          %parallel_loop3A_648 = arith.constant 0 : i32
          %parallel_loop3A_649 = arith.constant 0 : i32
          %parallel_loop3A_650 = arith.constant 0 : i32
          %parallel_loop3A_651 = tpu.memref_slice %run_scoped3A[%rem3A_473, %parallel_loop3A_648, %parallel_loop3A_649, %parallel_loop3A_650] : memref<2x7x8x256xf32, #tpu.memory_space<vmem>> -> memref<1x7x8x256xf32, #tpu.memory_space<vmem>>
          %parallel_loop3A_652 = tpu.memref_squeeze %parallel_loop3A_651 : memref<1x7x8x256xf32, #tpu.memory_space<vmem>> -> memref<7x8x256xf32, #tpu.memory_space<vmem>>
          %parallel_loop3A_653 = arith.index_cast %parallel_loop3A_646 : i32 to index
          %parallel_loop3A_654 = arith.index_cast %parallel_loop3A_647 : i32 to index
          %parallel_loop3A_655 = arith.index_cast %parallel_loop3A_612 : i32 to index
          %parallel_loop3A_656 = tpu.vector_load %parallel_loop3A_652[%parallel_loop3A_653, %parallel_loop3A_654, %parallel_loop3A_655] {strides = array<i32>} : memref<7x8x256xf32, #tpu.memory_space<vmem>>, vector<16xf32>,
          %parallel_loop3A_657 = arith.constant 4 : i32
          %parallel_loop3A_658 = arith.constant 7 : i32
          %parallel_loop3A_659 = arith.constant 0 : i32
          %parallel_loop3A_660 = arith.constant 0 : i32
          %parallel_loop3A_661 = arith.constant 0 : i32
          %parallel_loop3A_662 = tpu.memref_slice %run_scoped3A[%rem3A_473, %parallel_loop3A_659, %parallel_loop3A_660, %parallel_loop3A_661] : memref<2x7x8x256xf32, #tpu.memory_space<vmem>> -> memref<1x7x8x256xf32, #tpu.memory_space<vmem>>
          %parallel_loop3A_663 = tpu.memref_squeeze %parallel_loop3A_662 : memref<1x7x8x256xf32, #tpu.memory_space<vmem>> -> memref<7x8x256xf32, #tpu.memory_space<vmem>>
          %parallel_loop3A_664 = arith.index_cast %parallel_loop3A_657 : i32 to index
          %parallel_loop3A_665 = arith.index_cast %parallel_loop3A_658 : i32 to index
          %parallel_loop3A_666 = arith.index_cast %parallel_loop3A_612 : i32 to index
          %parallel_loop3A_667 = tpu.vector_load %parallel_loop3A_663[%parallel_loop3A_664, %parallel_loop3A_665, %parallel_loop3A_666] {strides = array<i32>} : memref<7x8x256xf32, #tpu.memory_space<vmem>>, vector<16xf32>,
          %parallel_loop3A_668 = arith.constant 5 : i32
          %parallel_loop3A_669 = arith.constant 7 : i32
          %parallel_loop3A_670 = arith.constant 0 : i32
          %parallel_loop3A_671 = arith.constant 0 : i32
          %parallel_loop3A_672 = arith.constant 0 : i32
          %parallel_loop3A_673 = tpu.memref_slice %run_scoped3A[%rem3A_473, %parallel_loop3A_670, %parallel_loop3A_671, %parallel_loop3A_672] : memref<2x7x8x256xf32, #tpu.memory_space<vmem>> -> memref<1x7x8x256xf32, #tpu.memory_space<vmem>>
          %parallel_loop3A_674 = tpu.memref_squeeze %parallel_loop3A_673 : memref<1x7x8x256xf32, #tpu.memory_space<vmem>> -> memref<7x8x256xf32, #tpu.memory_space<vmem>>
          %parallel_loop3A_675 = arith.index_cast %parallel_loop3A_668 : i32 to index
          %parallel_loop3A_676 = arith.index_cast %parallel_loop3A_669 : i32 to index
          %parallel_loop3A_677 = arith.index_cast %parallel_loop3A_612 : i32 to index
          %parallel_loop3A_678 = tpu.vector_load %parallel_loop3A_674[%parallel_loop3A_675, %parallel_loop3A_676, %parallel_loop3A_677] {strides = array<i32>} : memref<7x8x256xf32, #tpu.memory_space<vmem>>, vector<16xf32>,
          %parallel_loop3A_679 = arith.constant 6 : i32
          %parallel_loop3A_680 = arith.constant 7 : i32
          %parallel_loop3A_681 = arith.constant 0 : i32
          %parallel_loop3A_682 = arith.constant 0 : i32
          %parallel_loop3A_683 = arith.constant 0 : i32
          %parallel_loop3A_684 = tpu.memref_slice %run_scoped3A[%rem3A_473, %parallel_loop3A_681, %parallel_loop3A_682, %parallel_loop3A_683] : memref<2x7x8x256xf32, #tpu.memory_space<vmem>> -> memref<1x7x8x256xf32, #tpu.memory_space<vmem>>
          %parallel_loop3A_685 = tpu.memref_squeeze %parallel_loop3A_684 : memref<1x7x8x256xf32, #tpu.memory_space<vmem>> -> memref<7x8x256xf32, #tpu.memory_space<vmem>>
          %parallel_loop3A_686 = arith.index_cast %parallel_loop3A_679 : i32 to index
          %parallel_loop3A_687 = arith.index_cast %parallel_loop3A_680 : i32 to index
          %parallel_loop3A_688 = arith.index_cast %parallel_loop3A_612 : i32 to index
          %parallel_loop3A_689 = tpu.vector_load %parallel_loop3A_685[%parallel_loop3A_686, %parallel_loop3A_687, %parallel_loop3A_688] {strides = array<i32>} : memref<7x8x256xf32, #tpu.memory_space<vmem>>, vector<16xf32>,
          %parallel_loop3A_690 = arith.constant 0 : i32
          %parallel_loop3A_691 = arith.constant 7 : i32
          %parallel_loop3A_692 = arith.constant 0 : i32
          %parallel_loop3A_693 = arith.constant 0 : i32
          %parallel_loop3A_694 = arith.constant 0 : i32
          %parallel_loop3A_695 = tpu.memref_slice %run_scoped3A_119[%rem3A_475, %parallel_loop3A_692, %parallel_loop3A_693, %parallel_loop3A_694] : memref<2x7x8x256xf32, #tpu.memory_space<vmem>> -> memref<1x7x8x256xf32, #tpu.memory_space<vmem>>
          %parallel_loop3A_696 = tpu.memref_squeeze %parallel_loop3A_695 : memref<1x7x8x256xf32, #tpu.memory_space<vmem>> -> memref<7x8x256xf32, #tpu.memory_space<vmem>>
          %parallel_loop3A_697 = arith.index_cast %parallel_loop3A_690 : i32 to index
          %parallel_loop3A_698 = arith.index_cast %parallel_loop3A_691 : i32 to index
          %parallel_loop3A_699 = arith.index_cast %parallel_loop3A_612 : i32 to index
          %parallel_loop3A_700 = tpu.vector_load %parallel_loop3A_696[%parallel_loop3A_697, %parallel_loop3A_698, %parallel_loop3A_699] {strides = array<i32>} : memref<7x8x256xf32, #tpu.memory_space<vmem>>, vector<16xf32>,
          %parallel_loop3A_701 = arith.constant 1 : i32
          %parallel_loop3A_702 = arith.constant 7 : i32
          %parallel_loop3A_703 = arith.constant 0 : i32
          %parallel_loop3A_704 = arith.constant 0 : i32
          %parallel_loop3A_705 = arith.constant 0 : i32
          %parallel_loop3A_706 = tpu.memref_slice %run_scoped3A_119[%rem3A_475, %parallel_loop3A_703, %parallel_loop3A_704, %parallel_loop3A_705] : memref<2x7x8x256xf32, #tpu.memory_space<vmem>> -> memref<1x7x8x256xf32, #tpu.memory_space<vmem>>
          %parallel_loop3A_707 = tpu.memref_squeeze %parallel_loop3A_706 : memref<1x7x8x256xf32, #tpu.memory_space<vmem>> -> memref<7x8x256xf32, #tpu.memory_space<vmem>>
          %parallel_loop3A_708 = arith.index_cast %parallel_loop3A_701 : i32 to index
          %parallel_loop3A_709 = arith.index_cast %parallel_loop3A_702 : i32 to index
          %parallel_loop3A_710 = arith.index_cast %parallel_loop3A_612 : i32 to index
          %parallel_loop3A_711 = tpu.vector_load %parallel_loop3A_707[%parallel_loop3A_708, %parallel_loop3A_709, %parallel_loop3A_710] {strides = array<i32>} : memref<7x8x256xf32, #tpu.memory_space<vmem>>, vector<16xf32>,
          %parallel_loop3A_712 = arith.constant 2 : i32
          %parallel_loop3A_713 = arith.constant 7 : i32
          %parallel_loop3A_714 = arith.constant 0 : i32
          %parallel_loop3A_715 = arith.constant 0 : i32
          %parallel_loop3A_716 = arith.constant 0 : i32
          %parallel_loop3A_717 = tpu.memref_slice %run_scoped3A_119[%rem3A_475, %parallel_loop3A_714, %parallel_loop3A_715, %parallel_loop3A_716] : memref<2x7x8x256xf32, #tpu.memory_space<vmem>> -> memref<1x7x8x256xf32, #tpu.memory_space<vmem>>
          %parallel_loop3A_718 = tpu.memref_squeeze %parallel_loop3A_717 : memref<1x7x8x256xf32, #tpu.memory_space<vmem>> -> memref<7x8x256xf32, #tpu.memory_space<vmem>>
          %parallel_loop3A_719 = arith.index_cast %parallel_loop3A_712 : i32 to index
          %parallel_loop3A_720 = arith.index_cast %parallel_loop3A_713 : i32 to index
          %parallel_loop3A_721 = arith.index_cast %parallel_loop3A_612 : i32 to index
          %parallel_loop3A_722 = tpu.vector_load %parallel_loop3A_718[%parallel_loop3A_719, %parallel_loop3A_720, %parallel_loop3A_721] {strides = array<i32>} : memref<7x8x256xf32, #tpu.memory_space<vmem>>, vector<16xf32>,
          %parallel_loop3A_723 = arith.constant 3 : i32
          %parallel_loop3A_724 = arith.constant 7 : i32
          %parallel_loop3A_725 = arith.constant 0 : i32
          %parallel_loop3A_726 = arith.constant 0 : i32
          %parallel_loop3A_727 = arith.constant 0 : i32
          %parallel_loop3A_728 = tpu.memref_slice %run_scoped3A_119[%rem3A_475, %parallel_loop3A_725, %parallel_loop3A_726, %parallel_loop3A_727] : memref<2x7x8x256xf32, #tpu.memory_space<vmem>> -> memref<1x7x8x256xf32, #tpu.memory_space<vmem>>
          %parallel_loop3A_729 = tpu.memref_squeeze %parallel_loop3A_728 : memref<1x7x8x256xf32, #tpu.memory_space<vmem>> -> memref<7x8x256xf32, #tpu.memory_space<vmem>>
          %parallel_loop3A_730 = arith.index_cast %parallel_loop3A_723 : i32 to index
          %parallel_loop3A_731 = arith.index_cast %parallel_loop3A_724 : i32 to index
          %parallel_loop3A_732 = arith.index_cast %parallel_loop3A_612 : i32 to index
          %parallel_loop3A_733 = tpu.vector_load %parallel_loop3A_729[%parallel_loop3A_730, %parallel_loop3A_731, %parallel_loop3A_732] {strides = array<i32>} : memref<7x8x256xf32, #tpu.memory_space<vmem>>, vector<16xf32>,
          %parallel_loop3A_734 = arith.constant 4 : i32
          %parallel_loop3A_735 = arith.constant 7 : i32
          %parallel_loop3A_736 = arith.constant 0 : i32
          %parallel_loop3A_737 = arith.constant 0 : i32
          %parallel_loop3A_738 = arith.constant 0 : i32
          %parallel_loop3A_739 = tpu.memref_slice %run_scoped3A_119[%rem3A_475, %parallel_loop3A_736, %parallel_loop3A_737, %parallel_loop3A_738] : memref<2x7x8x256xf32, #tpu.memory_space<vmem>> -> memref<1x7x8x256xf32, #tpu.memory_space<vmem>>
          %parallel_loop3A_740 = tpu.memref_squeeze %parallel_loop3A_739 : memref<1x7x8x256xf32, #tpu.memory_space<vmem>> -> memref<7x8x256xf32, #tpu.memory_space<vmem>>
          %parallel_loop3A_741 = arith.index_cast %parallel_loop3A_734 : i32 to index
          %parallel_loop3A_742 = arith.index_cast %parallel_loop3A_735 : i32 to index
          %parallel_loop3A_743 = arith.index_cast %parallel_loop3A_612 : i32 to index
          %parallel_loop3A_744 = tpu.vector_load %parallel_loop3A_740[%parallel_loop3A_741, %parallel_loop3A_742, %parallel_loop3A_743] {strides = array<i32>} : memref<7x8x256xf32, #tpu.memory_space<vmem>>, vector<16xf32>,
          %parallel_loop3A_745 = arith.constant 5 : i32
          %parallel_loop3A_746 = arith.constant 7 : i32
          %parallel_loop3A_747 = arith.constant 0 : i32
          %parallel_loop3A_748 = arith.constant 0 : i32
          %parallel_loop3A_749 = arith.constant 0 : i32
          %parallel_loop3A_750 = tpu.memref_slice %run_scoped3A_119[%rem3A_475, %parallel_loop3A_747, %parallel_loop3A_748, %parallel_loop3A_749] : memref<2x7x8x256xf32, #tpu.memory_space<vmem>> -> memref<1x7x8x256xf32, #tpu.memory_space<vmem>>
          %parallel_loop3A_751 = tpu.memref_squeeze %parallel_loop3A_750 : memref<1x7x8x256xf32, #tpu.memory_space<vmem>> -> memref<7x8x256xf32, #tpu.memory_space<vmem>>
          %parallel_loop3A_752 = arith.index_cast %parallel_loop3A_745 : i32 to index
          %parallel_loop3A_753 = arith.index_cast %parallel_loop3A_746 : i32 to index
          %parallel_loop3A_754 = arith.index_cast %parallel_loop3A_612 : i32 to index
          %parallel_loop3A_755 = tpu.vector_load %parallel_loop3A_751[%parallel_loop3A_752, %parallel_loop3A_753, %parallel_loop3A_754] {strides = array<i32>} : memref<7x8x256xf32, #tpu.memory_space<vmem>>, vector<16xf32>,
          %parallel_loop3A_756 = arith.constant 6 : i32
          %parallel_loop3A_757 = arith.constant 7 : i32
          %parallel_loop3A_758 = arith.constant 0 : i32
          %parallel_loop3A_759 = arith.constant 0 : i32
          %parallel_loop3A_760 = arith.constant 0 : i32
          %parallel_loop3A_761 = tpu.memref_slice %run_scoped3A_119[%rem3A_475, %parallel_loop3A_758, %parallel_loop3A_759, %parallel_loop3A_760] : memref<2x7x8x256xf32, #tpu.memory_space<vmem>> -> memref<1x7x8x256xf32, #tpu.memory_space<vmem>>
          %parallel_loop3A_762 = tpu.memref_squeeze %parallel_loop3A_761 : memref<1x7x8x256xf32, #tpu.memory_space<vmem>> -> memref<7x8x256xf32, #tpu.memory_space<vmem>>
          %parallel_loop3A_763 = arith.index_cast %parallel_loop3A_756 : i32 to index
          %parallel_loop3A_764 = arith.index_cast %parallel_loop3A_757 : i32 to index
          %parallel_loop3A_765 = arith.index_cast %parallel_loop3A_612 : i32 to index
          %parallel_loop3A_766 = tpu.vector_load %parallel_loop3A_762[%parallel_loop3A_763, %parallel_loop3A_764, %parallel_loop3A_765] {strides = array<i32>} : memref<7x8x256xf32, #tpu.memory_space<vmem>>, vector<16xf32>,
          %parallel_loop3A_767 = arith.mulf %parallel_loop3A_623, %parallel_loop3A_700 : vector<16xf32>
          %parallel_loop3A_768 = arith.mulf %parallel_loop3A_767, %gather3A : vector<16xf32>
          %parallel_loop3A_769 = arith.constant 0 : i32
          %parallel_loop3A_770 = arith.constant 7 : i32
          %parallel_loop3A_771 = arith.constant 0 : i32
          %parallel_loop3A_772 = arith.constant 0 : i32
          %parallel_loop3A_773 = arith.constant 0 : i32
          %parallel_loop3A_774 = tpu.memref_slice %run_scoped3A_121[%rem3A_477, %parallel_loop3A_771, %parallel_loop3A_772, %parallel_loop3A_773] : memref<2x7x8x256xf32, #tpu.memory_space<vmem>> -> memref<1x7x8x256xf32, #tpu.memory_space<vmem>>
          %parallel_loop3A_775 = tpu.memref_squeeze %parallel_loop3A_774 : memref<1x7x8x256xf32, #tpu.memory_space<vmem>> -> memref<7x8x256xf32, #tpu.memory_space<vmem>>
          %parallel_loop3A_776 = arith.index_cast %parallel_loop3A_769 : i32 to index
          %parallel_loop3A_777 = arith.index_cast %parallel_loop3A_770 : i32 to index
          %parallel_loop3A_778 = arith.index_cast %parallel_loop3A_612 : i32 to index
          %parallel_loop3A_779 = tpu.vector_load %parallel_loop3A_775[%parallel_loop3A_776, %parallel_loop3A_777, %parallel_loop3A_778] {strides = array<i32>} : memref<7x8x256xf32, #tpu.memory_space<vmem>>, vector<16xf32>,
          tpu.vector_store %parallel_loop3A_775[%parallel_loop3A_776, %parallel_loop3A_777, %parallel_loop3A_778], %parallel_loop3A_768 {strides = array<i32>} : memref<7x8x256xf32, #tpu.memory_space<vmem>>, vector<16xf32>,
          %parallel_loop3A_780 = arith.mulf %parallel_loop3A_623, %parallel_loop3A_711 : vector<16xf32>
          %parallel_loop3A_781 = arith.mulf %parallel_loop3A_780, %gather3A_5 : vector<16xf32>
          %parallel_loop3A_782 = arith.mulf %parallel_loop3A_634, %parallel_loop3A_700 : vector<16xf32>
          %parallel_loop3A_783 = arith.mulf %parallel_loop3A_782, %gather3A_29 : vector<16xf32>
          %parallel_loop3A_784 = arith.addf %parallel_loop3A_781, %parallel_loop3A_783 : vector<16xf32>
          %parallel_loop3A_785 = arith.constant 1 : i32
          %parallel_loop3A_786 = arith.constant 7 : i32
          %parallel_loop3A_787 = arith.constant 0 : i32
          %parallel_loop3A_788 = arith.constant 0 : i32
          %parallel_loop3A_789 = arith.constant 0 : i32
          %parallel_loop3A_790 = tpu.memref_slice %run_scoped3A_121[%rem3A_477, %parallel_loop3A_787, %parallel_loop3A_788, %parallel_loop3A_789] : memref<2x7x8x256xf32, #tpu.memory_space<vmem>> -> memref<1x7x8x256xf32, #tpu.memory_space<vmem>>
          %parallel_loop3A_791 = tpu.memref_squeeze %parallel_loop3A_790 : memref<1x7x8x256xf32, #tpu.memory_space<vmem>> -> memref<7x8x256xf32, #tpu.memory_space<vmem>>
          %parallel_loop3A_792 = arith.index_cast %parallel_loop3A_785 : i32 to index
          %parallel_loop3A_793 = arith.index_cast %parallel_loop3A_786 : i32 to index
          %parallel_loop3A_794 = arith.index_cast %parallel_loop3A_612 : i32 to index
          %parallel_loop3A_795 = tpu.vector_load %parallel_loop3A_791[%parallel_loop3A_792, %parallel_loop3A_793, %parallel_loop3A_794] {strides = array<i32>} : memref<7x8x256xf32, #tpu.memory_space<vmem>>, vector<16xf32>,
          tpu.vector_store %parallel_loop3A_791[%parallel_loop3A_792, %parallel_loop3A_793, %parallel_loop3A_794], %parallel_loop3A_784 {strides = array<i32>} : memref<7x8x256xf32, #tpu.memory_space<vmem>>, vector<16xf32>,
          %parallel_loop3A_796 = arith.mulf %parallel_loop3A_623, %parallel_loop3A_722 : vector<16xf32>
          %parallel_loop3A_797 = arith.mulf %parallel_loop3A_796, %gather3A_9 : vector<16xf32>
          %parallel_loop3A_798 = arith.mulf %parallel_loop3A_634, %parallel_loop3A_711 : vector<16xf32>
          %parallel_loop3A_799 = arith.mulf %parallel_loop3A_798, %gather3A_33 : vector<16xf32>
          %parallel_loop3A_800 = arith.addf %parallel_loop3A_797, %parallel_loop3A_799 : vector<16xf32>
          %parallel_loop3A_801 = arith.mulf %parallel_loop3A_645, %parallel_loop3A_700 : vector<16xf32>
          %parallel_loop3A_802 = arith.mulf %parallel_loop3A_801, %gather3A_53 : vector<16xf32>
          %parallel_loop3A_803 = arith.addf %parallel_loop3A_800, %parallel_loop3A_802 : vector<16xf32>
          %parallel_loop3A_804 = arith.constant 2 : i32
          %parallel_loop3A_805 = arith.constant 7 : i32
          %parallel_loop3A_806 = arith.constant 0 : i32
          %parallel_loop3A_807 = arith.constant 0 : i32
          %parallel_loop3A_808 = arith.constant 0 : i32
          %parallel_loop3A_809 = tpu.memref_slice %run_scoped3A_121[%rem3A_477, %parallel_loop3A_806, %parallel_loop3A_807, %parallel_loop3A_808] : memref<2x7x8x256xf32, #tpu.memory_space<vmem>> -> memref<1x7x8x256xf32, #tpu.memory_space<vmem>>
          %parallel_loop3A_810 = tpu.memref_squeeze %parallel_loop3A_809 : memref<1x7x8x256xf32, #tpu.memory_space<vmem>> -> memref<7x8x256xf32, #tpu.memory_space<vmem>>
          %parallel_loop3A_811 = arith.index_cast %parallel_loop3A_804 : i32 to index
          %parallel_loop3A_812 = arith.index_cast %parallel_loop3A_805 : i32 to index
          %parallel_loop3A_813 = arith.index_cast %parallel_loop3A_612 : i32 to index
          %parallel_loop3A_814 = tpu.vector_load %parallel_loop3A_810[%parallel_loop3A_811, %parallel_loop3A_812, %parallel_loop3A_813] {strides = array<i32>} : memref<7x8x256xf32, #tpu.memory_space<vmem>>, vector<16xf32>,
          tpu.vector_store %parallel_loop3A_810[%parallel_loop3A_811, %parallel_loop3A_812, %parallel_loop3A_813], %parallel_loop3A_803 {strides = array<i32>} : memref<7x8x256xf32, #tpu.memory_space<vmem>>, vector<16xf32>,
          %parallel_loop3A_815 = arith.mulf %parallel_loop3A_623, %parallel_loop3A_733 : vector<16xf32>
          %parallel_loop3A_816 = arith.mulf %parallel_loop3A_815, %gather3A_13 : vector<16xf32>
          %parallel_loop3A_817 = arith.mulf %parallel_loop3A_634, %parallel_loop3A_722 : vector<16xf32>
          %parallel_loop3A_818 = arith.mulf %parallel_loop3A_817, %gather3A_37 : vector<16xf32>
          %parallel_loop3A_819 = arith.addf %parallel_loop3A_816, %parallel_loop3A_818 : vector<16xf32>
          %parallel_loop3A_820 = arith.mulf %parallel_loop3A_645, %parallel_loop3A_711 : vector<16xf32>
          %parallel_loop3A_821 = arith.mulf %parallel_loop3A_820, %gather3A_57 : vector<16xf32>
          %parallel_loop3A_822 = arith.addf %parallel_loop3A_819, %parallel_loop3A_821 : vector<16xf32>
          %parallel_loop3A_823 = arith.mulf %parallel_loop3A_656, %parallel_loop3A_700 : vector<16xf32>
          %parallel_loop3A_824 = arith.mulf %parallel_loop3A_823, %gather3A_73 : vector<16xf32>
          %parallel_loop3A_825 = arith.addf %parallel_loop3A_822, %parallel_loop3A_824 : vector<16xf32>
          %parallel_loop3A_826 = arith.constant 3 : i32
          %parallel_loop3A_827 = arith.constant 7 : i32
          %parallel_loop3A_828 = arith.constant 0 : i32
          %parallel_loop3A_829 = arith.constant 0 : i32
          %parallel_loop3A_830 = arith.constant 0 : i32
          %parallel_loop3A_831 = tpu.memref_slice %run_scoped3A_121[%rem3A_477, %parallel_loop3A_828, %parallel_loop3A_829, %parallel_loop3A_830] : memref<2x7x8x256xf32, #tpu.memory_space<vmem>> -> memref<1x7x8x256xf32, #tpu.memory_space<vmem>>
          %parallel_loop3A_832 = tpu.memref_squeeze %parallel_loop3A_831 : memref<1x7x8x256xf32, #tpu.memory_space<vmem>> -> memref<7x8x256xf32, #tpu.memory_space<vmem>>
          %parallel_loop3A_833 = arith.index_cast %parallel_loop3A_826 : i32 to index
          %parallel_loop3A_834 = arith.index_cast %parallel_loop3A_827 : i32 to index
          %parallel_loop3A_835 = arith.index_cast %parallel_loop3A_612 : i32 to index
          %parallel_loop3A_836 = tpu.vector_load %parallel_loop3A_832[%parallel_loop3A_833, %parallel_loop3A_834, %parallel_loop3A_835] {strides = array<i32>} : memref<7x8x256xf32, #tpu.memory_space<vmem>>, vector<16xf32>,
          tpu.vector_store %parallel_loop3A_832[%parallel_loop3A_833, %parallel_loop3A_834, %parallel_loop3A_835], %parallel_loop3A_825 {strides = array<i32>} : memref<7x8x256xf32, #tpu.memory_space<vmem>>, vector<16xf32>,
          %parallel_loop3A_837 = arith.mulf %parallel_loop3A_623, %parallel_loop3A_744 : vector<16xf32>
          %parallel_loop3A_838 = arith.mulf %parallel_loop3A_837, %gather3A_17 : vector<16xf32>
          %parallel_loop3A_839 = arith.mulf %parallel_loop3A_634, %parallel_loop3A_733 : vector<16xf32>
          %parallel_loop3A_840 = arith.mulf %parallel_loop3A_839, %gather3A_41 : vector<16xf32>
          %parallel_loop3A_841 = arith.addf %parallel_loop3A_838, %parallel_loop3A_840 : vector<16xf32>
          %parallel_loop3A_842 = arith.mulf %parallel_loop3A_645, %parallel_loop3A_722 : vector<16xf32>
          %parallel_loop3A_843 = arith.mulf %parallel_loop3A_842, %gather3A_61 : vector<16xf32>
          %parallel_loop3A_844 = arith.addf %parallel_loop3A_841, %parallel_loop3A_843 : vector<16xf32>
          %parallel_loop3A_845 = arith.mulf %parallel_loop3A_656, %parallel_loop3A_711 : vector<16xf32>
          %parallel_loop3A_846 = arith.mulf %parallel_loop3A_845, %gather3A_77 : vector<16xf32>
          %parallel_loop3A_847 = arith.addf %parallel_loop3A_844, %parallel_loop3A_846 : vector<16xf32>
          %parallel_loop3A_848 = arith.mulf %parallel_loop3A_667, %parallel_loop3A_700 : vector<16xf32>
          %parallel_loop3A_849 = arith.mulf %parallel_loop3A_848, %gather3A_89 : vector<16xf32>
          %parallel_loop3A_850 = arith.addf %parallel_loop3A_847, %parallel_loop3A_849 : vector<16xf32>
          %parallel_loop3A_851 = arith.constant 4 : i32
          %parallel_loop3A_852 = arith.constant 7 : i32
          %parallel_loop3A_853 = arith.constant 0 : i32
          %parallel_loop3A_854 = arith.constant 0 : i32
          %parallel_loop3A_855 = arith.constant 0 : i32
          %parallel_loop3A_856 = tpu.memref_slice %run_scoped3A_121[%rem3A_477, %parallel_loop3A_853, %parallel_loop3A_854, %parallel_loop3A_855] : memref<2x7x8x256xf32, #tpu.memory_space<vmem>> -> memref<1x7x8x256xf32, #tpu.memory_space<vmem>>
          %parallel_loop3A_857 = tpu.memref_squeeze %parallel_loop3A_856 : memref<1x7x8x256xf32, #tpu.memory_space<vmem>> -> memref<7x8x256xf32, #tpu.memory_space<vmem>>
          %parallel_loop3A_858 = arith.index_cast %parallel_loop3A_851 : i32 to index
          %parallel_loop3A_859 = arith.index_cast %parallel_loop3A_852 : i32 to index
          %parallel_loop3A_860 = arith.index_cast %parallel_loop3A_612 : i32 to index
          %parallel_loop3A_861 = tpu.vector_load %parallel_loop3A_857[%parallel_loop3A_858, %parallel_loop3A_859, %parallel_loop3A_860] {strides = array<i32>} : memref<7x8x256xf32, #tpu.memory_space<vmem>>, vector<16xf32>,
          tpu.vector_store %parallel_loop3A_857[%parallel_loop3A_858, %parallel_loop3A_859, %parallel_loop3A_860], %parallel_loop3A_850 {strides = array<i32>} : memref<7x8x256xf32, #tpu.memory_space<vmem>>, vector<16xf32>,
          %parallel_loop3A_862 = arith.mulf %parallel_loop3A_623, %parallel_loop3A_755 : vector<16xf32>
          %parallel_loop3A_863 = arith.mulf %parallel_loop3A_862, %gather3A_21 : vector<16xf32>
          %parallel_loop3A_864 = arith.mulf %parallel_loop3A_634, %parallel_loop3A_744 : vector<16xf32>
          %parallel_loop3A_865 = arith.mulf %parallel_loop3A_864, %gather3A_45 : vector<16xf32>
          %parallel_loop3A_866 = arith.addf %parallel_loop3A_863, %parallel_loop3A_865 : vector<16xf32>
          %parallel_loop3A_867 = arith.mulf %parallel_loop3A_645, %parallel_loop3A_733 : vector<16xf32>
          %parallel_loop3A_868 = arith.mulf %parallel_loop3A_867, %gather3A_65 : vector<16xf32>
          %parallel_loop3A_869 = arith.addf %parallel_loop3A_866, %parallel_loop3A_868 : vector<16xf32>
          %parallel_loop3A_870 = arith.mulf %parallel_loop3A_656, %parallel_loop3A_722 : vector<16xf32>
          %parallel_loop3A_871 = arith.mulf %parallel_loop3A_870, %gather3A_81 : vector<16xf32>
          %parallel_loop3A_872 = arith.addf %parallel_loop3A_869, %parallel_loop3A_871 : vector<16xf32>
          %parallel_loop3A_873 = arith.mulf %parallel_loop3A_667, %parallel_loop3A_711 : vector<16xf32>
          %parallel_loop3A_874 = arith.mulf %parallel_loop3A_873, %gather3A_93 : vector<16xf32>
          %parallel_loop3A_875 = arith.addf %parallel_loop3A_872, %parallel_loop3A_874 : vector<16xf32>
          %parallel_loop3A_876 = arith.mulf %parallel_loop3A_678, %parallel_loop3A_700 : vector<16xf32>
          %parallel_loop3A_877 = arith.mulf %parallel_loop3A_876, %gather3A_101 : vector<16xf32>
          %parallel_loop3A_878 = arith.addf %parallel_loop3A_875, %parallel_loop3A_877 : vector<16xf32>
          %parallel_loop3A_879 = arith.constant 5 : i32
          %parallel_loop3A_880 = arith.constant 7 : i32
          %parallel_loop3A_881 = arith.constant 0 : i32
          %parallel_loop3A_882 = arith.constant 0 : i32
          %parallel_loop3A_883 = arith.constant 0 : i32
          %parallel_loop3A_884 = tpu.memref_slice %run_scoped3A_121[%rem3A_477, %parallel_loop3A_881, %parallel_loop3A_882, %parallel_loop3A_883] : memref<2x7x8x256xf32, #tpu.memory_space<vmem>> -> memref<1x7x8x256xf32, #tpu.memory_space<vmem>>
          %parallel_loop3A_885 = tpu.memref_squeeze %parallel_loop3A_884 : memref<1x7x8x256xf32, #tpu.memory_space<vmem>> -> memref<7x8x256xf32, #tpu.memory_space<vmem>>
          %parallel_loop3A_886 = arith.index_cast %parallel_loop3A_879 : i32 to index
          %parallel_loop3A_887 = arith.index_cast %parallel_loop3A_880 : i32 to index
          %parallel_loop3A_888 = arith.index_cast %parallel_loop3A_612 : i32 to index
          %parallel_loop3A_889 = tpu.vector_load %parallel_loop3A_885[%parallel_loop3A_886, %parallel_loop3A_887, %parallel_loop3A_888] {strides = array<i32>} : memref<7x8x256xf32, #tpu.memory_space<vmem>>, vector<16xf32>,
          tpu.vector_store %parallel_loop3A_885[%parallel_loop3A_886, %parallel_loop3A_887, %parallel_loop3A_888], %parallel_loop3A_878 {strides = array<i32>} : memref<7x8x256xf32, #tpu.memory_space<vmem>>, vector<16xf32>,
          %parallel_loop3A_890 = arith.mulf %parallel_loop3A_623, %parallel_loop3A_766 : vector<16xf32>
          %parallel_loop3A_891 = arith.mulf %parallel_loop3A_890, %gather3A_25 : vector<16xf32>
          %parallel_loop3A_892 = arith.mulf %parallel_loop3A_634, %parallel_loop3A_755 : vector<16xf32>
          %parallel_loop3A_893 = arith.mulf %parallel_loop3A_892, %gather3A_49 : vector<16xf32>
          %parallel_loop3A_894 = arith.addf %parallel_loop3A_891, %parallel_loop3A_893 : vector<16xf32>
          %parallel_loop3A_895 = arith.mulf %parallel_loop3A_645, %parallel_loop3A_744 : vector<16xf32>
          %parallel_loop3A_896 = arith.mulf %parallel_loop3A_895, %gather3A_69 : vector<16xf32>
          %parallel_loop3A_897 = arith.addf %parallel_loop3A_894, %parallel_loop3A_896 : vector<16xf32>
          %parallel_loop3A_898 = arith.mulf %parallel_loop3A_656, %parallel_loop3A_733 : vector<16xf32>
          %parallel_loop3A_899 = arith.mulf %parallel_loop3A_898, %gather3A_85 : vector<16xf32>
          %parallel_loop3A_900 = arith.addf %parallel_loop3A_897, %parallel_loop3A_899 : vector<16xf32>
          %parallel_loop3A_901 = arith.mulf %parallel_loop3A_667, %parallel_loop3A_722 : vector<16xf32>
          %parallel_loop3A_902 = arith.mulf %parallel_loop3A_901, %gather3A_97 : vector<16xf32>
          %parallel_loop3A_903 = arith.addf %parallel_loop3A_900, %parallel_loop3A_902 : vector<16xf32>
          %parallel_loop3A_904 = arith.mulf %parallel_loop3A_678, %parallel_loop3A_711 : vector<16xf32>
          %parallel_loop3A_905 = arith.mulf %parallel_loop3A_904, %gather3A_105 : vector<16xf32>
          %parallel_loop3A_906 = arith.addf %parallel_loop3A_903, %parallel_loop3A_905 : vector<16xf32>
          %parallel_loop3A_907 = arith.mulf %parallel_loop3A_689, %parallel_loop3A_700 : vector<16xf32>
          %parallel_loop3A_908 = arith.mulf %parallel_loop3A_907, %gather3A_109 : vector<16xf32>
          %parallel_loop3A_909 = arith.addf %parallel_loop3A_906, %parallel_loop3A_908 : vector<16xf32>
          %parallel_loop3A_910 = arith.constant 6 : i32
          %parallel_loop3A_911 = arith.constant 7 : i32
          %parallel_loop3A_912 = arith.constant 0 : i32
          %parallel_loop3A_913 = arith.constant 0 : i32
          %parallel_loop3A_914 = arith.constant 0 : i32
          %parallel_loop3A_915 = tpu.memref_slice %run_scoped3A_121[%rem3A_477, %parallel_loop3A_912, %parallel_loop3A_913, %parallel_loop3A_914] : memref<2x7x8x256xf32, #tpu.memory_space<vmem>> -> memref<1x7x8x256xf32, #tpu.memory_space<vmem>>
          %parallel_loop3A_916 = tpu.memref_squeeze %parallel_loop3A_915 : memref<1x7x8x256xf32, #tpu.memory_space<vmem>> -> memref<7x8x256xf32, #tpu.memory_space<vmem>>
          %parallel_loop3A_917 = arith.index_cast %parallel_loop3A_910 : i32 to index
          %parallel_loop3A_918 = arith.index_cast %parallel_loop3A_911 : i32 to index
          %parallel_loop3A_919 = arith.index_cast %parallel_loop3A_612 : i32 to index
          %parallel_loop3A_920 = tpu.vector_load %parallel_loop3A_916[%parallel_loop3A_917, %parallel_loop3A_918, %parallel_loop3A_919] {strides = array<i32>} : memref<7x8x256xf32, #tpu.memory_space<vmem>>, vector<16xf32>,
          tpu.vector_store %parallel_loop3A_916[%parallel_loop3A_917, %parallel_loop3A_918, %parallel_loop3A_919], %parallel_loop3A_909 {strides = array<i32>} : memref<7x8x256xf32, #tpu.memory_space<vmem>>, vector<16xf32>,
        } {sc.loop_unroll_factor = 2 : i64, sc.parallel_access}
        "tpu.trace_stop"() : () -> ()
        %ne3A_501 = arith.cmpi ne, %add3A_350, %add3A_386 : i32
        %ne3A_502 = arith.cmpi ne, %add3A_351, %add3A_387 : i32
        %or3A_503 = arith.constant false
        %or3A_504 = arith.ori %or3A_503, %ne3A_501 : i1
        %or3A_505 = arith.ori %or3A_504, %ne3A_502 : i1
        %or3A_506 = arith.ori %or3A_505, %eq3A_348 : i1
        %convert_element_type3A_507 = arith.extui %or3A_506 : i1 to i32
        %cond3A_508 = arith.constant 0 : i32
        %cond3A_509 = arith.cmpi ne, %convert_element_type3A_507, %cond3A_508 : i32
        scf.if %cond3A_509 {
        } else {
        }
        %and3A_510 = arith.constant false
        %and3A_511 = arith.andi %or3A_506, %and3A_510 : i1
        %ne3A_512 = arith.cmpi ne, %add3A_350, %add3A_386 : i32
        %ne3A_513 = arith.cmpi ne, %add3A_351, %add3A_387 : i32
        %or3A_514 = arith.constant false
        %or3A_515 = arith.ori %or3A_514, %ne3A_512 : i1
        %or3A_516 = arith.ori %or3A_515, %ne3A_513 : i1
        %or3A_517 = arith.ori %or3A_516, %eq3A_348 : i1
        %convert_element_type3A_518 = arith.extui %or3A_517 : i1 to i32
        %cond3A_519 = arith.constant 0 : i32
        %cond3A_520 = arith.cmpi ne, %convert_element_type3A_518, %cond3A_519 : i32
        scf.if %cond3A_520 {
        } else {
        }
        %and3A_521 = arith.constant false
        %and3A_522 = arith.andi %or3A_517, %and3A_521 : i1
        %ne3A_523 = arith.cmpi ne, %add3A_350, %add3A_386 : i32
        %ne3A_524 = arith.cmpi ne, %add3A_351, %add3A_387 : i32
        %or3A_525 = arith.constant false
        %or3A_526 = arith.ori %or3A_525, %ne3A_523 : i1
        %or3A_527 = arith.ori %or3A_526, %ne3A_524 : i1
        %or3A_528 = arith.ori %or3A_527, %eq3A_348 : i1
        %convert_element_type3A_529 = arith.extui %or3A_528 : i1 to i32
        %cond3A_530 = arith.constant 0 : i32
        %cond3A_531 = arith.cmpi ne, %convert_element_type3A_529, %cond3A_530 : i32
        scf.if %cond3A_531 {
          "tpu.trace_start"() <{level = 10 : i32, message = "ep_copy_out"}> : () -> ()
          %rem3A_612 = arith.constant 2 : i32
          %rem3A_613 = arith.remui %scan3A_341, %rem3A_612 : i32
          %mul3A_614 = arith.constant 8 : i32
          %mul3A_615 = arith.muli %mul3A_614, %add3A_350 : i32
          %mul3A_616 = arith.constant 256 : i32
          %mul3A_617 = arith.muli %mul3A_616, %add3A_351 : i32
          %dma_start3A_618 = arith.constant 0 : i32
          %dma_start3A_619 = arith.constant 0 : i32
          %dma_start3A_620 = arith.constant 0 : i32
          %dma_start3A_621 = tpu.memref_slice %run_scoped3A_121[%rem3A_613, %dma_start3A_618, %dma_start3A_619, %dma_start3A_620] : memref<2x7x8x256xf32, #tpu.memory_space<vmem>> -> memref<1x7x8x256xf32, #tpu.memory_space<vmem>>
          %dma_start3A_622 = tpu.memref_squeeze %dma_start3A_621 : memref<1x7x8x256xf32, #tpu.memory_space<vmem>> -> memref<7x8x256xf32, #tpu.memory_space<vmem>>
          %dma_start3A_623 = arith.constant 0 : i32
          %dma_start3A_624 = tpu.memref_slice %arg5[%dma_start3A_623, %mul3A_615, %mul3A_617] : memref<7x64x16384xf32, #tpu.memory_space<hbm>> -> memref<7x8x256xf32, #tpu.memory_space<hbm>>
          %dma_start3A_625 = tpu.memref_slice %run_scoped3A_122[%rem3A_613] : memref<2x!tpu.dma_semaphore, #tpu.memory_space<semaphore_mem>> -> memref<1x!tpu.dma_semaphore, #tpu.memory_space<semaphore_mem>>
          %dma_start3A_626 = tpu.memref_squeeze %dma_start3A_625 : memref<1x!tpu.dma_semaphore, #tpu.memory_space<semaphore_mem>> -> memref<!tpu.dma_semaphore, #tpu.memory_space<semaphore_mem>>
          %dma_start3A_627 = arith.constant 0 : i32
          %dma_start3A_628 = tpu.memref_slice %arg5[%dma_start3A_627, %mul3A_615, %mul3A_617] : memref<7x64x16384xf32, #tpu.memory_space<hbm>> -> memref<7x8x256xf32, #tpu.memory_space<hbm>>
          %dma_start3A_629 = arith.constant 0 : i32
          %dma_start3A_630 = arith.constant 0 : i32
          %dma_start3A_631 = arith.constant 0 : i32
          %dma_start3A_632 = tpu.memref_slice %run_scoped3A_121[%rem3A_613, %dma_start3A_629, %dma_start3A_630, %dma_start3A_631] : memref<2x7x8x256xf32, #tpu.memory_space<vmem>> -> memref<1x7x8x256xf32, #tpu.memory_space<vmem>>
          %dma_start3A_633 = tpu.memref_squeeze %dma_start3A_632 : memref<1x7x8x256xf32, #tpu.memory_space<vmem>> -> memref<7x8x256xf32, #tpu.memory_space<vmem>>
          tpu.enqueue_dma source(%dma_start3A_633 : memref<7x8x256xf32, #tpu.memory_space<vmem>>) target(%dma_start3A_628 : memref<7x8x256xf32, #tpu.memory_space<hbm>>) target_semaphore(%dma_start3A_626 : memref<!tpu.dma_semaphore, #tpu.memory_space<semaphore_mem>>)
          "tpu.trace_stop"() : () -> ()
        } else {
        }
        %and3A_532 = arith.constant true
        %and3A_533 = arith.andi %or3A_528, %and3A_532 : i1
        %add3A_534 = arith.constant 1 : i32
        %add3A_535 = arith.addi %scan3A_341, %add3A_534 : i32
        %select_n3A_536 = arith.select %and3A_533, %add3A_535, %scan3A_341 : i32
        %ne3A_537 = arith.cmpi ne, %add3A_350, %add3A_368 : i32
        %ne3A_538 = arith.cmpi ne, %add3A_351, %add3A_369 : i32
        %or3A_539 = arith.constant false
        %or3A_540 = arith.ori %or3A_539, %ne3A_537 : i1
        %or3A_541 = arith.ori %or3A_540, %ne3A_538 : i1
        %not3A_542 = arith.constant true
        %not3A_543 = arith.xori %eq3A_346, %not3A_542 : i1
        %and3A_544 = arith.andi %or3A_541, %not3A_543 : i1
        %convert_element_type3A_545 = arith.extui %and3A_544 : i1 to i32
        %cond3A_546 = arith.constant 0 : i32
        %cond3A_547 = arith.cmpi ne, %convert_element_type3A_545, %cond3A_546 : i32
        scf.if %cond3A_547 {
        } else {
        }
        %and3A_548 = arith.constant false
        %and3A_549 = arith.andi %and3A_544, %and3A_548 : i1
        %ne3A_550 = arith.cmpi ne, %add3A_350, %add3A_368 : i32
        %ne3A_551 = arith.cmpi ne, %add3A_351, %add3A_369 : i32
        %or3A_552 = arith.constant false
        %or3A_553 = arith.ori %or3A_552, %ne3A_550 : i1
        %or3A_554 = arith.ori %or3A_553, %ne3A_551 : i1
        %not3A_555 = arith.constant true
        %not3A_556 = arith.xori %eq3A_346, %not3A_555 : i1
        %and3A_557 = arith.andi %or3A_554, %not3A_556 : i1
        %convert_element_type3A_558 = arith.extui %and3A_557 : i1 to i32
        %cond3A_559 = arith.constant 0 : i32
        %cond3A_560 = arith.cmpi ne, %convert_element_type3A_558, %cond3A_559 : i32
        scf.if %cond3A_560 {
        } else {
        }
        %and3A_561 = arith.constant false
        %and3A_562 = arith.andi %and3A_557, %and3A_561 : i1
        %ne3A_563 = arith.cmpi ne, %add3A_350, %add3A_368 : i32
        %ne3A_564 = arith.cmpi ne, %add3A_351, %add3A_369 : i32
        %or3A_565 = arith.constant false
        %or3A_566 = arith.ori %or3A_565, %ne3A_563 : i1
        %or3A_567 = arith.ori %or3A_566, %ne3A_564 : i1
        %not3A_568 = arith.constant true
        %not3A_569 = arith.xori %eq3A_346, %not3A_568 : i1
        %and3A_570 = arith.andi %or3A_567, %not3A_569 : i1
        %convert_element_type3A_571 = arith.extui %and3A_570 : i1 to i32
        %cond3A_572 = arith.constant 0 : i32
        %cond3A_573 = arith.cmpi ne, %convert_element_type3A_571, %cond3A_572 : i32
        scf.if %cond3A_573 {
          "tpu.trace_start"() <{level = 10 : i32, message = "ep_wait_out"}> : () -> ()
          %rem3A_612 = arith.constant 2 : i32
          %rem3A_613 = arith.remui %scan3A_342, %rem3A_612 : i32
          %mul3A_614 = arith.constant 8 : i32
          %mul3A_615 = arith.muli %mul3A_614, %add3A_368 : i32
          %mul3A_616 = arith.constant 256 : i32
          %mul3A_617 = arith.muli %mul3A_616, %add3A_369 : i32
          %dma_wait3A_618 = arith.constant 0 : i32
          %dma_wait3A_619 = arith.constant 0 : i32
          %dma_wait3A_620 = arith.constant 0 : i32
          %dma_wait3A_621 = tpu.memref_slice %run_scoped3A_121[%rem3A_613, %dma_wait3A_618, %dma_wait3A_619, %dma_wait3A_620] : memref<2x7x8x256xf32, #tpu.memory_space<vmem>> -> memref<1x7x8x256xf32, #tpu.memory_space<vmem>>
          %dma_wait3A_622 = tpu.memref_squeeze %dma_wait3A_621 : memref<1x7x8x256xf32, #tpu.memory_space<vmem>> -> memref<7x8x256xf32, #tpu.memory_space<vmem>>
          %dma_wait3A_623 = arith.constant 0 : i32
          %dma_wait3A_624 = tpu.memref_slice %arg5[%dma_wait3A_623, %mul3A_615, %mul3A_617] : memref<7x64x16384xf32, #tpu.memory_space<hbm>> -> memref<7x8x256xf32, #tpu.memory_space<hbm>>
          %dma_wait3A_625 = tpu.memref_slice %run_scoped3A_122[%rem3A_613] : memref<2x!tpu.dma_semaphore, #tpu.memory_space<semaphore_mem>> -> memref<1x!tpu.dma_semaphore, #tpu.memory_space<semaphore_mem>>
          %dma_wait3A_626 = tpu.memref_squeeze %dma_wait3A_625 : memref<1x!tpu.dma_semaphore, #tpu.memory_space<semaphore_mem>> -> memref<!tpu.dma_semaphore, #tpu.memory_space<semaphore_mem>>
          %dma_wait3A_627 = arith.constant 0 : i32
          %dma_wait3A_628 = tpu.memref_slice %arg5[%dma_wait3A_627, %mul3A_615, %mul3A_617] : memref<7x64x16384xf32, #tpu.memory_space<hbm>> -> memref<7x8x256xf32, #tpu.memory_space<hbm>>
          %dma_wait3A_629 = arith.constant 0 : i32
          %dma_wait3A_630 = arith.constant 0 : i32
          %dma_wait3A_631 = arith.constant 0 : i32
          %dma_wait3A_632 = tpu.memref_slice %run_scoped3A_121[%rem3A_613, %dma_wait3A_629, %dma_wait3A_630, %dma_wait3A_631] : memref<2x7x8x256xf32, #tpu.memory_space<vmem>> -> memref<1x7x8x256xf32, #tpu.memory_space<vmem>>
          %dma_wait3A_633 = tpu.memref_squeeze %dma_wait3A_632 : memref<1x7x8x256xf32, #tpu.memory_space<vmem>> -> memref<7x8x256xf32, #tpu.memory_space<vmem>>
          tpu.wait_dma2 semaphore(%dma_wait3A_626 : memref<!tpu.dma_semaphore, #tpu.memory_space<semaphore_mem>>) src(%dma_wait3A_633 : memref<7x8x256xf32, #tpu.memory_space<vmem>>) dst(%dma_wait3A_628 : memref<7x8x256xf32, #tpu.memory_space<hbm>>)
          "tpu.trace_stop"() : () -> ()
        } else {
        }
        %and3A_574 = arith.constant true
        %and3A_575 = arith.andi %and3A_570, %and3A_574 : i1
        %add3A_576 = arith.constant 1 : i32
        %add3A_577 = arith.addi %scan3A_342, %add3A_576 : i32
        %select_n3A_578 = arith.select %and3A_575, %add3A_577, %scan3A_342 : i32
        %ne3A_579 = arith.cmpi ne, %add3A_350, %add3A_386 : i32
        %ne3A_580 = arith.cmpi ne, %add3A_351, %add3A_387 : i32
        %or3A_581 = arith.constant false
        %or3A_582 = arith.ori %or3A_581, %ne3A_579 : i1
        %or3A_583 = arith.ori %or3A_582, %ne3A_580 : i1
        %or3A_584 = arith.ori %or3A_583, %eq3A_348 : i1
        %add3A_585 = arith.constant 1 : i32
        %add3A_586 = arith.addi %scan3A_338, %add3A_585 : i32
        %select_n3A_587 = arith.select %or3A_584, %add3A_586, %scan3A_338 : i32
        %ne3A_588 = arith.cmpi ne, %add3A_350, %add3A_386 : i32
        %ne3A_589 = arith.cmpi ne, %add3A_351, %add3A_387 : i32
        %or3A_590 = arith.constant false
        %or3A_591 = arith.ori %or3A_590, %ne3A_588 : i1
        %or3A_592 = arith.ori %or3A_591, %ne3A_589 : i1
        %or3A_593 = arith.ori %or3A_592, %eq3A_348 : i1
        %add3A_594 = arith.constant 1 : i32
        %add3A_595 = arith.addi %scan3A_340, %add3A_594 : i32
        %select_n3A_596 = arith.select %or3A_593, %add3A_595, %scan3A_340 : i32
        %add3A_597 = arith.constant 1 : i32
        %add3A_598 = arith.addi %scan3A_344, %add3A_597 : i32
        %select_n3A_599 = arith.constant true
        %select_n3A_600 = arith.select %select_n3A_599, %add3A_598, %scan3A_344 : i32
        %eq3A_601 = arith.constant 2 : i32
        %eq3A_602 = arith.cmpi eq, %select_n3A_600, %eq3A_601 : i32
        %select_n3A_603 = arith.constant 0 : i32
        %select_n3A_604 = arith.select %eq3A_602, %select_n3A_603, %select_n3A_600 : i32
        %add3A_605 = arith.constant 1 : i32
        %add3A_606 = arith.addi %scan3A_343, %add3A_605 : i32
        %select_n3A_607 = arith.select %eq3A_602, %add3A_606, %scan3A_343 : i32
        %eq3A_608 = arith.constant 8 : i32
        %eq3A_609 = arith.cmpi eq, %select_n3A_607, %eq3A_608 : i32
        %select_n3A_610 = arith.constant 0 : i32
        %select_n3A_611 = arith.select %eq3A_609, %select_n3A_610, %select_n3A_607 : i32
        scf.yield %select_n3A_416, %select_n3A_587, %select_n3A_434, %select_n3A_596, %select_n3A_536, %select_n3A_578, %select_n3A_611, %select_n3A_604 : i32, i32, i32, i32, i32, i32, i32, i32
      }
      %scan3A_243 = arith.constant 16 : i32
      %sub3A = arith.constant 1 : i32
      %sub3A_244 = arith.subi %scan3A_242#7, %sub3A : i32
      %select_n3A_245 = arith.constant true
      %select_n3A_246 = arith.select %select_n3A_245, %sub3A_244, %scan3A_242#7 : i32
      %eq3A_247 = arith.constant -1 : i32
      %eq3A_248 = arith.cmpi eq, %select_n3A_246, %eq3A_247 : i32
      %select_n3A_249 = arith.constant 1 : i32
      %select_n3A_250 = arith.select %eq3A_248, %select_n3A_249, %select_n3A_246 : i32
      %sub3A_251 = arith.constant 1 : i32
      %sub3A_252 = arith.subi %scan3A_242#6, %sub3A_251 : i32
      %select_n3A_253 = arith.select %eq3A_248, %sub3A_252, %scan3A_242#6 : i32
      %eq3A_254 = arith.constant -1 : i32
      %eq3A_255 = arith.cmpi eq, %select_n3A_253, %eq3A_254 : i32
      %select_n3A_256 = arith.constant 7 : i32
      %select_n3A_257 = arith.select %eq3A_255, %select_n3A_256, %select_n3A_253 : i32
      %add3A_258 = arith.constant 0 : i32
      %add3A_259 = arith.addi %select_n3A_257, %add3A_258 : i32
      %add3A_260 = arith.addi %select_n3A_250, %mul3A_117 : i32
      %sub3A_261 = arith.constant 1 : i32
      %sub3A_262 = arith.subi %select_n3A_250, %sub3A_261 : i32
      %select_n3A_263 = arith.constant true
      %select_n3A_264 = arith.select %select_n3A_263, %sub3A_262, %select_n3A_250 : i32
      %eq3A_265 = arith.constant -1 : i32
      %eq3A_266 = arith.cmpi eq, %select_n3A_264, %eq3A_265 : i32
      %select_n3A_267 = arith.constant 1 : i32
      %select_n3A_268 = arith.select %eq3A_266, %select_n3A_267, %select_n3A_264 : i32
      %sub3A_269 = arith.constant 1 : i32
      %sub3A_270 = arith.subi %select_n3A_257, %sub3A_269 : i32
      %select_n3A_271 = arith.select %eq3A_266, %sub3A_270, %select_n3A_257 : i32
      %eq3A_272 = arith.constant -1 : i32
      %eq3A_273 = arith.cmpi eq, %select_n3A_271, %eq3A_272 : i32
      %select_n3A_274 = arith.constant 7 : i32
      %select_n3A_275 = arith.select %eq3A_273, %select_n3A_274, %select_n3A_271 : i32
      %add3A_276 = arith.constant 0 : i32
      %add3A_277 = arith.addi %select_n3A_275, %add3A_276 : i32
      %add3A_278 = arith.addi %select_n3A_268, %mul3A_117 : i32
      %add3A_279 = arith.constant 1 : i32
      %add3A_280 = arith.addi %select_n3A_250, %add3A_279 : i32
      %select_n3A_281 = arith.constant true
      %select_n3A_282 = arith.select %select_n3A_281, %add3A_280, %select_n3A_250 : i32
      %eq3A_283 = arith.constant 2 : i32
      %eq3A_284 = arith.cmpi eq, %select_n3A_282, %eq3A_283 : i32
      %select_n3A_285 = arith.constant 0 : i32
      %select_n3A_286 = arith.select %eq3A_284, %select_n3A_285, %select_n3A_282 : i32
      %add3A_287 = arith.constant 1 : i32
      %add3A_288 = arith.addi %select_n3A_257, %add3A_287 : i32
      %select_n3A_289 = arith.select %eq3A_284, %add3A_288, %select_n3A_257 : i32
      %eq3A_290 = arith.constant 8 : i32
      %eq3A_291 = arith.cmpi eq, %select_n3A_289, %eq3A_290 : i32
      %select_n3A_292 = arith.constant 0 : i32
      %select_n3A_293 = arith.select %eq3A_291, %select_n3A_292, %select_n3A_289 : i32
      %add3A_294 = arith.constant 0 : i32
      %add3A_295 = arith.addi %select_n3A_293, %add3A_294 : i32
      %add3A_296 = arith.addi %select_n3A_286, %mul3A_117 : i32
      %add3A_297 = arith.constant 1 : i32
      %add3A_298 = arith.addi %select_n3A_286, %add3A_297 : i32
      %select_n3A_299 = arith.constant true
      %select_n3A_300 = arith.select %select_n3A_299, %add3A_298, %select_n3A_286 : i32
      %eq3A_301 = arith.constant 2 : i32
      %eq3A_302 = arith.cmpi eq, %select_n3A_300, %eq3A_301 : i32
      %select_n3A_303 = arith.constant 0 : i32
      %select_n3A_304 = arith.select %eq3A_302, %select_n3A_303, %select_n3A_300 : i32
      %add3A_305 = arith.constant 1 : i32
      %add3A_306 = arith.addi %select_n3A_293, %add3A_305 : i32
      %select_n3A_307 = arith.select %eq3A_302, %add3A_306, %select_n3A_293 : i32
      %eq3A_308 = arith.constant 8 : i32
      %eq3A_309 = arith.cmpi eq, %select_n3A_307, %eq3A_308 : i32
      %select_n3A_310 = arith.constant 0 : i32
      %select_n3A_311 = arith.select %eq3A_309, %select_n3A_310, %select_n3A_307 : i32
      %add3A_312 = arith.constant 0 : i32
      %add3A_313 = arith.addi %select_n3A_311, %add3A_312 : i32
      %add3A_314 = arith.addi %select_n3A_304, %mul3A_117 : i32
      "tpu.trace_start"() <{level = 10 : i32, message = "ep_finalize"}> : () -> ()
      %rem3A_315 = arith.constant 2 : i32
      %rem3A_316 = arith.remui %scan3A_242#5, %rem3A_315 : i32
      %mul3A_317 = arith.constant 8 : i32
      %mul3A_318 = arith.muli %mul3A_317, %add3A_259 : i32
      %mul3A_319 = arith.constant 256 : i32
      %mul3A_320 = arith.muli %mul3A_319, %add3A_260 : i32
      %dma_wait3A = arith.constant 0 : i32
      %dma_wait3A_321 = arith.constant 0 : i32
      %dma_wait3A_322 = arith.constant 0 : i32
      %dma_wait3A_323 = tpu.memref_slice %run_scoped3A_121[%rem3A_316, %dma_wait3A, %dma_wait3A_321, %dma_wait3A_322] : memref<2x7x8x256xf32, #tpu.memory_space<vmem>> -> memref<1x7x8x256xf32, #tpu.memory_space<vmem>>
      %dma_wait3A_324 = tpu.memref_squeeze %dma_wait3A_323 : memref<1x7x8x256xf32, #tpu.memory_space<vmem>> -> memref<7x8x256xf32, #tpu.memory_space<vmem>>
      %dma_wait3A_325 = arith.constant 0 : i32
      %dma_wait3A_326 = tpu.memref_slice %arg5[%dma_wait3A_325, %mul3A_318, %mul3A_320] : memref<7x64x16384xf32, #tpu.memory_space<hbm>> -> memref<7x8x256xf32, #tpu.memory_space<hbm>>
      %dma_wait3A_327 = tpu.memref_slice %run_scoped3A_122[%rem3A_316] : memref<2x!tpu.dma_semaphore, #tpu.memory_space<semaphore_mem>> -> memref<1x!tpu.dma_semaphore, #tpu.memory_space<semaphore_mem>>
      %dma_wait3A_328 = tpu.memref_squeeze %dma_wait3A_327 : memref<1x!tpu.dma_semaphore, #tpu.memory_space<semaphore_mem>> -> memref<!tpu.dma_semaphore, #tpu.memory_space<semaphore_mem>>
      %dma_wait3A_329 = arith.constant 0 : i32
      %dma_wait3A_330 = tpu.memref_slice %arg5[%dma_wait3A_329, %mul3A_318, %mul3A_320] : memref<7x64x16384xf32, #tpu.memory_space<hbm>> -> memref<7x8x256xf32, #tpu.memory_space<hbm>>
      %dma_wait3A_331 = arith.constant 0 : i32
      %dma_wait3A_332 = arith.constant 0 : i32
      %dma_wait3A_333 = arith.constant 0 : i32
      %dma_wait3A_334 = tpu.memref_slice %run_scoped3A_121[%rem3A_316, %dma_wait3A_331, %dma_wait3A_332, %dma_wait3A_333] : memref<2x7x8x256xf32, #tpu.memory_space<vmem>> -> memref<1x7x8x256xf32, #tpu.memory_space<vmem>>
      %dma_wait3A_335 = tpu.memref_squeeze %dma_wait3A_334 : memref<1x7x8x256xf32, #tpu.memory_space<vmem>> -> memref<7x8x256xf32, #tpu.memory_space<vmem>>
      tpu.wait_dma2 semaphore(%dma_wait3A_328 : memref<!tpu.dma_semaphore, #tpu.memory_space<semaphore_mem>>) src(%dma_wait3A_335 : memref<7x8x256xf32, #tpu.memory_space<vmem>>) dst(%dma_wait3A_330 : memref<7x8x256xf32, #tpu.memory_space<hbm>>)
      "tpu.trace_stop"() : () -> ()
      tpu.yield
    }) : () -> ()
    return
  }
}

</mosaic_0001>

<sc_bundles>
// kernel: kernel.3.cloned.1.call-start
scs
__scs_entry_jumppad:
0x0: {  	(pc) =	sbr.rel $0x88, $3  }
0x1: {  	(tag) =	ssettag $0x0;
	lr =	simm.s32 $0x1  }
0x2: {  	[smem:$0x3F9E] =	sst lr;
	_ =	strace $0xD0000000  }
0x3: {  	_ = 	snop  }
0x4: {  	_ = 	snop  }
0x5: {  	_ = 	snop  }
0x6: {  	_ = 	snop  }
0x7: {  	_ = 	snop  }
__scs_overlays_trampoline_lowered:
0x8: {  	[smem:$0x3FAD] =	sst s0  }
0x9: {  	[smem:$0x3FAE] =	sst s1  }
0xa: {  	[smem:$0x3FAF] =	sst s2  }
0xb: {  	[smem:$0x3FB0] =	sst s3  }
0xc: {  	[smem:$0x3FB1] =	sst s4  }
0xd: {  	[smem:$0x3FB2] =	sst s5  }
0xe: {  	[smem:$0x3FB3] =	sst s6  }
0xf: {  	[smem:$0x3FB4] =	sst s7  }
0x10: {  	[smem:$0x3FB5] =	sst s8  }
0x11: {  	[smem:$0x3FB6] =	sst s9;
	s0 =	simm.s32 @!p0 $0x0  }
0x12: {  	s1 =	sld [smem:$0x3F9C];
	s0 =	simm.s32 @p0 $0x1  }
0x13: {  	[smem:$0x3FB7] =	sst s0;
	s0 =	simm.s32 @!p1 $0x0  }
0x14: {  	s2 =	sld [smem:$0x3F9B];
	s0 =	simm.s32 @p1 $0x1  }
0x15: {  	[smem:$0x3FB8] =	sst s0;
	s0 =	simm.s32 @!p2 $0x0  }
0x16: {  	s3 =	sld [smem:$0x3FDB];
	s0 =	simm.s32 @p2 $0x1  }
0x17: {  	s4 =	simm.s32 $0x1BF5;
	[smem:$0x3FBA] =	sst s0  }
0x18: {  	s0 =	sld [smem:$0x3F9D];
	_ =	swait.ge [sflag:s4], $0x0  }
0x19: {  	s7 =	sld [smem:$0x3F9E]  }
0x1a: {  	s8 =	sadd.s32 $0xFFFFE003, lr  }
0x1b: {  	s9 =	sadd.s32 $0xFFFFFEF7, lr;
	s5 =	simm.s32 $0xFFFFFFFF;
	p2 =	slt.u32 s8, $0xFFFFF086  }
0x1c: {  	p1 =	slt.u32 s9, $0xF7A;
	s5 =	simm.s32 @!p2 $0x0  }
0x1d: {  	s5 =	simm.s32 @p1 $0x1;
	p0 =	seq.s32 s7, s2  }
0x1e: {  	s7 =	smul.u32 @!p0 $0xF7A, s2;
	p2 =	seq.s32 @!p0 s5, $0x0  }
0x1f: {  	s9 =	smul.u32 $0xF7A, s1;
	s8 =	simm.s32 @!p0 $0x1BF5;
	p2 =	por !p2, p0  }
0x20: {  	[sflag:s8] =	ssyncset.s32 @!p0 $0xFFFFF086;
	s6 =	sadd.s32 @!p0 s3, s7;
	s7 =	simm.s32 @!p0 $0x108  }
0x21: {  	s3 =	sadd.s32 s3, s9;
	s6 =	sadd.s32 @!p0 $0x88, s6;
	s7 =	simm.s32 @p2 $0x1082  }
0x22: {  	[simem:s7], [sflag:s8] =	dma.local @!p0 [hbm:s6], $0xF7A  }
0x23: {  	s9 =	sor.u32 $0xD0000000, s2;
	s6 =	simm.s32 $0x108;
	_ =	swait.ge @!p0 [sflag:s8], $0x0  }
0x24: {  	s3 =	sadd.s32 $0x88, s3;
	s6 =	simm.s32 @!p1 $0x1082;
	[sflag:s4] =	ssyncset.s32 $0xFFFFF086  }
0x25: {  	[simem:s6], [sflag:s4] =	dma.local [hbm:s3], $0xF7A  }
0x26: {  	[smem:$0x3F9E] =	sst s1;
	(tag) =	ssettag s2;
	_ =	strace s9  }
0x27: {  	s1 =	sld [smem:$0x3FAE]  }
0x28: {  	s2 =	sld [smem:$0x3FAF]  }
0x29: {  	s4 =	sld [smem:$0x3FB1]  }
0x2a: {  	p0 =	seq.s32 s5, $0x0;
	s5 =	sld [smem:$0x3FB2]  }
0x2b: {  	s6 =	sld [smem:$0x3FB3]  }
0x2c: {  	s7 =	sld [smem:$0x3FB4]  }
0x2d: {  	s3 =	simm.s32 $0x108;
	s8 =	sld [smem:$0x3FB5]  }
0x2e: {  	s3 =	simm.s32 @!p0 $0x1082;
	s9 =	sld [smem:$0x3FB6]  }
0x2f: {  	lr =	sadd.s32 s0, s3;
	s0 =	sld [smem:$0x3FAD]  }
0x30: {  	s3 =	sld [smem:$0x3FB0]  }
0x31: {  	[smem:$0x3FB9] =	sst s10  }
0x32: {  	s10 =	sld [smem:$0x3FB7];
	_ =	sdelay $0x3  }
0x33: {  	p0 =	seq.s32 s10, $0x1;
	s10 =	sld [smem:$0x3FB9];
	_ =	sdelay $0x3  }
0x34: {  	[smem:$0x3FB9] =	sst s10  }
0x35: {  	s10 =	sld [smem:$0x3FB8];
	_ =	sdelay $0x3  }
0x36: {  	p1 =	seq.s32 s10, $0x1;
	s10 =	sld [smem:$0x3FB9];
	_ =	sdelay $0x3  }
0x37: {  	[smem:$0x3FB9] =	sst s10  }
0x38: {  	s10 =	sld [smem:$0x3FBA]  }
0x39: {  	_ = 	snop;
	(pc) =	sbr.ind lr, $3  }
0x3a: {  	_ = 	snop  }
0x3b: {  	_ = 	snop  }
0x3c: {  	p2 =	seq.s32 s10, $0x1;
	s10 =	sld [smem:$0x3FB9]  }
0x3d: {  	_ =	shalt  }
0x3e: {  	_ =	shalt  }
0x3f: {  	_ =	shalt  }
0x40: {  	_ =	shalt  }
0x41: {  	_ =	shalt  }
0x42: {  	_ =	shalt  }
0x43: {  	_ =	shalt  }
0x44: {  	_ =	shalt  }
0x45: {  	_ =	shalt  }
0x46: {  	_ =	shalt  }
0x47: {  	_ =	shalt  }
0x48: {  	_ =	shalt  }
0x49: {  	_ =	shalt  }
0x4a: {  	_ =	shalt  }
0x4b: {  	_ =	shalt  }
0x4c: {  	_ =	shalt  }
0x4d: {  	_ =	shalt  }
0x4e: {  	_ =	shalt  }
0x4f: {  	_ =	shalt  }
0x50: {  	_ =	shalt  }
0x51: {  	_ =	shalt  }
0x52: {  	_ =	shalt  }
0x53: {  	_ =	shalt  }
0x54: {  	_ =	shalt  }
0x55: {  	_ =	shalt  }
0x56: {  	_ =	shalt  }
0x57: {  	_ =	shalt  }
0x58: {  	_ =	shalt  }
0x59: {  	_ =	shalt  }
0x5a: {  	_ =	shalt  }
0x5b: {  	_ =	shalt  }
0x5c: {  	_ =	shalt  }
0x5d: {  	_ =	shalt  }
0x5e: {  	_ =	shalt  }
0x5f: {  	_ =	shalt  }
0x60: {  	_ =	shalt  }
0x61: {  	_ =	shalt  }
0x62: {  	_ =	shalt  }
0x63: {  	_ =	shalt  }
0x64: {  	_ =	shalt  }
0x65: {  	_ =	shalt  }
0x66: {  	_ =	shalt  }
0x67: {  	_ =	shalt  }
0x68: {  	_ =	shalt  }
0x69: {  	_ =	shalt  }
0x6a: {  	_ =	shalt  }
0x6b: {  	_ =	shalt  }
0x6c: {  	_ =	shalt  }
0x6d: {  	_ =	shalt  }
0x6e: {  	_ =	shalt  }
0x6f: {  	_ =	shalt  }
0x70: {  	_ =	shalt  }
0x71: {  	_ =	shalt  }
0x72: {  	_ =	shalt  }
0x73: {  	_ =	shalt  }
0x74: {  	_ =	shalt  }
0x75: {  	_ =	shalt  }
0x76: {  	_ =	shalt  }
0x77: {  	_ =	shalt  }
0x78: {  	_ =	shalt  }
0x79: {  	_ =	shalt  }
0x7a: {  	_ =	shalt  }
0x7b: {  	_ =	shalt  }
0x7c: {  	_ =	shalt  }
0x7d: {  	_ =	shalt  }
0x7e: {  	_ =	shalt  }
0x7f: {  	_ =	shalt  }
0x80: {  	_ =	shalt  }
0x81: {  	_ =	shalt  }
0x82: {  	_ =	shalt  }
0x83: {  	_ =	shalt  }
0x84: {  	_ =	shalt  }
0x85: {  	_ =	shalt  }
0x86: {  	_ =	shalt  }
0x87: {  	_ =	shalt  }
.Lfunc_end0:
.L_simem_size_0:
called_computation_lowered:
.L_overlay_start_0:
0x88: {  	s2 =	sld [smem:$0x3FD9]  }
0x89: {  	s3 =	sld [smem:$0x3FFE];
	_ =	sdelay $0x1  }
0x8a: {  	s1 =	srdreg.scid  }
0x8b: {  	s0 =	sand.u32 $0x1, s1  }
0x8c: {  	s17 =	sshll.u32 s0, $0xA;
	s2 =	sadd.s32 s3, s2  }
0x8d: {  	s2 =	sadd.s32 s2, s17  }
0x8e: {  	[smem:$0x3FC5] =	sst s2  }
0x8f: {  	_ = 	snop  }
0x90: {  	s2 =	sld [smem:$0x3FC9]  }
0x91: {  	s18 =	sld [smem:$0x3FC8]  }
0x92: {  	s4 =	sld [smem:$0x3FD0];
	(tm) =	ssettm $0x1  }
0x93: {  	s5 =	sld [smem:$0x3FFB];
	_ =	sdelay $0x3  }
0x94: {  	_ =	strace s5  }
0x95: {  	s5 =	sld [smem:$0x3FFC];
	_ =	sdelay $0x3  }
0x96: {  	_ =	strace s5  }
0x97: {  	s5 =	sld [smem:$0x3FFD];
	_ =	sdelay $0x3  }
0x98: {  	_ =	strace s5  }
0x99: {  	_ =	strace $0x8FFFFFFF  }
0x9a: {  	s19 =	sld [smem:$0x3FDB];
	_ =	sdelay $0x1  }
0x9b: {  	s6 =	simm.s32 $_scs_section_size  }
0x9c: {  	s7 =	simm.s32 $_size__tile_overlayer_lowered;
	s8 =	simm.s32 $_tile_overlayer_lowered  }
0x9d: {  	s22 =	simm.s32 $0x1BFF;
	s21 =	sshll.u32 s8, $0x1;
	s5 =	sadd.s32 s6, s19  }
0x9e: {  	s9 =	simm.s32 $0x0;
	s20 =	sshll.u32 s7, $0x1;
	s7 =	sadd.s32 s21, s5  }
0x9f: {  	[timem:s9], [sflag:s22] =	dma.local [hbm:s7], s20  }
0xa0: {  	_ =	swait.ge [sflag:s22], s20  }
0xa1: {  	s6 =	ssub.s32 $0x0, s20;
	[sflag:s22] =	ssyncset.done $0x0  }
0xa2: {  	[sflag:s22] =	ssyncadd.s32 s6;
	_ =	sdelay $0x1  }
0xa3: {  	s23 =	simm.s32 $0x1B8B  }
0xa4: {  	_ =	swait.ge [sflag:s23], $0x1  }
0xa5: {  	[sflag:s23] =	ssyncset.done $0x0  }
0xa6: {  	s25 =	simm.s32 $0x1B8E;
	s24 =	sld [smem:$0x3FFE];
	[sflag:s23] =	ssyncadd.s32 $0xFFFFFFFF  }
0xa7: {  	s26 =	simm.s32 $execute0_lowered;
	[smem:$0x3FD2] =	sst s25  }
0xa8: {  	s7 =	sshll.u32 s26, $0x1;
	_ =	strace $0x80000046;
	[dreg:$0x1] =	wrdreg $0xFFFFFFFF  }
0xa9: {  	s28 =	simm.s32 $_size_execute0_lowered;
	s5 =	sadd.s32 s5, s7;
	[dreg:$0x0] =	wrdreg $0x0  }
0xaa: {  	s7 =	sshll.u32 s28, $0x1;
	[dreg:$0x2] =	wrdreg s5  }
0xab: {  	[dreg:$0x3] =	wrdreg s7  }
0xac: {  	[dreg:$0x4] =	wrdreg $0xC0  }
0xad: {  	_ =	task [dreg:s9], $0x5FFFF  }
0xae: {  	[dreg:$0x1] =	wrdreg $0xFFFFFFFF  }
0xaf: {  	[dreg:$0x0] =	wrdreg $0x60  }
0xb0: {  	[dreg:$0x2] =	wrdreg s2  }
0xb1: {  	[dreg:$0x3] =	wrdreg s18  }
0xb2: {  	[dreg:$0x4] =	wrdreg s24  }
0xb3: {  	[dreg:$0x5] =	wrdreg s4  }
0xb4: {  	[dreg:$0x6] =	wrdreg $0x9  }
0xb5: {  	_ =	task.clear_ibuf [dreg:s9], $0x7FFFF;
	_ =	strace $0x90000046  }
0xb6: {  	s29 =	simm.s32 $0x9;
	_ =	strace $0x80000051  }
0xb7: {  	_ =	swait.ge [sflag:s29], $0x1  }
0xb8: {  	[sflag:s29] =	ssyncadd.s32 $0xFFFFFFFF  }
0xb9: {  	_ =	strace $0x90000051  }
0xba: {  	_ =	sfence  }
0xbb: {  	s30 =	sld [smem:$0x0];
	_ =	sdelay $0x2  }
0xbc: {  	s31 =	sshll.u32 s1, $0xD;
	s1 =	sshrl.u32 s1, $0x2  }
0xbd: {  	s3 =	sand.u32 $0x4000, s31;
	s1 =	sadd.s32 s1, s30  }
0xbe: {  	s0 =	sor.u32 s3, s0;
	s1 =	sshll.u32 s1, $0x11  }
0xbf: {  	s0 =	sor.u32 s1, s0  }
0xc0: {  	s0 =	sadd.s32 $0x8F2B, s0  }
0xc1: {  	[sflag:s0] =	ssyncadd.remote.s32 $0x1  }
0xc2: {  	_ =	sfence.sel $0xFFFF  }
0xc3: {  	[dreg:$0x0] =	wrdreg $0xFFFFFFFF;
	(pc) =	sbr.abs _section_cstart, $3  }
0xc4: {  	[dreg:$0x1] =	wrdreg $0xFFFFFFFF  }
0xc5: {  	_ =	task.clear_ibuf [dreg:s9], $0x2FFFF;
	_ =	strace $0x9FFFFFFF  }
0xc6: {  	(tm) =	ssettm $0x7FFFFFFF  }
0xc7: {  	_ =	shalt  }
tec
execute0_lowered:
.L_overlay_start_1:
0x0: {  	(tag) =	ssettag $0x1  }
0x1: {  	v0 =	vlaneseq.u32  }
0x2: {  	v1 =	vor.u32 $0x10, v0  }
0x3: {  	v39 =	vor.u32 $0x20, v0;
	[tilespmem:$0x1FE50] =	vst v1  }
0x4: {  	v40 =	vor.u32 $0x30, v0;
	[tilespmem:$0x1FE60] =	vst v39  }
0x5: {  	v41 =	vor.u32 $0x40, v0;
	[tilespmem:$0x1FE70] =	vst v40  }
0x6: {  	v42 =	vor.u32 $0x50, v0;
	[tilespmem:$0x1FE80] =	vst v41  }
0x7: {  	v43 =	vor.u32 $0x60, v0;
	[tilespmem:$0x1FE90] =	vst v42  }
0x8: {  	v44 =	vor.u32 $0x70, v0;
	[tilespmem:$0x1FEA0] =	vst v43  }
0x9: {  	s4 =	rddreg [dreg:$0x0];
	v45 =	vor.u32 $0x80, v0;
	[tilespmem:$0x1FEB0] =	vst v44  }
0xa: {  	s5 =	rddreg [dreg:$0x1];
	s2 =	simm.s32 $0x0;
	v46 =	vor.u32 $0x90, v0;
	[tilespmem:$0x1FEC0] =	vst v45  }
0xb: {  	[smem:$0x7FF] =	sst s2;
	v47 =	vor.u32 $0xA0, v0;
	[tilespmem:$0x1FED0] =	vst v46  }
0xc: {  	s0 =	rddreg [dreg:$0x2];
	v48 =	vor.u32 $0xB0, v0;
	_ =	strace $0x80000047;
	[tilespmem:$0x1FEE0] =	vst v47  }
0xd: {  	v49 =	vor.u32 $0xC0, v0;
	[tilespmem:$0x1FEF0] =	vst v48  }
0xe: {  	v50 =	vor.u32 $0xE0, v0;
	[tilespmem:$0x1FF00] =	vst v49  }
0xf: {  	v51 =	vor.u32 $0xF0, v0;
	[tilespmem:$0x1FF10] =	vst v50  }
0x10: {  	v52 =	vor.u32 $0x100, v0;
	[tilespmem:$0x1FF20] =	vst v51  }
0x11: {  	v53 =	vor.u32 $0x110, v0;
	[tilespmem:$0x1FF30] =	vst v52  }
0x12: {  	v54 =	vor.u32 $0x120, v0;
	[tilespmem:$0x1FF40] =	vst v53  }
0x13: {  	v55 =	vor.u32 $0x150, v0;
	[tilespmem:$0x1FF50] =	vst v54  }
0x14: {  	v56 =	vor.u32 $0x160, v0;
	[tilespmem:$0x1FF60] =	vst v55  }
0x15: {  	s1 =	srdreg.scid;
	v57 =	vor.u32 $0x170, v0;
	[tilespmem:$0x1FF70] =	vst v56  }
0x16: {  	s1 =	sand.u32 $0x1, s1;
	v58 =	vor.u32 $0x180, v0;
	[tilespmem:$0x1FF80] =	vst v57  }
0x17: {  	s3 =	stileid.u32;
	v59 =	vor.u32 $0x1C0, v0;
	s26 =	sshll.u32 s1, $0x4;
	[tilespmem:$0x1FF90] =	vst v58  }
0x18: {  	s0 =	sadd.s32 $0x400, s0;
	v60 =	vor.u32 $0x1D0, v0;
	s1 =	ssub.s32 $0x2, s1;
	s2 =	sor.u32 s3, s26;
	[tilespmem:$0x1FFA0] =	vst v59  }
0x19: {  	v61 =	vor.u32 $0x1E0, v0;
	[smem:$0x7F9] =	sst s0;
	[tilespmem:$0x1FFB0] =	vst v60;
	s3 =	sshll.u32 s2, $0x9;
	s29 =	sshll.u32 s2, $0x1  }
0x1a: {  	v62 =	vor.u32 $0x230, v0;
	s28 =	sshrl.u32 s1, $0x1;
	[tilespmem:$0x1FFC0] =	vst v61;
	[smem:$0x7FA] =	sst s29;
	s30 =	sadd.s32 s4, s3  }
0x1b: {  	v63 =	vor.u32 $0x240, v0;
	[tilespmem:$0x1FFD0] =	vst v62;
	s0 =	ssub.s32 s1, s28;
	s31 =	sadd.s32 s5, s3;
	[smem:$0x7FB] =	sst s30  }
0x1c: {  	v0 =	vor.u32 $0x2A0, v0;
	[tilespmem:$0x1FFE0] =	vst v63;
	s0 =	smax.u32 s0, $0x1;
	[smem:$0x7FC] =	sst s31  }
0x1d: {  	[tilespmem:$0x1FFF0] =	vst v0;
	s1 =	simm.s32 $0x0;
	[smem:$0x7FD] =	sst s0  }
.LBB2_1:
0x1e: {  	s25 =	sld [smem:$0x7F9];
	_ =	sdelay $0x1  }
0x1f: {  	[smem:$0x7F8] =	sst s1;
	s0 =	simm.s32 $0x0;
	s26 =	simm.s32 $0x1;
	v0 =	vlaneseq.u32  }
0x20: {  	[tilespmem:s0], [sflag:$0x1] =	stream.linear.gather [hbm4b:s25+s0], $0x380, $0x38;
	[tilespmem:$0x15380] =	vst v63  }
0x21: {  	_ =	swait.ge [sflag:s26], $0x380  }
0x22: {  	[sflag:s26] =	ssyncset.done $0x0  }
0x23: {  	[sflag:s26] =	ssyncadd.s32 $0xFFFFFC80  }
0x24: {  	v35 =	vld.idx.msk [tilespmem:v0+s0+$0x0], $0xffff  }
0x25: {  	v0 =	vld [tilespmem:$0x1FE50];
	_ =	sdelay $0x7  }
0x26: {  	v46 =	vld.idx.msk [tilespmem:v0+s0+$0x0], $0xffff  }
0x27: {  	v0 =	vld [tilespmem:$0x1FE60];
	_ =	sdelay $0x7  }
0x28: {  	v0 =	vld.idx.msk [tilespmem:v0+s0+$0x0], $0xffff;
	_ =	sdelay $0x4  }
0x29: {  	[tilespmem:$0x1FD30] =	vst v0;
	v0 =	vld [tilespmem:$0x1FE70];
	_ =	sdelay $0x7  }
0x2a: {  	v0 =	vld.idx.msk [tilespmem:v0+s0+$0x0], $0xffff;
	_ =	sdelay $0x4  }
0x2b: {  	[tilespmem:$0x1FD40] =	vst v0;
	v0 =	vld [tilespmem:$0x1FE80];
	_ =	sdelay $0x7  }
0x2c: {  	v0 =	vld.idx.msk [tilespmem:v0+s0+$0x0], $0xffff;
	_ =	sdelay $0x4  }
0x2d: {  	[tilespmem:$0x1FD50] =	vst v0;
	v0 =	vld [tilespmem:$0x1FE90];
	_ =	sdelay $0x7  }
0x2e: {  	v0 =	vld.idx.msk [tilespmem:v0+s0+$0x0], $0xffff;
	_ =	sdelay $0x4  }
0x2f: {  	[tilespmem:$0x1FD60] =	vst v0;
	v0 =	vld [tilespmem:$0x1FEA0];
	_ =	sdelay $0x7  }
0x30: {  	v0 =	vld.idx.msk [tilespmem:v0+s0+$0x0], $0xffff;
	_ =	sdelay $0x4  }
0x31: {  	[tilespmem:$0x1FD70] =	vst v0;
	v0 =	vld [tilespmem:$0x1FEB0];
	_ =	sdelay $0x7  }
0x32: {  	v47 =	vld.idx.msk [tilespmem:v0+s0+$0x0], $0xffff  }
0x33: {  	v0 =	vld [tilespmem:$0x1FEC0];
	_ =	sdelay $0x7  }
0x34: {  	v0 =	vld.idx.msk [tilespmem:v0+s0+$0x0], $0xffff;
	_ =	sdelay $0x4  }
0x35: {  	[tilespmem:$0x1FD80] =	vst v0;
	v0 =	vld [tilespmem:$0x1FED0];
	_ =	sdelay $0x7  }
0x36: {  	v0 =	vld.idx.msk [tilespmem:v0+s0+$0x0], $0xffff;
	_ =	sdelay $0x4  }
0x37: {  	[tilespmem:$0x1FD90] =	vst v0;
	v0 =	vld [tilespmem:$0x1FEE0];
	_ =	sdelay $0x7  }
0x38: {  	v0 =	vld.idx.msk [tilespmem:v0+s0+$0x0], $0xffff;
	_ =	sdelay $0x4  }
0x39: {  	[tilespmem:$0x1FDA0] =	vst v0;
	v0 =	vld [tilespmem:$0x1FEF0];
	_ =	sdelay $0x7  }
0x3a: {  	v0 =	vld.idx.msk [tilespmem:v0+s0+$0x0], $0xffff;
	_ =	sdelay $0x4  }
0x3b: {  	[tilespmem:$0x1FDB0] =	vst v0;
	v0 =	vld [tilespmem:$0x1FF00];
	_ =	sdelay $0x7  }
0x3c: {  	v0 =	vld.idx.msk [tilespmem:v0+s0+$0x0], $0xffff;
	_ =	sdelay $0x4  }
0x3d: {  	[tilespmem:$0x1FDC0] =	vst v0;
	v0 =	vld [tilespmem:$0x1FF10];
	_ =	sdelay $0x7  }
0x3e: {  	v53 =	vld.idx.msk [tilespmem:v0+s0+$0x0], $0xffff  }
0x3f: {  	v0 =	vld [tilespmem:$0x1FF20];
	_ =	sdelay $0x7  }
0x40: {  	v49 =	vld.idx.msk [tilespmem:v0+s0+$0x0], $0xffff  }
0x41: {  	v0 =	vld [tilespmem:$0x1FF30];
	_ =	sdelay $0x7  }
0x42: {  	v45 =	vld.idx.msk [tilespmem:v0+s0+$0x0], $0xffff  }
0x43: {  	v0 =	vld [tilespmem:$0x1FF40];
	_ =	sdelay $0x7  }
0x44: {  	v50 =	vld.idx.msk [tilespmem:v0+s0+$0x0], $0xffff  }
0x45: {  	v0 =	vld [tilespmem:$0x1FF50];
	_ =	sdelay $0x7  }
0x46: {  	v51 =	vld.idx.msk [tilespmem:v0+s0+$0x0], $0xffff  }
0x47: {  	v0 =	vld [tilespmem:$0x1FF60];
	_ =	sdelay $0x7  }
0x48: {  	v54 =	vld.idx.msk [tilespmem:v0+s0+$0x0], $0xffff  }
0x49: {  	v0 =	vld [tilespmem:$0x1FF70];
	_ =	sdelay $0x7  }
0x4a: {  	v0 =	vld.idx.msk [tilespmem:v0+s0+$0x0], $0xffff;
	_ =	sdelay $0x4  }
0x4b: {  	[tilespmem:$0x1FDD0] =	vst v0;
	v0 =	vld [tilespmem:$0x1FF80];
	_ =	sdelay $0x7  }
0x4c: {  	v55 =	vld.idx.msk [tilespmem:v0+s0+$0x0], $0xffff  }
0x4d: {  	v0 =	vld [tilespmem:$0x1FF90];
	_ =	sdelay $0x7  }
0x4e: {  	v1 =	vld.idx.msk [tilespmem:v0+s0+$0x0], $0xffff  }
0x4f: {  	v0 =	vld [tilespmem:$0x1FFA0];
	_ =	sdelay $0x7  }
0x50: {  	v34 =	vld.idx.msk [tilespmem:v0+s0+$0x0], $0xffff  }
0x51: {  	v0 =	vld [tilespmem:$0x1FFB0];
	_ =	sdelay $0x7  }
0x52: {  	v2 =	vld.idx.msk [tilespmem:v0+s0+$0x0], $0xffff  }
0x53: {  	v0 =	vld [tilespmem:$0x1FFC0];
	_ =	sdelay $0x7  }
0x54: {  	v43 =	vld.idx.msk [tilespmem:v0+s0+$0x0], $0xffff  }
0x55: {  	v0 =	vld [tilespmem:$0x1FFD0];
	_ =	sdelay $0x7  }
0x56: {  	v32 =	vld.idx.msk [tilespmem:v0+s0+$0x0], $0xffff  }
0x57: {  	v0 =	vld [tilespmem:$0x1FFE0];
	_ =	sdelay $0x7  }
0x58: {  	v3 =	vld.idx.msk [tilespmem:v0+s0+$0x0], $0xffff  }
0x59: {  	v0 =	vld [tilespmem:$0x1FFF0];
	_ =	sdelay $0x7  }
0x5a: {  	v0 =	vld.idx.msk [tilespmem:v0+s0+$0x0], $0xffff;
	_ =	sdelay $0x4  }
0x5b: {  	[tilespmem:$0x1FDE0] =	vst v0  }
0x5c: {  	_ =	strace $0x80000048  }
0x5d: {  	s28 =	sld [smem:$0x7FB]  }
0x5e: {  	s29 =	simm.s32 $0x800  }
0x5f: {  	s2 =	simm.s32 $0x100000;
	s3 =	simm.s32 $0x380;
	s30 =	sld [smem:$0x7FC]  }
0x60: {  	[tilespmem:s3], [sflag:$0x1] =	stream.strided.gather [hbm4b:s28+s29], $0x3800, s2, s29, $0x200038;
	[tilespmem:$0x15380] =	vst v63  }
0x61: {  	s31 =	simm.s32 $0x7380  }
0x62: {  	[tilespmem:s31], [sflag:$0x3] =	stream.strided.gather [hbm4b:s30+s29], $0x3800, s2, s29, $0x200038;
	[tilespmem:$0x15380] =	vst v63  }
0x63: {  	_ =	strace $0x90000048;
	[tilespmem:$0x1FDF0] =	vst v34  }
0x64: {  	[tilespmem:$0x1FE00] =	vst v43  }
0x65: {  	[tilespmem:$0x1FE10] =	vst v32  }
0x66: {  	s13 =	simm.s32 $0x0;
	s5 =	simm.s32 $0x0;
	s10 =	simm.s32 $0x0;
	[tilespmem:$0x1FE20] =	vst v1  }
0x67: {  	s7 =	simm.s32 $0x0;
	s8 =	simm.s32 $0x1;
	s9 =	simm.s32 $0x0;
	[tilespmem:$0x1FE30] =	vst v3  }
0x68: {  	s6 =	simm.s32 $0x1;
	s3 =	simm.s32 $0x0;
	s2 =	simm.s32 $0x0;
	[tilespmem:$0x1FE40] =	vst v2  }
.LBB2_2:
0x69: {  	s1 =	sadd.s32 $0x1, s13  }
0x6a: {  	s0 =	simm.s32 $0x1;
	p0 =	seq.s32 s1, $0x2  }
0x6b: {  	s0 =	simm.s32 @!p0 $0x0  }
0x6c: {  	[smem:$0x7EB] =	sst s2;
	s4 =	sadd.s32 s0, s5  }
0x6d: {  	[smem:$0x7EC] =	sst s5;
	p1 =	seq.s32 s4, $0x8  }
0x6e: {  	[smem:$0x7ED] =	sst s3;
	s1 =	simm.s32 @p0 $0x0;
	s4 =	simm.s32 @p1 $0x0  }
0x6f: {  	s11 =	sld [smem:$0x7FA];
	p6 =	sne.s32 s13, s1;
	p5 =	sne.s32 s5, s4  }
0x70: {  	[smem:$0x7EE] =	sst s1;
	p1 =	seq.s32 s3, $0xF;
	p0 =	por p6, p5  }
0x71: {  	s2 =	smov.u32 s6;
	[smem:$0x7EF] =	sst s4;
	p2 =	por !p0, p1  }
0x72: {  	s0 =	sand.u32 @!p2 $0x1, s6;
	s1 =	sadd.s32 @!p2 s11, s1;
	s4 =	sshll.u32 @!p2 s4, $0x11  }
0x73: {  	_ =	strace @!p2 $0x80000049;
	s3 =	smul.u32 @!p2 $0xE000, s0;
	s1 =	sshll.u32 @!p2 s1, $0xB  }
0x74: {  	s5 =	simm.s32 @!p2 $0x800;
	s6 =	simm.s32 @!p2 $0x100000;
	s1 =	sadd.s32 @!p2 s1, s4  }
0x75: {  	s4 =	rddreg [dreg:$0x0];
	s3 =	sshrl.u32 @!p2 s3, $0x2;
	s1 =	sshrl.u32 @!p2 s1, $0x3  }
0x76: {  	s0 =	sadd.s32 @!p2 $0x1, s0;
	s3 =	sor.u32 @!p2 $0x380, s3;
	s4 =	sadd.s32 @!p2 s4, s1  }
0x77: {  	[tilespmem:s3], [sflag:s0] =	stream.strided.gather @!p2 [hbm4b:s4+s5], $0x3800, s6, s5, $0x200038;
	[tilespmem:$0x15380] =	vst v63  }
0x78: {  	[smem:$0x7F0] =	sst s8;
	s0 =	sand.u32 @!p2 $0x1, s8  }
0x79: {  	s3 =	smul.u32 @!p2 $0xE000, s0;
	_ =	strace @!p2 $0x90000049  }
0x7a: {  	_ =	strace @!p2 $0x8000004A  }
0x7b: {  	s3 =	sshrl.u32 @!p2 s3, $0x2;
	s4 =	rddreg [dreg:$0x1]  }
0x7c: {  	s0 =	sadd.s32 @!p2 $0x3, s0;
	s3 =	sadd.s32 @!p2 $0x7380, s3;
	s1 =	sadd.s32 @!p2 s4, s1  }
0x7d: {  	[tilespmem:s3], [sflag:s0] =	stream.strided.gather @!p2 [hbm4b:s1+s5], $0x3800, s6, s5, $0x200038;
	[tilespmem:$0x15380] =	vst v63  }
0x7e: {  	s17 =	sand.u32 $0x1, s9;
	_ =	strace @!p2 $0x9000004A;
	[smem:$0x7F1] =	sst s9  }
0x7f: {  	s18 =	sadd.s32 $0x1, s17;
	_ =	strace $0x8000004B  }
0x80: {  	_ =	swait.ge [sflag:s18], $0x3800  }
0x81: {  	s0 =	smul.u32 $0xE000, s17;
	[sflag:s18] =	ssyncset.done $0x0  }
0x82: {  	s19 =	sand.u32 $0x1, s7;
	[sflag:s18] =	ssyncadd.s32 $0xFFFFC800  }
0x83: {  	s0 =	sshrl.u32 s0, $0x2;
	_ =	strace $0x9000004B;
	[smem:$0x7F2] =	sst s7  }
0x84: {  	s20 =	sadd.s32 $0x3, s19;
	s21 =	sor.u32 $0x380, s0;
	_ =	strace $0x8000004C  }
0x85: {  	s24 =	simm.s32 $0x0;
	s22 =	smul.u32 $0xE000, s19;
	v56 =	vmov s21;
	_ =	swait.ge [sflag:s20], $0x3800  }
0x86: {  	s23 =	simm.s32 $0x0;
	s26 =	sand.u32 $0x60, s24;
	[sflag:s20] =	ssyncset.done $0x0  }
0x87: {  	s0 =	sshrl.u32 s22, $0x2;
	[dreg:$0x5] =	wrdreg s21;
	[sflag:s20] =	ssyncadd.s32 $0xFFFFC800  }
0x88: {  	s28 =	sand.u32 $0x400, s23;
	s25 =	sadd.s32 $0x7380, s0;
	_ =	strace $0x9000004C  }
0x89: {  	s14 =	sor.u32 s26, s28;
	v57 =	vmov s25;
	_ =	strace $0x8000004D;
	[dreg:$0x6] =	wrdreg s25  }
0x8a: {  	s20 =	sor.u32 $0x1010, s14;
	v29 =	vld.idx.msk [tilespmem:v56+s14+$0x0 ss:$0x1], $0xffff  }
0x8b: {  	s5 =	sor.u32 $0x10, s14;
	v40 =	vld.idx.msk [tilespmem:v56+s20+$0x0 ss:$0x1], $0xffff  }
0x8c: {  	s19 =	sor.u32 $0x810, s14;
	v26 =	vld.idx.msk [tilespmem:v56+s5+$0x0 ss:$0x1], $0xffff  }
0x8d: {  	s30 =	sor.u32 $0x2810, s14;
	v6 =	vld.idx.msk [tilespmem:v56+s19+$0x0 ss:$0x1], $0xffff  }
0x8e: {  	s31 =	sor.u32 $0x3010, s14;
	v5 =	vld.idx.msk [tilespmem:v57+s30+$0x0 ss:$0x1], $0xffff  }
0x8f: {  	s0 =	sor.u32 $0x2010, s14;
	v8 =	vld.idx.msk [tilespmem:v57+s31+$0x0 ss:$0x1], $0xffff  }
0x90: {  	s21 =	sor.u32 $0x800, s14;
	v9 =	vld.idx.msk [tilespmem:v57+s0+$0x0 ss:$0x1], $0xffff  }
0x91: {  	s1 =	sor.u32 $0x1810, s14;
	v7 =	vld.idx.msk [tilespmem:v56+s21+$0x0 ss:$0x1], $0xffff  }
0x92: {  	v30 =	vld.idx.msk [tilespmem:v56+s1+$0x0 ss:$0x1], $0xffff  }
0x93: {  	v11 =	vld.idx.msk [tilespmem:v57+s1+$0x0 ss:$0x1], $0xffff  }
0x94: {  	v44 =	vld.idx.msk [tilespmem:v56+s0+$0x0 ss:$0x1], $0xffff  }
0x95: {  	v12 =	vld.idx.msk [tilespmem:v57+s20+$0x0 ss:$0x1], $0xffff  }
0x96: {  	v52 =	vld.idx.msk [tilespmem:v56+s30+$0x0 ss:$0x1], $0xffff  }
0x97: {  	v38 =	vld [tilespmem:$0x1FDC0]  }
0x98: {  	v33 =	vld [tilespmem:$0x1FD70]  }
0x99: {  	v61 =	vld.idx.msk [tilespmem:v57+s19+$0x0 ss:$0x1], $0xffff  }
0x9a: {  	v39 =	vld [tilespmem:$0x1FD60];
	v10 =	vmul.f32 v5, v26;
	v5 =	vmul.f32 v5, v6  }
0x9b: {  	v19 =	vld.idx.msk [tilespmem:v56+s31+$0x0 ss:$0x1], $0xffff  }
0x9c: {  	v8 =	vmul.f32 v8, v26;
	v17 =	vmul.f32 v5, v38;
	v5 =	vld [tilespmem:$0x1FD50]  }
0x9d: {  	v15 =	vld.idx.msk [tilespmem:v57+s5+$0x0 ss:$0x1], $0xffff;
	v13 =	vmul.f32 v9, v6;
	v14 =	vmul.f32 v9, v40  }
0x9e: {  	s3 =	sor.u32 $0x2800, s14;
	v42 =	vld [tilespmem:$0x1FDA0];
	v9 =	vmul.f32 v9, v26;
	v16 =	vmul.f32 v8, v33  }
0x9f: {  	s7 =	sor.u32 $0x3000, s14;
	v20 =	vld.idx.msk [tilespmem:v57+s3+$0x0 ss:$0x1], $0xffff;
	v18 =	vmul.f32 v10, v39;
	v8 =	vmul.f32 v11, v30  }
0xa0: {  	v23 =	vld.idx.msk [tilespmem:v57+s7+$0x0 ss:$0x1], $0xffff;
	v14 =	vmul.f32 v14, v51;
	v10 =	vmul.f32 v11, v6;
	v16 =	vadd.f32 v16, v17  }
0xa1: {  	v4 =	vld [tilespmem:$0x1FDB0];
	v21 =	vmul.f32 v8, v1;
	v8 =	vmul.f32 v9, v5  }
0xa2: {  	v31 =	vld [tilespmem:$0x1FDE0];
	v22 =	vmul.f32 v12, v44;
	v24 =	vmul.f32 v61, v52;
	v14 =	vadd.f32 v16, v14  }
0xa3: {  	v19 =	vmul.f32 v15, v19;
	[tilespmem:$0x1FCD0] =	vst v8;
	v8 =	vmul.f32 v10, v42  }
0xa4: {  	s16 =	sor.u32 $0x2000, s14;
	v28 =	vmul.f32 v20, v29;
	v22 =	vmul.f32 v22, v43;
	v14 =	vadd.f32 v14, v21  }
0xa5: {  	s22 =	sor.u32 $0x1000, s14;
	v20 =	vmul.f32 v20, v7;
	v23 =	vmul.f32 v23, v29;
	v25 =	vld.idx.msk [tilespmem:v57+s16+$0x0 ss:$0x1], $0xffff;
	[tilespmem:$0x1FCE0] =	vst v8  }
0xa6: {  	s23 =	sor.u32 $0x1800, s14;
	v13 =	vmul.f32 v13, v4;
	v24 =	vmul.f32 v24, v3;
	v14 =	vadd.f32 v14, v22;
	v10 =	vld.idx.msk [tilespmem:v56+s22+$0x0 ss:$0x1], $0xffff  }
0xa7: {  	v19 =	vmul.f32 v19, v31;
	v9 =	vmul.f32 v11, v40;
	v27 =	vld.idx.msk [tilespmem:v57+s23+$0x0 ss:$0x1], $0xffff  }
0xa8: {  	s24 =	sand.u32 $0x1, s10;
	v28 =	vmul.f32 v28, v39;
	v20 =	vmul.f32 v20, v38;
	v62 =	vld.idx.msk [tilespmem:v56+s23+$0x0 ss:$0x1], $0xffff;
	[smem:$0x7F3] =	sst s10;
	v14 =	vadd.f32 v14, v24  }
0xa9: {  	v23 =	vmul.f32 v23, v33;
	v13 =	vadd.f32 v18, v13;
	v9 =	vmul.f32 v9, v50;
	[smem:$0x7F4] =	sst s24;
	s10 =	smul.u32 $0xE000, s24  }
0xaa: {  	v11 =	vmul.f32 v11, v26;
	v59 =	vld.idx.msk [tilespmem:v57+s22+$0x0 ss:$0x1], $0xffff;
	v14 =	vadd.f32 v14, v19;
	v19 =	vmul.f32 v12, v30  }
0xab: {  	v13 =	vadd.f32 v13, v9;
	v9 =	vmul.f32 v12, v40;
	s10 =	sshrl.u32 s10, $0x2;
	v58 =	vmul.f32 v25, v7  }
0xac: {  	v37 =	vld [tilespmem:$0x1FD40];
	v17 =	vmul.f32 v25, v29;
	s10 =	sadd.s32 $0xE380, s10;
	v19 =	vmul.f32 v19, v55  }
0xad: {  	v60 =	vmul.f32 v58, v4;
	v0 =	vmul.f32 v27, v62;
	v58 =	vmov s10  }
0xae: {  	v16 =	vld.idx.msk [tilespmem:v56+s16+$0x0 ss:$0x1], $0xffff;
	v25 =	vmul.f32 v25, v10;
	v41 =	vmul.f32 v27, v7  }
0xaf: {  	[dreg:$0xb] =	wrdreg s10;
	v4 =	vmul.f32 v0, v1;
	v1 =	vmul.f32 v59, v10  }
0xb0: {  	v20 =	vadd.f32 v23, v20;
	v63 =	vmul.f32 v27, v10;
	v17 =	vmul.f32 v17, v5;
	v23 =	vld.idx.msk [tilespmem:v56+s3+$0x0 ss:$0x1], $0xffff  }
0xb1: {  	v5 =	vmov v3;
	v0 =	vld.idx.msk [tilespmem:v57+s21+$0x0 ss:$0x1], $0xffff;
	v3 =	vmul.f32 v1, v45;
	v1 =	vmul.f32 v11, v37  }
0xb2: {  	v25 =	vmul.f32 v25, v51;
	v21 =	vmul.f32 v41, v42;
	v41 =	vld [tilespmem:$0x1FD90];
	[tilespmem:v58+s31+$0x0 ss:$0x1] =	vst.idx.msk $0xffff, v14  }
0xb3: {  	v48 =	vmov v2;
	v18 =	vmul.f32 v59, v62;
	v2 =	vmul.f32 v59, v16;
	[tilespmem:$0x1FCF0] =	vst v1;
	v36 =	vld [tilespmem:$0x1FD30]  }
0xb4: {  	v14 =	vadd.f32 v28, v60;
	v28 =	vmul.f32 v9, v45;
	v9 =	vadd.f32 v20, v25;
	v25 =	vld.idx.msk [tilespmem:v56+s7+$0x0 ss:$0x1], $0xffff  }
0xb5: {  	v63 =	vmul.f32 v63, v50;
	v18 =	vmul.f32 v18, v55;
	v17 =	vadd.f32 v17, v21;
	v21 =	vld.idx.msk [tilespmem:v57+s14+$0x0 ss:$0x1], $0xffff  }
0xb6: {  	v13 =	vadd.f32 v13, v19;
	v2 =	vmul.f32 v2, v43;
	v33 =	vmul.f32 v0, v23  }
0xb7: {  	v20 =	vmul.f32 v59, v29;
	v1 =	vmul.f32 v0, v16;
	v14 =	vadd.f32 v14, v63  }
0xb8: {  	v60 =	vmul.f32 v0, v7;
	v4 =	vadd.f32 v9, v4;
	v19 =	vmul.f32 v33, v5;
	v33 =	vld [tilespmem:$0x1FD80]  }
0xb9: {  	v14 =	vadd.f32 v14, v18;
	v18 =	vmul.f32 v61, v44;
	v1 =	vmul.f32 v1, v48  }
0xba: {  	v2 =	vadd.f32 v4, v2;
	v11 =	vmul.f32 v20, v36;
	v25 =	vmul.f32 v21, v25  }
0xbb: {  	v1 =	vadd.f32 v14, v1;
	v14 =	vmul.f32 v18, v48;
	v18 =	vmul.f32 v21, v23  }
0xbc: {  	v2 =	vadd.f32 v2, v19;
	v19 =	vmul.f32 v15, v52;
	v23 =	vmul.f32 v25, v31  }
0xbd: {  	v20 =	vmov v5;
	v5 =	vmul.f32 v60, v33;
	v18 =	vmul.f32 v18, v32  }
0xbe: {  	[tilespmem:$0x1FD00] =	vst v11;
	v13 =	vadd.f32 v13, v14;
	v19 =	vmul.f32 v19, v32;
	v2 =	vadd.f32 v2, v23  }
0xbf: {  	[tilespmem:$0x1FD10] =	vst v5;
	v1 =	vadd.f32 v1, v18  }
0xc0: {  	v52 =	vld [tilespmem:$0x1FDD0];
	[tilespmem:v58+s7+$0x0 ss:$0x1] =	vst.idx.msk $0xffff, v2;
	v2 =	vadd.f32 v13, v19  }
0xc1: {  	[tilespmem:v58+s3+$0x0 ss:$0x1] =	vst.idx.msk $0xffff, v1  }
0xc2: {  	v8 =	vadd.f32 v17, v3;
	v3 =	vmul.f32 v61, v40;
	[tilespmem:v58+s30+$0x0 ss:$0x1] =	vst.idx.msk $0xffff, v2  }
0xc3: {  	v2 =	vld [tilespmem:$0x1FCD0]  }
0xc4: {  	v27 =	vmul.f32 v27, v29;
	v11 =	vmul.f32 v3, v49;
	v3 =	vld [tilespmem:$0x1FCE0]  }
0xc5: {  	s15 =	simm.s32 $0x100;
	s10 =	simm.s32 $0x20;
	v22 =	vmul.f32 v59, v7;
	v9 =	vmul.f32 v0, v62  }
0xc6: {  	s12 =	sand.u32 $0x400, s15;
	s25 =	sand.u32 $0x60, s10;
	v17 =	vmul.f32 v61, v6;
	v59 =	vmul.f32 v0, v10  }
0xc7: {  	s8 =	sor.u32 s25, s12;
	v16 =	vmul.f32 v21, v16;
	v9 =	vmul.f32 v9, v52  }
0xc8: {  	s25 =	sor.u32 $0x1010, s8;
	v4 =	vmul.f32 v61, v30;
	v25 =	vmul.f32 v59, v49  }
0xc9: {  	s24 =	sor.u32 $0x10, s8;
	v59 =	vld.idx.msk [tilespmem:v56+s25+$0x0 ss:$0x1], $0xffff;
	v1 =	vadd.f32 v8, v9;
	v8 =	vmul.f32 v16, v34;
	v2 =	vadd.f32 v2, v3  }
0xca: {  	s17 =	sor.u32 $0x810, s8;
	v4 =	vmul.f32 v4, v52;
	v63 =	vld.idx.msk [tilespmem:v56+s24+$0x0 ss:$0x1], $0xffff;
	v13 =	vmul.f32 v17, v33  }
0xcb: {  	s28 =	sor.u32 $0x2010, s8;
	v60 =	vld.idx.msk [tilespmem:v56+s17+$0x0 ss:$0x1], $0xffff;
	v17 =	vmul.f32 v15, v44;
	v1 =	vadd.f32 v1, v8;
	v2 =	vadd.f32 v2, v28  }
0xcc: {  	v27 =	vmul.f32 v27, v37;
	s26 =	sor.u32 $0x2810, s8;
	v22 =	vmul.f32 v22, v41;
	v18 =	vld.idx.msk [tilespmem:v57+s28+$0x0 ss:$0x1], $0xffff  }
0xcd: {  	s18 =	sor.u32 $0x3010, s8;
	v9 =	vld.idx.msk [tilespmem:v57+s26+$0x0 ss:$0x1], $0xffff;
	[tilespmem:v58+s16+$0x0 ss:$0x1] =	vst.idx.msk $0xffff, v1;
	v1 =	vadd.f32 v2, v4;
	v4 =	vmul.f32 v17, v34  }
0xce: {  	v24 =	vmul.f32 v12, v6;
	v23 =	vmul.f32 v15, v6;
	s30 =	sor.u32 $0x1810, s8;
	v8 =	vld.idx.msk [tilespmem:v57+s18+$0x0 ss:$0x1], $0xffff  }
0xcf: {  	v6 =	vadd.f32 v27, v22;
	v16 =	vmul.f32 v21, v62;
	v62 =	vld.idx.msk [tilespmem:v56+s30+$0x0 ss:$0x1], $0xffff;
	[dreg:$0x8] =	wrdreg s30;
	v1 =	vadd.f32 v1, v4  }
0xd0: {  	v27 =	vld.idx.msk [tilespmem:v57+s30+$0x0 ss:$0x1], $0xffff;
	[dreg:$0x7] =	wrdreg s28  }
0xd1: {  	v25 =	vadd.f32 v6, v25;
	v16 =	vmul.f32 v16, v54;
	[tilespmem:v58+s0+$0x0 ss:$0x1] =	vst.idx.msk $0xffff, v1  }
0xd2: {  	v0 =	vmul.f32 v0, v29;
	v17 =	vmul.f32 v15, v30;
	v30 =	vld [tilespmem:$0x1FD70]  }
0xd3: {  	v7 =	vmul.f32 v21, v7;
	v16 =	vadd.f32 v25, v16  }
0xd4: {  	v5 =	vmul.f32 v21, v10;
	v22 =	vmul.f32 v0, v46  }
0xd5: {  	v0 =	vld.idx.msk [tilespmem:v56+s28+$0x0 ss:$0x1], $0xffff;
	v4 =	vmul.f32 v8, v63;
	v8 =	vmul.f32 v9, v60;
	[tilespmem:v58+s23+$0x0 ss:$0x1] =	vst.idx.msk $0xffff, v16  }
0xd6: {  	v6 =	vmul.f32 v5, v53;
	v3 =	vmul.f32 v15, v40;
	v5 =	vld [tilespmem:$0x1FCF0]  }
0xd7: {  	v10 =	vld.idx.msk [tilespmem:v57+s25+$0x0 ss:$0x1], $0xffff;
	v8 =	vmul.f32 v8, v38;
	v40 =	vmul.f32 v4, v30  }
0xd8: {  	v24 =	vmul.f32 v24, v41;
	v44 =	vmul.f32 v18, v59;
	v1 =	vld.idx.msk [tilespmem:v56+s26+$0x0 ss:$0x1], $0xffff  }
0xd9: {  	v14 =	vmul.f32 v7, v47;
	v19 =	vmul.f32 v61, v26;
	v8 =	vadd.f32 v40, v8;
	v40 =	vld [tilespmem:$0x1FE20]  }
0xda: {  	v28 =	vmul.f32 v44, v51;
	v15 =	vmul.f32 v15, v26;
	v4 =	vld.idx.msk [tilespmem:v57+s17+$0x0 ss:$0x1], $0xffff  }
0xdb: {  	v7 =	vmul.f32 v3, v53;
	v2 =	vmul.f32 v27, v62;
	v24 =	vadd.f32 v5, v24  }
0xdc: {  	v25 =	vld.idx.msk [tilespmem:v56+s18+$0x0 ss:$0x1], $0xffff;
	v17 =	vmul.f32 v17, v54;
	v15 =	vmul.f32 v15, v35  }
0xdd: {  	v61 =	vld.idx.msk [tilespmem:v57+s24+$0x0 ss:$0x1], $0xffff;
	v16 =	vmul.f32 v19, v46;
	v19 =	vmul.f32 v23, v47;
	v11 =	vadd.f32 v24, v11  }
0xde: {  	v3 =	vld.idx.msk [tilespmem:v56+s8+$0x0 ss:$0x1], $0xffff;
	v23 =	vmul.f32 v10, v0;
	v8 =	vadd.f32 v8, v28;
	v2 =	vmul.f32 v2, v40  }
0xdf: {  	s4 =	smov.u32 s26;
	v9 =	vmul.f32 v9, v63;
	s26 =	sor.u32 $0x1800, s8;
	[tilespmem:$0x1FD20] =	vst v15;
	v5 =	vmul.f32 v4, v1;
	v11 =	vadd.f32 v11, v17  }
0xe0: {  	v12 =	vmul.f32 v12, v26;
	s0 =	sor.u32 $0x2800, s8;
	v23 =	vmul.f32 v23, v43;
	v28 =	vld.idx.msk [tilespmem:v56+s26+$0x0 ss:$0x1], $0xffff;
	v8 =	vadd.f32 v8, v2  }
0xe1: {  	v15 =	vmul.f32 v9, v39;
	v17 =	vld.idx.msk [tilespmem:v57+s0+$0x0 ss:$0x1], $0xffff;
	v5 =	vmul.f32 v5, v20;
	[tilespmem:v58+s1+$0x0 ss:$0x1] =	vst.idx.msk $0xffff, v11  }
0xe2: {  	s29 =	sor.u32 $0x3000, s8;
	v9 =	vld [tilespmem:$0x1FD10];
	v2 =	vmul.f32 v21, v29;
	v21 =	vmul.f32 v61, v25;
	v8 =	vadd.f32 v8, v23  }
0xe3: {  	v11 =	vmul.f32 v18, v63;
	v23 =	vmul.f32 v18, v60;
	v18 =	vld.idx.msk [tilespmem:v57+s29+$0x0 ss:$0x1], $0xffff  }
0xe4: {  	v12 =	vmul.f32 v12, v36;
	v5 =	vadd.f32 v8, v5;
	v8 =	vmul.f32 v21, v31;
	v31 =	vld [tilespmem:$0x1FDB0]  }
0xe5: {  	v44 =	vld [tilespmem:$0x1FD50]  }
0xe6: {  	s3 =	sor.u32 $0x800, s8;
	v12 =	vadd.f32 v12, v13;
	v5 =	vadd.f32 v5, v8;
	v8 =	vld [tilespmem:$0x1FD00]  }
0xe7: {  	s1 =	sor.u32 $0x1000, s8;
	v25 =	vld.idx.msk [tilespmem:v56+s3+$0x0 ss:$0x1], $0xffff  }
0xe8: {  	s7 =	sor.u32 $0x2000, s8;
	v12 =	vadd.f32 v12, v7;
	v7 =	vadd.f32 v22, v14;
	v22 =	vld.idx.msk [tilespmem:v57+s1+$0x0 ss:$0x1], $0xffff;
	v13 =	vmul.f32 v18, v3  }
0xe9: {  	v24 =	vld.idx.msk [tilespmem:v57+s7+$0x0 ss:$0x1], $0xffff;
	v21 =	vmul.f32 v23, v31;
	v23 =	vmul.f32 v27, v60  }
0xea: {  	v26 =	vld.idx.msk [tilespmem:v56+s1+$0x0 ss:$0x1], $0xffff;
	v29 =	vmov v20;
	v20 =	vmul.f32 v27, v59;
	v11 =	vmul.f32 v11, v44  }
0xeb: {  	v13 =	vmul.f32 v13, v30;
	v8 =	vadd.f32 v8, v9;
	v9 =	vmul.f32 v23, v42  }
0xec: {  	v23 =	vmul.f32 v17, v3;
	v17 =	vmul.f32 v17, v25  }
0xed: {  	v15 =	vadd.f32 v15, v21;
	v21 =	vmul.f32 v22, v28;
	v8 =	vadd.f32 v8, v6  }
0xee: {  	v30 =	vld.idx.msk [tilespmem:v56+s7+$0x0 ss:$0x1], $0xffff;
	v6 =	vmul.f32 v20, v50;
	v18 =	vmul.f32 v23, v39  }
0xef: {  	v23 =	vmul.f32 v24, v26;
	[tilespmem:v58+s22+$0x0 ss:$0x1] =	vst.idx.msk $0xffff, v8;
	v8 =	vmul.f32 v17, v38  }
0xf0: {  	v16 =	vadd.f32 v16, v19;
	v20 =	vld.idx.msk [tilespmem:v57+s26+$0x0 ss:$0x1], $0xffff;
	v17 =	vmul.f32 v24, v25;
	v24 =	vmul.f32 v24, v3  }
0xf1: {  	v23 =	vmul.f32 v23, v51;
	v14 =	vadd.f32 v15, v6;
	v15 =	vmul.f32 v22, v26  }
0xf2: {  	[tilespmem:v58+s20+$0x0 ss:$0x1] =	vst.idx.msk $0xffff, v12;
	v17 =	vmul.f32 v17, v31;
	v19 =	vmul.f32 v24, v44  }
0xf3: {  	v44 =	vadd.f32 v11, v9;
	v11 =	vmul.f32 v22, v30;
	v24 =	vmul.f32 v27, v63  }
0xf4: {  	v8 =	vadd.f32 v13, v8;
	v13 =	vmul.f32 v10, v60;
	v27 =	vmul.f32 v10, v59  }
0xf5: {  	[tilespmem:v58+s18+$0x0 ss:$0x1] =	vst.idx.msk $0xffff, v5;
	v15 =	vmul.f32 v15, v45;
	v12 =	vmul.f32 v20, v25  }
0xf6: {  	[tilespmem:v58+s21+$0x0 ss:$0x1] =	vst.idx.msk $0xffff, v7;
	v7 =	vmul.f32 v20, v26;
	v5 =	vmul.f32 v20, v28  }
0xf7: {  	[tilespmem:v58+s19+$0x0 ss:$0x1] =	vst.idx.msk $0xffff, v16;
	v16 =	vmul.f32 v20, v3;
	v20 =	vmul.f32 v22, v25  }
0xf8: {  	v17 =	vadd.f32 v18, v17;
	v18 =	vmul.f32 v10, v62;
	v11 =	vmul.f32 v11, v43  }
0xf9: {  	v9 =	vld.idx.msk [tilespmem:v57+s3+$0x0 ss:$0x1], $0xffff;
	v10 =	vmul.f32 v10, v63;
	v12 =	vmul.f32 v12, v42  }
0xfa: {  	v31 =	vld.idx.msk [tilespmem:v56+s0+$0x0 ss:$0x1], $0xffff;
	v7 =	vmul.f32 v7, v50;
	v5 =	vmul.f32 v5, v40  }
0xfb: {  	v6 =	vld [tilespmem:$0x1FD20];
	v8 =	vadd.f32 v8, v23;
	v39 =	vmul.f32 v16, v37;
	v20 =	vmul.f32 v20, v41  }
0xfc: {  	v16 =	vmul.f32 v13, v41;
	v12 =	vadd.f32 v19, v12;
	v19 =	vmul.f32 v21, v55  }
0xfd: {  	v5 =	vadd.f32 v8, v5;
	v21 =	vmul.f32 v24, v37;
	v8 =	vmul.f32 v27, v45  }
0xfe: {  	v7 =	vadd.f32 v17, v7;
	v17 =	vmul.f32 v18, v55;
	v18 =	vmul.f32 v22, v3  }
0xff: {  	v22 =	vmul.f32 v9, v25;
	v23 =	vmul.f32 v9, v28  }
0x100: {  	[tilespmem:v58+s5+$0x0 ss:$0x1] =	vst.idx.msk $0xffff, v6;
	v24 =	vmul.f32 v9, v30;
	v13 =	vmul.f32 v9, v31  }
0x101: {  	v6 =	vmul.f32 v4, v59;
	v41 =	vadd.f32 v12, v15;
	v15 =	vmul.f32 v9, v26  }
0x102: {  	v27 =	vadd.f32 v5, v11;
	v12 =	vmul.f32 v4, v60;
	v17 =	vadd.f32 v14, v17  }
0x103: {  	v14 =	vmul.f32 v4, v62;
	v44 =	vadd.f32 v44, v8;
	v8 =	vmul.f32 v18, v36  }
0x104: {  	v19 =	vadd.f32 v7, v19;
	v18 =	vmul.f32 v4, v0;
	v11 =	vmul.f32 v22, v33  }
0x105: {  	v5 =	vld.idx.msk [tilespmem:v57+s8+$0x0 ss:$0x1], $0xffff;
	v16 =	vadd.f32 v21, v16;
	v21 =	vmul.f32 v23, v52;
	v22 =	vmul.f32 v24, v48  }
0x106: {  	s12 =	simm.s32 @!p2 $0x1;
	v7 =	vadd.f32 v39, v20;
	v13 =	vmul.f32 v13, v29;
	v20 =	vmul.f32 v10, v36  }
0x107: {  	s12 =	simm.s32 @p2 $0x0;
	s31 =	sadd.s32 s11, s13;
	s5 =	sadd.s32 @!p2 $0x1, s2;
	v24 =	vmul.f32 v6, v49;
	v23 =	vmul.f32 v9, v3  }
0x108: {  	s12 =	simm.s32 @p1 $0x0;
	s5 =	smov.u32 @p2 s2;
	[smem:$0x7F6] =	sst s31;
	v15 =	vmul.f32 v15, v49;
	v10 =	vadd.f32 v19, v22;
	v22 =	vmul.f32 v12, v33  }
0x109: {  	s5 =	smov.u32 @p1 s2;
	[smem:$0x7F7] =	sst s12;
	v13 =	vadd.f32 v27, v13;
	v12 =	vmul.f32 v14, v52;
	v14 =	vmul.f32 v18, v48  }
0x10a: {  	[smem:$0x7F5] =	sst s5;
	v6 =	vadd.f32 v41, v21;
	v7 =	vadd.f32 v7, v15;
	v21 =	vmul.f32 v5, v25  }
0x10b: {  	v9 =	vadd.f32 v17, v14;
	v17 =	vld.idx.msk [tilespmem:v56+s29+$0x0 ss:$0x1], $0xffff;
	v15 =	vmul.f32 v5, v26;
	v19 =	vmul.f32 v5, v28  }
0x10c: {  	v39 =	vmovc v29;
	v12 =	vadd.f32 v44, v12;
	v14 =	vmul.f32 v5, v30;
	v18 =	vmul.f32 v5, v31  }
.LBB2_3:
0x10d: {  	v44 =	vld [tilespmem:$0x1FDE0]  }
0x10e: {  	v42 =	vld [tilespmem:$0x1FD70]  }
0x10f: {  	v52 =	vld [tilespmem:$0x1FDC0]  }
0x110: {  	v17 =	vmul.f32 v5, v17;
	v38 =	vld [tilespmem:$0x1FD60]  }
0x111: {  	s10 =	sadd.s32 $0x20, s10;
	v4 =	vmul.f32 v4, v63;
	s15 =	sadd.s32 $0x100, s15;
	v25 =	vmul.f32 v61, v60;
	v33 =	vld [tilespmem:$0x1FDB0]  }
0x112: {  	v26 =	vmul.f32 v61, v59;
	v0 =	vmul.f32 v61, v0;
	v36 =	vld [tilespmem:$0x1FD50];
	s2 =	sand.u32 $0x60, s10;
	s5 =	sand.u32 $0x400, s15  }
0x113: {  	v1 =	vmul.f32 v61, v1;
	v29 =	vmul.f32 v5, v3;
	v37 =	vld [tilespmem:$0x1FDA0];
	s2 =	sor.u32 s2, s5  }
0x114: {  	v5 =	vmul.f32 v61, v63;
	v16 =	vadd.f32 v16, v24;
	v24 =	vadd.f32 v8, v11;
	v8 =	vld.idx.msk [tilespmem:v56+s2+$0x0 ss:$0x1], $0xffff;
	s22 =	sor.u32 $0x1010, s2  }
0x115: {  	v20 =	vadd.f32 v20, v22;
	v22 =	vmul.f32 v61, v62;
	v23 =	vmul.f32 v23, v46;
	s19 =	sor.u32 $0x10, s2;
	v59 =	vld.idx.msk [tilespmem:v56+s22+$0x0 ss:$0x1], $0xffff  }
0x116: {  	v21 =	vmul.f32 v21, v47;
	v15 =	vmul.f32 v15, v53;
	s21 =	sor.u32 $0x810, s2;
	v11 =	vld.idx.msk [tilespmem:v56+s19+$0x0 ss:$0x1], $0xffff  }
0x117: {  	v19 =	vmul.f32 v19, v54;
	v4 =	vmul.f32 v4, v46;
	s12 =	sor.u32 $0x2810, s2;
	v60 =	vld.idx.msk [tilespmem:v56+s21+$0x0 ss:$0x1], $0xffff  }
0x118: {  	v25 =	vmul.f32 v25, v47;
	v26 =	vmul.f32 v26, v53;
	v15 =	vadd.f32 v24, v15;
	s5 =	sor.u32 $0x3010, s2;
	v24 =	vld.idx.msk [tilespmem:v57+s12+$0x0 ss:$0x1], $0xffff  }
0x119: {  	s31 =	sor.u32 $0x2010, s2;
	v22 =	vmul.f32 v22, v54;
	v3 =	vadd.f32 v7, v19;
	v14 =	vmul.f32 v14, v34;
	v27 =	vld.idx.msk [tilespmem:v57+s5+$0x0 ss:$0x1], $0xffff  }
0x11a: {  	s18 =	sor.u32 $0x1810, s2;
	v18 =	vmul.f32 v18, v32;
	v28 =	vld.idx.msk [tilespmem:v57+s31+$0x0 ss:$0x1], $0xffff;
	v0 =	vmul.f32 v0, v34;
	v26 =	vadd.f32 v20, v26  }
0x11b: {  	v1 =	vmul.f32 v1, v32;
	v62 =	vld.idx.msk [tilespmem:v56+s18+$0x0 ss:$0x1], $0xffff;
	v20 =	vadd.f32 v23, v21;
	v14 =	vadd.f32 v6, v14  }
0x11c: {  	v19 =	vld.idx.msk [tilespmem:v57+s18+$0x0 ss:$0x1], $0xffff;
	v17 =	vmul.f32 v17, v44;
	v18 =	vadd.f32 v10, v18;
	v12 =	vadd.f32 v12, v0  }
0x11d: {  	s20 =	sor.u32 $0x800, s2;
	v7 =	vld.idx.msk [tilespmem:v57+s22+$0x0 ss:$0x1], $0xffff;
	v9 =	vadd.f32 v9, v1;
	v10 =	vmul.f32 v2, v35;
	v2 =	vadd.f32 v16, v22  }
0x11e: {  	v6 =	vld.idx.msk [tilespmem:v56+s20+$0x0 ss:$0x1], $0xffff;
	v16 =	vadd.f32 v4, v25;
	v17 =	vadd.f32 v13, v17;
	v13 =	vmul.f32 v5, v35  }
0x11f: {  	v0 =	vld.idx.msk [tilespmem:v56+s31+$0x0 ss:$0x1], $0xffff;
	[tilespmem:v58+s0+$0x0 ss:$0x1] =	vst.idx.msk $0xffff, v18;
	v5 =	vmul.f32 v24, v11;
	v21 =	vmul.f32 v27, v11  }
0x120: {  	v1 =	vld.idx.msk [tilespmem:v56+s12+$0x0 ss:$0x1], $0xffff;
	v22 =	vmul.f32 v24, v60;
	[tilespmem:v58+s29+$0x0 ss:$0x1] =	vst.idx.msk $0xffff, v17;
	v17 =	vmul.f32 v28, v60  }
0x121: {  	s11 =	sor.u32 $0x3000, s2;
	v4 =	vld.idx.msk [tilespmem:v57+s21+$0x0 ss:$0x1], $0xffff;
	[tilespmem:v58+s4+$0x0 ss:$0x1] =	vst.idx.msk $0xffff, v9;
	v23 =	vmul.f32 v28, v59;
	v24 =	vmul.f32 v19, v60  }
0x122: {  	s30 =	sor.u32 $0x2000, s2;
	[tilespmem:v58+s7+$0x0 ss:$0x1] =	vst.idx.msk $0xffff, v14;
	s29 =	smov.u32 s11;
	v61 =	vld.idx.msk [tilespmem:v57+s19+$0x0 ss:$0x1], $0xffff;
	v27 =	vmul.f32 v19, v59;
	v18 =	vmul.f32 v21, v42  }
0x123: {  	s7 =	smov.u32 s30;
	v25 =	vld.idx.msk [tilespmem:v57+s29+$0x0 ss:$0x1], $0xffff;
	v21 =	vmul.f32 v22, v52;
	v5 =	vmul.f32 v5, v38  }
0x124: {  	s16 =	smov.u32 s25;
	v41 =	vld.idx.msk [tilespmem:v57+s7+$0x0 ss:$0x1], $0xffff;
	v9 =	vmul.f32 v17, v33;
	v17 =	vmul.f32 v23, v51  }
0x125: {  	s25 =	rddreg [dreg:$0x7];
	s28 =	sor.u32 $0x2800, s2;
	s23 =	sor.u32 $0x1800, s2;
	v63 =	vmov v11;
	v22 =	vld.idx.msk [tilespmem:v56+s5+$0x0 ss:$0x1], $0xffff;
	v23 =	vmul.f32 v28, v11;
	v24 =	vmul.f32 v24, v37  }
0x126: {  	s0 =	smov.u32 s28;
	[tilespmem:v58+s25+$0x0 ss:$0x1] =	vst.idx.msk $0xffff, v12;
	v12 =	vld.idx.msk [tilespmem:v56+s23+$0x0 ss:$0x1], $0xffff;
	v27 =	vmul.f32 v27, v50;
	v32 =	vmul.f32 v4, v59  }
0x127: {  	s13 =	sor.u32 $0x1000, s2;
	v14 =	vadd.f32 v18, v21;
	v18 =	vmul.f32 v19, v62;
	v21 =	vld.idx.msk [tilespmem:v57+s0+$0x0 ss:$0x1], $0xffff;
	v5 =	vadd.f32 v5, v9  }
0x128: {  	v9 =	vld.idx.msk [tilespmem:v56+s13+$0x0 ss:$0x1], $0xffff;
	v23 =	vmul.f32 v23, v36;
	[tilespmem:v58+s26+$0x0 ss:$0x1] =	vst.idx.msk $0xffff, v3;
	v19 =	vmul.f32 v19, v63  }
0x129: {  	v14 =	vadd.f32 v14, v17;
	v17 =	vmul.f32 v18, v40;
	v18 =	vmul.f32 v7, v0  }
0x12a: {  	s26 =	smov.u32 s23;
	v27 =	vadd.f32 v5, v27;
	v5 =	vmul.f32 v25, v8;
	v23 =	vadd.f32 v23, v24  }
0x12b: {  	v30 =	vld.idx.msk [tilespmem:v57+s26+$0x0 ss:$0x1], $0xffff;
	v24 =	vmul.f32 v41, v6;
	v14 =	vadd.f32 v14, v17;
	v17 =	vmul.f32 v18, v43  }
0x12c: {  	v25 =	vld.idx.msk [tilespmem:v57+s20+$0x0 ss:$0x1], $0xffff;
	v18 =	vmul.f32 v4, v1;
	v42 =	vmul.f32 v5, v42  }
0x12d: {  	v33 =	vmul.f32 v24, v33;
	v28 =	vmul.f32 v41, v9  }
0x12e: {  	v3 =	vadd.f32 v14, v17;
	v17 =	vmul.f32 v18, v39;
	v18 =	vmul.f32 v61, v22  }
0x12f: {  	s30 =	rddreg [dreg:$0x8];
	v31 =	vld.idx.msk [tilespmem:v57+s13+$0x0 ss:$0x1], $0xffff;
	v22 =	vmul.f32 v21, v8;
	v21 =	vmul.f32 v21, v6  }
0x130: {  	[tilespmem:v58+s30+$0x0 ss:$0x1] =	vst.idx.msk $0xffff, v2;
	v2 =	vmov v29;
	v24 =	vmul.f32 v30, v6;
	v28 =	vmul.f32 v28, v51  }
0x131: {  	v5 =	vld.idx.msk [tilespmem:v57+s2+$0x0 ss:$0x1], $0xffff;
	v29 =	vmul.f32 v25, v12;
	v3 =	vadd.f32 v3, v17;
	v17 =	vmul.f32 v18, v44  }
0x132: {  	v14 =	vld.idx.msk [tilespmem:v56+s7+$0x0 ss:$0x1], $0xffff;
	v22 =	vmul.f32 v22, v38;
	v21 =	vmul.f32 v21, v52  }
0x133: {  	s9 =	smov.u32 s24;
	[tilespmem:v58+s16+$0x0 ss:$0x1] =	vst.idx.msk $0xffff, v26;
	v18 =	vld.idx.msk [tilespmem:v56+s0+$0x0 ss:$0x1], $0xffff;
	v52 =	vmul.f32 v41, v8;
	v24 =	vmul.f32 v24, v37  }
0x134: {  	[tilespmem:v58+s9+$0x0 ss:$0x1] =	vst.idx.msk $0xffff, v13;
	v37 =	vmul.f32 v31, v12;
	v38 =	vmul.f32 v7, v59;
	v41 =	vld [tilespmem:$0x1FD40]  }
0x135: {  	v44 =	vadd.f32 v3, v17;
	v17 =	vld.idx.msk [tilespmem:v56+s29+$0x0 ss:$0x1], $0xffff;
	[tilespmem:v58+s1+$0x0 ss:$0x1] =	vst.idx.msk $0xffff, v15;
	v15 =	vmul.f32 v30, v9  }
0x136: {  	v21 =	vadd.f32 v42, v21;
	v11 =	vmul.f32 v52, v36;
	v36 =	vmul.f32 v31, v6  }
0x137: {  	v13 =	vmul.f32 v37, v55;
	v3 =	vmovc v8;
	v8 =	vadd.f32 v22, v33;
	v22 =	vmul.f32 v30, v12  }
0x138: {  	v15 =	vmul.f32 v15, v50;
	v11 =	vadd.f32 v11, v24;
	v24 =	vmul.f32 v31, v9  }
0x139: {  	s6 =	smov.u32 s14;
	v42 =	vld [tilespmem:$0x1FD90];
	[tilespmem:v58+s5+$0x0 ss:$0x1] =	vst.idx.msk $0xffff, v44;
	v44 =	vmul.f32 v4, v62;
	v26 =	vmul.f32 v30, v3  }
0x13a: {  	[tilespmem:v58+s6+$0x0 ss:$0x1] =	vst.idx.msk $0xffff, v10;
	v10 =	vmul.f32 v19, v41;
	v19 =	vmul.f32 v38, v45  }
0x13b: {  	[tilespmem:v58+s3+$0x0 ss:$0x1] =	vst.idx.msk $0xffff, v20;
	v30 =	vmul.f32 v25, v18;
	v18 =	vmul.f32 v5, v18  }
0x13c: {  	v22 =	vmul.f32 v22, v40;
	v8 =	vadd.f32 v8, v15;
	v15 =	vmul.f32 v31, v14  }
0x13d: {  	v21 =	vadd.f32 v21, v28;
	v24 =	vmul.f32 v24, v45;
	v20 =	vmul.f32 v26, v41  }
0x13e: {  	[tilespmem:v58+s17+$0x0 ss:$0x1] =	vst.idx.msk $0xffff, v16;
	v26 =	vmul.f32 v7, v62;
	v16 =	vmul.f32 v36, v42  }
0x13f: {  	v21 =	vadd.f32 v21, v22;
	v22 =	vmul.f32 v7, v60;
	v15 =	vmul.f32 v15, v43  }
0x140: {  	v52 =	vld [tilespmem:$0x1FD30];
	v41 =	vmul.f32 v4, v0;
	v28 =	vadd.f32 v11, v24;
	v24 =	vmul.f32 v25, v6  }
0x141: {  	v11 =	vmul.f32 v22, v42;
	v15 =	vadd.f32 v21, v15;
	v21 =	vmul.f32 v26, v55  }
0x142: {  	v22 =	vmul.f32 v31, v3;
	v26 =	vmul.f32 v25, v9  }
0x143: {  	v31 =	vadd.f32 v23, v19;
	v19 =	vadd.f32 v20, v16;
	v20 =	vmul.f32 v7, v63  }
0x144: {  	v23 =	vmul.f32 v4, v60;
	v42 =	vld [tilespmem:$0x1FDD0];
	v27 =	vadd.f32 v27, v21;
	v21 =	vmul.f32 v25, v14  }
0x145: {  	v13 =	vadd.f32 v8, v13;
	v8 =	vmul.f32 v22, v52;
	v7 =	vmul.f32 v26, v49  }
0x146: {  	v22 =	vld [tilespmem:$0x1FD80];
	v20 =	vmul.f32 v20, v52;
	v52 =	vmul.f32 v41, v48  }
0x147: {  	v16 =	vadd.f32 v10, v11;
	v14 =	vmul.f32 v5, v14;
	v10 =	vmul.f32 v21, v48  }
0x148: {  	p2 =	slt.u32 s10, $0xE0;
	v7 =	vadd.f32 v19, v7;
	v19 =	vmul.f32 v30, v39;
	v21 =	vmul.f32 v5, v6  }
.Ltmp0:
0x149: {  	v26 =	vmul.f32 v29, v42;
	v44 =	vmul.f32 v44, v42;
	(pc) =	sbr.rel @p2 .LBB2_3-.Ltmp0, $4  }
0x14a: {  	s14 =	smov.u32 s8;
	s8 =	smov.u32 s2;
	s28 =	smov.u32 s31;
	v10 =	vadd.f32 v13, v10;
	v13 =	vadd.f32 v15, v19;
	v15 =	vmul.f32 v5, v9  }
0x14b: {  	s24 =	smov.u32 s19;
	s31 =	smov.u32 s18;
	[dreg:$0x7] =	wrdreg s28;
	v19 =	vmul.f32 v5, v12;
	v11 =	vmul.f32 v24, v22  }
0x14c: {  	v34 =	vld [tilespmem:$0x1FDF0];
	s4 =	smov.u32 s12;
	[dreg:$0x8] =	wrdreg s31;
	s25 =	smov.u32 s22;
	v9 =	vadd.f32 v27, v52;
	v22 =	vmul.f32 v23, v22;
	v24 =	vmul.f32 v32, v49  }
0x14d: {  	s17 =	smov.u32 s21;
	s1 =	smov.u32 s13;
	s3 =	smov.u32 s20;
	v32 =	vld [tilespmem:$0x1FE10];
	v23 =	vmul.f32 v25, v3;
	v6 =	vadd.f32 v28, v26;
	v12 =	vadd.f32 v31, v44  }
0x14e: {  	v31 =	vld [tilespmem:$0x1FDE0]  }
0x14f: {  	v17 =	vmul.f32 v5, v17  }
0x150: {  	v4 =	vmul.f32 v4, v63;
	v1 =	vmul.f32 v61, v1  }
0x151: {  	v25 =	vmul.f32 v61, v60;
	v16 =	vadd.f32 v16, v24;
	v30 =	vmul.f32 v61, v59  }
0x152: {  	v26 =	vmul.f32 v61, v62;
	v8 =	vadd.f32 v8, v11;
	v1 =	vmul.f32 v1, v32  }
0x153: {  	v33 =	vadd.f32 v20, v22;
	v0 =	vmul.f32 v61, v0;
	v11 =	vmul.f32 v17, v31  }
0x154: {  	v37 =	vmul.f32 v21, v47;
	v18 =	vmul.f32 v18, v32;
	v1 =	vadd.f32 v9, v1  }
0x155: {  	v38 =	vmul.f32 v19, v54;
	v14 =	vmul.f32 v14, v34;
	v11 =	vadd.f32 v13, v11  }
0x156: {  	v41 =	vmul.f32 v15, v53;
	v10 =	vadd.f32 v10, v18;
	[tilespmem:v58+s4+$0x0 ss:$0x1] =	vst.idx.msk $0xffff, v1  }
0x157: {  	v0 =	vmul.f32 v0, v34;
	v6 =	vadd.f32 v6, v14;
	[tilespmem:v58+s29+$0x0 ss:$0x1] =	vst.idx.msk $0xffff, v11  }
0x158: {  	v57 =	vmul.f32 v61, v63;
	v7 =	vadd.f32 v7, v38;
	[tilespmem:v58+s0+$0x0 ss:$0x1] =	vst.idx.msk $0xffff, v10  }
0x159: {  	v61 =	vmul.f32 v5, v3;
	v0 =	vadd.f32 v12, v0;
	[tilespmem:v58+s7+$0x0 ss:$0x1] =	vst.idx.msk $0xffff, v6  }
0x15a: {  	v40 =	vmul.f32 v26, v54;
	v44 =	vadd.f32 v8, v41;
	s0 =	rddreg [dreg:$0x7];
	[tilespmem:v58+s26+$0x0 ss:$0x1] =	vst.idx.msk $0xffff, v7  }
0x15b: {  	v2 =	vmul.f32 v2, v35;
	v36 =	vmul.f32 v23, v46;
	[tilespmem:v58+s0+$0x0 ss:$0x1] =	vst.idx.msk $0xffff, v0  }
0x15c: {  	v42 =	vmul.f32 v30, v53;
	v43 =	vadd.f32 v16, v40;
	s0 =	rddreg [dreg:$0x8];
	[tilespmem:v58+s1+$0x0 ss:$0x1] =	vst.idx.msk $0xffff, v44  }
0x15d: {  	v52 =	vmul.f32 v4, v46;
	v59 =	vadd.f32 v36, v37;
	[tilespmem:v58+s14+$0x0 ss:$0x1] =	vst.idx.msk $0xffff, v2  }
0x15e: {  	v56 =	vmul.f32 v25, v47;
	v6 =	vadd.f32 v33, v42;
	[tilespmem:v58+s0+$0x0 ss:$0x1] =	vst.idx.msk $0xffff, v43  }
0x15f: {  	v62 =	vmul.f32 v57, v35;
	v63 =	vmul.f32 v61, v35;
	[tilespmem:v58+s3+$0x0 ss:$0x1] =	vst.idx.msk $0xffff, v59  }
0x160: {  	v60 =	vadd.f32 v52, v56;
	[tilespmem:v58+s25+$0x0 ss:$0x1] =	vst.idx.msk $0xffff, v6  }
0x161: {  	[tilespmem:v58+s8+$0x0 ss:$0x1] =	vst.idx.msk $0xffff, v63  }
0x162: {  	[tilespmem:v58+s17+$0x0 ss:$0x1] =	vst.idx.msk $0xffff, v60  }
0x163: {  	s16 =	simm.s32 $0x0;
	v57 =	vmov v39;
	s0 =	simm.s32 $0x0;
	v63 =	vmov v32;
	[tilespmem:v58+s24+$0x0 ss:$0x1] =	vst.idx.msk $0xffff, v62;
	v62 =	vmov v48  }
.LBB2_5:
0x164: {  	s1 =	sand.u32 $0xFFFFFC00, s0  }
0x165: {  	s5 =	sadd.s32 s1, s16  }
0x166: {  	s17 =	rddreg [dreg:$0x5];
	s6 =	sor.u32 $0x80, s5  }
0x167: {  	s18 =	rddreg [dreg:$0x6];
	s31 =	sadd.s32 s6, s17  }
0x168: {  	s3 =	sor.u32 $0x880, s5;
	s2 =	sadd.s32 s6, s18;
	v1 =	vld [tilespmem:s31+$0x0]  }
0x169: {  	s7 =	sadd.s32 s3, s18;
	v2 =	vld [tilespmem:s2+$0x0]  }
0x16a: {  	s1 =	sor.u32 $0x1880, s5;
	s4 =	sadd.s32 s3, s17;
	v4 =	vld [tilespmem:s7+$0x0]  }
0x16b: {  	s9 =	sadd.s32 s1, s18;
	v3 =	vld [tilespmem:s4+$0x0]  }
0x16c: {  	s2 =	sor.u32 $0x1080, s5;
	v7 =	vld [tilespmem:s9+$0x0];
	s7 =	sadd.s32 s1, s17  }
0x16d: {  	s8 =	sadd.s32 s2, s18;
	v12 =	vld [tilespmem:s7+$0x0]  }
0x16e: {  	v5 =	vld [tilespmem:s8+$0x0]  }
0x16f: {  	v48 =	vld [tilespmem:$0x1FD80];
	s4 =	sadd.s32 s2, s17;
	v0 =	vmul.f32 v2, v1;
	v8 =	vmul.f32 v4, v1  }
0x170: {  	v6 =	vld [tilespmem:s4+$0x0];
	v9 =	vmul.f32 v2, v3;
	v11 =	vmul.f32 v4, v3  }
0x171: {  	v36 =	vld [tilespmem:$0x1FD30];
	v15 =	vmul.f32 v7, v1;
	v22 =	vmul.f32 v7, v3  }
0x172: {  	v37 =	vld [tilespmem:$0x1FD40];
	v20 =	vmul.f32 v2, v12;
	v25 =	vmul.f32 v4, v12  }
0x173: {  	v42 =	vld [tilespmem:$0x1FDA0];
	s7 =	sor.u32 $0x2880, s5;
	v0 =	vmul.f32 v0, v35;
	v10 =	vmul.f32 v5, v1  }
0x174: {  	v52 =	vld [tilespmem:$0x1FDD0];
	s11 =	sadd.s32 s7, s18;
	v8 =	vmul.f32 v8, v46;
	v9 =	vmul.f32 v9, v47  }
0x175: {  	s12 =	sadd.s32 s7, s17;
	v19 =	vld [tilespmem:s11+$0x0];
	v11 =	vmul.f32 v11, v48;
	v14 =	vmul.f32 v2, v6  }
0x176: {  	v24 =	vld [tilespmem:s12+$0x0];
	v16 =	vmul.f32 v5, v3;
	v17 =	vmul.f32 v4, v6  }
0x177: {  	v41 =	vld [tilespmem:$0x1FD90];
	s4 =	sor.u32 $0x2080, s5;
	v15 =	vmul.f32 v15, v37;
	v23 =	vmul.f32 v5, v6  }
0x178: {  	v38 =	vld [tilespmem:$0x1FD50];
	s10 =	sadd.s32 s4, s18;
	v22 =	vmul.f32 v22, v42;
	v30 =	vmul.f32 v7, v6  }
0x179: {  	s8 =	sadd.s32 s4, s17;
	v13 =	vld [tilespmem:s10+$0x0];
	v31 =	vmul.f32 v5, v12;
	v7 =	vmul.f32 v7, v12  }
0x17a: {  	v18 =	vld [tilespmem:s8+$0x0];
	v20 =	vmul.f32 v20, v54;
	v27 =	vmul.f32 v19, v1  }
0x17b: {  	v39 =	vld [tilespmem:$0x1FD60];
	v25 =	vmul.f32 v25, v52;
	v33 =	vmul.f32 v2, v24  }
0x17c: {  	v43 =	vld [tilespmem:$0x1FDB0];
	v10 =	vmul.f32 v10, v36;
	v14 =	vmul.f32 v14, v53  }
0x17d: {  	v40 =	vld [tilespmem:$0x1FD70];
	s8 =	sor.u32 $0x3080, s5;
	v16 =	vmul.f32 v16, v41;
	v17 =	vmul.f32 v17, v49  }
0x17e: {  	s13 =	sand.u32 $0x60, s16;
	v44 =	vld [tilespmem:$0x1FDC0];
	s9 =	sand.u32 $0x400, s0;
	s5 =	sadd.s32 s8, s18;
	v21 =	vmul.f32 v13, v1;
	v23 =	vmul.f32 v23, v45  }
0x17f: {  	s15 =	sor.u32 s9, s13;
	s14 =	sadd.s32 s8, s17;
	v29 =	vld [tilespmem:s5+$0x0];
	v26 =	vmul.f32 v2, v18;
	v28 =	vmul.f32 v13, v3  }
0x180: {  	s11 =	sor.u32 $0x1090, s15;
	v56 =	vld [tilespmem:s14+$0x0];
	v32 =	vmul.f32 v4, v18;
	v30 =	vmul.f32 v30, v50  }
0x181: {  	s12 =	sor.u32 $0x1890, s15;
	s24 =	sadd.s32 s11, s17;
	v31 =	vmul.f32 v31, v55;
	v4 =	vmul.f32 v4, v24;
	v24 =	vld [tilespmem:$0x1FE00]  }
0x182: {  	s9 =	sor.u32 $0x90, s15;
	s25 =	sadd.s32 s12, s18;
	v3 =	vmul.f32 v19, v3;
	v5 =	vmul.f32 v5, v18;
	v18 =	vld [tilespmem:s24+$0x0]  }
0x183: {  	s19 =	sadd.s32 s9, s17;
	v6 =	vmul.f32 v13, v6;
	v19 =	vld [tilespmem:s25+$0x0];
	v27 =	vmul.f32 v27, v39  }
0x184: {  	s20 =	sadd.s32 s9, s18;
	v8 =	vadd.f32 v8, v9;
	v9 =	vmul.f32 v32, v62;
	v32 =	vmul.f32 v33, v63;
	v33 =	vld [tilespmem:s19+$0x0]  }
0x185: {  	s10 =	sor.u32 $0x890, s15;
	v21 =	vmul.f32 v21, v38;
	v58 =	vmul.f32 v29, v1;
	v1 =	vld [tilespmem:s20+$0x0]  }
0x186: {  	s22 =	sadd.s32 s10, s18;
	v26 =	vmul.f32 v26, v34;
	v2 =	vmul.f32 v2, v56;
	v56 =	vld [tilespmem:$0x1FDE0]  }
0x187: {  	v28 =	vmul.f32 v28, v43;
	v10 =	vadd.f32 v10, v11;
	v60 =	vadd.f32 v15, v16;
	v16 =	vld [tilespmem:s22+$0x0]  }
0x188: {  	s23 =	sadd.s32 s11, s18;
	v3 =	vmul.f32 v3, v44;
	v6 =	vmul.f32 v6, v51;
	v59 =	vadd.f32 v21, v22;
	v22 =	vld [tilespmem:$0x1FE20]  }
0x189: {  	s21 =	sadd.s32 s10, s17;
	v4 =	vmul.f32 v4, v57;
	v10 =	vadd.f32 v10, v14;
	v12 =	vadd.f32 v60, v17;
	v17 =	vld [tilespmem:s23+$0x0]  }
0x18a: {  	v61 =	vmul.f32 v58, v40;
	v14 =	vld [tilespmem:s21+$0x0];
	v29 =	vadd.f32 v27, v28;
	v5 =	vmul.f32 v5, v24  }
0x18b: {  	s5 =	sor.u32 $0x2090, s15;
	v21 =	vadd.f32 v59, v23;
	v23 =	vmul.f32 v1, v33;
	v2 =	vmul.f32 v2, v56  }
0x18c: {  	s26 =	sadd.s32 s5, s18;
	v3 =	vadd.f32 v61, v3;
	v60 =	vmul.f32 v1, v18;
	v61 =	vmul.f32 v19, v33  }
0x18d: {  	v24 =	vld [tilespmem:s26+$0x0];
	v15 =	vadd.f32 v21, v25;
	v25 =	vmul.f32 v16, v33;
	v7 =	vmul.f32 v7, v22  }
0x18e: {  	v3 =	vadd.f32 v3, v6;
	v11 =	vmul.f32 v23, v35;
	v58 =	vmul.f32 v17, v33  }
0x18f: {  	v21 =	vadd.f32 v29, v30;
	v59 =	vmul.f32 v16, v14;
	v30 =	vmul.f32 v17, v14  }
0x190: {  	v15 =	vadd.f32 v15, v26;
	v26 =	vmul.f32 v1, v14;
	v13 =	vmul.f32 v25, v46  }
0x191: {  	s13 =	sadd.s32 s12, s17;
	v21 =	vadd.f32 v21, v31;
	v31 =	vmul.f32 v16, v18;
	v25 =	vmul.f32 v61, v37  }
0x192: {  	v6 =	vld [tilespmem:s13+$0x0];
	v37 =	vmul.f32 v24, v33;
	v22 =	vmul.f32 v58, v36  }
0x193: {  	s13 =	sor.u32 $0x2890, s15;
	v23 =	vmul.f32 v59, v48;
	v3 =	vadd.f32 v3, v7;
	v7 =	vmul.f32 v60, v53  }
0x194: {  	v12 =	vadd.f32 v12, v20;
	s28 =	sadd.s32 s13, s18;
	v48 =	vmul.f32 v17, v18;
	v20 =	vmul.f32 v26, v47  }
0x195: {  	s15 =	sor.u32 $0x3090, s15;
	v9 =	vadd.f32 v21, v9;
	v21 =	vld [tilespmem:s28+$0x0];
	v26 =	vmul.f32 v30, v41;
	v3 =	vadd.f32 v3, v5  }
0x196: {  	s29 =	sadd.s32 s15, s18;
	v27 =	vmul.f32 v31, v49;
	v41 =	vmul.f32 v19, v14  }
0x197: {  	v58 =	vmul.f32 v37, v38;
	v61 =	vmul.f32 v16, v6;
	v3 =	vadd.f32 v3, v4;
	v4 =	vld [tilespmem:s29+$0x0]  }
0x198: {  	v36 =	vmul.f32 v1, v6;
	v22 =	vadd.f32 v22, v23;
	v60 =	vmul.f32 v48, v45  }
0x199: {  	v59 =	vmul.f32 v41, v42;
	v13 =	vadd.f32 v13, v20;
	v20 =	vmul.f32 v61, v52  }
0x19a: {  	s14 =	sadd.s32 s5, s17;
	v2 =	vadd.f32 v3, v2;
	v3 =	vmul.f32 v36, v54;
	v37 =	vmul.f32 v21, v33  }
0x19b: {  	v5 =	vld [tilespmem:s14+$0x0];
	v9 =	vadd.f32 v9, v32;
	v21 =	vmul.f32 v21, v14;
	v14 =	vmul.f32 v24, v14  }
0x19c: {  	v25 =	vadd.f32 v25, v26;
	v24 =	vmul.f32 v24, v18;
	v4 =	vmul.f32 v4, v33  }
0x19d: {  	v7 =	vadd.f32 v22, v7;
	v18 =	vmul.f32 v19, v18;
	v19 =	vmul.f32 v19, v6  }
0x19e: {  	s30 =	rddreg [dreg:$0xb];
	s31 =	sadd.s32 s13, s17;
	v23 =	vadd.f32 v58, v59;
	v6 =	vmul.f32 v17, v6;
	v4 =	vmul.f32 v4, v40;
	v40 =	vld [tilespmem:$0x1FE20]  }
0x19f: {  	s6 =	sadd.s32 s6, s30;
	v25 =	vadd.f32 v25, v27;
	v22 =	vmul.f32 v37, v39;
	v21 =	vmul.f32 v21, v44;
	v39 =	vld [tilespmem:s31+$0x0]  }
0x1a0: {  	s3 =	sadd.s32 s3, s30;
	[tilespmem:s6+$0x0] =	vst v0;
	v36 =	vmul.f32 v1, v5;
	v23 =	vadd.f32 v23, v60;
	v14 =	vmul.f32 v14, v43;
	v43 =	vld [tilespmem:$0x1FE00]  }
0x1a1: {  	s2 =	sadd.s32 s2, s30;
	[tilespmem:s3+$0x0] =	vst v8;
	s19 =	sadd.s32 s15, s17;
	v48 =	vmul.f32 v17, v5;
	v41 =	vmul.f32 v24, v51;
	v4 =	vadd.f32 v4, v21  }
0x1a2: {  	s1 =	sadd.s32 s1, s30;
	[tilespmem:s2+$0x0] =	vst v10;
	v42 =	vld [tilespmem:s19+$0x0];
	v5 =	vmul.f32 v16, v5;
	v18 =	vmul.f32 v18, v50;
	v14 =	vadd.f32 v22, v14  }
0x1a3: {  	s20 =	sadd.s32 s4, s30;
	[tilespmem:s1+$0x0] =	vst v12;
	v6 =	vmul.f32 v6, v55;
	v4 =	vadd.f32 v4, v41;
	v44 =	vmul.f32 v19, v40  }
0x1a4: {  	s21 =	sadd.s32 s7, s30;
	[tilespmem:s20+$0x0] =	vst v15;
	v38 =	vmul.f32 v36, v34;
	v20 =	vadd.f32 v23, v20;
	v14 =	vadd.f32 v14, v18  }
0x1a5: {  	s22 =	sadd.s32 s8, s30;
	[tilespmem:s21+$0x0] =	vst v9;
	v52 =	vmul.f32 v48, v43;
	v58 =	vmul.f32 v16, v39;
	v4 =	vadd.f32 v4, v44  }
0x1a6: {  	s23 =	sadd.s32 s9, s30;
	[tilespmem:s22+$0x0] =	vst v2;
	v5 =	vmul.f32 v5, v62;
	v0 =	vmul.f32 v1, v39;
	v59 =	vadd.f32 v14, v6  }
0x1a7: {  	s24 =	sadd.s32 s10, s30;
	[tilespmem:s23+$0x0] =	vst v11;
	v1 =	vmul.f32 v1, v42;
	v60 =	vmul.f32 v58, v57;
	v4 =	vadd.f32 v4, v52  }
0x1a8: {  	p2 =	slt.u32 s16, $0xE0;
	s25 =	sadd.s32 s11, s30;
	[tilespmem:s24+$0x0] =	vst v13;
	v3 =	vadd.f32 v25, v3;
	v0 =	vmul.f32 v0, v63;
	v2 =	vadd.f32 v59, v5  }
.Ltmp1:
0x1a9: {  	s26 =	sadd.s32 s12, s30;
	[tilespmem:s25+$0x0] =	vst v7;
	v61 =	vadd.f32 v20, v38;
	v1 =	vmul.f32 v1, v56;
	v4 =	vadd.f32 v4, v60;
	(pc) =	sbr.rel @p2 .LBB2_5-.Ltmp1, $4  }
0x1aa: {  	s28 =	sadd.s32 s5, s30;
	[tilespmem:s26+$0x0] =	vst v3;
	v0 =	vadd.f32 v2, v0  }
0x1ab: {  	s29 =	sadd.s32 s13, s30;
	[tilespmem:s28+$0x0] =	vst v61;
	v1 =	vadd.f32 v4, v1  }
0x1ac: {  	s30 =	sadd.s32 s15, s30;
	s31 =	sadd.s32 $0x20, s16;
	[tilespmem:s29+$0x0] =	vst v0  }
0x1ad: {  	s0 =	sadd.s32 $0x100, s0;
	s1 =	simm.s32 $0x0;
	s16 =	smov.u32 s31;
	[tilespmem:s30+$0x0] =	vst v1  }
0x1ae: {  	v26 =	vld [tilespmem:$0x1FD70]  }
0x1af: {  	s6 =	simm.s32 $0x0;
	v25 =	vld [tilespmem:$0x1FDC0]  }
0x1b0: {  	s1 =	sand.u32 $0x400, s1;
	v28 =	vld [tilespmem:$0x1FD60];
	s0 =	sand.u32 $0x60, s6  }
0x1b1: {  	v27 =	vld [tilespmem:$0x1FDB0];
	s2 =	sor.u32 s0, s1  }
0x1b2: {  	s17 =	rddreg [dreg:$0x5];
	v29 =	vld [tilespmem:$0x1FD50];
	s4 =	sor.u32 $0x1110, s2  }
0x1b3: {  	v30 =	vld [tilespmem:$0x1FDA0];
	s0 =	sor.u32 $0x110, s2;
	s9 =	sadd.s32 s4, s17  }
0x1b4: {  	s3 =	sor.u32 $0x910, s2;
	s5 =	sadd.s32 s0, s17;
	v58 =	vld [tilespmem:s9+$0x0]  }
0x1b5: {  	s18 =	rddreg [dreg:$0x6];
	s8 =	sor.u32 $0x2910, s2;
	s10 =	sadd.s32 s3, s17;
	v56 =	vld [tilespmem:s5+$0x0]  }
0x1b6: {  	s12 =	sor.u32 $0x3110, s2;
	s11 =	sadd.s32 s8, s18;
	v59 =	vld [tilespmem:s10+$0x0]  }
0x1b7: {  	s7 =	sor.u32 $0x1910, s2;
	s13 =	sadd.s32 s12, s18;
	v1 =	vld [tilespmem:s11+$0x0]  }
0x1b8: {  	s15 =	sadd.s32 s7, s17;
	v2 =	vld [tilespmem:s13+$0x0]  }
0x1b9: {  	s16 =	sadd.s32 s7, s18;
	v61 =	vld [tilespmem:s15+$0x0]  }
0x1ba: {  	s20 =	sadd.s32 s4, s18;
	v4 =	vld [tilespmem:s16+$0x0]  }
0x1bb: {  	s23 =	sadd.s32 s0, s18;
	v7 =	vld [tilespmem:s20+$0x0]  }
0x1bc: {  	s10 =	sor.u32 $0x2110, s2;
	s11 =	sadd.s32 s12, s17;
	v60 =	vld [tilespmem:s23+$0x0]  }
0x1bd: {  	s9 =	sadd.s32 s10, s18;
	v12 =	vld [tilespmem:s11+$0x0];
	v5 =	vmul.f32 v1, v56  }
0x1be: {  	s1 =	sor.u32 $0x100, s2;
	v3 =	vld [tilespmem:s9+$0x0];
	v2 =	vmul.f32 v2, v56;
	v6 =	vmul.f32 v1, v59  }
0x1bf: {  	v39 =	vld [tilespmem:$0x1FD40];
	s14 =	sadd.s32 s1, s17;
	v13 =	vmul.f32 v4, v61;
	v14 =	vmul.f32 v4, v59  }
0x1c0: {  	v37 =	vmov v57;
	v57 =	vld [tilespmem:s14+$0x0];
	s5 =	sor.u32 $0x2100, s2;
	s19 =	sadd.s32 s10, s17;
	v17 =	vmul.f32 v4, v58;
	v4 =	vmul.f32 v4, v56  }
0x1c1: {  	s14 =	sor.u32 $0x1100, s2;
	s30 =	sadd.s32 s5, s18;
	v0 =	vld [tilespmem:s19+$0x0];
	v22 =	vmul.f32 v7, v59;
	v52 =	vmul.f32 v7, v58  }
0x1c2: {  	s16 =	sadd.s32 s14, s17;
	v20 =	vld [tilespmem:s30+$0x0];
	v38 =	vmul.f32 v7, v61;
	v12 =	vmul.f32 v60, v12  }
0x1c3: {  	s31 =	sor.u32 $0x1900, s2;
	s13 =	sor.u32 $0x2900, s2;
	v21 =	vld [tilespmem:s16+$0x0];
	v8 =	vmul.f32 v3, v59;
	v9 =	vmul.f32 v3, v58  }
0x1c4: {  	v24 =	vld [tilespmem:$0x1FDE0];
	s15 =	sor.u32 $0x3100, s2;
	s9 =	sor.u32 $0x900, s2;
	s2 =	sadd.s32 s31, s18;
	v10 =	vmul.f32 v2, v26;
	v6 =	vmul.f32 v6, v25  }
0x1c5: {  	s25 =	sadd.s32 s13, s18;
	v48 =	vld [tilespmem:s2+$0x0];
	v11 =	vmul.f32 v5, v28;
	v3 =	vmul.f32 v3, v56  }
0x1c6: {  	s21 =	sadd.s32 s8, s17;
	v16 =	vld [tilespmem:s25+$0x0];
	v13 =	vmul.f32 v13, v40;
	v15 =	vmul.f32 v7, v0  }
0x1c7: {  	s22 =	sadd.s32 s3, s18;
	v1 =	vld [tilespmem:s21+$0x0];
	v14 =	vmul.f32 v14, v30;
	v17 =	vmul.f32 v17, v50  }
0x1c8: {  	s24 =	sadd.s32 s9, s17;
	v2 =	vld [tilespmem:s22+$0x0];
	v31 =	vmul.f32 v20, v21;
	v4 =	vmul.f32 v4, v39  }
0x1c9: {  	s26 =	sadd.s32 s15, s18;
	v5 =	vld [tilespmem:s24+$0x0];
	v7 =	vmul.f32 v7, v56;
	v12 =	vmul.f32 v12, v24  }
0x1ca: {  	v18 =	vld [tilespmem:s26+$0x0];
	v32 =	vmul.f32 v48, v21;
	v8 =	vmul.f32 v8, v27  }
0x1cb: {  	v3 =	vmul.f32 v3, v29;
	v6 =	vadd.f32 v10, v6;
	v10 =	vmul.f32 v16, v57  }
0x1cc: {  	v9 =	vmul.f32 v9, v51;
	v15 =	vmul.f32 v15, v43  }
0x1cd: {  	v10 =	vmul.f32 v10, v28;
	v3 =	vadd.f32 v3, v14;
	v14 =	vmul.f32 v48, v57  }
0x1ce: {  	v19 =	vmul.f32 v2, v1;
	v23 =	vmul.f32 v16, v5  }
0x1cf: {  	v6 =	vadd.f32 v6, v9;
	v16 =	vmul.f32 v18, v57;
	v9 =	vmul.f32 v20, v5  }
0x1d0: {  	s16 =	sadd.s32 s31, s17;
	v8 =	vadd.f32 v11, v8;
	v20 =	vmul.f32 v20, v57;
	v11 =	vmul.f32 v48, v5  }
0x1d1: {  	v18 =	vld [tilespmem:s16+$0x0];
	v42 =	vmul.f32 v2, v59;
	v44 =	vmul.f32 v2, v58  }
0x1d2: {  	s19 =	sadd.s32 s14, s18;
	v19 =	vmul.f32 v19, v37;
	v23 =	vmul.f32 v23, v25  }
0x1d3: {  	v6 =	vadd.f32 v6, v13;
	v13 =	vld [tilespmem:s19+$0x0];
	v16 =	vmul.f32 v16, v26;
	v9 =	vmul.f32 v9, v27  }
0x1d4: {  	v8 =	vadd.f32 v8, v17;
	v26 =	vmul.f32 v31, v51;
	v17 =	vmul.f32 v20, v29  }
0x1d5: {  	v11 =	vmul.f32 v11, v30;
	v31 =	vld [tilespmem:$0x1FD90];
	v6 =	vadd.f32 v6, v15;
	v16 =	vadd.f32 v16, v23  }
0x1d6: {  	s20 =	sadd.s32 s5, s17;
	v9 =	vadd.f32 v10, v9;
	v10 =	vmul.f32 v14, v39;
	v33 =	vmul.f32 v48, v18  }
0x1d7: {  	s21 =	sadd.s32 s9, s18;
	v15 =	vld [tilespmem:s20+$0x0];
	v6 =	vadd.f32 v6, v19;
	v19 =	vmul.f32 v32, v50;
	v32 =	vmul.f32 v2, v0  }
0x1d8: {  	v29 =	vld [tilespmem:s21+$0x0];
	v36 =	vmul.f32 v13, v5;
	v16 =	vadd.f32 v16, v26;
	v20 =	vmul.f32 v33, v40  }
0x1d9: {  	v27 =	vadd.f32 v6, v12;
	v6 =	vmul.f32 v13, v21;
	v12 =	vmul.f32 v13, v18  }
0x1da: {  	v9 =	vadd.f32 v9, v19;
	v19 =	vmul.f32 v38, v55;
	v14 =	vmul.f32 v36, v31;
	v36 =	vld [tilespmem:$0x1FD30]  }
0x1db: {  	s22 =	sadd.s32 s13, s17;
	v16 =	vadd.f32 v16, v20;
	v20 =	vmul.f32 v22, v31;
	v22 =	vmul.f32 v52, v45  }
0x1dc: {  	s23 =	sadd.s32 s1, s18;
	v24 =	vld [tilespmem:s22+$0x0];
	v11 =	vadd.f32 v17, v11;
	v23 =	vmul.f32 v13, v15;
	v12 =	vmul.f32 v12, v55  }
0x1dd: {  	v13 =	vmul.f32 v13, v57;
	v41 =	vmul.f32 v29, v15;
	v22 =	vadd.f32 v3, v22;
	v3 =	vld [tilespmem:s23+$0x0]  }
0x1de: {  	v6 =	vmul.f32 v6, v45;
	v25 =	vadd.f32 v9, v12;
	v9 =	vadd.f32 v4, v20;
	v20 =	vld [tilespmem:$0x1FDD0]  }
0x1df: {  	v48 =	vadd.f32 v8, v19;
	v19 =	vmul.f32 v2, v61;
	v8 =	vmul.f32 v13, v36;
	v13 =	vld [tilespmem:$0x1FD80]  }
0x1e0: {  	v17 =	vmul.f32 v23, v43;
	v23 =	vadd.f32 v10, v14;
	v14 =	vmul.f32 v29, v21  }
0x1e1: {  	v10 =	vmul.f32 v29, v5;
	v12 =	vmul.f32 v29, v18  }
0x1e2: {  	v16 =	vadd.f32 v16, v17;
	v17 =	vmul.f32 v29, v24;
	v33 =	vmul.f32 v14, v49  }
0x1e3: {  	v6 =	vadd.f32 v11, v6;
	v14 =	vmul.f32 v44, v49;
	v11 =	vmul.f32 v12, v20  }
0x1e4: {  	s24 =	sadd.s32 s15, s17;
	v15 =	vmul.f32 v3, v15;
	v10 =	vmul.f32 v10, v13  }
0x1e5: {  	s25 =	rddreg [dreg:$0xb];
	v52 =	vld [tilespmem:s24+$0x0];
	v6 =	vadd.f32 v6, v11;
	v11 =	vmul.f32 v7, v36;
	v12 =	vmul.f32 v42, v13  }
0x1e6: {  	s26 =	sadd.s32 s14, s25;
	s28 =	sadd.s32 s5, s25;
	v7 =	vmul.f32 v19, v20;
	v19 =	vmul.f32 v3, v5  }
0x1e7: {  	s30 =	sadd.s32 s13, s25;
	s14 =	sadd.s32 s15, s25;
	s2 =	sadd.s32 s0, s25;
	v13 =	vmul.f32 v3, v21;
	v20 =	vmul.f32 v3, v18  }
0x1e8: {  	s29 =	sadd.s32 s7, s25;
	s5 =	sadd.s32 s8, s25;
	s8 =	simm.s32 $0x0;
	v4 =	vadd.f32 v8, v10;
	v10 =	vmul.f32 v41, v62;
	v8 =	vmul.f32 v17, v37  }
0x1e9: {  	s17 =	sadd.s32 s31, s25;
	s31 =	sadd.s32 s12, s25;
	[dreg:$0xc] =	wrdreg s26;
	v21 =	vmul.f32 v3, v24;
	v17 =	vmul.f32 v32, v62;
	v7 =	vadd.f32 v22, v7  }
0x1ea: {  	s13 =	sadd.s32 s4, s25;
	s12 =	sadd.s32 s10, s25;
	s16 =	smov.u32 s30;
	[tilespmem:s31+$0x0] =	vst v27;
	v18 =	vmul.f32 v3, v52;
	v8 =	vadd.f32 v16, v8;
	v10 =	vadd.f32 v25, v10  }
0x1eb: {  	s21 =	sadd.s32 s3, s25;
	s20 =	sadd.s32 s1, s25;
	s23 =	sadd.s32 s9, s25;
	v16 =	vmul.f32 v29, v57;
	v5 =	vadd.f32 v48, v17;
	v17 =	vadd.f32 v23, v33;
	v33 =	vmovc v37  }
.LBB2_7:
0x1ec: {  	[dreg:$0x1c] =	wrdreg s21  }
0x1ed: {  	[dreg:$0x1a] =	wrdreg s13  }
0x1ee: {  	[dreg:$0x14] =	wrdreg s20  }
0x1ef: {  	[dreg:$0x13] =	wrdreg s2;
	s6 =	sadd.s32 $0x20, s6;
	s8 =	sadd.s32 $0x100, s8  }
0x1f0: {  	s30 =	rddreg [dreg:$0x6];
	s0 =	sand.u32 $0x60, s6;
	s1 =	sand.u32 $0x400, s8;
	v20 =	vmul.f32 v20, v54  }
0x1f1: {  	s9 =	rddreg [dreg:$0x5];
	v23 =	vld [tilespmem:$0x1FD70];
	s2 =	smov.u32 s6;
	s0 =	sor.u32 s0, s1  }
0x1f2: {  	s18 =	sor.u32 $0x100, s0;
	s24 =	sor.u32 $0x900, s0;
	s13 =	sor.u32 $0x1110, s0;
	v17 =	vadd.f32 v17, v20;
	v20 =	vld [tilespmem:$0x1FDE0]  }
0x1f3: {  	v24 =	vld [tilespmem:$0x1FD60];
	v16 =	vmul.f32 v16, v46;
	v19 =	vmul.f32 v19, v47;
	s26 =	sor.u32 $0x2900, s0;
	s20 =	sor.u32 $0x110, s0;
	s11 =	sadd.s32 s13, s9  }
0x1f4: {  	v11 =	vadd.f32 v11, v12;
	v12 =	vmul.f32 v60, v58;
	s21 =	sor.u32 $0x3100, s0;
	s22 =	sor.u32 $0x910, s0;
	s15 =	sadd.s32 s20, s9;
	v58 =	vld [tilespmem:s11+$0x0]  }
0x1f5: {  	v22 =	vmul.f32 v60, v59;
	v16 =	vadd.f32 v16, v19;
	v19 =	vmul.f32 v21, v63;
	s1 =	sor.u32 $0x2110, s0;
	s6 =	sor.u32 $0x1900, s0;
	s19 =	sadd.s32 s22, s9;
	v21 =	vld [tilespmem:s15+$0x0]  }
0x1f6: {  	v0 =	vmul.f32 v60, v0;
	v1 =	vmul.f32 v60, v1;
	s3 =	sadd.s32 s18, s9;
	s11 =	smov.u32 s5;
	s5 =	sor.u32 $0x2910, s0;
	v59 =	vld [tilespmem:s19+$0x0]  }
0x1f7: {  	s25 =	sadd.s32 s24, s9;
	s19 =	sor.u32 $0x3110, s0;
	[tilespmem:s23+$0x0] =	vst v16;
	v16 =	vmul.f32 v22, v47;
	v22 =	vld [tilespmem:$0x1FDC0];
	s31 =	sadd.s32 s5, s30;
	v18 =	vmul.f32 v18, v20  }
0x1f8: {  	v9 =	vadd.f32 v9, v14;
	v0 =	vmul.f32 v0, v34;
	s4 =	sadd.s32 s26, s30;
	[dreg:$0x16] =	wrdreg s25;
	v10 =	vadd.f32 v10, v19;
	s7 =	sadd.s32 s19, s30;
	v19 =	vld [tilespmem:s31+$0x0]  }
0x1f9: {  	v14 =	vmul.f32 v60, v61;
	v1 =	vmul.f32 v1, v63;
	s10 =	sadd.s32 s1, s30;
	[dreg:$0x18] =	wrdreg s4;
	[tilespmem:s17+$0x0] =	vst v17;
	s15 =	sor.u32 $0x1910, s0;
	v17 =	vld [tilespmem:s7+$0x0];
	v8 =	vadd.f32 v8, v18  }
0x1fa: {  	v2 =	vmul.f32 v2, v56;
	s17 =	sor.u32 $0x1100, s0;
	s4 =	sadd.s32 s21, s30;
	v0 =	vadd.f32 v7, v0;
	s23 =	sadd.s32 s15, s9;
	[tilespmem:s16+$0x0] =	vst v10;
	v10 =	vld [tilespmem:s10+$0x0]  }
0x1fb: {  	v14 =	vmul.f32 v14, v54;
	v1 =	vadd.f32 v5, v1;
	[dreg:$0x1e] =	wrdreg s4;
	s25 =	sadd.s32 s17, s9;
	s4 =	sadd.s32 s17, s30;
	v61 =	vld [tilespmem:s23+$0x0];
	[tilespmem:s14+$0x0] =	vst v8;
	v8 =	vmul.f32 v60, v56  }
0x1fc: {  	v3 =	vmul.f32 v3, v57;
	v15 =	vmul.f32 v15, v34;
	s16 =	sor.u32 $0x2100, s0;
	s31 =	rddreg [dreg:$0xb];
	[tilespmem:s12+$0x0] =	vst v0;
	v57 =	vld [tilespmem:s3+$0x0];
	s3 =	sadd.s32 s15, s30  }
0x1fd: {  	v13 =	vmul.f32 v13, v53;
	v9 =	vadd.f32 v9, v14;
	s7 =	sadd.s32 s6, s30;
	s23 =	sadd.s32 s1, s9;
	s0 =	sadd.s32 s18, s30;
	v5 =	vmul.f32 v8, v35;
	v8 =	vld [tilespmem:s3+$0x0];
	[tilespmem:s11+$0x0] =	vst v1  }
0x1fe: {  	v2 =	vmul.f32 v2, v46;
	v6 =	vadd.f32 v6, v15;
	s10 =	sadd.s32 s16, s30;
	s12 =	sadd.s32 s16, s9;
	v0 =	vld [tilespmem:s23+$0x0];
	s23 =	rddreg [dreg:$0x5]  }
0x1ff: {  	v25 =	vld [tilespmem:$0x1FDB0];
	v3 =	vmul.f32 v3, v35;
	v12 =	vmul.f32 v12, v53;
	v7 =	vadd.f32 v4, v13;
	s17 =	sadd.s32 s17, s31;
	s14 =	sadd.s32 s6, s9;
	[tilespmem:s29+$0x0] =	vst v9;
	s29 =	rddreg [dreg:$0xc]  }
0x200: {  	v26 =	vld [tilespmem:$0x1FD50];
	v56 =	vmov v21;
	s9 =	sadd.s32 s26, s9;
	v13 =	vmul.f32 v19, v59;
	v14 =	vmul.f32 v10, v58;
	[tilespmem:s28+$0x0] =	vst v6;
	s28 =	sadd.s32 s13, s30;
	[dreg:$0xc] =	wrdreg s17  }
0x201: {  	v6 =	vadd.f32 v2, v16;
	v2 =	vadd.f32 v11, v12;
	v12 =	vmul.f32 v17, v56;
	s11 =	sadd.s32 s24, s30;
	s17 =	sadd.s32 s6, s31;
	v4 =	vld [tilespmem:s28+$0x0];
	s28 =	rddreg [dreg:$0x5]  }
0x202: {  	v27 =	vld [tilespmem:$0x1FDA0];
	v11 =	vmul.f32 v19, v21;
	v9 =	vmul.f32 v10, v59;
	s30 =	sadd.s32 s5, s23;
	[tilespmem:s29+$0x0] =	vst v7;
	s23 =	sadd.s32 s24, s31;
	s29 =	rddreg [dreg:$0x1a]  }
0x203: {  	v7 =	vmul.f32 v12, v23;
	v12 =	vmul.f32 v13, v22;
	v1 =	vld [tilespmem:s30+$0x0];
	s30 =	rddreg [dreg:$0x6];
	s6 =	sadd.s32 s19, s28;
	s28 =	sadd.s32 s16, s31  }
0x204: {  	v44 =	vld [tilespmem:$0x1FD40];
	v11 =	vmul.f32 v11, v24;
	[tilespmem:s29+$0x0] =	vst v2;
	v9 =	vmul.f32 v9, v25;
	s16 =	sadd.s32 s26, s31;
	s26 =	rddreg [dreg:$0x14];
	s24 =	sadd.s32 s22, s30  }
0x205: {  	v7 =	vadd.f32 v7, v12;
	v12 =	vmul.f32 v14, v51;
	[tilespmem:s26+$0x0] =	vst v3;
	v3 =	vmul.f32 v10, v56;
	v2 =	vld [tilespmem:s24+$0x0];
	s24 =	rddreg [dreg:$0x1c]  }
0x206: {  	s3 =	rddreg [dreg:$0x5];
	v13 =	vmul.f32 v8, v61;
	v10 =	vmul.f32 v8, v59;
	v18 =	vld [tilespmem:s14+$0x0];
	[tilespmem:s24+$0x0] =	vst v6  }
0x207: {  	s3 =	sadd.s32 s21, s3;
	s30 =	sadd.s32 s20, s30;
	s26 =	rddreg [dreg:$0x18];
	v14 =	vmul.f32 v8, v58;
	v8 =	vmul.f32 v8, v56;
	v6 =	vld [tilespmem:s6+$0x0]  }
0x208: {  	v9 =	vadd.f32 v11, v9;
	s24 =	sadd.s32 s21, s31;
	s21 =	sadd.s32 s22, s31;
	s22 =	rddreg [dreg:$0x16];
	v3 =	vmul.f32 v3, v26;
	v60 =	vld [tilespmem:s30+$0x0];
	v11 =	vmul.f32 v13, v40  }
0x209: {  	v7 =	vadd.f32 v7, v12;
	s30 =	rddreg [dreg:$0x13];
	v12 =	vmul.f32 v4, v0;
	v13 =	vld [tilespmem:s26+$0x0];
	v10 =	vmul.f32 v10, v27  }
0x20a: {  	v14 =	vmul.f32 v14, v50;
	v8 =	vmul.f32 v8, v44;
	[tilespmem:s30+$0x0] =	vst v5;
	v5 =	vld [tilespmem:s22+$0x0];
	s30 =	rddreg [dreg:$0x1e]  }
0x20b: {  	v52 =	vmul.f32 v4, v56;
	v15 =	vld [tilespmem:s30+$0x0];
	v11 =	vadd.f32 v7, v11;
	v12 =	vmul.f32 v12, v43  }
0x20c: {  	v9 =	vadd.f32 v9, v14;
	v14 =	vld [tilespmem:s7+$0x0];
	v16 =	vmul.f32 v2, v1;
	v30 =	vmul.f32 v2, v61  }
0x20d: {  	v17 =	vld [tilespmem:s10+$0x0];
	v31 =	vmul.f32 v2, v0;
	v6 =	vmul.f32 v60, v6  }
0x20e: {  	v11 =	vadd.f32 v11, v12;
	v12 =	vmul.f32 v16, v33;
	v16 =	vmul.f32 v4, v59  }
0x20f: {  	v7 =	vld [tilespmem:s25+$0x0];
	v19 =	vmul.f32 v13, v5;
	v6 =	vmul.f32 v6, v20  }
0x210: {  	v11 =	vadd.f32 v11, v12;
	v12 =	vmul.f32 v13, v57;
	v13 =	vmul.f32 v15, v57  }
0x211: {  	s18 =	sadd.s32 s18, s31;
	s1 =	sadd.s32 s1, s31;
	v10 =	vadd.f32 v3, v10;
	v15 =	vld [tilespmem:s4+$0x0];
	v39 =	vmul.f32 v14, v18;
	v3 =	vmul.f32 v19, v22  }
0x212: {  	s13 =	sadd.s32 s13, s31;
	s5 =	sadd.s32 s5, s31;
	s29 =	sadd.s32 s15, s31;
	v19 =	vmul.f32 v4, v58;
	v6 =	vadd.f32 v11, v6;
	v11 =	vmul.f32 v17, v5  }
0x213: {  	s6 =	smov.u32 s2;
	s2 =	sadd.s32 s20, s31;
	s31 =	sadd.s32 s19, s31;
	v13 =	vmul.f32 v13, v23;
	v12 =	vmul.f32 v12, v24  }
0x214: {  	v23 =	vmul.f32 v17, v7;
	[tilespmem:s31+$0x0] =	vst v6;
	v6 =	vmul.f32 v17, v57  }
0x215: {  	v28 =	vld [tilespmem:$0x1FD90];
	v11 =	vmul.f32 v11, v25;
	v17 =	vmul.f32 v14, v5  }
0x216: {  	v13 =	vadd.f32 v13, v3;
	v23 =	vmul.f32 v23, v51;
	v41 =	vmul.f32 v15, v5  }
0x217: {  	v42 =	vmul.f32 v15, v18;
	v11 =	vadd.f32 v12, v11;
	v12 =	vmul.f32 v14, v7  }
0x218: {  	v21 =	vld [tilespmem:s12+$0x0];
	v6 =	vmul.f32 v6, v26;
	v17 =	vmul.f32 v17, v27  }
0x219: {  	v13 =	vadd.f32 v13, v23;
	v23 =	vmul.f32 v39, v40;
	v14 =	vmul.f32 v14, v57  }
0x21a: {  	v20 =	vld [tilespmem:s11+$0x0];
	v25 =	vmul.f32 v41, v28;
	v26 =	vmul.f32 v42, v55  }
0x21b: {  	v12 =	vmul.f32 v12, v50;
	v6 =	vadd.f32 v6, v17;
	v17 =	vmul.f32 v15, v7  }
0x21c: {  	v13 =	vadd.f32 v13, v23;
	v23 =	vmul.f32 v4, v61;
	v14 =	vmul.f32 v14, v44  }
0x21d: {  	v36 =	vld [tilespmem:$0x1FD30];
	v11 =	vadd.f32 v11, v12;
	v12 =	vmul.f32 v15, v21;
	v17 =	vmul.f32 v17, v45  }
0x21e: {  	v25 =	vadd.f32 v14, v25;
	v14 =	vmul.f32 v19, v45;
	v15 =	vmul.f32 v15, v57  }
0x21f: {  	v3 =	vld [tilespmem:s0+$0x0];
	v19 =	vmul.f32 v20, v7;
	v12 =	vmul.f32 v12, v43;
	v26 =	vadd.f32 v11, v26  }
0x220: {  	v37 =	vld [tilespmem:$0x1FD80];
	v11 =	vmul.f32 v16, v28;
	v16 =	vmul.f32 v20, v5;
	v6 =	vadd.f32 v6, v17  }
0x221: {  	v22 =	vld [tilespmem:s9+$0x0];
	v17 =	vmul.f32 v20, v18;
	v29 =	vadd.f32 v10, v14;
	v10 =	vmul.f32 v2, v59  }
0x222: {  	v14 =	vmul.f32 v2, v58;
	v4 =	vmul.f32 v15, v36  }
0x223: {  	v32 =	vmul.f32 v19, v49;
	v13 =	vadd.f32 v13, v12;
	v12 =	vmul.f32 v23, v55  }
0x224: {  	v19 =	vmul.f32 v3, v5;
	v23 =	vmul.f32 v20, v21  }
0x225: {  	v48 =	vadd.f32 v9, v12;
	v9 =	vadd.f32 v8, v11;
	v8 =	vmul.f32 v16, v37;
	v16 =	vld [tilespmem:$0x1FDD0]  }
0x226: {  	v14 =	vmul.f32 v14, v49;
	v12 =	vmul.f32 v20, v22  }
0x227: {  	v24 =	vld [tilespmem:s3+$0x0];
	v15 =	vmul.f32 v23, v62;
	v23 =	vmul.f32 v31, v62  }
0x228: {  	p2 =	slt.u32 s6, $0xE0;
	v4 =	vadd.f32 v4, v8;
	v8 =	vmul.f32 v12, v33;
	v12 =	vmul.f32 v10, v37  }
.Ltmp2:
0x229: {  	v10 =	vadd.f32 v26, v15;
	v15 =	vmul.f32 v3, v21;
	v21 =	vmul.f32 v3, v22;
	(pc) =	sbr.rel @p2 .LBB2_7-.Ltmp2, $4  }
0x22a: {  	v8 =	vadd.f32 v13, v8;
	v13 =	vmul.f32 v3, v7;
	v11 =	vmul.f32 v17, v16  }
0x22b: {  	v5 =	vadd.f32 v48, v23;
	v17 =	vmul.f32 v30, v16;
	v16 =	vmul.f32 v20, v57  }
0x22c: {  	v20 =	vmul.f32 v3, v18;
	v18 =	vmul.f32 v3, v24;
	v6 =	vadd.f32 v6, v11  }
0x22d: {  	s12 =	smov.u32 s1;
	s20 =	smov.u32 s18;
	s14 =	smov.u32 s24;
	v11 =	vmul.f32 v52, v36;
	v7 =	vadd.f32 v29, v17;
	v17 =	vadd.f32 v25, v32  }
0x22e: {  	v16 =	vmul.f32 v16, v46;
	v19 =	vmul.f32 v19, v47  }
0x22f: {  	v20 =	vmul.f32 v20, v54;
	v0 =	vmul.f32 v60, v0;
	v37 =	vld [tilespmem:$0x1FDE0]  }
0x230: {  	v36 =	vmul.f32 v21, v63;
	v1 =	vmul.f32 v60, v1;
	v16 =	vadd.f32 v16, v19  }
0x231: {  	v38 =	vmul.f32 v60, v61;
	v17 =	vadd.f32 v17, v20;
	v0 =	vmul.f32 v0, v34  }
0x232: {  	v2 =	vmul.f32 v2, v56;
	v10 =	vadd.f32 v10, v36;
	v1 =	vmul.f32 v1, v63;
	[tilespmem:s23+$0x0] =	vst v16  }
0x233: {  	v9 =	vadd.f32 v9, v14;
	v40 =	vmul.f32 v38, v54;
	v0 =	vadd.f32 v7, v0;
	[tilespmem:s17+$0x0] =	vst v17  }
0x234: {  	v39 =	vmul.f32 v60, v58;
	v1 =	vadd.f32 v5, v1;
	v18 =	vmul.f32 v18, v37;
	[tilespmem:s16+$0x0] =	vst v10  }
0x235: {  	v15 =	vmul.f32 v15, v34;
	v41 =	vmul.f32 v60, v59;
	v9 =	vadd.f32 v9, v40;
	[tilespmem:s12+$0x0] =	vst v0  }
0x236: {  	v43 =	vadd.f32 v11, v12;
	v44 =	vmul.f32 v39, v53;
	v8 =	vadd.f32 v8, v18;
	[tilespmem:s5+$0x0] =	vst v1  }
0x237: {  	v42 =	vmul.f32 v13, v53;
	v6 =	vadd.f32 v6, v15;
	[tilespmem:s29+$0x0] =	vst v9  }
0x238: {  	v48 =	vmul.f32 v2, v46;
	v52 =	vmul.f32 v41, v47;
	v59 =	vadd.f32 v43, v44;
	[tilespmem:s14+$0x0] =	vst v8  }
0x239: {  	v58 =	vmul.f32 v3, v57;
	v4 =	vadd.f32 v4, v42;
	[tilespmem:s28+$0x0] =	vst v6  }
0x23a: {  	v60 =	vmul.f32 v60, v56;
	v0 =	vadd.f32 v48, v52;
	s0 =	rddreg [dreg:$0xc];
	[tilespmem:s13+$0x0] =	vst v59  }
0x23b: {  	v1 =	vmul.f32 v58, v35;
	[tilespmem:s0+$0x0] =	vst v4  }
0x23c: {  	v61 =	vmul.f32 v60, v35;
	[tilespmem:s21+$0x0] =	vst v0  }
0x23d: {  	[tilespmem:s20+$0x0] =	vst v1  }
0x23e: {  	v57 =	vmov v63;
	s16 =	simm.s32 $0x0;
	s0 =	simm.s32 $0x0;
	[tilespmem:s2+$0x0] =	vst v61  }
.LBB2_9:
0x23f: {  	s1 =	sand.u32 $0xFFFFFC00, s0  }
0x240: {  	s5 =	sadd.s32 s1, s16  }
0x241: {  	s17 =	rddreg [dreg:$0x5];
	s6 =	sor.u32 $0x180, s5  }
0x242: {  	s18 =	rddreg [dreg:$0x6];
	s3 =	sadd.s32 s6, s17  }
0x243: {  	s2 =	sor.u32 $0x1180, s5;
	s4 =	sadd.s32 s6, s18;
	v1 =	vld [tilespmem:s3+$0x0]  }
0x244: {  	s1 =	sor.u32 $0x1980, s5;
	s9 =	sadd.s32 s2, s18;
	v2 =	vld [tilespmem:s4+$0x0]  }
0x245: {  	s10 =	sadd.s32 s1, s18;
	v5 =	vld [tilespmem:s9+$0x0]  }
0x246: {  	s3 =	sor.u32 $0x980, s5;
	s4 =	sadd.s32 s2, s17;
	v7 =	vld [tilespmem:s10+$0x0]  }
0x247: {  	s7 =	sadd.s32 s3, s17;
	v6 =	vld [tilespmem:s4+$0x0]  }
0x248: {  	s8 =	sadd.s32 s3, s18;
	v3 =	vld [tilespmem:s7+$0x0]  }
0x249: {  	v4 =	vld [tilespmem:s8+$0x0]  }
0x24a: {  	v36 =	vld [tilespmem:$0x1FD30];
	v0 =	vmul.f32 v2, v1  }
0x24b: {  	v10 =	vmul.f32 v5, v1;
	v15 =	vmul.f32 v7, v1  }
0x24c: {  	v37 =	vld [tilespmem:$0x1FD40];
	s4 =	sor.u32 $0x2180, s5;
	s7 =	sadd.s32 s1, s17;
	v14 =	vmul.f32 v2, v6;
	v23 =	vmul.f32 v5, v6  }
0x24d: {  	s11 =	sadd.s32 s4, s18;
	v12 =	vld [tilespmem:s7+$0x0];
	v30 =	vmul.f32 v7, v6;
	v0 =	vmul.f32 v0, v35  }
0x24e: {  	s8 =	sadd.s32 s4, s17;
	v13 =	vld [tilespmem:s11+$0x0];
	v8 =	vmul.f32 v4, v1;
	v9 =	vmul.f32 v2, v3  }
0x24f: {  	v18 =	vld [tilespmem:s8+$0x0];
	v11 =	vmul.f32 v4, v3;
	v10 =	vmul.f32 v10, v36  }
0x250: {  	v48 =	vld [tilespmem:$0x1FD80];
	v16 =	vmul.f32 v5, v3;
	v17 =	vmul.f32 v4, v6  }
0x251: {  	v41 =	vld [tilespmem:$0x1FD90];
	v15 =	vmul.f32 v15, v37;
	v22 =	vmul.f32 v7, v3  }
0x252: {  	v38 =	vld [tilespmem:$0x1FD50];
	v14 =	vmul.f32 v14, v53;
	v20 =	vmul.f32 v2, v12  }
0x253: {  	v42 =	vld [tilespmem:$0x1FDA0];
	v21 =	vmul.f32 v13, v1;
	v23 =	vmul.f32 v23, v45  }
0x254: {  	v52 =	vld [tilespmem:$0x1FDD0];
	v25 =	vmul.f32 v4, v12;
	v26 =	vmul.f32 v2, v18  }
0x255: {  	v39 =	vld [tilespmem:$0x1FD60];
	s7 =	sor.u32 $0x2980, s5;
	v28 =	vmul.f32 v13, v3;
	v31 =	vmul.f32 v5, v12  }
0x256: {  	v43 =	vld [tilespmem:$0x1FDB0];
	s12 =	sadd.s32 s7, s18;
	v32 =	vmul.f32 v4, v18;
	v30 =	vmul.f32 v30, v50  }
0x257: {  	s8 =	sor.u32 $0x3180, s5;
	v19 =	vld [tilespmem:s12+$0x0];
	v6 =	vmul.f32 v13, v6;
	v7 =	vmul.f32 v7, v12  }
0x258: {  	s14 =	sand.u32 $0x60, s16;
	v40 =	vld [tilespmem:$0x1FD70];
	s9 =	sand.u32 $0x400, s0;
	s5 =	sadd.s32 s8, s18;
	v5 =	vmul.f32 v5, v18;
	v8 =	vmul.f32 v8, v46  }
0x259: {  	s14 =	sor.u32 s9, s14;
	s13 =	sadd.s32 s7, s17;
	v29 =	vld [tilespmem:s5+$0x0];
	v9 =	vmul.f32 v9, v47;
	v11 =	vmul.f32 v11, v48  }
0x25a: {  	s9 =	sor.u32 $0x190, s14;
	s15 =	sadd.s32 s8, s17;
	v24 =	vld [tilespmem:s13+$0x0];
	v16 =	vmul.f32 v16, v41;
	v17 =	vmul.f32 v17, v49  }
0x25b: {  	s19 =	sadd.s32 s9, s17;
	v56 =	vld [tilespmem:s15+$0x0];
	s12 =	sor.u32 $0x1190, s14;
	v22 =	vmul.f32 v22, v42;
	v20 =	vmul.f32 v20, v54  }
0x25c: {  	v63 =	vmov v33;
	v33 =	vld [tilespmem:s19+$0x0];
	s24 =	sadd.s32 s12, s17;
	v21 =	vmul.f32 v21, v38;
	v27 =	vmul.f32 v19, v1  }
0x25d: {  	s20 =	sadd.s32 s9, s18;
	v18 =	vld [tilespmem:s24+$0x0];
	v25 =	vmul.f32 v25, v52;
	v26 =	vmul.f32 v26, v34  }
0x25e: {  	v28 =	vmul.f32 v28, v43;
	v58 =	vmul.f32 v29, v1;
	v1 =	vld [tilespmem:s20+$0x0]  }
0x25f: {  	s10 =	sor.u32 $0x990, s14;
	v44 =	vmul.f32 v2, v24;
	v4 =	vmul.f32 v4, v24;
	v24 =	vld [tilespmem:$0x1FE00]  }
0x260: {  	s22 =	sadd.s32 s10, s18;
	v31 =	vmul.f32 v31, v55;
	v2 =	vmul.f32 v2, v56;
	v56 =	vld [tilespmem:$0x1FDE0]  }
0x261: {  	v3 =	vmul.f32 v19, v3;
	v10 =	vadd.f32 v10, v11;
	v60 =	vadd.f32 v15, v16;
	v16 =	vld [tilespmem:s22+$0x0]  }
0x262: {  	v8 =	vadd.f32 v8, v9;
	v9 =	vmul.f32 v32, v62;
	v32 =	vmul.f32 v44, v57;
	v44 =	vld [tilespmem:$0x1FDC0]  }
0x263: {  	s21 =	sadd.s32 s10, s17;
	v6 =	vmul.f32 v6, v51;
	v27 =	vmul.f32 v27, v39;
	v59 =	vadd.f32 v21, v22;
	v22 =	vld [tilespmem:$0x1FE20]  }
0x264: {  	s23 =	sadd.s32 s12, s18;
	v61 =	vmul.f32 v58, v40;
	v4 =	vmul.f32 v4, v63;
	v10 =	vadd.f32 v10, v14;
	v14 =	vld [tilespmem:s21+$0x0]  }
0x265: {  	s13 =	sor.u32 $0x1990, s14;
	v12 =	vadd.f32 v60, v17;
	v17 =	vld [tilespmem:s23+$0x0];
	v21 =	vadd.f32 v59, v23;
	v23 =	vmul.f32 v1, v33  }
0x266: {  	s25 =	sadd.s32 s13, s18;
	v29 =	vadd.f32 v27, v28;
	v5 =	vmul.f32 v5, v24;
	v2 =	vmul.f32 v2, v56  }
0x267: {  	v19 =	vld [tilespmem:s25+$0x0];
	v60 =	vmul.f32 v1, v18;
	v15 =	vadd.f32 v21, v25;
	v25 =	vmul.f32 v16, v33  }
0x268: {  	v21 =	vadd.f32 v29, v30;
	v3 =	vmul.f32 v3, v44;
	v7 =	vmul.f32 v7, v22  }
0x269: {  	s5 =	sor.u32 $0x2190, s14;
	v11 =	vmul.f32 v23, v35;
	v15 =	vadd.f32 v15, v26;
	v26 =	vmul.f32 v1, v14  }
0x26a: {  	s26 =	sadd.s32 s5, s18;
	v58 =	vmul.f32 v17, v33;
	v59 =	vmul.f32 v16, v14;
	v3 =	vadd.f32 v61, v3  }
0x26b: {  	v24 =	vld [tilespmem:s26+$0x0];
	v13 =	vmul.f32 v25, v46;
	v21 =	vadd.f32 v21, v31;
	v30 =	vmul.f32 v17, v14  }
0x26c: {  	s11 =	sadd.s32 s13, s17;
	v31 =	vmul.f32 v16, v18;
	v61 =	vmul.f32 v19, v33;
	v3 =	vadd.f32 v3, v6  }
0x26d: {  	v12 =	vadd.f32 v12, v20;
	v20 =	vmul.f32 v26, v47;
	v22 =	vmul.f32 v58, v36;
	v6 =	vld [tilespmem:s11+$0x0];
	s11 =	sor.u32 $0x2990, s14  }
0x26e: {  	v23 =	vmul.f32 v59, v48;
	v26 =	vmul.f32 v30, v41;
	s28 =	sadd.s32 s11, s18;
	v3 =	vadd.f32 v3, v7  }
0x26f: {  	v9 =	vadd.f32 v21, v9;
	v27 =	vmul.f32 v31, v49;
	v41 =	vmul.f32 v19, v14;
	v21 =	vld [tilespmem:s28+$0x0]  }
0x270: {  	s14 =	sor.u32 $0x3190, s14;
	v25 =	vmul.f32 v61, v37;
	v37 =	vmul.f32 v24, v33;
	v3 =	vadd.f32 v3, v5  }
0x271: {  	v48 =	vmul.f32 v17, v18;
	s29 =	sadd.s32 s14, s18;
	v59 =	vmul.f32 v41, v42  }
0x272: {  	v7 =	vmul.f32 v60, v53;
	v58 =	vmul.f32 v37, v38;
	v3 =	vadd.f32 v3, v4;
	v4 =	vld [tilespmem:s29+$0x0]  }
0x273: {  	v9 =	vadd.f32 v9, v32;
	v60 =	vmul.f32 v48, v45;
	v61 =	vmul.f32 v16, v6  }
0x274: {  	v22 =	vadd.f32 v22, v23;
	v36 =	vmul.f32 v1, v6;
	v37 =	vmul.f32 v21, v33  }
0x275: {  	s15 =	sadd.s32 s5, s17;
	v13 =	vadd.f32 v13, v20;
	v20 =	vmul.f32 v61, v52;
	v21 =	vmul.f32 v21, v14  }
0x276: {  	v25 =	vadd.f32 v25, v26;
	v5 =	vld [tilespmem:s15+$0x0];
	v14 =	vmul.f32 v24, v14;
	v24 =	vmul.f32 v24, v18  }
0x277: {  	v7 =	vadd.f32 v22, v7;
	v18 =	vmul.f32 v19, v18;
	v4 =	vmul.f32 v4, v33  }
0x278: {  	v23 =	vadd.f32 v58, v59;
	v19 =	vmul.f32 v19, v6;
	v6 =	vmul.f32 v17, v6  }
0x279: {  	s30 =	rddreg [dreg:$0xb];
	s31 =	sadd.s32 s11, s17;
	v2 =	vadd.f32 v3, v2;
	v3 =	vmul.f32 v36, v54;
	v4 =	vmul.f32 v4, v40;
	v40 =	vld [tilespmem:$0x1FE20]  }
0x27a: {  	s6 =	sadd.s32 s6, s30;
	v23 =	vadd.f32 v23, v60;
	v22 =	vmul.f32 v37, v39;
	v21 =	vmul.f32 v21, v44;
	v39 =	vld [tilespmem:s31+$0x0]  }
0x27b: {  	s3 =	sadd.s32 s3, s30;
	[tilespmem:s6+$0x0] =	vst v0;
	v25 =	vadd.f32 v25, v27;
	v36 =	vmul.f32 v1, v5;
	v14 =	vmul.f32 v14, v43;
	v43 =	vld [tilespmem:$0x1FE00]  }
0x27c: {  	s2 =	sadd.s32 s2, s30;
	[tilespmem:s3+$0x0] =	vst v8;
	s19 =	sadd.s32 s14, s17;
	v20 =	vadd.f32 v23, v20;
	v41 =	vmul.f32 v24, v51;
	v4 =	vadd.f32 v4, v21  }
0x27d: {  	s1 =	sadd.s32 s1, s30;
	[tilespmem:s2+$0x0] =	vst v10;
	v42 =	vld [tilespmem:s19+$0x0];
	v18 =	vmul.f32 v18, v50;
	v48 =	vmul.f32 v17, v5;
	v14 =	vadd.f32 v22, v14  }
0x27e: {  	s20 =	sadd.s32 s4, s30;
	[tilespmem:s1+$0x0] =	vst v12;
	v6 =	vmul.f32 v6, v55;
	v4 =	vadd.f32 v4, v41;
	v44 =	vmul.f32 v19, v40  }
0x27f: {  	s21 =	sadd.s32 s7, s30;
	[tilespmem:s20+$0x0] =	vst v15;
	v5 =	vmul.f32 v16, v5;
	v38 =	vmul.f32 v36, v34;
	v14 =	vadd.f32 v14, v18  }
0x280: {  	s23 =	sadd.s32 s9, s30;
	[tilespmem:s21+$0x0] =	vst v9;
	v52 =	vmul.f32 v48, v43;
	v58 =	vmul.f32 v16, v39;
	v4 =	vadd.f32 v4, v44  }
0x281: {  	s24 =	sadd.s32 s10, s30;
	[tilespmem:s23+$0x0] =	vst v11;
	v5 =	vmul.f32 v5, v62;
	v0 =	vmul.f32 v1, v39;
	v59 =	vadd.f32 v14, v6  }
0x282: {  	s22 =	sadd.s32 s8, s30;
	[tilespmem:s24+$0x0] =	vst v13;
	v1 =	vmul.f32 v1, v42;
	v60 =	vmul.f32 v58, v63;
	v4 =	vadd.f32 v4, v52  }
0x283: {  	p2 =	slt.u32 s16, $0xE0;
	s25 =	sadd.s32 s12, s30;
	[tilespmem:s22+$0x0] =	vst v2;
	v3 =	vadd.f32 v25, v3;
	v0 =	vmul.f32 v0, v57;
	v2 =	vadd.f32 v59, v5  }
.Ltmp3:
0x284: {  	s26 =	sadd.s32 s13, s30;
	[tilespmem:s25+$0x0] =	vst v7;
	v61 =	vadd.f32 v20, v38;
	v1 =	vmul.f32 v1, v56;
	v4 =	vadd.f32 v4, v60;
	(pc) =	sbr.rel @p2 .LBB2_9-.Ltmp3, $4  }
0x285: {  	s28 =	sadd.s32 s5, s30;
	[tilespmem:s26+$0x0] =	vst v3;
	v0 =	vadd.f32 v2, v0  }
0x286: {  	s29 =	sadd.s32 s11, s30;
	[tilespmem:s28+$0x0] =	vst v61;
	v1 =	vadd.f32 v4, v1  }
0x287: {  	s30 =	sadd.s32 s14, s30;
	s31 =	sadd.s32 $0x20, s16;
	[tilespmem:s29+$0x0] =	vst v0  }
0x288: {  	s0 =	sadd.s32 $0x100, s0;
	s1 =	simm.s32 $0x0;
	s16 =	smov.u32 s31;
	v33 =	vmov v63;
	[tilespmem:s30+$0x0] =	vst v1  }
0x289: {  	v26 =	vld [tilespmem:$0x1FD70]  }
0x28a: {  	v25 =	vld [tilespmem:$0x1FDC0]  }
0x28b: {  	v28 =	vld [tilespmem:$0x1FD60]  }
0x28c: {  	s6 =	simm.s32 $0x0;
	v27 =	vld [tilespmem:$0x1FDB0]  }
0x28d: {  	s1 =	sand.u32 $0x400, s1;
	v29 =	vld [tilespmem:$0x1FD50];
	s0 =	sand.u32 $0x60, s6  }
0x28e: {  	v30 =	vld [tilespmem:$0x1FDA0];
	s2 =	sor.u32 s0, s1  }
0x28f: {  	s17 =	rddreg [dreg:$0x5];
	v24 =	vld [tilespmem:$0x1FDE0];
	s0 =	sor.u32 $0x210, s2  }
0x290: {  	v48 =	vld [tilespmem:$0x1FD40];
	s3 =	sor.u32 $0xA10, s2;
	s5 =	sadd.s32 s0, s17  }
0x291: {  	s18 =	rddreg [dreg:$0x6];
	s8 =	sor.u32 $0x2A10, s2;
	s11 =	sadd.s32 s3, s17;
	v56 =	vld [tilespmem:s5+$0x0]  }
0x292: {  	s7 =	sor.u32 $0x1A10, s2;
	s12 =	sadd.s32 s8, s18;
	v59 =	vld [tilespmem:s11+$0x0]  }
0x293: {  	s15 =	sadd.s32 s7, s17;
	v1 =	vld [tilespmem:s12+$0x0]  }
0x294: {  	s4 =	sor.u32 $0x1210, s2;
	s16 =	sadd.s32 s7, s18;
	v61 =	vld [tilespmem:s15+$0x0]  }
0x295: {  	s10 =	sadd.s32 s4, s17;
	v4 =	vld [tilespmem:s16+$0x0]  }
0x296: {  	s20 =	sadd.s32 s4, s18;
	v58 =	vld [tilespmem:s10+$0x0];
	s11 =	sor.u32 $0x3210, s2  }
0x297: {  	s10 =	sor.u32 $0x2210, s2;
	v7 =	vld [tilespmem:s20+$0x0];
	s13 =	sadd.s32 s11, s18  }
0x298: {  	s1 =	sor.u32 $0x200, s2;
	s9 =	sadd.s32 s10, s18;
	v2 =	vld [tilespmem:s13+$0x0]  }
0x299: {  	s14 =	sadd.s32 s1, s17;
	v3 =	vld [tilespmem:s9+$0x0];
	v5 =	vmul.f32 v1, v56  }
0x29a: {  	v37 =	vmov v57;
	s23 =	sadd.s32 s0, s18;
	v57 =	vld [tilespmem:s14+$0x0];
	v6 =	vmul.f32 v1, v59;
	v13 =	vmul.f32 v4, v61  }
0x29b: {  	v60 =	vld [tilespmem:s23+$0x0];
	s19 =	sadd.s32 s10, s17;
	v14 =	vmul.f32 v4, v59;
	v17 =	vmul.f32 v4, v58  }
0x29c: {  	s5 =	sor.u32 $0x2200, s2;
	s12 =	sadd.s32 s11, s17;
	v0 =	vld [tilespmem:s19+$0x0];
	v4 =	vmul.f32 v4, v56;
	v22 =	vmul.f32 v7, v59  }
0x29d: {  	s14 =	sor.u32 $0x1200, s2;
	s29 =	sadd.s32 s5, s18;
	v12 =	vld [tilespmem:s12+$0x0];
	v36 =	vmul.f32 v7, v58;
	v44 =	vmul.f32 v7, v61  }
0x29e: {  	s15 =	sor.u32 $0x3200, s2;
	s16 =	sadd.s32 s14, s17;
	v20 =	vld [tilespmem:s29+$0x0];
	v2 =	vmul.f32 v2, v56;
	v8 =	vmul.f32 v3, v59  }
0x29f: {  	s26 =	sadd.s32 s15, s18;
	s13 =	sor.u32 $0x2A00, s2;
	v21 =	vld [tilespmem:s16+$0x0];
	v9 =	vmul.f32 v3, v58;
	v6 =	vmul.f32 v6, v25  }
0x2a0: {  	v18 =	vld [tilespmem:s26+$0x0];
	s25 =	sadd.s32 s13, s18;
	v11 =	vmul.f32 v5, v28;
	v3 =	vmul.f32 v3, v56  }
0x2a1: {  	s21 =	sadd.s32 s8, s17;
	v16 =	vld [tilespmem:s25+$0x0];
	v13 =	vmul.f32 v13, v40;
	v15 =	vmul.f32 v7, v0  }
0x2a2: {  	s22 =	sadd.s32 s3, s18;
	s9 =	sor.u32 $0xA00, s2;
	v1 =	vld [tilespmem:s21+$0x0];
	v14 =	vmul.f32 v14, v30;
	v17 =	vmul.f32 v17, v50  }
0x2a3: {  	s24 =	sadd.s32 s9, s17;
	v12 =	vmul.f32 v60, v12;
	v10 =	vmul.f32 v2, v26;
	v2 =	vld [tilespmem:s22+$0x0]  }
0x2a4: {  	v5 =	vld [tilespmem:s24+$0x0];
	v38 =	vmul.f32 v20, v21;
	v4 =	vmul.f32 v4, v48  }
0x2a5: {  	v7 =	vmul.f32 v7, v56;
	v9 =	vmul.f32 v9, v51;
	v6 =	vadd.f32 v10, v6  }
0x2a6: {  	v8 =	vmul.f32 v8, v27;
	v3 =	vmul.f32 v3, v29  }
0x2a7: {  	v15 =	vmul.f32 v15, v43;
	v12 =	vmul.f32 v12, v24;
	v6 =	vadd.f32 v6, v9  }
0x2a8: {  	s30 =	sor.u32 $0x1A00, s2;
	s20 =	sadd.s32 s14, s18;
	v10 =	vmul.f32 v16, v57;
	v19 =	vmul.f32 v2, v1  }
0x2a9: {  	s2 =	sadd.s32 s30, s18;
	v23 =	vmul.f32 v16, v5;
	v16 =	vmul.f32 v18, v57;
	v6 =	vadd.f32 v6, v13;
	v13 =	vld [tilespmem:s20+$0x0]  }
0x2aa: {  	s19 =	sadd.s32 s30, s17;
	v9 =	vmul.f32 v20, v5;
	v19 =	vmul.f32 v19, v33;
	v33 =	vld [tilespmem:s2+$0x0]  }
0x2ab: {  	v18 =	vld [tilespmem:s19+$0x0];
	v10 =	vmul.f32 v10, v28;
	v20 =	vmul.f32 v20, v57  }
0x2ac: {  	s21 =	sadd.s32 s5, s17;
	v8 =	vadd.f32 v11, v8;
	v23 =	vmul.f32 v23, v25;
	v16 =	vmul.f32 v16, v26  }
0x2ad: {  	s22 =	sadd.s32 s9, s18;
	v26 =	vmul.f32 v38, v51;
	v32 =	vmul.f32 v2, v0;
	v6 =	vadd.f32 v6, v15;
	v15 =	vld [tilespmem:s21+$0x0]  }
0x2ae: {  	v8 =	vadd.f32 v8, v17;
	v9 =	vmul.f32 v9, v27;
	v17 =	vmul.f32 v20, v29;
	v29 =	vld [tilespmem:s22+$0x0]  }
0x2af: {  	v6 =	vadd.f32 v6, v19;
	v42 =	vmul.f32 v13, v5;
	v11 =	vmul.f32 v33, v5  }
0x2b0: {  	v3 =	vadd.f32 v3, v14;
	v39 =	vmul.f32 v33, v21;
	v41 =	vmul.f32 v33, v18  }
0x2b1: {  	v31 =	vld [tilespmem:$0x1FD90];
	v14 =	vmul.f32 v33, v57;
	v27 =	vadd.f32 v6, v12;
	v6 =	vmul.f32 v13, v21  }
0x2b2: {  	v16 =	vadd.f32 v16, v23;
	v12 =	vmul.f32 v13, v18;
	v23 =	vmul.f32 v13, v15  }
0x2b3: {  	v13 =	vmul.f32 v13, v57;
	v52 =	vmul.f32 v29, v15  }
0x2b4: {  	v16 =	vadd.f32 v16, v26;
	v11 =	vmul.f32 v11, v30;
	v20 =	vmul.f32 v41, v40  }
0x2b5: {  	v9 =	vadd.f32 v10, v9;
	v19 =	vmul.f32 v39, v50;
	v10 =	vmul.f32 v14, v48  }
0x2b6: {  	v16 =	vadd.f32 v16, v20;
	v20 =	vmul.f32 v22, v31;
	v22 =	vmul.f32 v36, v45;
	v36 =	vld [tilespmem:$0x1FD30]  }
0x2b7: {  	s23 =	sadd.s32 s13, s17;
	v14 =	vmul.f32 v42, v31;
	v6 =	vmul.f32 v6, v45  }
0x2b8: {  	s24 =	sadd.s32 s1, s18;
	v24 =	vld [tilespmem:s23+$0x0];
	v12 =	vmul.f32 v12, v55;
	v41 =	vmul.f32 v2, v59;
	v9 =	vadd.f32 v9, v19  }
0x2b9: {  	v11 =	vadd.f32 v17, v11;
	v19 =	vmul.f32 v44, v55;
	v22 =	vadd.f32 v3, v22;
	v3 =	vld [tilespmem:s24+$0x0]  }
0x2ba: {  	v42 =	vmul.f32 v2, v58;
	v25 =	vadd.f32 v9, v12;
	v9 =	vadd.f32 v4, v20;
	v20 =	vld [tilespmem:$0x1FDD0]  }
0x2bb: {  	v17 =	vmul.f32 v23, v43;
	v44 =	vadd.f32 v8, v19;
	v8 =	vmul.f32 v13, v36;
	v13 =	vld [tilespmem:$0x1FD80]  }
0x2bc: {  	v23 =	vadd.f32 v10, v14;
	v10 =	vmul.f32 v29, v5;
	v14 =	vmul.f32 v29, v21  }
0x2bd: {  	v12 =	vmul.f32 v29, v18;
	v16 =	vadd.f32 v16, v17;
	v17 =	vmul.f32 v29, v24  }
0x2be: {  	v19 =	vmul.f32 v2, v61;
	v48 =	vmul.f32 v14, v49  }
0x2bf: {  	v6 =	vadd.f32 v11, v6;
	v14 =	vmul.f32 v42, v49;
	v11 =	vmul.f32 v12, v20  }
0x2c0: {  	v15 =	vmul.f32 v3, v15;
	v10 =	vmul.f32 v10, v13  }
0x2c1: {  	s25 =	sadd.s32 s15, s17;
	v6 =	vadd.f32 v6, v11;
	v11 =	vmul.f32 v7, v36;
	v7 =	vmul.f32 v19, v20  }
0x2c2: {  	s31 =	simm.s32 $0x0;
	s26 =	rddreg [dreg:$0xb];
	v19 =	vmul.f32 v3, v5;
	v4 =	vadd.f32 v8, v10;
	v10 =	vmul.f32 v52, v62;
	v52 =	vld [tilespmem:s25+$0x0]  }
0x2c3: {  	s29 =	sadd.s32 s14, s26;
	s12 =	sadd.s32 s13, s26;
	s14 =	sadd.s32 s15, s26;
	v20 =	vmul.f32 v3, v18;
	v12 =	vmul.f32 v41, v13  }
0x2c4: {  	s16 =	sadd.s32 s0, s26;
	s13 =	sadd.s32 s4, s26;
	s28 =	sadd.s32 s7, s26;
	v13 =	vmul.f32 v3, v21;
	v8 =	vmul.f32 v17, v63  }
0x2c5: {  	s7 =	sadd.s32 s10, s26;
	s17 =	sadd.s32 s30, s26;
	s30 =	sadd.s32 s11, s26;
	v33 =	vmovc v63;
	v21 =	vmul.f32 v3, v24;
	v7 =	vadd.f32 v22, v7;
	v17 =	vmul.f32 v32, v62  }
0x2c6: {  	s20 =	sadd.s32 s1, s26;
	s21 =	sadd.s32 s3, s26;
	[dreg:$0xd] =	wrdreg s29;
	v63 =	vmovc v37;
	v8 =	vadd.f32 v16, v8;
	v16 =	vmul.f32 v29, v57;
	v10 =	vadd.f32 v25, v10  }
0x2c7: {  	s25 =	sadd.s32 s9, s26;
	s9 =	sadd.s32 s5, s26;
	s5 =	sadd.s32 s8, s26;
	[tilespmem:s30+$0x0] =	vst v27;
	v5 =	vadd.f32 v44, v17;
	v17 =	vadd.f32 v23, v48;
	v18 =	vmul.f32 v3, v52  }
.LBB2_11:
0x2c8: {  	[dreg:$0x1d] =	wrdreg s21  }
0x2c9: {  	[dreg:$0x1b] =	wrdreg s13;
	s6 =	sadd.s32 $0x20, s6;
	s31 =	sadd.s32 $0x100, s31  }
0x2ca: {  	[dreg:$0x15] =	wrdreg s20;
	s0 =	sand.u32 $0x60, s6;
	s1 =	sand.u32 $0x400, s31  }
0x2cb: {  	s11 =	smov.u32 s7;
	s7 =	rddreg [dreg:$0x5];
	s0 =	sor.u32 s0, s1  }
0x2cc: {  	s30 =	smov.u32 s5;
	v20 =	vmul.f32 v20, v54;
	s18 =	sor.u32 $0x200, s0;
	s24 =	sor.u32 $0xA00, s0  }
0x2cd: {  	s13 =	sor.u32 $0x1210, s0;
	s26 =	sor.u32 $0x2A00, s0;
	s20 =	sor.u32 $0x210, s0  }
0x2ce: {  	s21 =	sor.u32 $0x3200, s0;
	s22 =	sor.u32 $0xA10, s0;
	s5 =	sor.u32 $0x2A10, s0;
	v17 =	vadd.f32 v17, v20;
	v20 =	vld [tilespmem:$0x1FDE0]  }
0x2cf: {  	v16 =	vmul.f32 v16, v46;
	v19 =	vmul.f32 v19, v47;
	s1 =	sor.u32 $0x2210, s0;
	s15 =	sadd.s32 s13, s7;
	s23 =	sadd.s32 s24, s7  }
0x2d0: {  	s2 =	sadd.s32 s20, s7;
	s19 =	sadd.s32 s22, s7;
	[dreg:$0x17] =	wrdreg s23  }
0x2d1: {  	v22 =	vmul.f32 v60, v59;
	v16 =	vadd.f32 v16, v19;
	v19 =	vmul.f32 v21, v63;
	s3 =	sadd.s32 s18, s7;
	v59 =	vld [tilespmem:s19+$0x0];
	s19 =	sor.u32 $0x3210, s0;
	s23 =	rddreg [dreg:$0x6]  }
0x2d2: {  	v0 =	vmul.f32 v60, v0;
	v11 =	vadd.f32 v11, v12;
	v12 =	vmul.f32 v60, v58;
	v58 =	vld [tilespmem:s15+$0x0];
	[tilespmem:s17+$0x0] =	vst v17;
	s17 =	sor.u32 $0x1200, s0;
	s15 =	sor.u32 $0x1A10, s0;
	s29 =	sadd.s32 s5, s23  }
0x2d3: {  	v21 =	vld [tilespmem:s2+$0x0];
	v10 =	vadd.f32 v10, v19;
	s4 =	sadd.s32 s26, s23;
	s8 =	sadd.s32 s19, s23;
	s10 =	sadd.s32 s1, s23;
	v18 =	vmul.f32 v18, v20  }
0x2d4: {  	v0 =	vmul.f32 v0, v34;
	[dreg:$0x19] =	wrdreg s4;
	v19 =	vld [tilespmem:s29+$0x0];
	s4 =	sadd.s32 s21, s23;
	s29 =	sadd.s32 s17, s7  }
0x2d5: {  	v1 =	vmul.f32 v60, v1;
	v15 =	vmul.f32 v15, v34;
	v17 =	vld [tilespmem:s8+$0x0];
	[tilespmem:s12+$0x0] =	vst v10;
	s7 =	smov.u32 s16;
	s16 =	sor.u32 $0x2200, s0;
	s12 =	rddreg [dreg:$0x5];
	v8 =	vadd.f32 v8, v18  }
0x2d6: {  	v9 =	vadd.f32 v9, v14;
	[tilespmem:s25+$0x0] =	vst v16;
	v0 =	vadd.f32 v7, v0;
	v10 =	vld [tilespmem:s10+$0x0];
	s8 =	sor.u32 $0x1A00, s0;
	[dreg:$0x1f] =	wrdreg s4;
	s0 =	sadd.s32 s15, s12  }
0x2d7: {  	v14 =	vmul.f32 v60, v61;
	v1 =	vmul.f32 v1, v63;
	v6 =	vadd.f32 v6, v15;
	v61 =	vld [tilespmem:s0+$0x0];
	[tilespmem:s14+$0x0] =	vst v8;
	s14 =	rddreg [dreg:$0x5]  }
0x2d8: {  	v3 =	vmul.f32 v3, v57;
	[tilespmem:s11+$0x0] =	vst v0;
	v8 =	vmul.f32 v60, v56;
	v57 =	vld [tilespmem:s3+$0x0];
	s3 =	rddreg [dreg:$0x5]  }
0x2d9: {  	v23 =	vld [tilespmem:$0x1FD70];
	v14 =	vmul.f32 v14, v54;
	v1 =	vadd.f32 v5, v1;
	s25 =	sadd.s32 s15, s23;
	[tilespmem:s9+$0x0] =	vst v6;
	s9 =	rddreg [dreg:$0x5]  }
0x2da: {  	v5 =	vmul.f32 v8, v35;
	v8 =	vld [tilespmem:s25+$0x0];
	s25 =	rddreg [dreg:$0x5]  }
0x2db: {  	v2 =	vmul.f32 v2, v56;
	v24 =	vld [tilespmem:$0x1FD60];
	v9 =	vadd.f32 v9, v14;
	s11 =	sadd.s32 s16, s3;
	[tilespmem:s30+$0x0] =	vst v1;
	s30 =	rddreg [dreg:$0x6]  }
0x2dc: {  	v25 =	vld [tilespmem:$0x1FDB0];
	v13 =	vmul.f32 v13, v53;
	s3 =	sadd.s32 s1, s9;
	s9 =	sadd.s32 s26, s25;
	s25 =	rddreg [dreg:$0x5]  }
0x2dd: {  	v2 =	vmul.f32 v2, v46;
	s0 =	smov.u32 s6;
	v0 =	vld [tilespmem:s3+$0x0];
	[tilespmem:s28+$0x0] =	vst v9;
	s28 =	rddreg [dreg:$0x6]  }
0x2de: {  	v12 =	vmul.f32 v12, v53;
	v16 =	vmul.f32 v22, v47;
	v7 =	vadd.f32 v4, v13;
	v22 =	vld [tilespmem:$0x1FDC0];
	s30 =	sadd.s32 s13, s30;
	s6 =	sadd.s32 s5, s25;
	s25 =	rddreg [dreg:$0xd]  }
0x2df: {  	v3 =	vmul.f32 v3, v35;
	s2 =	sadd.s32 s24, s23;
	s12 =	sadd.s32 s17, s23;
	v56 =	vmov v21;
	v13 =	vmul.f32 v19, v59;
	v4 =	vld [tilespmem:s30+$0x0];
	s30 =	rddreg [dreg:$0xb]  }
0x2e0: {  	v6 =	vadd.f32 v2, v16;
	v2 =	vadd.f32 v11, v12;
	v11 =	vmul.f32 v19, v21;
	[tilespmem:s25+$0x0] =	vst v7;
	s25 =	sadd.s32 s24, s30;
	s24 =	rddreg [dreg:$0x1b];
	s17 =	sadd.s32 s17, s30  }
0x2e1: {  	v26 =	vld [tilespmem:$0x1FD50];
	s4 =	sadd.s32 s8, s23;
	v14 =	vmul.f32 v10, v58;
	v12 =	vmul.f32 v17, v56;
	[dreg:$0xd] =	wrdreg s17  }
0x2e2: {  	v27 =	vld [tilespmem:$0x1FDA0];
	s14 =	sadd.s32 s8, s14;
	v9 =	vmul.f32 v10, v59;
	v11 =	vmul.f32 v11, v24;
	s17 =	sadd.s32 s8, s30;
	s8 =	rddreg [dreg:$0x5]  }
0x2e3: {  	v1 =	vld [tilespmem:s6+$0x0];
	s6 =	sadd.s32 s22, s28;
	v7 =	vmul.f32 v12, v23;
	v12 =	vmul.f32 v13, v22;
	[tilespmem:s24+$0x0] =	vst v2;
	s24 =	sadd.s32 s19, s8;
	s8 =	rddreg [dreg:$0x1d]  }
0x2e4: {  	v9 =	vmul.f32 v9, v25;
	v2 =	vld [tilespmem:s6+$0x0];
	v13 =	vmul.f32 v8, v61;
	[tilespmem:s8+$0x0] =	vst v6  }
0x2e5: {  	s3 =	rddreg [dreg:$0x5];
	s6 =	sadd.s32 s20, s28;
	v7 =	vadd.f32 v7, v12;
	v12 =	vmul.f32 v14, v51;
	v14 =	vmul.f32 v8, v58;
	v6 =	vld [tilespmem:s24+$0x0]  }
0x2e6: {  	v9 =	vadd.f32 v11, v9;
	s24 =	rddreg [dreg:$0x15];
	v60 =	vld [tilespmem:s6+$0x0];
	[tilespmem:s7+$0x0] =	vst v5;
	v11 =	vmul.f32 v13, v40  }
0x2e7: {  	v44 =	vld [tilespmem:$0x1FD40];
	s10 =	sadd.s32 s16, s23;
	s3 =	sadd.s32 s21, s3;
	s7 =	rddreg [dreg:$0x17];
	v7 =	vadd.f32 v7, v12;
	v12 =	vmul.f32 v4, v0;
	v14 =	vmul.f32 v14, v50;
	[tilespmem:s24+$0x0] =	vst v3  }
0x2e8: {  	s8 =	sadd.s32 s16, s30;
	s16 =	sadd.s32 s20, s30;
	s20 =	rddreg [dreg:$0x19];
	v52 =	vmul.f32 v4, v56;
	v3 =	vmul.f32 v10, v56;
	v5 =	vld [tilespmem:s7+$0x0]  }
0x2e9: {  	s24 =	sadd.s32 s21, s30;
	s21 =	sadd.s32 s22, s30;
	v10 =	vmul.f32 v8, v59;
	s22 =	rddreg [dreg:$0x1f];
	v8 =	vmul.f32 v8, v56;
	v13 =	vld [tilespmem:s20+$0x0]  }
0x2ea: {  	v15 =	vld [tilespmem:s22+$0x0];
	v12 =	vmul.f32 v12, v43;
	v3 =	vmul.f32 v3, v26  }
0x2eb: {  	v11 =	vadd.f32 v7, v11;
	v18 =	vld [tilespmem:s14+$0x0];
	v16 =	vmul.f32 v2, v1;
	v10 =	vmul.f32 v10, v27  }
0x2ec: {  	v9 =	vadd.f32 v9, v14;
	v14 =	vld [tilespmem:s4+$0x0];
	v8 =	vmul.f32 v8, v44;
	v30 =	vmul.f32 v2, v61  }
0x2ed: {  	v17 =	vld [tilespmem:s10+$0x0];
	v31 =	vmul.f32 v2, v0;
	v6 =	vmul.f32 v60, v6  }
0x2ee: {  	v11 =	vadd.f32 v11, v12;
	v12 =	vmul.f32 v16, v33;
	v16 =	vmul.f32 v4, v59  }
0x2ef: {  	v7 =	vld [tilespmem:s29+$0x0];
	v19 =	vmul.f32 v13, v5;
	v6 =	vmul.f32 v6, v20  }
0x2f0: {  	s23 =	rddreg [dreg:$0x6];
	v11 =	vadd.f32 v11, v12;
	v12 =	vmul.f32 v13, v57;
	v13 =	vmul.f32 v15, v57  }
0x2f1: {  	s23 =	sadd.s32 s18, s23;
	s18 =	sadd.s32 s18, s30;
	v10 =	vadd.f32 v3, v10;
	v15 =	vld [tilespmem:s12+$0x0];
	v39 =	vmul.f32 v14, v18;
	v3 =	vmul.f32 v19, v22  }
0x2f2: {  	s26 =	sadd.s32 s26, s30;
	s13 =	sadd.s32 s13, s30;
	s5 =	sadd.s32 s5, s30;
	v19 =	vmul.f32 v4, v58;
	v6 =	vadd.f32 v11, v6;
	v11 =	vmul.f32 v17, v5  }
0x2f3: {  	s28 =	sadd.s32 s15, s30;
	s7 =	sadd.s32 s1, s30;
	s30 =	sadd.s32 s19, s30;
	v13 =	vmul.f32 v13, v23;
	v12 =	vmul.f32 v12, v24  }
0x2f4: {  	v23 =	vmul.f32 v17, v7;
	[tilespmem:s30+$0x0] =	vst v6;
	v6 =	vmul.f32 v17, v57  }
0x2f5: {  	v28 =	vld [tilespmem:$0x1FD90];
	v11 =	vmul.f32 v11, v25;
	v17 =	vmul.f32 v14, v5  }
0x2f6: {  	v13 =	vadd.f32 v13, v3;
	v23 =	vmul.f32 v23, v51;
	v41 =	vmul.f32 v15, v5  }
0x2f7: {  	v42 =	vmul.f32 v15, v18;
	v11 =	vadd.f32 v12, v11;
	v12 =	vmul.f32 v14, v7  }
0x2f8: {  	v21 =	vld [tilespmem:s11+$0x0];
	v6 =	vmul.f32 v6, v26;
	v17 =	vmul.f32 v17, v27  }
0x2f9: {  	v13 =	vadd.f32 v13, v23;
	v23 =	vmul.f32 v39, v40;
	v14 =	vmul.f32 v14, v57  }
0x2fa: {  	v20 =	vld [tilespmem:s2+$0x0];
	v25 =	vmul.f32 v41, v28;
	v26 =	vmul.f32 v42, v55  }
0x2fb: {  	v12 =	vmul.f32 v12, v50;
	v6 =	vadd.f32 v6, v17;
	v17 =	vmul.f32 v15, v7  }
0x2fc: {  	v13 =	vadd.f32 v13, v23;
	v23 =	vmul.f32 v4, v61;
	v14 =	vmul.f32 v14, v44  }
0x2fd: {  	v36 =	vld [tilespmem:$0x1FD30];
	v11 =	vadd.f32 v11, v12;
	v12 =	vmul.f32 v15, v21;
	v17 =	vmul.f32 v17, v45  }
0x2fe: {  	v25 =	vadd.f32 v14, v25;
	v14 =	vmul.f32 v19, v45;
	v15 =	vmul.f32 v15, v57  }
0x2ff: {  	v3 =	vld [tilespmem:s23+$0x0];
	v19 =	vmul.f32 v20, v7;
	v12 =	vmul.f32 v12, v43;
	v26 =	vadd.f32 v11, v26  }
0x300: {  	v37 =	vld [tilespmem:$0x1FD80];
	v11 =	vmul.f32 v16, v28;
	v16 =	vmul.f32 v20, v5;
	v6 =	vadd.f32 v6, v17  }
0x301: {  	v22 =	vld [tilespmem:s9+$0x0];
	v17 =	vmul.f32 v20, v18;
	v29 =	vadd.f32 v10, v14;
	v10 =	vmul.f32 v2, v59  }
0x302: {  	v14 =	vmul.f32 v2, v58;
	v4 =	vmul.f32 v15, v36  }
0x303: {  	v32 =	vmul.f32 v19, v49;
	v13 =	vadd.f32 v13, v12;
	v12 =	vmul.f32 v23, v55  }
0x304: {  	v19 =	vmul.f32 v3, v5;
	v23 =	vmul.f32 v20, v21  }
0x305: {  	v48 =	vadd.f32 v9, v12;
	v9 =	vadd.f32 v8, v11;
	v8 =	vmul.f32 v16, v37;
	v16 =	vld [tilespmem:$0x1FDD0]  }
0x306: {  	v14 =	vmul.f32 v14, v49;
	v12 =	vmul.f32 v20, v22  }
0x307: {  	s6 =	smov.u32 s0;
	v24 =	vld [tilespmem:s3+$0x0];
	v15 =	vmul.f32 v23, v62;
	v23 =	vmul.f32 v31, v62  }
0x308: {  	p2 =	slt.u32 s6, $0xE0;
	v4 =	vadd.f32 v4, v8;
	v8 =	vmul.f32 v12, v33;
	v12 =	vmul.f32 v10, v37  }
.Ltmp4:
0x309: {  	v10 =	vadd.f32 v26, v15;
	v15 =	vmul.f32 v3, v21;
	v21 =	vmul.f32 v3, v22;
	(pc) =	sbr.rel @p2 .LBB2_11-.Ltmp4, $4  }
0x30a: {  	v8 =	vadd.f32 v13, v8;
	v13 =	vmul.f32 v3, v7;
	v11 =	vmul.f32 v17, v16  }
0x30b: {  	v5 =	vadd.f32 v48, v23;
	v17 =	vmul.f32 v30, v16;
	v16 =	vmul.f32 v20, v57  }
0x30c: {  	s20 =	smov.u32 s18;
	v20 =	vmul.f32 v3, v18;
	v18 =	vmul.f32 v3, v24;
	v6 =	vadd.f32 v6, v11  }
0x30d: {  	s14 =	smov.u32 s24;
	s12 =	smov.u32 s26;
	s9 =	smov.u32 s8;
	v11 =	vmul.f32 v52, v36;
	v7 =	vadd.f32 v29, v17;
	v17 =	vadd.f32 v25, v32  }
0x30e: {  	v16 =	vmul.f32 v16, v46;
	v19 =	vmul.f32 v19, v47  }
0x30f: {  	v20 =	vmul.f32 v20, v54;
	v0 =	vmul.f32 v60, v0;
	v37 =	vld [tilespmem:$0x1FDE0]  }
0x310: {  	v36 =	vmul.f32 v21, v63;
	v1 =	vmul.f32 v60, v1;
	v16 =	vadd.f32 v16, v19  }
0x311: {  	v38 =	vmul.f32 v60, v61;
	v17 =	vadd.f32 v17, v20;
	v0 =	vmul.f32 v0, v34  }
0x312: {  	v2 =	vmul.f32 v2, v56;
	v10 =	vadd.f32 v10, v36;
	v1 =	vmul.f32 v1, v63;
	[tilespmem:s25+$0x0] =	vst v16  }
0x313: {  	v9 =	vadd.f32 v9, v14;
	v40 =	vmul.f32 v38, v54;
	v0 =	vadd.f32 v7, v0;
	[tilespmem:s17+$0x0] =	vst v17  }
0x314: {  	v39 =	vmul.f32 v60, v58;
	v1 =	vadd.f32 v5, v1;
	v18 =	vmul.f32 v18, v37;
	[tilespmem:s12+$0x0] =	vst v10  }
0x315: {  	v15 =	vmul.f32 v15, v34;
	v41 =	vmul.f32 v60, v59;
	v9 =	vadd.f32 v9, v40;
	[tilespmem:s7+$0x0] =	vst v0  }
0x316: {  	v43 =	vadd.f32 v11, v12;
	v44 =	vmul.f32 v39, v53;
	v8 =	vadd.f32 v8, v18;
	[tilespmem:s5+$0x0] =	vst v1  }
0x317: {  	v42 =	vmul.f32 v13, v53;
	v6 =	vadd.f32 v6, v15;
	[tilespmem:s28+$0x0] =	vst v9  }
0x318: {  	v48 =	vmul.f32 v2, v46;
	v52 =	vmul.f32 v41, v47;
	v59 =	vadd.f32 v43, v44;
	[tilespmem:s14+$0x0] =	vst v8  }
0x319: {  	v58 =	vmul.f32 v3, v57;
	v4 =	vadd.f32 v4, v42;
	[tilespmem:s9+$0x0] =	vst v6  }
0x31a: {  	v61 =	vmul.f32 v60, v56;
	v0 =	vadd.f32 v48, v52;
	s0 =	rddreg [dreg:$0xd];
	[tilespmem:s13+$0x0] =	vst v59  }
0x31b: {  	v1 =	vmul.f32 v58, v35;
	[tilespmem:s0+$0x0] =	vst v4  }
0x31c: {  	v63 =	vmul.f32 v61, v35;
	[tilespmem:s21+$0x0] =	vst v0  }
0x31d: {  	[tilespmem:s20+$0x0] =	vst v1  }
0x31e: {  	s0 =	simm.s32 $0x0;
	[tilespmem:s16+$0x0] =	vst v63;
	s16 =	simm.s32 $0x0  }
.LBB2_13:
0x31f: {  	s1 =	sand.u32 $0xFFFFFC00, s0  }
0x320: {  	s5 =	sadd.s32 s1, s16  }
0x321: {  	s17 =	rddreg [dreg:$0x5];
	v36 =	vld [tilespmem:$0x1FD30];
	s6 =	sor.u32 $0x280, s5  }
0x322: {  	s18 =	rddreg [dreg:$0x6];
	v48 =	vld [tilespmem:$0x1FD80];
	s3 =	sadd.s32 s6, s17  }
0x323: {  	s2 =	sor.u32 $0x1280, s5;
	s4 =	sadd.s32 s6, s18;
	v1 =	vld [tilespmem:s3+$0x0]  }
0x324: {  	s1 =	sor.u32 $0x1A80, s5;
	s9 =	sadd.s32 s2, s18;
	v2 =	vld [tilespmem:s4+$0x0]  }
0x325: {  	s10 =	sadd.s32 s1, s18;
	v5 =	vld [tilespmem:s9+$0x0]  }
0x326: {  	s3 =	sor.u32 $0xA80, s5;
	s4 =	sadd.s32 s2, s17;
	v7 =	vld [tilespmem:s10+$0x0]  }
0x327: {  	s7 =	sadd.s32 s3, s17;
	v6 =	vld [tilespmem:s4+$0x0]  }
0x328: {  	s8 =	sadd.s32 s3, s18;
	v3 =	vld [tilespmem:s7+$0x0]  }
0x329: {  	v4 =	vld [tilespmem:s8+$0x0]  }
0x32a: {  	v37 =	vld [tilespmem:$0x1FD40];
	v0 =	vmul.f32 v2, v1  }
0x32b: {  	v41 =	vld [tilespmem:$0x1FD90];
	v10 =	vmul.f32 v5, v1;
	v15 =	vmul.f32 v7, v1  }
0x32c: {  	v38 =	vld [tilespmem:$0x1FD50];
	s4 =	sor.u32 $0x2280, s5;
	s7 =	sadd.s32 s1, s17;
	v14 =	vmul.f32 v2, v6;
	v23 =	vmul.f32 v5, v6  }
0x32d: {  	s11 =	sadd.s32 s4, s18;
	v12 =	vld [tilespmem:s7+$0x0];
	v30 =	vmul.f32 v7, v6;
	v0 =	vmul.f32 v0, v35  }
0x32e: {  	s8 =	sadd.s32 s4, s17;
	v13 =	vld [tilespmem:s11+$0x0];
	v8 =	vmul.f32 v4, v1;
	v9 =	vmul.f32 v2, v3  }
0x32f: {  	v18 =	vld [tilespmem:s8+$0x0];
	v11 =	vmul.f32 v4, v3;
	v10 =	vmul.f32 v10, v36  }
0x330: {  	v42 =	vld [tilespmem:$0x1FDA0];
	v16 =	vmul.f32 v5, v3;
	v17 =	vmul.f32 v4, v6  }
0x331: {  	v52 =	vld [tilespmem:$0x1FDD0];
	v15 =	vmul.f32 v15, v37;
	v22 =	vmul.f32 v7, v3  }
0x332: {  	v39 =	vld [tilespmem:$0x1FD60];
	v14 =	vmul.f32 v14, v53;
	v20 =	vmul.f32 v2, v12  }
0x333: {  	v43 =	vld [tilespmem:$0x1FDB0];
	v21 =	vmul.f32 v13, v1;
	v23 =	vmul.f32 v23, v45  }
0x334: {  	v59 =	vld [tilespmem:$0x1FE10];
	v25 =	vmul.f32 v4, v12;
	v26 =	vmul.f32 v2, v18  }
0x335: {  	v40 =	vld [tilespmem:$0x1FD70];
	s7 =	sor.u32 $0x2A80, s5;
	v28 =	vmul.f32 v13, v3;
	v31 =	vmul.f32 v5, v12  }
0x336: {  	v44 =	vld [tilespmem:$0x1FDC0];
	s12 =	sadd.s32 s7, s18;
	v32 =	vmul.f32 v4, v18;
	v30 =	vmul.f32 v30, v50  }
0x337: {  	s8 =	sor.u32 $0x3280, s5;
	v19 =	vld [tilespmem:s12+$0x0];
	v6 =	vmul.f32 v13, v6;
	v7 =	vmul.f32 v7, v12  }
0x338: {  	v57 =	vld [tilespmem:$0x1FE00];
	s5 =	sadd.s32 s8, s18;
	v5 =	vmul.f32 v5, v18;
	v8 =	vmul.f32 v8, v46  }
0x339: {  	s14 =	sand.u32 $0x60, s16;
	s9 =	sand.u32 $0x400, s0;
	s13 =	sadd.s32 s7, s17;
	v29 =	vld [tilespmem:s5+$0x0];
	v9 =	vmul.f32 v9, v47;
	v11 =	vmul.f32 v11, v48  }
0x33a: {  	s14 =	sor.u32 s9, s14;
	v24 =	vld [tilespmem:s13+$0x0];
	v16 =	vmul.f32 v16, v41;
	v17 =	vmul.f32 v17, v49  }
0x33b: {  	v56 =	vld [tilespmem:$0x1FDE0];
	s11 =	sor.u32 $0x1290, s14;
	s15 =	sadd.s32 s8, s17;
	v22 =	vmul.f32 v22, v42;
	v20 =	vmul.f32 v20, v54  }
0x33c: {  	s9 =	sor.u32 $0x290, s14;
	s24 =	sadd.s32 s11, s17;
	v58 =	vld [tilespmem:s15+$0x0];
	v21 =	vmul.f32 v21, v38;
	v27 =	vmul.f32 v19, v1  }
0x33d: {  	s20 =	sadd.s32 s9, s18;
	v18 =	vld [tilespmem:s24+$0x0];
	v25 =	vmul.f32 v25, v52;
	v26 =	vmul.f32 v26, v34  }
0x33e: {  	s5 =	sor.u32 $0x2290, s14;
	v28 =	vmul.f32 v28, v43;
	v60 =	vmul.f32 v29, v1;
	v1 =	vld [tilespmem:s20+$0x0]  }
0x33f: {  	s10 =	sor.u32 $0xA90, s14;
	s26 =	sadd.s32 s5, s18;
	v33 =	vmul.f32 v2, v24;
	v5 =	vmul.f32 v5, v57;
	v57 =	vld [tilespmem:$0x1FE30]  }
0x340: {  	s22 =	sadd.s32 s10, s18;
	v31 =	vmul.f32 v31, v55;
	v4 =	vmul.f32 v4, v24;
	v24 =	vld [tilespmem:s26+$0x0]  }
0x341: {  	s19 =	sadd.s32 s9, s17;
	v3 =	vmul.f32 v19, v3;
	v10 =	vadd.f32 v10, v11;
	v63 =	vadd.f32 v15, v16;
	v16 =	vld [tilespmem:s22+$0x0]  }
0x342: {  	s21 =	sadd.s32 s10, s17;
	v8 =	vadd.f32 v8, v9;
	v9 =	vmul.f32 v32, v62;
	v32 =	vmul.f32 v33, v59;
	v33 =	vld [tilespmem:s19+$0x0]  }
0x343: {  	s23 =	sadd.s32 s11, s18;
	v6 =	vmul.f32 v6, v51;
	v61 =	vadd.f32 v21, v22;
	v10 =	vadd.f32 v10, v14;
	v14 =	vld [tilespmem:s21+$0x0]  }
0x344: {  	s13 =	sor.u32 $0x1A90, s14;
	v2 =	vmul.f32 v2, v58;
	v27 =	vmul.f32 v27, v39;
	v12 =	vadd.f32 v63, v17;
	v17 =	vld [tilespmem:s23+$0x0]  }
0x345: {  	s25 =	sadd.s32 s13, s18;
	v21 =	vmul.f32 v60, v40;
	v3 =	vmul.f32 v3, v44;
	v22 =	vadd.f32 v61, v23  }
0x346: {  	v19 =	vld [tilespmem:s25+$0x0];
	v2 =	vmul.f32 v2, v56;
	v60 =	vadd.f32 v27, v28;
	v4 =	vmul.f32 v4, v57  }
0x347: {  	v23 =	vld [tilespmem:$0x1FE20];
	v15 =	vadd.f32 v22, v25;
	v27 =	vmul.f32 v16, v18;
	v25 =	vmul.f32 v1, v33  }
0x348: {  	v3 =	vadd.f32 v21, v3;
	v58 =	vmul.f32 v16, v33;
	v29 =	vmul.f32 v24, v33  }
0x349: {  	v21 =	vadd.f32 v60, v30;
	v59 =	vmul.f32 v1, v14;
	v61 =	vmul.f32 v17, v33  }
0x34a: {  	v63 =	vmul.f32 v16, v14;
	v27 =	vmul.f32 v27, v49  }
0x34b: {  	s12 =	sadd.s32 s13, s17;
	v21 =	vadd.f32 v21, v31;
	v30 =	vmul.f32 v19, v14;
	v31 =	vmul.f32 v17, v18  }
0x34c: {  	s15 =	sadd.s32 s5, s17;
	v3 =	vadd.f32 v3, v6;
	v6 =	vld [tilespmem:s12+$0x0];
	v7 =	vmul.f32 v7, v23;
	v11 =	vmul.f32 v25, v35  }
0x34d: {  	v60 =	vld [tilespmem:s15+$0x0];
	v13 =	vmul.f32 v58, v46;
	v58 =	vmul.f32 v19, v33  }
0x34e: {  	v12 =	vadd.f32 v12, v20;
	s12 =	sor.u32 $0x2A90, s14;
	v20 =	vmul.f32 v59, v47;
	v22 =	vmul.f32 v61, v36  }
0x34f: {  	s14 =	sor.u32 $0x3290, s14;
	s28 =	sadd.s32 s12, s18;
	v23 =	vmul.f32 v63, v48;
	v48 =	vmul.f32 v1, v18  }
0x350: {  	s29 =	sadd.s32 s14, s18;
	v15 =	vadd.f32 v15, v26;
	v59 =	vmul.f32 v17, v14;
	v61 =	vld [tilespmem:s28+$0x0];
	v25 =	vmul.f32 v58, v37  }
0x351: {  	v9 =	vadd.f32 v21, v9;
	v63 =	vld [tilespmem:s29+$0x0];
	v28 =	vmul.f32 v1, v6;
	v37 =	vmul.f32 v30, v42  }
0x352: {  	v3 =	vadd.f32 v3, v7;
	v30 =	vmul.f32 v1, v60;
	v7 =	vmul.f32 v48, v53  }
0x353: {  	v26 =	vmul.f32 v59, v41;
	v22 =	vadd.f32 v22, v23;
	v36 =	vmul.f32 v28, v54  }
0x354: {  	v3 =	vadd.f32 v3, v5;
	v28 =	vmul.f32 v29, v38;
	v29 =	vmul.f32 v31, v45  }
0x355: {  	v13 =	vadd.f32 v13, v20;
	v38 =	vmul.f32 v16, v6;
	v5 =	vmul.f32 v16, v60  }
0x356: {  	v3 =	vadd.f32 v3, v4;
	v4 =	vmul.f32 v63, v33;
	v41 =	vmul.f32 v61, v33  }
0x357: {  	v23 =	vadd.f32 v28, v37;
	v20 =	vmul.f32 v38, v52;
	v28 =	vmul.f32 v30, v34  }
0x358: {  	v21 =	vmul.f32 v61, v14;
	v14 =	vmul.f32 v24, v14  }
0x359: {  	v9 =	vadd.f32 v9, v32;
	v24 =	vmul.f32 v24, v18;
	v18 =	vmul.f32 v19, v18  }
0x35a: {  	s30 =	rddreg [dreg:$0xb];
	s31 =	sadd.s32 s12, s17;
	v32 =	vld [tilespmem:$0x1FE20];
	v7 =	vadd.f32 v22, v7;
	v19 =	vmul.f32 v19, v6;
	v6 =	vmul.f32 v17, v6  }
0x35b: {  	s6 =	sadd.s32 s6, s30;
	v42 =	vld [tilespmem:s31+$0x0];
	v25 =	vadd.f32 v25, v26;
	v4 =	vmul.f32 v4, v40;
	v21 =	vmul.f32 v21, v44  }
0x35c: {  	s3 =	sadd.s32 s3, s30;
	[tilespmem:s6+$0x0] =	vst v0;
	v22 =	vmul.f32 v41, v39;
	v23 =	vadd.f32 v23, v29;
	v14 =	vmul.f32 v14, v43;
	v29 =	vld [tilespmem:$0x1FE00]  }
0x35d: {  	s2 =	sadd.s32 s2, s30;
	[tilespmem:s3+$0x0] =	vst v8;
	s19 =	sadd.s32 s14, s17;
	v52 =	vmul.f32 v17, v60;
	v43 =	vmul.f32 v24, v51;
	v4 =	vadd.f32 v4, v21  }
0x35e: {  	s1 =	sadd.s32 s1, s30;
	[tilespmem:s2+$0x0] =	vst v10;
	v5 =	vmul.f32 v5, v62;
	v44 =	vld [tilespmem:s19+$0x0];
	v18 =	vmul.f32 v18, v50;
	v14 =	vadd.f32 v22, v14  }
0x35f: {  	s20 =	sadd.s32 s4, s30;
	[tilespmem:s1+$0x0] =	vst v12;
	v33 =	vld [tilespmem:$0x1FE10];
	v25 =	vadd.f32 v25, v27;
	v48 =	vmul.f32 v19, v32;
	v4 =	vadd.f32 v4, v43  }
0x360: {  	s21 =	sadd.s32 s7, s30;
	[tilespmem:s20+$0x0] =	vst v15;
	v59 =	vmul.f32 v16, v42;
	v6 =	vmul.f32 v6, v55;
	v14 =	vadd.f32 v14, v18  }
0x361: {  	s23 =	sadd.s32 s9, s30;
	[tilespmem:s21+$0x0] =	vst v9;
	v0 =	vmul.f32 v1, v42;
	v58 =	vmul.f32 v52, v29;
	v4 =	vadd.f32 v4, v48  }
0x362: {  	s24 =	sadd.s32 s10, s30;
	v2 =	vadd.f32 v3, v2;
	[tilespmem:s23+$0x0] =	vst v11;
	v61 =	vmul.f32 v59, v57;
	v60 =	vadd.f32 v14, v6  }
0x363: {  	s22 =	sadd.s32 s8, s30;
	[tilespmem:s24+$0x0] =	vst v13;
	v20 =	vadd.f32 v23, v20;
	v1 =	vmul.f32 v1, v44;
	v4 =	vadd.f32 v4, v58  }
0x364: {  	p2 =	slt.u32 s16, $0xE0;
	s25 =	sadd.s32 s11, s30;
	v3 =	vadd.f32 v25, v36;
	[tilespmem:s22+$0x0] =	vst v2;
	v0 =	vmul.f32 v0, v33;
	v2 =	vadd.f32 v60, v5  }
.Ltmp5:
0x365: {  	s26 =	sadd.s32 s13, s30;
	[tilespmem:s25+$0x0] =	vst v7;
	v63 =	vadd.f32 v20, v28;
	v1 =	vmul.f32 v1, v56;
	v4 =	vadd.f32 v4, v61;
	(pc) =	sbr.rel @p2 .LBB2_13-.Ltmp5, $4  }
0x366: {  	s28 =	sadd.s32 s5, s30;
	[tilespmem:s26+$0x0] =	vst v3;
	v0 =	vadd.f32 v2, v0  }
0x367: {  	s29 =	sadd.s32 s12, s30;
	[tilespmem:s28+$0x0] =	vst v63;
	v1 =	vadd.f32 v4, v1  }
0x368: {  	s30 =	sadd.s32 s14, s30;
	s31 =	sadd.s32 $0x20, s16;
	[tilespmem:s29+$0x0] =	vst v0  }
0x369: {  	s0 =	sadd.s32 $0x100, s0;
	s1 =	simm.s32 $0x0;
	s16 =	smov.u32 s31;
	[tilespmem:s30+$0x0] =	vst v1  }
0x36a: {  	s0 =	sand.u32 $0x3, s1  }
0x36b: {  	s0 =	sshll.u32 s0, $0x5  }
0x36c: {  	s15 =	sadd.s32 $0x0, s0  }
0x36d: {  	s16 =	rddreg [dreg:$0x5];
	s8 =	sor.u32 $0x3310, s15  }
0x36e: {  	s6 =	sor.u32 $0x2B10, s15;
	s17 =	sadd.s32 s8, s16  }
0x36f: {  	s0 =	sor.u32 $0x1B10, s15;
	s2 =	sadd.s32 s6, s16;
	v0 =	vld [tilespmem:s17+$0x0]  }
0x370: {  	s3 =	sor.u32 $0x310, s15;
	s4 =	sadd.s32 s0, s16;
	v2 =	vld [tilespmem:s2+$0x0]  }
0x371: {  	s1 =	sor.u32 $0xB10, s15;
	s20 =	sadd.s32 s3, s16;
	v4 =	vld [tilespmem:s4+$0x0]  }
0x372: {  	s21 =	sadd.s32 s1, s16;
	s17 =	rddreg [dreg:$0x6];
	v5 =	vld [tilespmem:s20+$0x0]  }
0x373: {  	v6 =	vld [tilespmem:s21+$0x0];
	s18 =	sadd.s32 s3, s17  }
0x374: {  	s4 =	sor.u32 $0x1310, s15;
	s19 =	sadd.s32 s1, s17;
	v1 =	vld [tilespmem:s18+$0x0]  }
0x375: {  	s2 =	sor.u32 $0x2310, s15;
	s5 =	sadd.s32 s4, s16;
	v3 =	vld [tilespmem:s19+$0x0]  }
0x376: {  	s22 =	sadd.s32 s2, s16;
	v7 =	vld [tilespmem:s5+$0x0]  }
0x377: {  	s23 =	sadd.s32 s4, s17;
	v8 =	vld [tilespmem:s22+$0x0]  }
0x378: {  	v9 =	vld [tilespmem:s23+$0x0]  }
0x379: {  	v10 =	vmul.f32 v1, v5  }
0x37a: {  	s24 =	sadd.s32 s0, s17;
	v11 =	vmul.f32 v3, v5;
	v12 =	vmul.f32 v1, v6  }
0x37b: {  	v13 =	vld [tilespmem:s24+$0x0];
	v14 =	vmul.f32 v1, v7;
	v15 =	vmul.f32 v1, v4  }
0x37c: {  	v16 =	vmul.f32 v1, v8;
	v17 =	vmul.f32 v1, v2  }
0x37d: {  	v18 =	vmul.f32 v9, v5;
	v19 =	vmul.f32 v1, v0  }
0x37e: {  	v1 =	vmul.f32 v3, v6;
	v20 =	vmul.f32 v3, v7  }
0x37f: {  	v58 =	vld [tilespmem:$0x1FD30];
	v21 =	vmul.f32 v3, v4;
	v22 =	vmul.f32 v3, v8  }
0x380: {  	v59 =	vld [tilespmem:$0x1FD80];
	v24 =	vmul.f32 v13, v5;
	v2 =	vmul.f32 v3, v2  }
0x381: {  	v31 =	vld [tilespmem:$0x1FD70];
	v25 =	vmul.f32 v9, v6;
	v26 =	vmul.f32 v9, v7  }
0x382: {  	v30 =	vld [tilespmem:$0x1FDC0];
	v27 =	vmul.f32 v9, v4;
	v8 =	vmul.f32 v9, v8  }
0x383: {  	v36 =	vld [tilespmem:$0x1FD40];
	v28 =	vmul.f32 v13, v6;
	v4 =	vmul.f32 v13, v4  }
0x384: {  	v41 =	vld [tilespmem:$0x1FDD0];
	s25 =	sadd.s32 s2, s17;
	v13 =	vmul.f32 v13, v7;
	v10 =	vmul.f32 v10, v35  }
0x385: {  	s28 =	sadd.s32 s8, s17;
	v0 =	vld [tilespmem:s25+$0x0];
	v11 =	vmul.f32 v11, v46;
	v12 =	vmul.f32 v12, v47  }
0x386: {  	s26 =	sadd.s32 s6, s17;
	v3 =	vld [tilespmem:s28+$0x0];
	v18 =	vmul.f32 v18, v58;
	v1 =	vmul.f32 v1, v59  }
0x387: {  	v23 =	vld [tilespmem:s26+$0x0];
	v14 =	vmul.f32 v14, v53;
	v39 =	vmul.f32 v20, v49  }
0x388: {  	v38 =	vld [tilespmem:$0x1FD60];
	v13 =	vmul.f32 v13, v50;
	v4 =	vmul.f32 v4, v32  }
0x389: {  	v61 =	vld [tilespmem:$0x1FDB0];
	v20 =	vmul.f32 v21, v41;
	v42 =	vmul.f32 v27, v55  }
0x38a: {  	v63 =	vld [tilespmem:$0x1FD50];
	s10 =	sor.u32 $0x300, s15;
	v11 =	vadd.f32 v11, v12;
	v12 =	vmul.f32 v24, v36;
	v9 =	vmul.f32 v0, v5  }
0x38b: {  	s9 =	sadd.s32 s10, s16;
	v24 =	vld [tilespmem:$0x1FD90];
	v3 =	vmul.f32 v3, v5;
	v7 =	vmul.f32 v0, v7  }
0x38c: {  	v56 =	vld [tilespmem:s9+$0x0];
	s9 =	sor.u32 $0x3300, s15;
	v0 =	vmul.f32 v0, v6;
	v6 =	vmul.f32 v23, v6  }
0x38d: {  	v37 =	vld [tilespmem:$0x1FDA0];
	s13 =	sadd.s32 s9, s17;
	v17 =	vmul.f32 v17, v33;
	v5 =	vmul.f32 v23, v5  }
0x38e: {  	v40 =	vld [tilespmem:s13+$0x0];
	v3 =	vmul.f32 v3, v31;
	v6 =	vmul.f32 v6, v30  }
0x38f: {  	s7 =	sor.u32 $0xB00, s15;
	v5 =	vmul.f32 v5, v38;
	v0 =	vmul.f32 v0, v61  }
0x390: {  	v43 =	vld [tilespmem:$0x1FE30];
	s11 =	sadd.s32 s7, s16;
	s5 =	sor.u32 $0x2B00, s15;
	v7 =	vmul.f32 v7, v51;
	v60 =	vmul.f32 v25, v24;
	v3 =	vadd.f32 v3, v6  }
0x391: {  	s12 =	sadd.s32 s5, s17;
	v1 =	vadd.f32 v18, v1;
	v9 =	vmul.f32 v9, v63;
	v5 =	vadd.f32 v5, v0;
	v0 =	vld [tilespmem:s11+$0x0];
	s11 =	sor.u32 $0x2300, s15  }
0x392: {  	s31 =	sor.u32 $0x1B00, s15;
	s14 =	sadd.s32 s11, s17;
	v6 =	vadd.f32 v12, v60;
	v12 =	vmul.f32 v28, v37;
	v3 =	vadd.f32 v3, v7;
	v7 =	vld [tilespmem:s12+$0x0]  }
0x393: {  	s29 =	sor.u32 $0x1300, s15;
	v18 =	vmul.f32 v40, v56;
	v14 =	vadd.f32 v1, v14;
	v5 =	vadd.f32 v5, v13;
	v13 =	vld [tilespmem:s14+$0x0];
	[smem:$0x7EA] =	sst s15;
	s15 =	sadd.s32 s31, s17  }
0x394: {  	s19 =	sadd.s32 s29, s17;
	v1 =	vmul.f32 v26, v45;
	v44 =	vld [tilespmem:s15+$0x0];
	v9 =	vadd.f32 v9, v12;
	v12 =	vmul.f32 v15, v54  }
0x395: {  	v58 =	vld [tilespmem:s19+$0x0];
	v15 =	vmul.f32 v16, v34;
	v3 =	vadd.f32 v3, v4;
	v4 =	vmul.f32 v8, v29  }
0x396: {  	s21 =	rddreg [dreg:$0xb];
	v6 =	vadd.f32 v6, v39;
	v16 =	vmul.f32 v2, v43;
	v5 =	vadd.f32 v5, v42;
	v2 =	vld [tilespmem:$0x1FDE0]  }
0x397: {  	s30 =	sadd.s32 s29, s16;
	s3 =	sadd.s32 s3, s21;
	v8 =	vmul.f32 v22, v62;
	v9 =	vadd.f32 v9, v1;
	v3 =	vadd.f32 v3, v4  }
0x398: {  	s1 =	sadd.s32 s1, s21;
	[tilespmem:s3+$0x0] =	vst v10;
	v1 =	vld [tilespmem:s30+$0x0];
	v6 =	vadd.f32 v6, v12;
	v12 =	vmul.f32 v18, v31;
	v48 =	vmul.f32 v7, v0  }
0x399: {  	s4 =	sadd.s32 s4, s21;
	[tilespmem:s1+$0x0] =	vst v11;
	v5 =	vadd.f32 v5, v8;
	v4 =	vmul.f32 v7, v56;
	v7 =	vmul.f32 v13, v0  }
0x39a: {  	[tilespmem:s4+$0x0] =	vst v14;
	v9 =	vadd.f32 v9, v20;
	v57 =	vmul.f32 v44, v0;
	v14 =	vmul.f32 v58, v0  }
0x39b: {  	s18 =	sadd.s32 s31, s16;
	v17 =	vadd.f32 v5, v17;
	v19 =	vmul.f32 v19, v2;
	v52 =	vmul.f32 v48, v30  }
0x39c: {  	v2 =	vld [tilespmem:s18+$0x0];
	v4 =	vmul.f32 v4, v38;
	v7 =	vmul.f32 v7, v61;
	v9 =	vadd.f32 v9, v15  }
0x39d: {  	s20 =	sadd.s32 s11, s16;
	v15 =	vadd.f32 v3, v16;
	v8 =	vmul.f32 v13, v1;
	v13 =	vmul.f32 v13, v56  }
0x39e: {  	v3 =	vld [tilespmem:s20+$0x0];
	v5 =	vmul.f32 v44, v1;
	v4 =	vadd.f32 v4, v7;
	v7 =	vmul.f32 v44, v56  }
0x39f: {  	s25 =	sadd.s32 s10, s17;
	s10 =	sadd.s32 s10, s21;
	v8 =	vmul.f32 v8, v51;
	v10 =	vmul.f32 v13, v63  }
0x3a0: {  	s0 =	sadd.s32 s0, s21;
	s23 =	sadd.s32 s7, s17;
	[dreg:$0xa] =	wrdreg s10;
	v11 =	vadd.f32 v12, v52;
	v13 =	vmul.f32 v57, v37;
	v12 =	vmul.f32 v5, v50  }
0x3a1: {  	s24 =	sadd.s32 s9, s16;
	s22 =	sadd.s32 s5, s16;
	s28 =	sadd.s32 s7, s21;
	[tilespmem:s0+$0x0] =	vst v6;
	v15 =	vadd.f32 v15, v19;
	v7 =	vmul.f32 v7, v36;
	v59 =	vmul.f32 v44, v2  }
0x3a2: {  	s26 =	sadd.s32 s29, s21;
	s29 =	sadd.s32 s2, s21;
	v5 =	vld [tilespmem:s22+$0x0];
	[dreg:$0x9] =	wrdreg s28;
	v61 =	vmul.f32 v58, v2;
	v8 =	vadd.f32 v11, v8;
	v11 =	vmul.f32 v58, v1  }
0x3a3: {  	s2 =	sadd.s32 s9, s21;
	s9 =	simm.s32 $0x1;
	s30 =	sadd.s32 s6, s21;
	v6 =	vld [tilespmem:s23+$0x0];
	[tilespmem:s29+$0x0] =	vst v9;
	v9 =	vadd.f32 v10, v13;
	v63 =	vmul.f32 v58, v3;
	v60 =	vmul.f32 v59, v32  }
0x3a4: {  	s5 =	sadd.s32 s5, s21;
	s22 =	sadd.s32 s31, s21;
	s31 =	sadd.s32 s8, s21;
	v57 =	vld [tilespmem:s24+$0x0];
	[tilespmem:s30+$0x0] =	vst v17;
	v13 =	vmul.f32 v11, v45;
	v11 =	vadd.f32 v4, v12;
	v12 =	vmul.f32 v61, v55  }
0x3a5: {  	s3 =	sadd.s32 s11, s21;
	s10 =	simm.s32 $0x0;
	s8 =	simm.s32 $0x0;
	[tilespmem:s31+$0x0] =	vst v15;
	v4 =	vld [tilespmem:s25+$0x0];
	v10 =	vadd.f32 v8, v60;
	v8 =	vmul.f32 v14, v24;
	v14 =	vmul.f32 v63, v29  }
.LBB2_15:
0x3a6: {  	[dreg:$0x12] =	wrdreg s26  }
0x3a7: {  	[dreg:$0x11] =	wrdreg s2  }
0x3a8: {  	[dreg:$0x10] =	wrdreg s22  }
0x3a9: {  	[dreg:$0xe] =	wrdreg s5  }
0x3aa: {  	s7 =	rddreg [dreg:$0x5]  }
0x3ab: {  	s12 =	rddreg [dreg:$0x6]  }
0x3ac: {  	s24 =	rddreg [dreg:$0x5]  }
0x3ad: {  	s0 =	sand.u32 $0x3, s9;
	s25 =	rddreg [dreg:$0x5]  }
0x3ae: {  	s10 =	sadd.s32 $0x100, s10;
	s29 =	rddreg [dreg:$0x5];
	s0 =	sshll.u32 s0, $0x5  }
0x3af: {  	s31 =	rddreg [dreg:$0x6];
	s0 =	sadd.s32 s0, s10  }
0x3b0: {  	v15 =	vmul.f32 v58, v56;
	v36 =	vld [tilespmem:$0x1FD30];
	s14 =	rddreg [dreg:$0x5];
	s26 =	sor.u32 $0x300, s0;
	s22 =	sor.u32 $0xB00, s0  }
0x3b1: {  	v16 =	vmul.f32 v6, v0;
	v17 =	vmul.f32 v6, v2;
	v39 =	vld [tilespmem:$0x1FDD0];
	s1 =	sor.u32 $0x3310, s0;
	s18 =	sor.u32 $0x2B00, s0;
	s16 =	sor.u32 $0x310, s0  }
0x3b2: {  	v37 =	vld [tilespmem:$0x1FE30];
	v0 =	vmul.f32 v4, v0;
	v2 =	vmul.f32 v4, v2;
	v9 =	vadd.f32 v9, v13;
	s5 =	sor.u32 $0x3300, s0;
	s15 =	sor.u32 $0x2B10, s0;
	s19 =	sor.u32 $0xB10, s0  }
0x3b3: {  	v38 =	vld [tilespmem:$0x1FD80];
	v13 =	vmul.f32 v6, v1;
	v11 =	vadd.f32 v11, v12;
	v12 =	vmul.f32 v6, v3;
	s28 =	sor.u32 $0x1300, s0;
	s30 =	sor.u32 $0x2300, s0;
	[dreg:$0xf] =	wrdreg s1  }
0x3b4: {  	v44 =	vld [tilespmem:$0x1FDE0];
	v10 =	vadd.f32 v10, v14;
	v14 =	vmul.f32 v6, v5;
	v6 =	vmul.f32 v6, v56;
	s1 =	sadd.s32 s1, s7;
	s17 =	sadd.s32 s16, s12;
	s11 =	sadd.s32 s26, s7  }
0x3b5: {  	v1 =	vmul.f32 v4, v1;
	v3 =	vmul.f32 v4, v3;
	s20 =	sadd.s32 s15, s7;
	s21 =	sadd.s32 s19, s12;
	s4 =	sadd.s32 s18, s12;
	v40 =	vld [tilespmem:s1+$0x0]  }
0x3b6: {  	v7 =	vadd.f32 v7, v8;
	v8 =	vmul.f32 v13, v49;
	s2 =	sadd.s32 s5, s12;
	s12 =	smov.u32 s3;
	v13 =	vmul.f32 v17, v39;
	v41 =	vld [tilespmem:s17+$0x0];
	s1 =	sadd.s32 s16, s24  }
0x3b7: {  	v5 =	vmul.f32 v4, v5;
	s3 =	sadd.s32 s28, s25;
	s25 =	sadd.s32 s30, s31;
	s31 =	rddreg [dreg:$0x5];
	v14 =	vmul.f32 v14, v37;
	v18 =	vld [tilespmem:s1+$0x0]  }
0x3b8: {  	v0 =	vmul.f32 v0, v47;
	v12 =	vmul.f32 v12, v62;
	s6 =	sadd.s32 s22, s7;
	s17 =	sor.u32 $0x1B10, s0;
	s24 =	rddreg [dreg:$0x6];
	v9 =	vadd.f32 v9, v13;
	v13 =	vld [tilespmem:s20+$0x0]  }
0x3b9: {  	v2 =	vmul.f32 v2, v54;
	v6 =	vmul.f32 v6, v46;
	s23 =	sadd.s32 s17, s7;
	s1 =	sadd.s32 s19, s29;
	s7 =	rddreg [dreg:$0x5];
	v10 =	vadd.f32 v10, v14;
	v14 =	vld [tilespmem:s21+$0x0]  }
0x3ba: {  	v1 =	vmul.f32 v1, v53;
	v3 =	vmul.f32 v3, v34;
	v11 =	vadd.f32 v11, v12;
	s29 =	rddreg [dreg:$0x6];
	v12 =	vld [tilespmem:s23+$0x0];
	s21 =	sor.u32 $0x1310, s0;
	s20 =	sor.u32 $0x2310, s0  }
0x3bb: {  	v15 =	vmul.f32 v15, v36;
	v16 =	vmul.f32 v16, v38;
	v19 =	vld [tilespmem:s1+$0x0];
	s23 =	rddreg [dreg:$0x5];
	s1 =	sadd.s32 s21, s7;
	s7 =	sor.u32 $0x1B00, s0  }
0x3bc: {  	v7 =	vadd.f32 v7, v8;
	v8 =	vmul.f32 v4, v57;
	v4 =	vmul.f32 v4, v56;
	v20 =	vld [tilespmem:s1+$0x0];
	s1 =	sadd.s32 s7, s23;
	s0 =	sadd.s32 s7, s24;
	s24 =	rddreg [dreg:$0x6]  }
0x3bd: {  	v5 =	vmul.f32 v5, v33;
	v6 =	vadd.f32 v6, v0;
	v15 =	vadd.f32 v15, v16;
	s23 =	sadd.s32 s21, s29;
	s29 =	sadd.s32 s18, s31;
	s31 =	rddreg [dreg:$0x6]  }
0x3be: {  	v8 =	vmul.f32 v8, v44;
	v4 =	vmul.f32 v4, v35;
	s14 =	sadd.s32 s20, s14;
	v3 =	vadd.f32 v9, v3;
	v9 =	vld [tilespmem:s23+$0x0];
	s23 =	rddreg [dreg:$0x5]  }
0x3bf: {  	v1 =	vadd.f32 v15, v1;
	v15 =	vld [tilespmem:s14+$0x0];
	s24 =	sadd.s32 s22, s24;
	s14 =	sadd.s32 s28, s31;
	s31 =	rddreg [dreg:$0x6];
	v16 =	vmul.f32 v41, v40;
	v21 =	vmul.f32 v41, v18  }
0x3c0: {  	v56 =	vld [tilespmem:s11+$0x0];
	v5 =	vadd.f32 v11, v5;
	s11 =	sadd.s32 s5, s23;
	s23 =	sadd.s32 s26, s31;
	s31 =	rddreg [dreg:$0xb];
	v22 =	vmul.f32 v14, v18;
	v23 =	vmul.f32 v41, v19  }
0x3c1: {  	v0 =	vld [tilespmem:s6+$0x0];
	v11 =	vadd.f32 v10, v8;
	s6 =	sadd.s32 s22, s31;
	s22 =	sadd.s32 s28, s31;
	s28 =	rddreg [dreg:$0x6];
	v26 =	vmul.f32 v41, v12;
	v10 =	vmul.f32 v41, v13  }
0x3c2: {  	s13 =	rddreg [dreg:$0x5];
	v63 =	vld [tilespmem:$0x1FDF0];
	v17 =	vmul.f32 v14, v19;
	v30 =	vmul.f32 v14, v12;
	s28 =	sadd.s32 s17, s28  }
0x3c3: {  	v13 =	vmul.f32 v14, v13;
	v21 =	vmul.f32 v21, v35;
	v24 =	vld [tilespmem:s28+$0x0];
	s28 =	rddreg [dreg:$0xa]  }
0x3c4: {  	v42 =	vld [tilespmem:$0x1FD50];
	s26 =	sadd.s32 s26, s31;
	v25 =	vmul.f32 v41, v20;
	v27 =	vmul.f32 v41, v15;
	[tilespmem:s28+$0x0] =	vst v4;
	s28 =	rddreg [dreg:$0x9]  }
0x3c5: {  	v2 =	vadd.f32 v7, v2;
	v29 =	vmul.f32 v14, v20;
	v31 =	vmul.f32 v14, v15;
	v7 =	vld [tilespmem:s4+$0x0];
	s4 =	sadd.s32 s5, s31;
	[tilespmem:s28+$0x0] =	vst v6;
	s28 =	smov.u32 s26;
	s5 =	rddreg [dreg:$0x6]  }
0x3c6: {  	v40 =	vld [tilespmem:$0x1FDC0];
	v22 =	vmul.f32 v22, v46;
	v23 =	vmul.f32 v23, v47;
	[dreg:$0xa] =	wrdreg s28  }
0x3c7: {  	v26 =	vmul.f32 v26, v54;
	v30 =	vmul.f32 v30, v39;
	v39 =	vld [tilespmem:$0x1FDA0];
	s28 =	smov.u32 s6;
	s6 =	rddreg [dreg:$0x12]  }
0x3c8: {  	v17 =	vmul.f32 v17, v38;
	v27 =	vmul.f32 v27, v63;
	v63 =	vld [tilespmem:$0x1FDB0];
	[dreg:$0x9] =	wrdreg s28  }
0x3c9: {  	v13 =	vmul.f32 v13, v37;
	v28 =	vmul.f32 v9, v18;
	v8 =	vld [tilespmem:s2+$0x0];
	s2 =	sadd.s32 s20, s5;
	s28 =	rddreg [dreg:$0x6]  }
0x3ca: {  	v14 =	vmul.f32 v9, v19;
	v48 =	vmul.f32 v9, v20;
	s26 =	smov.u32 s22;
	s22 =	rddreg [dreg:$0x10];
	[tilespmem:s6+$0x0] =	vst v1;
	v4 =	vld [tilespmem:s2+$0x0];
	s2 =	sadd.s32 s15, s28  }
0x3cb: {  	s13 =	sadd.s32 s30, s13;
	s30 =	sadd.s32 s30, s31;
	v34 =	vmul.f32 v9, v12;
	v15 =	vmul.f32 v9, v15;
	s6 =	rddreg [dreg:$0xf];
	[tilespmem:s22+$0x0] =	vst v2;
	v6 =	vld [tilespmem:s2+$0x0]  }
0x3cc: {  	s7 =	sadd.s32 s7, s31;
	v28 =	vmul.f32 v28, v36;
	v33 =	vmul.f32 v48, v45;
	v1 =	vld [tilespmem:s3+$0x0];
	s3 =	smov.u32 s30;
	s30 =	rddreg [dreg:$0x6]  }
0x3cd: {  	v48 =	vld [tilespmem:$0x1FD60];
	s22 =	smov.u32 s7;
	v32 =	vmul.f32 v24, v18;
	v60 =	vmul.f32 v24, v19;
	[tilespmem:s12+$0x0] =	vst v3;
	s12 =	rddreg [dreg:$0xe];
	s7 =	sadd.s32 s6, s30  }
0x3ce: {  	v61 =	vmul.f32 v24, v20;
	v12 =	vmul.f32 v24, v12;
	[tilespmem:s12+$0x0] =	vst v5;
	v5 =	vld [tilespmem:s7+$0x0]  }
0x3cf: {  	v41 =	vld [tilespmem:$0x1FD40];
	v60 =	vmul.f32 v60, v39;
	v59 =	vmul.f32 v4, v18  }
0x3d0: {  	v36 =	vld [tilespmem:$0x1FD70];
	v52 =	vmul.f32 v4, v19;
	v24 =	vmul.f32 v6, v18  }
0x3d1: {  	v38 =	vld [tilespmem:$0x1FD90];
	v20 =	vmul.f32 v4, v20;
	v19 =	vmul.f32 v6, v19  }
0x3d2: {  	v22 =	vadd.f32 v22, v23;
	v23 =	vmul.f32 v24, v48;
	v24 =	vmul.f32 v52, v63  }
0x3d3: {  	v59 =	vmul.f32 v59, v42;
	v18 =	vmul.f32 v5, v18  }
0x3d4: {  	v43 =	vmovc v62;
	v52 =	vmul.f32 v20, v51;
	v20 =	vadd.f32 v23, v24;
	v23 =	vmul.f32 v61, v50;
	v61 =	vld [tilespmem:$0x1FE20]  }
0x3d5: {  	v62 =	vmov v43;
	v43 =	vld [tilespmem:$0x1FE00];
	v19 =	vmul.f32 v19, v40;
	v18 =	vmul.f32 v18, v36  }
0x3d6: {  	v14 =	vmul.f32 v14, v38;
	v17 =	vadd.f32 v28, v17;
	v32 =	vmul.f32 v32, v41  }
0x3d7: {  	s18 =	sadd.s32 s18, s31;
	v25 =	vmul.f32 v25, v53;
	v60 =	vadd.f32 v59, v60;
	v18 =	vadd.f32 v18, v19  }
0x3d8: {  	v29 =	vmul.f32 v29, v49;
	s5 =	smov.u32 s18;
	s18 =	rddreg [dreg:$0x11];
	v14 =	vadd.f32 v32, v14;
	v28 =	vadd.f32 v20, v23  }
0x3d9: {  	[tilespmem:s18+$0x0] =	vst v11;
	v23 =	vadd.f32 v60, v33;
	v33 =	vld [tilespmem:$0x1FE10];
	v18 =	vadd.f32 v18, v52;
	v12 =	vmul.f32 v12, v61  }
0x3da: {  	v15 =	vmul.f32 v15, v43;
	v11 =	vld [tilespmem:s25+$0x0];
	v14 =	vadd.f32 v14, v29;
	v20 =	vmul.f32 v34, v55  }
0x3db: {  	v17 =	vadd.f32 v17, v25;
	v8 =	vmul.f32 v8, v56;
	v58 =	vld [tilespmem:s14+$0x0];
	v12 =	vadd.f32 v18, v12  }
0x3dc: {  	v4 =	vld [tilespmem:s23+$0x0];
	s23 =	sadd.s32 s16, s31;
	v14 =	vadd.f32 v14, v26;
	v32 =	vadd.f32 v28, v20;
	v52 =	vmul.f32 v31, v62  }
0x3dd: {  	[tilespmem:s23+$0x0] =	vst v21;
	v6 =	vld [tilespmem:s24+$0x0];
	s24 =	sadd.s32 s19, s31;
	v60 =	vmul.f32 v7, v0;
	v20 =	vadd.f32 v23, v30;
	v12 =	vadd.f32 v12, v15  }
0x3de: {  	s25 =	sadd.s32 s21, s31;
	[tilespmem:s24+$0x0] =	vst v22;
	v7 =	vmul.f32 v7, v56;
	v10 =	vmul.f32 v10, v33;
	v15 =	vadd.f32 v32, v52  }
0x3df: {  	s28 =	sadd.s32 s17, s31;
	v9 =	vld [tilespmem:s0+$0x0];
	[tilespmem:s25+$0x0] =	vst v17;
	v59 =	vadd.f32 v20, v27;
	v12 =	vadd.f32 v12, v13;
	v13 =	vmul.f32 v16, v44  }
0x3e0: {  	v8 =	vmul.f32 v8, v36;
	v5 =	vld [tilespmem:s29+$0x0];
	s29 =	sadd.s32 s20, s31;
	[tilespmem:s28+$0x0] =	vst v14;
	v10 =	vadd.f32 v15, v10  }
0x3e1: {  	s30 =	sadd.s32 s15, s31;
	v2 =	vld [tilespmem:s1+$0x0];
	v14 =	vmul.f32 v11, v0;
	v7 =	vmul.f32 v7, v48;
	[tilespmem:s29+$0x0] =	vst v59;
	v12 =	vadd.f32 v12, v13  }
0x3e2: {  	s31 =	sadd.s32 s6, s31;
	v61 =	vmul.f32 v58, v0;
	v13 =	vmul.f32 v60, v40;
	[tilespmem:s30+$0x0] =	vst v10  }
0x3e3: {  	v21 =	vld [tilespmem:$0x1FE20];
	v10 =	vmul.f32 v11, v1;
	[tilespmem:s31+$0x0] =	vst v12;
	v12 =	vmul.f32 v14, v63  }
0x3e4: {  	v11 =	vmul.f32 v11, v56;
	v8 =	vadd.f32 v8, v13;
	v13 =	vmul.f32 v9, v0  }
0x3e5: {  	v3 =	vld [tilespmem:s13+$0x0];
	v10 =	vmul.f32 v10, v51;
	v12 =	vadd.f32 v7, v12;
	v7 =	vmul.f32 v9, v1  }
0x3e6: {  	s8 =	sadd.s32 $0x20, s8;
	v14 =	vmul.f32 v9, v2;
	v11 =	vmul.f32 v11, v42  }
0x3e7: {  	p2 =	slt.u32 s8, $0xE0;
	v13 =	vmul.f32 v13, v39;
	v15 =	vmul.f32 v7, v50  }
.Ltmp6:
0x3e8: {  	v8 =	vadd.f32 v8, v10;
	v7 =	vmul.f32 v14, v21;
	v14 =	vmul.f32 v9, v56;
	(pc) =	sbr.rel @p2 .LBB2_15-.Ltmp6, $4  }
0x3e9: {  	v63 =	vmul.f32 v58, v2;
	v9 =	vadd.f32 v11, v13;
	v13 =	vmul.f32 v58, v1  }
0x3ea: {  	v10 =	vadd.f32 v8, v7;
	v7 =	vmul.f32 v14, v41;
	v14 =	vmul.f32 v58, v3  }
0x3eb: {  	v57 =	vld [tilespmem:s11+$0x0];
	v8 =	vmul.f32 v61, v38;
	v13 =	vmul.f32 v13, v45  }
0x3ec: {  	s9 =	sadd.s32 $0x1, s9;
	s2 =	smov.u32 s4;
	v34 =	vld [tilespmem:$0x1FDF0];
	v11 =	vadd.f32 v12, v15;
	v12 =	vmul.f32 v63, v55;
	v14 =	vmul.f32 v14, v43  }
0x3ed: {  	v16 =	vmul.f32 v6, v0;
	v17 =	vmul.f32 v6, v1  }
0x3ee: {  	v18 =	vmul.f32 v6, v2;
	v19 =	vmul.f32 v6, v3  }
0x3ef: {  	v20 =	vmul.f32 v6, v5;
	v6 =	vmul.f32 v6, v56  }
0x3f0: {  	v36 =	vld [tilespmem:$0x1FD30];
	v48 =	vmul.f32 v4, v0;
	v7 =	vadd.f32 v7, v8;
	v8 =	vmul.f32 v4, v56  }
0x3f1: {  	v38 =	vld [tilespmem:$0x1FD80];
	v6 =	vmul.f32 v6, v46  }
0x3f2: {  	v0 =	vmul.f32 v48, v47;
	v8 =	vmul.f32 v8, v35  }
0x3f3: {  	v15 =	vmul.f32 v58, v56;
	v44 =	vld [tilespmem:$0x1FDD0];
	v52 =	vmul.f32 v4, v1;
	s0 =	rddreg [dreg:$0xa]  }
0x3f4: {  	v37 =	vld [tilespmem:$0x1FE30];
	v58 =	vmul.f32 v4, v2;
	v3 =	vmul.f32 v4, v3;
	v0 =	vadd.f32 v6, v0;
	[tilespmem:s0+$0x0] =	vst v8  }
0x3f5: {  	v9 =	vadd.f32 v9, v13;
	v5 =	vmul.f32 v4, v5;
	v17 =	vmul.f32 v17, v49;
	s0 =	rddreg [dreg:$0x9]  }
0x3f6: {  	v10 =	vadd.f32 v10, v14;
	v15 =	vmul.f32 v15, v36;
	v16 =	vmul.f32 v16, v38;
	[tilespmem:s0+$0x0] =	vst v0  }
0x3f7: {  	v11 =	vadd.f32 v11, v12;
	v19 =	vmul.f32 v19, v62;
	v1 =	vmul.f32 v52, v53;
	v26 =	vld [tilespmem:$0x1FDE0]  }
0x3f8: {  	v2 =	vmul.f32 v58, v54;
	v18 =	vmul.f32 v18, v44;
	v12 =	vadd.f32 v15, v16  }
0x3f9: {  	v4 =	vmul.f32 v4, v57;
	v7 =	vadd.f32 v7, v17;
	v3 =	vmul.f32 v3, v34  }
0x3fa: {  	v13 =	vmul.f32 v20, v37;
	v9 =	vadd.f32 v9, v18;
	v1 =	vadd.f32 v12, v1  }
0x3fb: {  	v5 =	vmul.f32 v5, v33;
	v6 =	vadd.f32 v11, v19;
	v2 =	vadd.f32 v7, v2  }
0x3fc: {  	v59 =	vadd.f32 v10, v13;
	v3 =	vadd.f32 v9, v3;
	[tilespmem:s26+$0x0] =	vst v1;
	v4 =	vmul.f32 v4, v26  }
0x3fd: {  	v60 =	vadd.f32 v6, v5;
	[tilespmem:s22+$0x0] =	vst v2  }
0x3fe: {  	[tilespmem:s3+$0x0] =	vst v3;
	v0 =	vadd.f32 v59, v4  }
0x3ff: {  	[tilespmem:s5+$0x0] =	vst v60  }
0x400: {  	s20 =	simm.s32 $0x0;
	[tilespmem:s2+$0x0] =	vst v0  }
0x401: {  	s8 =	sor.u32 $0x3380, s20;
	s14 =	rddreg [dreg:$0x5]  }
0x402: {  	s4 =	sor.u32 $0x380, s20;
	s17 =	rddreg [dreg:$0x6];
	s22 =	sadd.s32 s8, s14  }
0x403: {  	s6 =	sor.u32 $0x2B80, s20;
	s23 =	sadd.s32 s4, s17;
	v0 =	vld [tilespmem:s22+$0x0]  }
0x404: {  	s15 =	sor.u32 $0x1380, s20;
	s1 =	sadd.s32 s6, s14;
	v1 =	vld [tilespmem:s23+$0x0]  }
0x405: {  	s10 =	sor.u32 $0xB80, s20;
	s30 =	sadd.s32 s15, s14;
	v2 =	vld [tilespmem:s1+$0x0]  }
0x406: {  	s9 =	sor.u32 $0x1B80, s20;
	s24 =	sadd.s32 s10, s17;
	v7 =	vld [tilespmem:s30+$0x0]  }
0x407: {  	s25 =	sadd.s32 s9, s14;
	v3 =	vld [tilespmem:s24+$0x0]  }
0x408: {  	s12 =	sor.u32 $0x2380, s20;
	s26 =	sadd.s32 s4, s14;
	v4 =	vld [tilespmem:s25+$0x0]  }
0x409: {  	s31 =	sadd.s32 s12, s14;
	v5 =	vld [tilespmem:s26+$0x0]  }
0x40a: {  	s28 =	sadd.s32 s10, s14;
	v8 =	vld [tilespmem:s31+$0x0]  }
0x40b: {  	s2 =	sadd.s32 s9, s17;
	v6 =	vld [tilespmem:s28+$0x0];
	v10 =	vmul.f32 v1, v7  }
0x40c: {  	s1 =	sadd.s32 s15, s17;
	v13 =	vld [tilespmem:s2+$0x0]  }
0x40d: {  	v9 =	vld [tilespmem:s1+$0x0];
	[tilespmem:$0x1FC00] =	vst v10;
	v10 =	vmul.f32 v1, v4;
	_ =	sdelay $0x1  }
0x40e: {  	[tilespmem:$0x1FC20] =	vst v10;
	v10 =	vmul.f32 v1, v8  }
0x40f: {  	v0 =	vmul.f32 v1, v0  }
0x410: {  	v52 =	vmul.f32 v1, v5;
	[tilespmem:$0x1FC40] =	vst v10;
	v10 =	vmul.f32 v3, v7  }
0x411: {  	v39 =	vld [tilespmem:$0x1FD90];
	s3 =	sadd.s32 s12, s17;
	v11 =	vmul.f32 v3, v5;
	v12 =	vmul.f32 v1, v6;
	[tilespmem:$0x1FC60] =	vst v0  }
0x412: {  	v48 =	vmul.f32 v1, v2;
	v0 =	vld [tilespmem:s3+$0x0];
	[tilespmem:$0x1FC10] =	vst v10;
	v10 =	vmul.f32 v3, v4  }
0x413: {  	v2 =	vmul.f32 v3, v2;
	v1 =	vmul.f32 v3, v6  }
0x414: {  	[tilespmem:$0x1FC70] =	vst v10;
	v10 =	vmul.f32 v3, v8;
	v3 =	vmul.f32 v9, v6  }
0x415: {  	v61 =	vld [tilespmem:$0x1FD50]  }
0x416: {  	s13 =	sld [smem:$0x7EA];
	s5 =	sadd.s32 s6, s17;
	[tilespmem:$0x1FC80] =	vst v10;
	v10 =	vmul.f32 v9, v7;
	v60 =	vmul.f32 v3, v39;
	v3 =	vld [tilespmem:$0x1FDB0]  }
0x417: {  	s7 =	sadd.s32 s8, s17;
	v8 =	vmul.f32 v9, v8;
	v15 =	vld [tilespmem:s5+$0x0];
	[tilespmem:$0x1FC90] =	vst v2  }
0x418: {  	v2 =	vld [tilespmem:s7+$0x0];
	[tilespmem:$0x1FC30] =	vst v10;
	v10 =	vmul.f32 v9, v4  }
0x419: {  	v63 =	vld [tilespmem:$0x1FDA0];
	v14 =	vmul.f32 v9, v5;
	s3 =	sor.u32 $0x3390, s13;
	[tilespmem:$0x1FCB0] =	vst v8  }
0x41a: {  	v34 =	vld [tilespmem:$0x1FD60];
	s11 =	sadd.s32 s3, s14;
	v32 =	vmul.f32 v0, v6;
	v9 =	vmul.f32 v13, v7;
	[tilespmem:$0x1FCA0] =	vst v10  }
0x41b: {  	v40 =	vmov v62;
	v4 =	vmul.f32 v13, v4;
	v62 =	vld [tilespmem:s11+$0x0]  }
0x41c: {  	s2 =	sor.u32 $0x390, s13;
	[tilespmem:$0x1FC50] =	vst v9;
	v19 =	vmul.f32 v32, v3;
	v3 =	vld [tilespmem:$0x1FD70]  }
0x41d: {  	s0 =	sor.u32 $0x2B90, s13;
	s16 =	sadd.s32 s2, s17;
	[tilespmem:$0x1FCC0] =	vst v4;
	v32 =	vld [tilespmem:$0x1FDC0]  }
0x41e: {  	s1 =	sor.u32 $0x1B90, s13;
	s18 =	sadd.s32 s0, s14;
	v4 =	vld [tilespmem:s16+$0x0]  }
0x41f: {  	v41 =	vmov v33;
	v17 =	vmul.f32 v13, v6;
	v24 =	vmul.f32 v0, v7;
	s11 =	sadd.s32 s1, s14;
	v33 =	vld [tilespmem:s18+$0x0]  }
0x420: {  	s21 =	sadd.s32 s2, s14;
	v8 =	vmul.f32 v0, v5;
	v7 =	vmul.f32 v11, v46;
	v11 =	vld [tilespmem:s11+$0x0]  }
0x421: {  	s7 =	sor.u32 $0xB90, s13;
	v31 =	vmul.f32 v15, v5;
	v0 =	vmul.f32 v15, v6;
	v15 =	vld [tilespmem:s21+$0x0]  }
0x422: {  	v16 =	vmul.f32 v13, v5;
	s22 =	sadd.s32 s7, s14;
	v6 =	vld [tilespmem:$0x1FD40]  }
0x423: {  	s26 =	sadd.s32 s1, s17;
	v58 =	vmul.f32 v12, v47;
	v63 =	vmul.f32 v17, v63;
	v59 =	vld [tilespmem:s22+$0x0]  }
0x424: {  	v14 =	vmul.f32 v14, v36;
	s19 =	sadd.s32 s7, s17;
	s16 =	sor.u32 $0x1390, s13;
	v20 =	vld [tilespmem:s26+$0x0];
	v2 =	vmul.f32 v2, v5  }
0x425: {  	v56 =	vmul.f32 v1, v38;
	v10 =	vmul.f32 v8, v61;
	s11 =	sor.u32 $0x2390, s13;
	v5 =	vld [tilespmem:s19+$0x0];
	s23 =	sadd.s32 s16, s14  }
0x426: {  	s24 =	sadd.s32 s11, s14;
	v61 =	vld [tilespmem:s23+$0x0];
	v1 =	vmul.f32 v31, v34;
	v12 =	vmul.f32 v2, v3  }
0x427: {  	s25 =	sadd.s32 s16, s17;
	v9 =	vmul.f32 v0, v32;
	v57 =	vmul.f32 v16, v6;
	v16 =	vld [tilespmem:s24+$0x0]  }
0x428: {  	v42 =	vmov v21;
	v17 =	vld [tilespmem:s25+$0x0];
	v21 =	vmul.f32 v4, v15;
	v18 =	vmul.f32 v4, v59  }
0x429: {  	v32 =	vmul.f32 v4, v11;
	v34 =	vmul.f32 v4, v33  }
0x42a: {  	v23 =	vmul.f32 v20, v15;
	v13 =	vmul.f32 v5, v15  }
0x42b: {  	v25 =	vmul.f32 v5, v59;
	[tilespmem:$0x1FBC0] =	vst v34;
	v34 =	vmul.f32 v4, v62  }
0x42c: {  	v3 =	vld [tilespmem:$0x1FC30];
	v33 =	vmul.f32 v5, v33;
	v62 =	vmul.f32 v5, v16  }
0x42d: {  	s28 =	sadd.s32 s11, s17;
	v28 =	vmul.f32 v4, v61;
	v22 =	vmul.f32 v17, v15;
	[tilespmem:$0x1FBD0] =	vst v34  }
0x42e: {  	s30 =	sadd.s32 s0, s17;
	v27 =	vmul.f32 v5, v61;
	v31 =	vmul.f32 v4, v16;
	v4 =	vld [tilespmem:s28+$0x0];
	[tilespmem:$0x1FBE0] =	vst v62  }
0x42f: {  	s31 =	sadd.s32 s3, s17;
	v2 =	vmul.f32 v17, v59;
	v29 =	vmul.f32 v17, v61;
	v8 =	vld [tilespmem:s30+$0x0];
	[tilespmem:$0x1FBF0] =	vst v33  }
0x430: {  	v58 =	vadd.f32 v7, v58;
	v7 =	vmul.f32 v20, v61;
	v34 =	vmul.f32 v5, v11;
	v33 =	vld [tilespmem:s31+$0x0]  }
0x431: {  	v57 =	vadd.f32 v57, v60;
	v60 =	vmul.f32 v3, v45;
	v5 =	vmul.f32 v17, v11  }
0x432: {  	v30 =	vmul.f32 v17, v16;
	v17 =	vmul.f32 v20, v59  }
0x433: {  	v56 =	vadd.f32 v14, v56;
	v62 =	vmul.f32 v20, v11;
	v16 =	vmul.f32 v4, v15  }
0x434: {  	v10 =	vadd.f32 v10, v63;
	v3 =	vld [tilespmem:$0x1FDF0];
	v14 =	vmul.f32 v8, v15;
	v63 =	vmul.f32 v8, v59  }
0x435: {  	v20 =	vmul.f32 v33, v15;
	v15 =	vmul.f32 v4, v59;
	v59 =	vld [tilespmem:$0x1FC20]  }
0x436: {  	v11 =	vmul.f32 v4, v61;
	v4 =	vld [tilespmem:$0x1FC40];
	_ =	sdelay $0x3  }
0x437: {  	v61 =	vld [tilespmem:$0x1FC00]  }
0x438: {  	v0 =	vadd.f32 v1, v19;
	v1 =	vmul.f32 v59, v54;
	v59 =	vmul.f32 v4, v3;
	v3 =	vld [tilespmem:$0x1FC50];
	_ =	sdelay $0x3  }
0x439: {  	v33 =	vld [tilespmem:$0x1FC10]  }
0x43a: {  	v8 =	vmul.f32 v61, v53;
	v61 =	vmul.f32 v3, v50;
	v3 =	vld [tilespmem:$0x1FC60];
	_ =	sdelay $0x4  }
0x43b: {  	v9 =	vadd.f32 v12, v9;
	v12 =	vmul.f32 v33, v49;
	v33 =	vmul.f32 v3, v26;
	v3 =	vld [tilespmem:$0x1FC70];
	_ =	sdelay $0x3  }
0x43c: {  	v4 =	vld [tilespmem:$0x1FC80]  }
0x43d: {  	v10 =	vadd.f32 v10, v60;
	v3 =	vmul.f32 v3, v44  }
0x43e: {  	v60 =	vld [tilespmem:$0x1FCA0]  }
0x43f: {  	v10 =	vadd.f32 v10, v3;
	v3 =	vld [tilespmem:$0x1FCC0]  }
0x440: {  	v52 =	vmul.f32 v52, v35  }
0x441: {  	v24 =	vmul.f32 v24, v51;
	v19 =	vmul.f32 v4, v40;
	v4 =	vld [tilespmem:$0x1FC90]  }
0x442: {  	v23 =	vmul.f32 v23, v6;
	v25 =	vmul.f32 v25, v38;
	v0 =	vadd.f32 v0, v61;
	v61 =	vld [tilespmem:$0x1FCB0]  }
0x443: {  	v9 =	vadd.f32 v9, v24;
	v22 =	vmul.f32 v22, v36;
	v24 =	vmul.f32 v60, v55  }
0x444: {  	v60 =	vmul.f32 v32, v54;
	v3 =	vmul.f32 v3, v42  }
0x445: {  	v12 =	vadd.f32 v57, v12;
	v57 =	vmul.f32 v48, v41;
	v0 =	vadd.f32 v0, v24  }
0x446: {  	v24 =	vmul.f32 v18, v47;
	v26 =	vmul.f32 v4, v37;
	v9 =	vadd.f32 v9, v3;
	v3 =	vld [tilespmem:$0x1FDF0]  }
0x447: {  	v12 =	vadd.f32 v12, v1;
	v1 =	vmul.f32 v61, v43;
	v61 =	vmul.f32 v21, v35  }
0x448: {  	v8 =	vadd.f32 v56, v8;
	v21 =	vmul.f32 v13, v46;
	v13 =	vmul.f32 v28, v53  }
0x449: {  	v28 =	vadd.f32 v0, v19;
	v19 =	vmul.f32 v29, v45;
	v1 =	vadd.f32 v9, v1  }
0x44a: {  	v18 =	vadd.f32 v10, v59;
	v10 =	vmul.f32 v27, v49;
	v9 =	vmul.f32 v34, v44  }
0x44b: {  	s29 =	simm.s32 $0x0;
	s26 =	simm.s32 $0x120;
	s17 =	simm.s32 $0x0;
	v34 =	vld [tilespmem:$0x1FDF0];
	v27 =	vadd.f32 v1, v26;
	v26 =	vmul.f32 v2, v39;
	v59 =	vmul.f32 v31, v3  }
.LBB2_17:
0x44c: {  	v36 =	vld [tilespmem:$0x1FD50]  }
0x44d: {  	v37 =	vld [tilespmem:$0x1FDA0]  }
0x44e: {  	v40 =	vld [tilespmem:$0x1FD70]  }
0x44f: {  	v44 =	vld [tilespmem:$0x1FDC0]  }
0x450: {  	v38 =	vld [tilespmem:$0x1FD60]  }
0x451: {  	v32 =	vld [tilespmem:$0x1FDB0]  }
0x452: {  	v48 =	vld [tilespmem:$0x1FE20]  }
0x453: {  	v42 =	vld [tilespmem:$0x1FE40]  }
0x454: {  	s21 =	rddreg [dreg:$0x5];
	v0 =	vld [tilespmem:$0x1FBE0]  }
0x455: {  	s22 =	rddreg [dreg:$0xb];
	v41 =	vld [tilespmem:$0x1FE30]  }
0x456: {  	s5 =	sor.u32 $0x3380, s26;
	s23 =	rddreg [dreg:$0x6];
	v39 =	vld [tilespmem:$0x1FE10]  }
0x457: {  	v28 =	vadd.f32 v28, v57;
	s13 =	sadd.s32 s5, s21;
	s14 =	sadd.s32 s4, s22;
	s4 =	sor.u32 $0x380, s26;
	v57 =	vld [tilespmem:$0x1FBF0]  }
0x458: {  	s18 =	sor.u32 $0x2B80, s26;
	v11 =	vmul.f32 v11, v51;
	v27 =	vadd.f32 v27, v33;
	s28 =	sadd.s32 s10, s22;
	v31 =	vld [tilespmem:s13+$0x0];
	s25 =	sadd.s32 s4, s23;
	[tilespmem:s14+$0x0] =	vst v52  }
0x459: {  	v7 =	vmul.f32 v7, v50;
	v4 =	vadd.f32 v21, v24;
	s19 =	sadd.s32 s18, s21;
	s30 =	sadd.s32 s15, s22;
	v22 =	vadd.f32 v22, v25;
	v21 =	vld [tilespmem:s25+$0x0];
	[tilespmem:s28+$0x0] =	vst v58  }
0x45a: {  	v24 =	vld [tilespmem:s19+$0x0];
	[tilespmem:s30+$0x0] =	vst v8;
	v8 =	vadd.f32 v23, v26;
	v20 =	vmul.f32 v20, v40;
	v29 =	vmul.f32 v63, v44  }
0x45b: {  	s10 =	sor.u32 $0xB80, s26;
	s2 =	sadd.s32 s2, s22;
	v33 =	vld [tilespmem:$0x1FDE0];
	v13 =	vadd.f32 v22, v13;
	v14 =	vmul.f32 v14, v38;
	v15 =	vmul.f32 v15, v32  }
0x45c: {  	s7 =	sadd.s32 s7, s22;
	s31 =	sadd.s32 s10, s23;
	[tilespmem:s2+$0x0] =	vst v61;
	v58 =	vld [tilespmem:$0x1FBC0];
	v16 =	vmul.f32 v16, v36;
	v17 =	vmul.f32 v17, v37;
	v8 =	vadd.f32 v8, v10  }
0x45d: {  	v6 =	vmul.f32 v5, v55;
	s15 =	sadd.s32 s9, s22;
	s9 =	sor.u32 $0x1B80, s26;
	[tilespmem:s7+$0x0] =	vst v4;
	v20 =	vadd.f32 v20, v29;
	v14 =	vadd.f32 v14, v15;
	v15 =	vld [tilespmem:s31+$0x0]  }
0x45e: {  	s16 =	sadd.s32 s16, s22;
	s19 =	sadd.s32 s9, s21;
	v5 =	vmul.f32 v30, v43;
	[tilespmem:s15+$0x0] =	vst v12;
	v12 =	vadd.f32 v16, v17;
	v4 =	vadd.f32 v8, v60;
	v60 =	vld [tilespmem:$0x1FBD0]  }
0x45f: {  	s12 =	sadd.s32 s12, s22;
	[tilespmem:s16+$0x0] =	vst v13;
	v16 =	vmul.f32 v62, v48;
	v17 =	vld [tilespmem:s19+$0x0];
	v11 =	vadd.f32 v20, v11;
	v7 =	vadd.f32 v14, v7  }
0x460: {  	s24 =	sadd.s32 s4, s21;
	s25 =	sadd.s32 s6, s22;
	v3 =	vmul.f32 v0, v42;
	v2 =	vmul.f32 v57, v41;
	[tilespmem:s12+$0x0] =	vst v18;
	v12 =	vadd.f32 v12, v19  }
0x461: {  	s8 =	sadd.s32 s8, s22;
	s28 =	sadd.s32 s10, s21;
	s15 =	sor.u32 $0x1380, s26;
	v1 =	vmul.f32 v58, v39;
	v14 =	vld [tilespmem:s24+$0x0];
	[tilespmem:s25+$0x0] =	vst v28;
	v11 =	vadd.f32 v11, v16;
	v6 =	vadd.f32 v7, v6  }
0x462: {  	s30 =	sadd.s32 s15, s21;
	s12 =	sor.u32 $0x2380, s26;
	v13 =	vmul.f32 v21, v31;
	v16 =	vld [tilespmem:s28+$0x0];
	[tilespmem:s8+$0x0] =	vst v27;
	v9 =	vadd.f32 v12, v9;
	v12 =	vmul.f32 v21, v24  }
0x463: {  	s31 =	sadd.s32 s12, s21;
	v7 =	vld [tilespmem:s30+$0x0];
	v5 =	vadd.f32 v11, v5;
	v3 =	vadd.f32 v6, v3;
	v0 =	vmul.f32 v60, v33  }
0x464: {  	s19 =	sadd.s32 s9, s23;
	v10 =	vld [tilespmem:s31+$0x0];
	v8 =	vadd.f32 v9, v59;
	v11 =	vmul.f32 v21, v17;
	v20 =	vmul.f32 v15, v17  }
0x465: {  	v61 =	vld [tilespmem:s19+$0x0];
	v57 =	vmul.f32 v12, v39;
	v33 =	vmul.f32 v13, v33;
	v2 =	vadd.f32 v5, v2  }
0x466: {  	s1 =	sadd.s32 s1, s22;
	v5 =	vmul.f32 v21, v14;
	v1 =	vadd.f32 v3, v1;
	v3 =	vmul.f32 v15, v14  }
0x467: {  	s6 =	smov.u32 s18;
	s18 =	sadd.s32 s11, s22;
	s24 =	sadd.s32 s12, s23;
	[tilespmem:s1+$0x0] =	vst v4;
	v11 =	vmul.f32 v11, v54;
	v9 =	vmul.f32 v21, v16  }
0x468: {  	s25 =	sadd.s32 s6, s23;
	v4 =	vld [tilespmem:s24+$0x0];
	[tilespmem:s18+$0x0] =	vst v8;
	v18 =	vmul.f32 v15, v16;
	v8 =	vmul.f32 v21, v7  }
0x469: {  	s14 =	sadd.s32 s15, s23;
	v22 =	vld [tilespmem:s25+$0x0];
	v62 =	vmul.f32 v21, v10;
	v19 =	vmul.f32 v15, v7  }
0x46a: {  	v6 =	vld [tilespmem:s14+$0x0];
	v21 =	vmul.f32 v15, v10;
	v23 =	vmul.f32 v61, v14  }
0x46b: {  	v15 =	vmul.f32 v15, v24;
	v28 =	vmul.f32 v61, v16  }
0x46c: {  	v0 =	vadd.f32 v2, v0;
	v29 =	vmul.f32 v61, v7;
	v2 =	vmul.f32 v61, v17  }
0x46d: {  	v30 =	vmul.f32 v4, v16;
	v52 =	vmul.f32 v5, v35  }
0x46e: {  	v56 =	vld [tilespmem:$0x1FDD0];
	v5 =	vmul.f32 v22, v16;
	v3 =	vmul.f32 v3, v46  }
0x46f: {  	s20 =	sadd.s32 $0x1, s20;
	v63 =	vmul.f32 v6, v14;
	v25 =	vmul.f32 v6, v16  }
0x470: {  	s0 =	sadd.s32 s0, s22;
	s8 =	smov.u32 s5;
	s30 =	sand.u32 $0x3, s20;
	v26 =	vmul.f32 v6, v7;
	v27 =	vmul.f32 v6, v17  }
0x471: {  	s29 =	sadd.s32 $0x100, s29;
	s28 =	sadd.s32 s8, s23;
	v39 =	vld [tilespmem:$0x1FD80];
	[tilespmem:s0+$0x0] =	vst v1;
	s0 =	sshll.u32 s30, $0x5;
	v6 =	vmul.f32 v6, v10;
	v10 =	vmul.f32 v4, v14  }
0x472: {  	v24 =	vld [tilespmem:s28+$0x0];
	v17 =	vmul.f32 v22, v14;
	v7 =	vmul.f32 v4, v7;
	s31 =	sadd.s32 s0, s29  }
0x473: {  	s22 =	sadd.s32 s3, s22;
	v16 =	vmul.f32 v9, v47;
	v4 =	vld [tilespmem:$0x1FD30];
	v9 =	vmul.f32 v20, v56;
	s3 =	sor.u32 $0x3390, s31  }
0x474: {  	[tilespmem:s22+$0x0] =	vst v0;
	v1 =	vmul.f32 v62, v34;
	s2 =	sor.u32 $0x390, s31;
	v15 =	vmul.f32 v15, v41;
	v41 =	vld [tilespmem:$0x1FD90];
	s7 =	sadd.s32 s3, s21  }
0x475: {  	v8 =	vmul.f32 v8, v53;
	v13 =	vmul.f32 v19, v49;
	s11 =	sadd.s32 s2, s23;
	v12 =	vld [tilespmem:s7+$0x0]  }
0x476: {  	s0 =	sor.u32 $0x2B90, s31;
	v29 =	vmul.f32 v29, v50;
	s18 =	sadd.s32 s2, s21;
	[tilespmem:$0x1FB80] =	vst v1;
	v1 =	vmul.f32 v18, v39;
	v18 =	vld [tilespmem:s11+$0x0]  }
0x477: {  	s13 =	sadd.s32 s0, s21;
	[tilespmem:$0x1FB70] =	vst v9;
	v9 =	vmul.f32 v21, v42;
	v19 =	vmul.f32 v27, v55;
	v27 =	vld [tilespmem:s18+$0x0]  }
0x478: {  	s1 =	sor.u32 $0x1B90, s31;
	v5 =	vmul.f32 v5, v44;
	v6 =	vmul.f32 v6, v43;
	v20 =	vld [tilespmem:s13+$0x0]  }
0x479: {  	v59 =	vmul.f32 v7, v51;
	s25 =	sadd.s32 s1, s23;
	v14 =	vmul.f32 v24, v14;
	[tilespmem:$0x1FBA0] =	vst v9;
	v9 =	vld [tilespmem:$0x1FD40]  }
0x47a: {  	s16 =	sadd.s32 s1, s21;
	s7 =	sor.u32 $0xB90, s31;
	v61 =	vld [tilespmem:s25+$0x0];
	[tilespmem:$0x1FB90] =	vst v6;
	v6 =	vmul.f32 v10, v36;
	v10 =	vmul.f32 v28, v37  }
0x47b: {  	s14 =	sadd.s32 s7, s23;
	v24 =	vld [tilespmem:s16+$0x0];
	v0 =	vmul.f32 v63, v4;
	v22 =	vmul.f32 v25, v41  }
0x47c: {  	[tilespmem:$0x1FBB0] =	vst v15;
	s19 =	sadd.s32 s7, s21;
	s16 =	sor.u32 $0x1390, s31;
	v15 =	vld [tilespmem:s14+$0x0];
	v14 =	vmul.f32 v14, v40;
	v60 =	vmul.f32 v18, v27  }
0x47d: {  	v28 =	vld [tilespmem:s19+$0x0];
	s22 =	sadd.s32 s16, s21;
	v42 =	vmul.f32 v18, v20;
	v43 =	vmul.f32 v18, v12  }
0x47e: {  	s11 =	sor.u32 $0x2390, s31;
	s24 =	sadd.s32 s16, s23;
	v34 =	vld [tilespmem:s22+$0x0];
	v21 =	vmul.f32 v23, v9;
	v23 =	vmul.f32 v26, v45  }
0x47f: {  	s5 =	sadd.s32 s11, s21;
	v7 =	vld [tilespmem:s24+$0x0];
	v26 =	vmul.f32 v2, v48;
	v2 =	vmul.f32 v17, v38  }
0x480: {  	v17 =	vmul.f32 v30, v32;
	v30 =	vld [tilespmem:s5+$0x0];
	v38 =	vmul.f32 v18, v24  }
0x481: {  	v62 =	vmul.f32 v61, v24;
	v31 =	vmul.f32 v15, v27  }
0x482: {  	v36 =	vmul.f32 v18, v28;
	[tilespmem:$0x1FBC0] =	vst v42;
	v40 =	vmul.f32 v15, v28  }
0x483: {  	v58 =	vadd.f32 v3, v16;
	[tilespmem:$0x1FBD0] =	vst v43;
	v42 =	vmul.f32 v15, v24;
	v43 =	vmul.f32 v61, v27  }
0x484: {  	s28 =	sadd.s32 s11, s23;
	v25 =	vmovc v54;
	v37 =	vmul.f32 v18, v34;
	v21 =	vadd.f32 v21, v22;
	v22 =	vmul.f32 v7, v27  }
0x485: {  	s30 =	sadd.s32 s0, s23;
	v54 =	vmovc v39;
	v10 =	vadd.f32 v6, v10;
	v3 =	vmul.f32 v7, v34;
	v39 =	vmul.f32 v18, v30;
	v18 =	vld [tilespmem:s28+$0x0]  }
0x486: {  	v63 =	vld [tilespmem:s30+$0x0];
	v14 =	vadd.f32 v14, v5;
	v5 =	vmul.f32 v7, v24;
	v44 =	vmul.f32 v15, v30  }
0x487: {  	v6 =	vmovc v56;
	v12 =	vadd.f32 v2, v17;
	v17 =	vmul.f32 v61, v28;
	v30 =	vmul.f32 v7, v30  }
0x488: {  	s31 =	sadd.s32 s3, s23;
	v13 =	vadd.f32 v21, v13;
	[tilespmem:$0x1FBE0] =	vst v44;
	v44 =	vmul.f32 v7, v28;
	v7 =	vmul.f32 v61, v34;
	v61 =	vld [tilespmem:$0x1FB70]  }
0x489: {  	v56 =	vmovc v55;
	v55 =	vmovc v41;
	v32 =	vmov v49;
	v49 =	vmul.f32 v15, v20;
	v20 =	vld [tilespmem:s31+$0x0];
	v41 =	vmul.f32 v15, v34  }
0x48a: {  	v21 =	vadd.f32 v12, v29;
	v12 =	vadd.f32 v13, v11;
	v11 =	vmul.f32 v18, v34;
	v34 =	vld [tilespmem:$0x1FDF0]  }
0x48b: {  	v48 =	vmovc v4;
	v10 =	vadd.f32 v10, v23;
	v23 =	vadd.f32 v14, v59;
	v14 =	vmul.f32 v63, v27  }
0x48c: {  	v16 =	vadd.f32 v0, v1;
	v63 =	vmul.f32 v63, v28;
	v22 =	vmul.f32 v22, v48;
	v48 =	vld [tilespmem:$0x1FBA0]  }
0x48d: {  	v10 =	vadd.f32 v10, v61;
	v61 =	vmul.f32 v60, v35;
	v60 =	vmul.f32 v38, v25;
	v38 =	vld [tilespmem:$0x1FB90]  }
0x48e: {  	s17 =	sadd.s32 $0x20, s17;
	v8 =	vadd.f32 v16, v8;
	v4 =	vld [tilespmem:$0x1FB80];
	v24 =	vmul.f32 v36, v47;
	v20 =	vmul.f32 v20, v27  }
0x48f: {  	p2 =	slt.u32 s17, $0xE0;
	v19 =	vadd.f32 v21, v19;
	v59 =	vmul.f32 v39, v34;
	v39 =	vmovc v55;
	v55 =	vmov v56;
	v56 =	vld [tilespmem:$0x1FBB0]  }
.Ltmp7:
0x490: {  	v23 =	vadd.f32 v23, v26;
	v21 =	vmul.f32 v31, v46;
	v13 =	vmul.f32 v37, v53;
	(pc) =	sbr.rel @p2 .LBB2_17-.Ltmp7, $4  }
0x491: {  	v36 =	vmovc v54;
	v16 =	vmul.f32 v18, v27;
	v15 =	vmul.f32 v18, v28;
	v28 =	vadd.f32 v19, v48  }
0x492: {  	v54 =	vmovc v25;
	v19 =	vmul.f32 v3, v45;
	v25 =	vmul.f32 v40, v36;
	v26 =	vadd.f32 v23, v38  }
0x493: {  	[tilespmem:$0x1FBF0] =	vst v49;
	v18 =	vadd.f32 v10, v4;
	v10 =	vmul.f32 v41, v32;
	v23 =	vmul.f32 v43, v9  }
0x494: {  	s26 =	sadd.s32 $0x120, s26;
	v49 =	vmovc v32;
	v43 =	vld [tilespmem:$0x1FE00];
	v9 =	vmul.f32 v42, v6;
	v27 =	vadd.f32 v26, v56;
	v26 =	vmul.f32 v44, v39  }
0x495: {  	v0 =	vld [tilespmem:$0x1FD50];
	_ =	sdelay $0x4  }
0x496: {  	v16 =	vmul.f32 v16, v0;
	v0 =	vld [tilespmem:$0x1FDA0];
	_ =	sdelay $0x4  }
0x497: {  	v17 =	vmul.f32 v17, v0;
	v0 =	vld [tilespmem:$0x1FD70];
	_ =	sdelay $0x4  }
0x498: {  	v20 =	vmul.f32 v20, v0;
	v0 =	vld [tilespmem:$0x1FDC0];
	_ =	sdelay $0x1  }
0x499: {  	s5 =	rddreg [dreg:$0xb]  }
0x49a: {  	s4 =	sadd.s32 s4, s5  }
0x49b: {  	[tilespmem:s4+$0x0] =	vst v52  }
0x49c: {  	v29 =	vmul.f32 v63, v0;
	v0 =	vld [tilespmem:$0x1FD60];
	_ =	sdelay $0x3  }
0x49d: {  	s14 =	sadd.s32 s10, s5  }
0x49e: {  	s15 =	sadd.s32 s15, s5;
	v14 =	vmul.f32 v14, v0;
	v0 =	vld [tilespmem:$0x1FDB0];
	[tilespmem:s14+$0x0] =	vst v58  }
0x49f: {  	s17 =	sadd.s32 s9, s5;
	[tilespmem:s15+$0x0] =	vst v8  }
0x4a0: {  	v28 =	vadd.f32 v28, v57;
	s18 =	sadd.s32 s12, s5;
	[tilespmem:s17+$0x0] =	vst v12  }
0x4a1: {  	v27 =	vadd.f32 v27, v33;
	s19 =	sadd.s32 s6, s5;
	v56 =	vld [tilespmem:$0x1FE20];
	[tilespmem:s18+$0x0] =	vst v18  }
0x4a2: {  	s20 =	sadd.s32 s8, s5;
	[tilespmem:s19+$0x0] =	vst v28  }
0x4a3: {  	[tilespmem:s20+$0x0] =	vst v27  }
0x4a4: {  	v58 =	vld [tilespmem:$0x1FE40]  }
0x4a5: {  	v15 =	vmul.f32 v15, v0;
	v0 =	vld [tilespmem:$0x1FBE0];
	_ =	sdelay $0x1  }
0x4a6: {  	s2 =	sadd.s32 s2, s5  }
0x4a7: {  	[tilespmem:s2+$0x0] =	vst v61  }
0x4a8: {  	v57 =	vmul.f32 v62, v56;
	v62 =	vld [tilespmem:$0x1FE30]  }
0x4a9: {  	v3 =	vmul.f32 v0, v58;
	v0 =	vld [tilespmem:$0x1FBF0]  }
0x4aa: {  	v4 =	vadd.f32 v21, v24;
	v11 =	vmul.f32 v11, v51;
	v20 =	vadd.f32 v20, v29  }
0x4ab: {  	s21 =	sadd.s32 s7, s5  }
0x4ac: {  	v11 =	vadd.f32 v20, v11;
	[tilespmem:s21+$0x0] =	vst v4  }
0x4ad: {  	v44 =	vadd.f32 v22, v25;
	v6 =	vmul.f32 v5, v55;
	v32 =	vld [tilespmem:$0x1FE10]  }
0x4ae: {  	v5 =	vmul.f32 v30, v43;
	v11 =	vadd.f32 v11, v57;
	v2 =	vmul.f32 v0, v62;
	v0 =	vld [tilespmem:$0x1FBC0]  }
0x4af: {  	v13 =	vadd.f32 v44, v13  }
0x4b0: {  	s22 =	sadd.s32 s16, s5;
	v5 =	vadd.f32 v11, v5  }
0x4b1: {  	v7 =	vmul.f32 v7, v50;
	v14 =	vadd.f32 v14, v15;
	[tilespmem:s22+$0x0] =	vst v13  }
0x4b2: {  	v52 =	vadd.f32 v16, v17;
	v2 =	vadd.f32 v5, v2;
	v5 =	vld [tilespmem:$0x1FBD0]  }
0x4b3: {  	v48 =	vadd.f32 v23, v26;
	v7 =	vadd.f32 v14, v7;
	v1 =	vmul.f32 v0, v32;
	v0 =	vld [tilespmem:$0x1FDE0]  }
0x4b4: {  	v12 =	vadd.f32 v52, v19  }
0x4b5: {  	v8 =	vadd.f32 v48, v10;
	v6 =	vadd.f32 v7, v6  }
0x4b6: {  	v61 =	vadd.f32 v12, v9  }
0x4b7: {  	v4 =	vadd.f32 v8, v60;
	v3 =	vadd.f32 v6, v3  }
0x4b8: {  	s1 =	sadd.s32 s1, s5;
	v63 =	vadd.f32 v61, v59;
	v0 =	vmul.f32 v5, v0  }
0x4b9: {  	s23 =	sadd.s32 s11, s5;
	[tilespmem:s1+$0x0] =	vst v4;
	v1 =	vadd.f32 v3, v1  }
0x4ba: {  	s0 =	sadd.s32 s0, s5;
	[tilespmem:s23+$0x0] =	vst v63;
	v0 =	vadd.f32 v2, v0  }
0x4bb: {  	s24 =	sadd.s32 s3, s5;
	[tilespmem:s0+$0x0] =	vst v1  }
0x4bc: {  	[tilespmem:s24+$0x0] =	vst v0  }
0x4bd: {  	s0 =	sld [smem:$0x7EC]  }
0x4be: {  	s1 =	sld [smem:$0x7F6];
	_ =	sdelay $0x1  }
0x4bf: {  	p0 =	por p1, p0;
	_ =	strace $0x9000004D  }
0x4c0: {  	_ =	strace @p0 $0x8000004E;
	s0 =	sshll.u32 @p0 s0, $0x11;
	s1 =	sshll.u32 @p0 s1, $0xB  }
0x4c1: {  	s0 =	sadd.s32 @p0 s0, s1;
	s1 =	sld [smem:$0x7F4];
	_ =	sdelay $0x1  }
0x4c2: {  	s3 =	simm.s32 @p0 $0x100000;
	s2 =	rddreg [dreg:$0x3];
	s0 =	sshrl.u32 @p0 s0, $0x3  }
0x4c3: {  	s0 =	sadd.s32 @p0 s2, s0;
	s2 =	simm.s32 @p0 $0x800;
	s1 =	sadd.s32 @p0 $0x5, s1  }
0x4c4: {  	[hbm4b:s0+s2] =	stream.strided.scatter @p0 [tilespmem:s5], [sflag:s1], $0x3800, s3, s2, $0x200038;
	[tilespmem:$0x15380] =	vst v63  }
0x4c5: {  	s25 =	sld [smem:$0x7ED];
	_ =	strace @p0 $0x9000004E  }
0x4c6: {  	s2 =	sld [smem:$0x7EB];
	_ =	sdelay $0x1  }
0x4c7: {  	p1 =	seq.s32 s25, $0x0  }
0x4c8: {  	s0 =	sand.u32 @!p1 $0x1, s2  }
0x4c9: {  	_ =	strace @!p1 $0x8000004F;
	s0 =	sadd.s32 @!p1 $0x5, s0  }
0x4ca: {  	_ =	swait.ge @!p1 [sflag:s0], $0x3800  }
0x4cb: {  	p2 =	sne.s32 s25, $0x0;
	s1 =	simm.s32 $0x1;
	s26 =	sld [smem:$0x7F0]  }
0x4cc: {  	s3 =	sadd.s32 $0x1, s25;
	s1 =	simm.s32 @!p0 $0x0;
	s28 =	sld [smem:$0x7F7]  }
0x4cd: {  	p0 =	sne.s32 s3, $0x10;
	[sflag:s0] =	ssyncset.done @!p1 $0x0;
	s29 =	sld [smem:$0x7F3]  }
.Ltmp8:
0x4ce: {  	s30 =	sld [smem:$0x7F1];
	[sflag:s0] =	ssyncadd.s32 @!p1 $0xFFFFC800;
	(pc) =	sbr.rel @p0 .LBB2_2-.Ltmp8, $4  }
0x4cf: {  	s31 =	sld [smem:$0x7F2];
	s0 =	simm.s32 $0x1;
	_ =	strace @!p1 $0x9000004F  }
0x4d0: {  	s0 =	simm.s32 @!p2 $0x0;
	s8 =	sadd.s32 s26, s28;
	s13 =	sld [smem:$0x7EE]  }
0x4d1: {  	s2 =	sadd.s32 s0, s2;
	s10 =	sadd.s32 s1, s29;
	s5 =	sld [smem:$0x7EF]  }
0x4d2: {  	v3 =	vmov v62;
	v1 =	vmov v56;
	v2 =	vmov v58;
	s9 =	sadd.s32 s1, s30;
	s7 =	sadd.s32 s1, s31;
	s6 =	sld [smem:$0x7F5]  }
0x4d3: {  	_ =	strace $0x80000050;
	s0 =	simm.s32 $0x6  }
0x4d4: {  	_ =	swait.ge [sflag:s0], $0x3800  }
0x4d5: {  	s1 =	sld [smem:$0x7F8]  }
0x4d6: {  	s31 =	sld [smem:$0x7FD];
	_ =	sdelay $0x1  }
0x4d7: {  	s1 =	sadd.s32 $0x1, s1  }
0x4d8: {  	p0 =	sne.s32 s1, s31  }
.Ltmp9:
0x4d9: {  	_ = 	snop;
	(pc) =	sbr.rel @p0 .LBB2_1-.Ltmp9, $4  }
0x4da: {  	_ = 	snop  }
0x4db: {  	[sflag:s0] =	ssyncset.done $0x0  }
0x4dc: {  	[sflag:s0] =	ssyncadd.s32 $0xFFFFC800  }
0x4dd: {  	_ =	strace $0x90000050  }
0x4de: {  	_ =	sfence.sel $0x180000  }
0x4df: {  	[bflag:$0x0] =	sbarrier.arrive $0xFFFF  }
0x4e0: {  	_ =	strace $0x90000047  }
0x4e1: {  	s0 =	stileid.u32;
	[bflag:$0x2] =	sbarrier.arrive $0xFFFF  }
0x4e2: {  	p0 =	sne.s32 s0, $0x0;
	s0 =	rddreg [dreg:$0x4]  }
0x4e3: {  	s0 =	sadd.s32 @!p0 $0x100000, s0  }
0x4e4: {  	[sflag:s0] =	ssyncadd.tile.s32 @!p0 $0x1;
	_ =	shalt  }
.Lfunc_end2:
_tile_overlayer_lowered:
.L_overlay_start_2:
0x4e5: {  	(tag) =	ssettag $0x2  }
0x4e6: {  	s0 =	rddreg [dreg:$0x0];
	s2 =	stileid.u32  }
0x4e7: {  	s1 =	rddreg [dreg:$0x1];
	p0 =	sne.s32 s2, $0x0  }
0x4e8: {  	s3 =	rddreg [dreg:$0x2];
	[bflag:$0x3] =	sbarrier.arrive $0xFFFF;
	s2 =	simm.s32 @!p0 $0x1C01  }
0x4e9: {  	[timem:s3], [sflag:s2] =	dma.local @!p0 [hbm:s0], s1  }
0x4ea: {  	s0 =	simm.s32 @!p0 $0x1  }
0x4eb: {  	_ =	swait.ge @!p0 [sflag:s0], s1  }
0x4ec: {  	s1 =	ssub.s32 @!p0 $0x0, s1;
	[sflag:s0] =	ssyncset.done @!p0 $0x0  }
0x4ed: {  	[sflag:s0] =	ssyncadd.s32 @!p0 s1  }
0x4ee: {  	[bflag:$0x3] =	sbarrier.arrive $0xFFFF  }
0x4ef: {  	_ =	shalt  }

</sc_bundles>
